<compile_context>
chip_gen: v7x
topology: tpu7x:2x2x1
jax: 0.10.2.dev20260603
libtpu: 0.0.44.dev20260713+nightly
codegen_flags: <defaults>
</compile_context>

<pallas_src>
import functools

import jax
import jax.numpy as jnp
from jax import lax
from jax.experimental import pallas as pl
from jax.experimental.pallas import tpu as pltpu
from jax.experimental.pallas import tpu_sc as plsc



def _proj_body(h_ref, w_ref, asv_ref, adv_ref, hp_ref, as_ref, ad_ref):
    hp = lax.dot_general(h_ref[...], w_ref[...], (((1,), (1,)), ((), ())),
                         preferred_element_type=jnp.float32)
    hp_ref[...] = hp
    as_ref[...] = jnp.sum(hp * asv_ref[...], axis=1, keepdims=True)
    ad_ref[...] = jnp.sum(hp * adv_ref[...], axis=1, keepdims=True)


def _project(h, lin_w, asv, adv, blk=400):
    n, in_c = h.shape
    out_c = lin_w.shape[0]
    grid = n // blk
    return pl.pallas_call(
        _proj_body,
        grid=(grid,),
        in_specs=[
            pl.BlockSpec((blk, in_c), lambda i: (i, 0)),
            pl.BlockSpec((out_c, in_c), lambda i: (0, 0)),
            pl.BlockSpec((1, out_c), lambda i: (0, 0)),
            pl.BlockSpec((1, out_c), lambda i: (0, 0)),
        ],
        out_specs=[
            pl.BlockSpec((blk, out_c), lambda i: (i, 0)),
            pl.BlockSpec((blk, 1), lambda i: (i, 0)),
            pl.BlockSpec((blk, 1), lambda i: (i, 0)),
        ],
        out_shape=[
            jax.ShapeDtypeStruct((n, out_c), jnp.float32),
            jax.ShapeDtypeStruct((n, 1), jnp.float32),
            jax.ShapeDtypeStruct((n, 1), jnp.float32),
        ],
    )(h, lin_w, asv, adv)



_K = 128
_NW = 32
_NPAD = 10240


def _make_edge_kernel(n, out_c, e_real, et_pad):
    nchunk = et_pad // _K
    mesh = plsc.VectorSubcoreMesh(core_axis_name="c", subcore_axis_name="s")
    rows_per_tile = n // 16
    dpad_per_tile = _NPAD // 16

    @functools.partial(
        pl.kernel,
        mesh=mesh,
        compiler_params=pltpu.CompilerParams(needs_layout_passes=False),
        out_type=[
            jax.ShapeDtypeStruct((2, _NPAD, out_c), jnp.float32),
            jax.ShapeDtypeStruct((2, _NPAD), jnp.float32),
        ],
        scratch_types=[
            pltpu.VMEM((n,), jnp.float32),
            pltpu.VMEM((n,), jnp.float32),
            pltpu.VMEM((_K,), jnp.int32),
            pltpu.VMEM((_K,), jnp.int32),
            pltpu.VMEM((_K,), jnp.float32),
            pltpu.VMEM((_K, out_c), jnp.float32),
            pltpu.VMEM((16, out_c), jnp.float32),
            pltpu.VMEM((dpad_per_tile,), jnp.float32),
            pltpu.VMEM_SHARED((_NPAD, out_c), jnp.float32),
            pltpu.VMEM_SHARED((_NPAD,), jnp.float32),
            pltpu.SemaphoreType.DMA,
        ],
    )
    def edge_kernel(src_hbm, dst_hbm, asv_hbm, adv_hbm, hp_hbm,
                    outp_hbm, den_hbm,
                    as_v, ad_v, src_v, dst_v, w_v, rows_v, zb_v, zd_v,
                    acc_sh, den_sh, sem):
        c = lax.axis_index("c")
        s = lax.axis_index("s")
        tid = c * 16 + s

        zeros16 = jnp.zeros((16,), jnp.float32)
        for i in range(16):
            for cc in range(out_c // 16):
                zb_v[i, pl.ds(cc * 16, 16)] = zeros16
        for i in range(dpad_per_tile // 16):
            zd_v[pl.ds(i * 16, 16)] = zeros16
        for b in range(dpad_per_tile // 16):
            pltpu.sync_copy(zb_v, acc_sh.at[pl.ds(s * dpad_per_tile + b * 16, 16), :])
        pltpu.sync_copy(zd_v, den_sh.at[pl.ds(s * dpad_per_tile, dpad_per_tile)])

        pltpu.sync_copy(asv_hbm, as_v)
        pltpu.sync_copy(adv_hbm, ad_v)
        plsc.subcore_barrier()

        base = tid * et_pad

        def chunk(t, carry):
            off = base + t * _K
            pltpu.sync_copy(src_hbm.at[pl.ds(off, _K)], src_v)
            pltpu.sync_copy(dst_hbm.at[pl.ds(off, _K)], dst_v)
            cp = pltpu.async_copy(hp_hbm.at[src_v], rows_v, sem)
            for g in range(_K // 16):
                s16 = src_v[pl.ds(g * 16, 16)]
                d16 = dst_v[pl.ds(g * 16, 16)]
                x = plsc.load_gather(as_v, [s16]) + plsc.load_gather(ad_v, [d16])
                w16 = jnp.exp(1.0 / (1.0 + jnp.exp(-x)))
                gid = off + g * 16 + lax.iota(jnp.int32, 16)
                w16 = jnp.where(gid < e_real, w16, 0.0)
                w_v[pl.ds(g * 16, 16)] = w16
            cp.wait()

            def grp(g, _):
                w16 = w_v[pl.ds(g * 16, 16)]
                for j in range(16):
                    wj = w16[j]
                    r = g * 16 + j
                    for cc in range(out_c // 16):
                        rows_v[r, pl.ds(cc * 16, 16)] = rows_v[r, pl.ds(cc * 16, 16)] * wj
                return 0

            lax.fori_loop(0, _K // 16, grp, 0)
            pltpu.sync_copy(rows_v, acc_sh.at[dst_v], add=True)
            pltpu.sync_copy(w_v, den_sh.at[dst_v], add=True)
            return carry

        lax.fori_loop(0, nchunk, chunk, 0)
        plsc.subcore_barrier()

        pltpu.sync_copy(acc_sh.at[pl.ds(s * dpad_per_tile, dpad_per_tile), :],
                        outp_hbm.at[c, pl.ds(s * dpad_per_tile, dpad_per_tile), :])
        pltpu.sync_copy(den_sh.at[pl.ds(s * dpad_per_tile, dpad_per_tile)],
                        den_hbm.at[c, pl.ds(s * dpad_per_tile, dpad_per_tile)])

    return edge_kernel




def _norm_body(p0_ref, p1_ref, d0_ref, d1_ref, hp_ref, as_ref, ad_ref, b_ref, out_ref):
    x = as_ref[...] + ad_ref[...]
    ws = jnp.exp(1.0 / (1.0 + jnp.exp(-x)))
    dt = d0_ref[...] + d1_ref[...] + ws
    num = p0_ref[...] + p1_ref[...] + ws * hp_ref[...]
    out_ref[...] = num / dt + b_ref[...]


def _normalize(p0, p1, d0, d1, hp, as2, ad2, bias2, blk=400):
    n, out_c = hp.shape
    grid = n // blk
    col = pl.BlockSpec((blk, 1), lambda i: (i, 0))
    mat = pl.BlockSpec((blk, out_c), lambda i: (i, 0))
    return pl.pallas_call(
        _norm_body,
        grid=(grid,),
        in_specs=[mat, mat, col, col, mat, col, col,
                  pl.BlockSpec((1, out_c), lambda i: (0, 0))],
        out_specs=mat,
        out_shape=jax.ShapeDtypeStruct((n, out_c), jnp.float32),
    )(p0, p1, d0, d1, hp, as2, ad2, bias2)




def kernel(h, edge_index, lin_w, att_src, att_dst, bias):
    n, in_c = h.shape
    out_c = lin_w.shape[0]
    e = edge_index.shape[1]

    asv = att_src.reshape(1, out_c)
    adv = att_dst.reshape(1, out_c)
    hp, as2, ad2 = _project(h, lin_w, asv, adv)

    et_pad = -(-e // (_NW * _K)) * _K
    e_pad = et_pad * _NW
    src = edge_index[0]
    dst = edge_index[1]
    pad = jnp.zeros((e_pad - e,), dtype=jnp.int32)
    src_p = jnp.concatenate([src, pad])
    dst_p = jnp.concatenate([dst, pad])

    edge_kernel = _make_edge_kernel(n, out_c, e, et_pad)
    outp, den = edge_kernel(src_p, dst_p, as2.reshape(n), ad2.reshape(n), hp)

    out = _normalize(outp[0, :n], outp[1, :n],
                     den[0, :n].reshape(n, 1), den[1, :n].reshape(n, 1),
                     hp, as2, ad2, bias.reshape(1, out_c))
    return out

# --- scband reference (transcript-rebuilt; emitter-appended) ---
"""Pipeline reference for scband-gatconv-30932354465914 (READ-ONLY COPY).

The authoritative reference and input builder live on the scoring server;
editing this copy changes nothing except your own understanding.
"""

import jax, jax.numpy as jnp
import numpy as np

N = 10000
E = 320000
IN_C = 128
HEADS = 1
OUT_C = 128


def setup_inputs(seed: int = 0) -> dict:
    key = jax.random.key(seed)
    k1, k2, k3, k4, k5 = jax.random.split(key, 5)
    h = jax.random.normal(k1, (N, IN_C), dtype=jnp.float32)
    edge_index = jax.random.randint(k2, (2, E), 0, N, dtype=jnp.int32)
    # xavier_normal with gain=1.414 for lin weight [heads*out, in]
    std_lin = 1.414 * np.sqrt(2.0 / (IN_C + HEADS * OUT_C))
    lin_w = jax.random.normal(k3, (HEADS * OUT_C, IN_C), dtype=jnp.float32) * std_lin
    std_att = 1.414 * np.sqrt(2.0 / (1 * HEADS + OUT_C))
    att_src = jax.random.normal(k4, (1, HEADS, OUT_C), dtype=jnp.float32) * std_att
    att_dst = jax.random.normal(k5, (1, HEADS, OUT_C), dtype=jnp.float32) * std_att
    bias = jnp.zeros((HEADS * OUT_C,), dtype=jnp.float32)
    return {"h": h, "edge_index": edge_index, "lin_w": lin_w, "att_src": att_src, "att_dst": att_dst, "bias": bias}


def reference(h, edge_index, lin_w, att_src, att_dst, bias):
    n = h.shape[0]
    src = edge_index[0]
    dst = edge_index[1]
    # add_self_loops=True (dgl.add_self_loop)
    loop = jnp.arange(n, dtype=src.dtype)
    src = jnp.concatenate([src, loop], axis=0)
    dst = jnp.concatenate([dst, loop], axis=0)
    # linear transform: h @ W^T, view (N, H, C)
    hp = (h @ lin_w.T).reshape(n, HEADS, OUT_C)
    # attention logits per node
    alpha_src = (hp * att_src).sum(axis=-1)  # [N, H]
    alpha_dst = (hp * att_dst).sum(axis=-1)  # [N, H]
    # message: alpha = sigmoid(alpha_src[u] + alpha_dst[v]) per edge (u->v)
    e = jax.nn.sigmoid(alpha_src[src] + alpha_dst[dst])  # [E', H]
    # reduce: softmax over incoming edges of each dst node
    e_max = jax.ops.segment_max(e, dst, num_segments=n)  # [N, H]
    e_exp = jnp.exp(e - e_max[dst])
    denom = jax.ops.segment_sum(e_exp, dst, num_segments=n)  # [N, H]
    a = e_exp / denom[dst]  # [E', H]
    # weighted sum of source features (dropout p=0.0 -> identity)
    msg = hp[src] * a[:, :, None]  # [E', H, C]
    out = jax.ops.segment_sum(msg, dst, num_segments=n)  # [N, H, C]
    # concat=True
    out = out.reshape(n, HEADS * OUT_C)
    out = out + bias
    return out

if __name__ == "__main__":
    import jax
    _d = setup_inputs()
    print(jax.jit(kernel)(*tuple(_d.values())))

</pallas_src>

<mosaic_0001>
#map = affine_map<(d0, d1) -> (0)>
#map1 = affine_map<(d0, d1) -> (0, 0)>
#map2 = affine_map<(d0, d1) -> (0, 0, 0)>
module attributes {stable_mosaic.version = 14 : i64} {
  func.func @edge_kernel(%arg0: i32, %arg1: i32, %arg2: memref<323584xi32, #tpu.memory_space<hbm>>, %arg3: memref<323584xi32, #tpu.memory_space<hbm>>, %arg4: memref<10000xf32, #tpu.memory_space<hbm>>, %arg5: memref<10000xf32, #tpu.memory_space<hbm>>, %arg6: memref<10000x128xf32, #tpu.memory_space<hbm>>, %arg7: memref<2x10240x128xf32, #tpu.memory_space<hbm>>, %arg8: memref<2x10240xf32, #tpu.memory_space<hbm>>, %arg9: memref<10000xf32, #tpu.memory_space<vmem>>, %arg10: memref<10000xf32, #tpu.memory_space<vmem>>, %arg11: memref<128xi32, #tpu.memory_space<vmem>>, %arg12: memref<128xi32, #tpu.memory_space<vmem>>, %arg13: memref<128xf32, #tpu.memory_space<vmem>>, %arg14: memref<128x128xf32, #tpu.memory_space<vmem>>, %arg15: memref<16x128xf32, #tpu.memory_space<vmem>>, %arg16: memref<640xf32, #tpu.memory_space<vmem>>, %arg17: memref<10240x128xf32, #tpu.memory_space<vmem_shared>>, %arg18: memref<10240xf32, #tpu.memory_space<vmem_shared>>, %arg19: memref<!tpu.dma_semaphore, #tpu.memory_space<semaphore_mem>>) attributes {dimension_semantics = [#tpu.dimension_semantics<core_parallel>, #tpu.dimension_semantics<subcore_parallel>], iteration_bounds = array<i64: 2, 16>, scalar_prefetch = 0 : i64, scratch_operands = 11 : i64, tpu.core_type = #tpu.core_type<sc_vector_subcore>, window_params = [{transform_indices = #map}, {transform_indices = #map}, {transform_indices = #map}, {transform_indices = #map}, {transform_indices = #map1}, {transform_indices = #map2}, {transform_indices = #map1}]} {
    %mul3A = arith.constant 16 : i32
    %mul3A_0 = arith.muli %arg0, %mul3A : i32
    %add3A = arith.addi %mul3A_0, %arg1 : i32
    %broadcast_in_dim3A = arith.constant 0.000000e+00 : f32
    %broadcast_in_dim3A_1 = vector.broadcast %broadcast_in_dim3A : f32 to vector<16xf32>
    %swap3A = arith.constant 0 : i32
    %swap3A_2 = arith.index_cast %swap3A : i32 to index
    %swap3A_3 = arith.constant 0 : index
    %swap3A_4 = tpu.vector_load %arg15[%swap3A_2, %swap3A_3] {strides = array<i32>} : memref<16x128xf32, #tpu.memory_space<vmem>>, vector<16xf32>,
    tpu.vector_store %arg15[%swap3A_2, %swap3A_3], %broadcast_in_dim3A_1 {strides = array<i32>} : memref<16x128xf32, #tpu.memory_space<vmem>>, vector<16xf32>,
    %swap3A_5 = arith.constant 0 : i32
    %swap3A_6 = arith.index_cast %swap3A_5 : i32 to index
    %swap3A_7 = arith.constant 16 : index
    %swap3A_8 = tpu.vector_load %arg15[%swap3A_6, %swap3A_7] {strides = array<i32>} : memref<16x128xf32, #tpu.memory_space<vmem>>, vector<16xf32>,
    tpu.vector_store %arg15[%swap3A_6, %swap3A_7], %broadcast_in_dim3A_1 {strides = array<i32>} : memref<16x128xf32, #tpu.memory_space<vmem>>, vector<16xf32>,
    %swap3A_9 = arith.constant 0 : i32
    %swap3A_10 = arith.index_cast %swap3A_9 : i32 to index
    %swap3A_11 = arith.constant 32 : index
    %swap3A_12 = tpu.vector_load %arg15[%swap3A_10, %swap3A_11] {strides = array<i32>} : memref<16x128xf32, #tpu.memory_space<vmem>>, vector<16xf32>,
    tpu.vector_store %arg15[%swap3A_10, %swap3A_11], %broadcast_in_dim3A_1 {strides = array<i32>} : memref<16x128xf32, #tpu.memory_space<vmem>>, vector<16xf32>,
    %swap3A_13 = arith.constant 0 : i32
    %swap3A_14 = arith.index_cast %swap3A_13 : i32 to index
    %swap3A_15 = arith.constant 48 : index
    %swap3A_16 = tpu.vector_load %arg15[%swap3A_14, %swap3A_15] {strides = array<i32>} : memref<16x128xf32, #tpu.memory_space<vmem>>, vector<16xf32>,
    tpu.vector_store %arg15[%swap3A_14, %swap3A_15], %broadcast_in_dim3A_1 {strides = array<i32>} : memref<16x128xf32, #tpu.memory_space<vmem>>, vector<16xf32>,
    %swap3A_17 = arith.constant 0 : i32
    %swap3A_18 = arith.index_cast %swap3A_17 : i32 to index
    %swap3A_19 = arith.constant 64 : index
    %swap3A_20 = tpu.vector_load %arg15[%swap3A_18, %swap3A_19] {strides = array<i32>} : memref<16x128xf32, #tpu.memory_space<vmem>>, vector<16xf32>,
    tpu.vector_store %arg15[%swap3A_18, %swap3A_19], %broadcast_in_dim3A_1 {strides = array<i32>} : memref<16x128xf32, #tpu.memory_space<vmem>>, vector<16xf32>,
    %swap3A_21 = arith.constant 0 : i32
    %swap3A_22 = arith.index_cast %swap3A_21 : i32 to index
    %swap3A_23 = arith.constant 80 : index
    %swap3A_24 = tpu.vector_load %arg15[%swap3A_22, %swap3A_23] {strides = array<i32>} : memref<16x128xf32, #tpu.memory_space<vmem>>, vector<16xf32>,
    tpu.vector_store %arg15[%swap3A_22, %swap3A_23], %broadcast_in_dim3A_1 {strides = array<i32>} : memref<16x128xf32, #tpu.memory_space<vmem>>, vector<16xf32>,
    %swap3A_25 = arith.constant 0 : i32
    %swap3A_26 = arith.index_cast %swap3A_25 : i32 to index
    %swap3A_27 = arith.constant 96 : index
    %swap3A_28 = tpu.vector_load %arg15[%swap3A_26, %swap3A_27] {strides = array<i32>} : memref<16x128xf32, #tpu.memory_space<vmem>>, vector<16xf32>,
    tpu.vector_store %arg15[%swap3A_26, %swap3A_27], %broadcast_in_dim3A_1 {strides = array<i32>} : memref<16x128xf32, #tpu.memory_space<vmem>>, vector<16xf32>,
    %swap3A_29 = arith.constant 0 : i32
    %swap3A_30 = arith.index_cast %swap3A_29 : i32 to index
    %swap3A_31 = arith.constant 112 : index
    %swap3A_32 = tpu.vector_load %arg15[%swap3A_30, %swap3A_31] {strides = array<i32>} : memref<16x128xf32, #tpu.memory_space<vmem>>, vector<16xf32>,
    tpu.vector_store %arg15[%swap3A_30, %swap3A_31], %broadcast_in_dim3A_1 {strides = array<i32>} : memref<16x128xf32, #tpu.memory_space<vmem>>, vector<16xf32>,
    %swap3A_33 = arith.constant 1 : i32
    %swap3A_34 = arith.index_cast %swap3A_33 : i32 to index
    %swap3A_35 = arith.constant 0 : index
    %swap3A_36 = tpu.vector_load %arg15[%swap3A_34, %swap3A_35] {strides = array<i32>} : memref<16x128xf32, #tpu.memory_space<vmem>>, vector<16xf32>,
    tpu.vector_store %arg15[%swap3A_34, %swap3A_35], %broadcast_in_dim3A_1 {strides = array<i32>} : memref<16x128xf32, #tpu.memory_space<vmem>>, vector<16xf32>,
    %swap3A_37 = arith.constant 1 : i32
    %swap3A_38 = arith.index_cast %swap3A_37 : i32 to index
    %swap3A_39 = arith.constant 16 : index
    %swap3A_40 = tpu.vector_load %arg15[%swap3A_38, %swap3A_39] {strides = array<i32>} : memref<16x128xf32, #tpu.memory_space<vmem>>, vector<16xf32>,
    tpu.vector_store %arg15[%swap3A_38, %swap3A_39], %broadcast_in_dim3A_1 {strides = array<i32>} : memref<16x128xf32, #tpu.memory_space<vmem>>, vector<16xf32>,
    %swap3A_41 = arith.constant 1 : i32
    %swap3A_42 = arith.index_cast %swap3A_41 : i32 to index
    %swap3A_43 = arith.constant 32 : index
    %swap3A_44 = tpu.vector_load %arg15[%swap3A_42, %swap3A_43] {strides = array<i32>} : memref<16x128xf32, #tpu.memory_space<vmem>>, vector<16xf32>,
    tpu.vector_store %arg15[%swap3A_42, %swap3A_43], %broadcast_in_dim3A_1 {strides = array<i32>} : memref<16x128xf32, #tpu.memory_space<vmem>>, vector<16xf32>,
    %swap3A_45 = arith.constant 1 : i32
    %swap3A_46 = arith.index_cast %swap3A_45 : i32 to index
    %swap3A_47 = arith.constant 48 : index
    %swap3A_48 = tpu.vector_load %arg15[%swap3A_46, %swap3A_47] {strides = array<i32>} : memref<16x128xf32, #tpu.memory_space<vmem>>, vector<16xf32>,
    tpu.vector_store %arg15[%swap3A_46, %swap3A_47], %broadcast_in_dim3A_1 {strides = array<i32>} : memref<16x128xf32, #tpu.memory_space<vmem>>, vector<16xf32>,
    %swap3A_49 = arith.constant 1 : i32
    %swap3A_50 = arith.index_cast %swap3A_49 : i32 to index
    %swap3A_51 = arith.constant 64 : index
    %swap3A_52 = tpu.vector_load %arg15[%swap3A_50, %swap3A_51] {strides = array<i32>} : memref<16x128xf32, #tpu.memory_space<vmem>>, vector<16xf32>,
    tpu.vector_store %arg15[%swap3A_50, %swap3A_51], %broadcast_in_dim3A_1 {strides = array<i32>} : memref<16x128xf32, #tpu.memory_space<vmem>>, vector<16xf32>,
    %swap3A_53 = arith.constant 1 : i32
    %swap3A_54 = arith.index_cast %swap3A_53 : i32 to index
    %swap3A_55 = arith.constant 80 : index
    %swap3A_56 = tpu.vector_load %arg15[%swap3A_54, %swap3A_55] {strides = array<i32>} : memref<16x128xf32, #tpu.memory_space<vmem>>, vector<16xf32>,
    tpu.vector_store %arg15[%swap3A_54, %swap3A_55], %broadcast_in_dim3A_1 {strides = array<i32>} : memref<16x128xf32, #tpu.memory_space<vmem>>, vector<16xf32>,
    %swap3A_57 = arith.constant 1 : i32
    %swap3A_58 = arith.index_cast %swap3A_57 : i32 to index
    %swap3A_59 = arith.constant 96 : index
    %swap3A_60 = tpu.vector_load %arg15[%swap3A_58, %swap3A_59] {strides = array<i32>} : memref<16x128xf32, #tpu.memory_space<vmem>>, vector<16xf32>,
    tpu.vector_store %arg15[%swap3A_58, %swap3A_59], %broadcast_in_dim3A_1 {strides = array<i32>} : memref<16x128xf32, #tpu.memory_space<vmem>>, vector<16xf32>,
    %swap3A_61 = arith.constant 1 : i32
    %swap3A_62 = arith.index_cast %swap3A_61 : i32 to index
    %swap3A_63 = arith.constant 112 : index
    %swap3A_64 = tpu.vector_load %arg15[%swap3A_62, %swap3A_63] {strides = array<i32>} : memref<16x128xf32, #tpu.memory_space<vmem>>, vector<16xf32>,
    tpu.vector_store %arg15[%swap3A_62, %swap3A_63], %broadcast_in_dim3A_1 {strides = array<i32>} : memref<16x128xf32, #tpu.memory_space<vmem>>, vector<16xf32>,
    %swap3A_65 = arith.constant 2 : i32
    %swap3A_66 = arith.index_cast %swap3A_65 : i32 to index
    %swap3A_67 = arith.constant 0 : index
    %swap3A_68 = tpu.vector_load %arg15[%swap3A_66, %swap3A_67] {strides = array<i32>} : memref<16x128xf32, #tpu.memory_space<vmem>>, vector<16xf32>,
    tpu.vector_store %arg15[%swap3A_66, %swap3A_67], %broadcast_in_dim3A_1 {strides = array<i32>} : memref<16x128xf32, #tpu.memory_space<vmem>>, vector<16xf32>,
    %swap3A_69 = arith.constant 2 : i32
    %swap3A_70 = arith.index_cast %swap3A_69 : i32 to index
    %swap3A_71 = arith.constant 16 : index
    %swap3A_72 = tpu.vector_load %arg15[%swap3A_70, %swap3A_71] {strides = array<i32>} : memref<16x128xf32, #tpu.memory_space<vmem>>, vector<16xf32>,
    tpu.vector_store %arg15[%swap3A_70, %swap3A_71], %broadcast_in_dim3A_1 {strides = array<i32>} : memref<16x128xf32, #tpu.memory_space<vmem>>, vector<16xf32>,
    %swap3A_73 = arith.constant 2 : i32
    %swap3A_74 = arith.index_cast %swap3A_73 : i32 to index
    %swap3A_75 = arith.constant 32 : index
    %swap3A_76 = tpu.vector_load %arg15[%swap3A_74, %swap3A_75] {strides = array<i32>} : memref<16x128xf32, #tpu.memory_space<vmem>>, vector<16xf32>,
    tpu.vector_store %arg15[%swap3A_74, %swap3A_75], %broadcast_in_dim3A_1 {strides = array<i32>} : memref<16x128xf32, #tpu.memory_space<vmem>>, vector<16xf32>,
    %swap3A_77 = arith.constant 2 : i32
    %swap3A_78 = arith.index_cast %swap3A_77 : i32 to index
    %swap3A_79 = arith.constant 48 : index
    %swap3A_80 = tpu.vector_load %arg15[%swap3A_78, %swap3A_79] {strides = array<i32>} : memref<16x128xf32, #tpu.memory_space<vmem>>, vector<16xf32>,
    tpu.vector_store %arg15[%swap3A_78, %swap3A_79], %broadcast_in_dim3A_1 {strides = array<i32>} : memref<16x128xf32, #tpu.memory_space<vmem>>, vector<16xf32>,
    %swap3A_81 = arith.constant 2 : i32
    %swap3A_82 = arith.index_cast %swap3A_81 : i32 to index
    %swap3A_83 = arith.constant 64 : index
    %swap3A_84 = tpu.vector_load %arg15[%swap3A_82, %swap3A_83] {strides = array<i32>} : memref<16x128xf32, #tpu.memory_space<vmem>>, vector<16xf32>,
    tpu.vector_store %arg15[%swap3A_82, %swap3A_83], %broadcast_in_dim3A_1 {strides = array<i32>} : memref<16x128xf32, #tpu.memory_space<vmem>>, vector<16xf32>,
    %swap3A_85 = arith.constant 2 : i32
    %swap3A_86 = arith.index_cast %swap3A_85 : i32 to index
    %swap3A_87 = arith.constant 80 : index
    %swap3A_88 = tpu.vector_load %arg15[%swap3A_86, %swap3A_87] {strides = array<i32>} : memref<16x128xf32, #tpu.memory_space<vmem>>, vector<16xf32>,
    tpu.vector_store %arg15[%swap3A_86, %swap3A_87], %broadcast_in_dim3A_1 {strides = array<i32>} : memref<16x128xf32, #tpu.memory_space<vmem>>, vector<16xf32>,
    %swap3A_89 = arith.constant 2 : i32
    %swap3A_90 = arith.index_cast %swap3A_89 : i32 to index
    %swap3A_91 = arith.constant 96 : index
    %swap3A_92 = tpu.vector_load %arg15[%swap3A_90, %swap3A_91] {strides = array<i32>} : memref<16x128xf32, #tpu.memory_space<vmem>>, vector<16xf32>,
    tpu.vector_store %arg15[%swap3A_90, %swap3A_91], %broadcast_in_dim3A_1 {strides = array<i32>} : memref<16x128xf32, #tpu.memory_space<vmem>>, vector<16xf32>,
    %swap3A_93 = arith.constant 2 : i32
    %swap3A_94 = arith.index_cast %swap3A_93 : i32 to index
    %swap3A_95 = arith.constant 112 : index
    %swap3A_96 = tpu.vector_load %arg15[%swap3A_94, %swap3A_95] {strides = array<i32>} : memref<16x128xf32, #tpu.memory_space<vmem>>, vector<16xf32>,
    tpu.vector_store %arg15[%swap3A_94, %swap3A_95], %broadcast_in_dim3A_1 {strides = array<i32>} : memref<16x128xf32, #tpu.memory_space<vmem>>, vector<16xf32>,
    %swap3A_97 = arith.constant 3 : i32
    %swap3A_98 = arith.index_cast %swap3A_97 : i32 to index
    %swap3A_99 = arith.constant 0 : index
    %swap3A_100 = tpu.vector_load %arg15[%swap3A_98, %swap3A_99] {strides = array<i32>} : memref<16x128xf32, #tpu.memory_space<vmem>>, vector<16xf32>,
    tpu.vector_store %arg15[%swap3A_98, %swap3A_99], %broadcast_in_dim3A_1 {strides = array<i32>} : memref<16x128xf32, #tpu.memory_space<vmem>>, vector<16xf32>,
    %swap3A_101 = arith.constant 3 : i32
    %swap3A_102 = arith.index_cast %swap3A_101 : i32 to index
    %swap3A_103 = arith.constant 16 : index
    %swap3A_104 = tpu.vector_load %arg15[%swap3A_102, %swap3A_103] {strides = array<i32>} : memref<16x128xf32, #tpu.memory_space<vmem>>, vector<16xf32>,
    tpu.vector_store %arg15[%swap3A_102, %swap3A_103], %broadcast_in_dim3A_1 {strides = array<i32>} : memref<16x128xf32, #tpu.memory_space<vmem>>, vector<16xf32>,
    %swap3A_105 = arith.constant 3 : i32
    %swap3A_106 = arith.index_cast %swap3A_105 : i32 to index
    %swap3A_107 = arith.constant 32 : index
    %swap3A_108 = tpu.vector_load %arg15[%swap3A_106, %swap3A_107] {strides = array<i32>} : memref<16x128xf32, #tpu.memory_space<vmem>>, vector<16xf32>,
    tpu.vector_store %arg15[%swap3A_106, %swap3A_107], %broadcast_in_dim3A_1 {strides = array<i32>} : memref<16x128xf32, #tpu.memory_space<vmem>>, vector<16xf32>,
    %swap3A_109 = arith.constant 3 : i32
    %swap3A_110 = arith.index_cast %swap3A_109 : i32 to index
    %swap3A_111 = arith.constant 48 : index
    %swap3A_112 = tpu.vector_load %arg15[%swap3A_110, %swap3A_111] {strides = array<i32>} : memref<16x128xf32, #tpu.memory_space<vmem>>, vector<16xf32>,
    tpu.vector_store %arg15[%swap3A_110, %swap3A_111], %broadcast_in_dim3A_1 {strides = array<i32>} : memref<16x128xf32, #tpu.memory_space<vmem>>, vector<16xf32>,
    %swap3A_113 = arith.constant 3 : i32
    %swap3A_114 = arith.index_cast %swap3A_113 : i32 to index
    %swap3A_115 = arith.constant 64 : index
    %swap3A_116 = tpu.vector_load %arg15[%swap3A_114, %swap3A_115] {strides = array<i32>} : memref<16x128xf32, #tpu.memory_space<vmem>>, vector<16xf32>,
    tpu.vector_store %arg15[%swap3A_114, %swap3A_115], %broadcast_in_dim3A_1 {strides = array<i32>} : memref<16x128xf32, #tpu.memory_space<vmem>>, vector<16xf32>,
    %swap3A_117 = arith.constant 3 : i32
    %swap3A_118 = arith.index_cast %swap3A_117 : i32 to index
    %swap3A_119 = arith.constant 80 : index
    %swap3A_120 = tpu.vector_load %arg15[%swap3A_118, %swap3A_119] {strides = array<i32>} : memref<16x128xf32, #tpu.memory_space<vmem>>, vector<16xf32>,
    tpu.vector_store %arg15[%swap3A_118, %swap3A_119], %broadcast_in_dim3A_1 {strides = array<i32>} : memref<16x128xf32, #tpu.memory_space<vmem>>, vector<16xf32>,
    %swap3A_121 = arith.constant 3 : i32
    %swap3A_122 = arith.index_cast %swap3A_121 : i32 to index
    %swap3A_123 = arith.constant 96 : index
    %swap3A_124 = tpu.vector_load %arg15[%swap3A_122, %swap3A_123] {strides = array<i32>} : memref<16x128xf32, #tpu.memory_space<vmem>>, vector<16xf32>,
    tpu.vector_store %arg15[%swap3A_122, %swap3A_123], %broadcast_in_dim3A_1 {strides = array<i32>} : memref<16x128xf32, #tpu.memory_space<vmem>>, vector<16xf32>,
    %swap3A_125 = arith.constant 3 : i32
    %swap3A_126 = arith.index_cast %swap3A_125 : i32 to index
    %swap3A_127 = arith.constant 112 : index
    %swap3A_128 = tpu.vector_load %arg15[%swap3A_126, %swap3A_127] {strides = array<i32>} : memref<16x128xf32, #tpu.memory_space<vmem>>, vector<16xf32>,
    tpu.vector_store %arg15[%swap3A_126, %swap3A_127], %broadcast_in_dim3A_1 {strides = array<i32>} : memref<16x128xf32, #tpu.memory_space<vmem>>, vector<16xf32>,
    %swap3A_129 = arith.constant 4 : i32
    %swap3A_130 = arith.index_cast %swap3A_129 : i32 to index
    %swap3A_131 = arith.constant 0 : index
    %swap3A_132 = tpu.vector_load %arg15[%swap3A_130, %swap3A_131] {strides = array<i32>} : memref<16x128xf32, #tpu.memory_space<vmem>>, vector<16xf32>,
    tpu.vector_store %arg15[%swap3A_130, %swap3A_131], %broadcast_in_dim3A_1 {strides = array<i32>} : memref<16x128xf32, #tpu.memory_space<vmem>>, vector<16xf32>,
    %swap3A_133 = arith.constant 4 : i32
    %swap3A_134 = arith.index_cast %swap3A_133 : i32 to index
    %swap3A_135 = arith.constant 16 : index
    %swap3A_136 = tpu.vector_load %arg15[%swap3A_134, %swap3A_135] {strides = array<i32>} : memref<16x128xf32, #tpu.memory_space<vmem>>, vector<16xf32>,
    tpu.vector_store %arg15[%swap3A_134, %swap3A_135], %broadcast_in_dim3A_1 {strides = array<i32>} : memref<16x128xf32, #tpu.memory_space<vmem>>, vector<16xf32>,
    %swap3A_137 = arith.constant 4 : i32
    %swap3A_138 = arith.index_cast %swap3A_137 : i32 to index
    %swap3A_139 = arith.constant 32 : index
    %swap3A_140 = tpu.vector_load %arg15[%swap3A_138, %swap3A_139] {strides = array<i32>} : memref<16x128xf32, #tpu.memory_space<vmem>>, vector<16xf32>,
    tpu.vector_store %arg15[%swap3A_138, %swap3A_139], %broadcast_in_dim3A_1 {strides = array<i32>} : memref<16x128xf32, #tpu.memory_space<vmem>>, vector<16xf32>,
    %swap3A_141 = arith.constant 4 : i32
    %swap3A_142 = arith.index_cast %swap3A_141 : i32 to index
    %swap3A_143 = arith.constant 48 : index
    %swap3A_144 = tpu.vector_load %arg15[%swap3A_142, %swap3A_143] {strides = array<i32>} : memref<16x128xf32, #tpu.memory_space<vmem>>, vector<16xf32>,
    tpu.vector_store %arg15[%swap3A_142, %swap3A_143], %broadcast_in_dim3A_1 {strides = array<i32>} : memref<16x128xf32, #tpu.memory_space<vmem>>, vector<16xf32>,
    %swap3A_145 = arith.constant 4 : i32
    %swap3A_146 = arith.index_cast %swap3A_145 : i32 to index
    %swap3A_147 = arith.constant 64 : index
    %swap3A_148 = tpu.vector_load %arg15[%swap3A_146, %swap3A_147] {strides = array<i32>} : memref<16x128xf32, #tpu.memory_space<vmem>>, vector<16xf32>,
    tpu.vector_store %arg15[%swap3A_146, %swap3A_147], %broadcast_in_dim3A_1 {strides = array<i32>} : memref<16x128xf32, #tpu.memory_space<vmem>>, vector<16xf32>,
    %swap3A_149 = arith.constant 4 : i32
    %swap3A_150 = arith.index_cast %swap3A_149 : i32 to index
    %swap3A_151 = arith.constant 80 : index
    %swap3A_152 = tpu.vector_load %arg15[%swap3A_150, %swap3A_151] {strides = array<i32>} : memref<16x128xf32, #tpu.memory_space<vmem>>, vector<16xf32>,
    tpu.vector_store %arg15[%swap3A_150, %swap3A_151], %broadcast_in_dim3A_1 {strides = array<i32>} : memref<16x128xf32, #tpu.memory_space<vmem>>, vector<16xf32>,
    %swap3A_153 = arith.constant 4 : i32
    %swap3A_154 = arith.index_cast %swap3A_153 : i32 to index
    %swap3A_155 = arith.constant 96 : index
    %swap3A_156 = tpu.vector_load %arg15[%swap3A_154, %swap3A_155] {strides = array<i32>} : memref<16x128xf32, #tpu.memory_space<vmem>>, vector<16xf32>,
    tpu.vector_store %arg15[%swap3A_154, %swap3A_155], %broadcast_in_dim3A_1 {strides = array<i32>} : memref<16x128xf32, #tpu.memory_space<vmem>>, vector<16xf32>,
    %swap3A_157 = arith.constant 4 : i32
    %swap3A_158 = arith.index_cast %swap3A_157 : i32 to index
    %swap3A_159 = arith.constant 112 : index
    %swap3A_160 = tpu.vector_load %arg15[%swap3A_158, %swap3A_159] {strides = array<i32>} : memref<16x128xf32, #tpu.memory_space<vmem>>, vector<16xf32>,
    tpu.vector_store %arg15[%swap3A_158, %swap3A_159], %broadcast_in_dim3A_1 {strides = array<i32>} : memref<16x128xf32, #tpu.memory_space<vmem>>, vector<16xf32>,
    %swap3A_161 = arith.constant 5 : i32
    %swap3A_162 = arith.index_cast %swap3A_161 : i32 to index
    %swap3A_163 = arith.constant 0 : index
    %swap3A_164 = tpu.vector_load %arg15[%swap3A_162, %swap3A_163] {strides = array<i32>} : memref<16x128xf32, #tpu.memory_space<vmem>>, vector<16xf32>,
    tpu.vector_store %arg15[%swap3A_162, %swap3A_163], %broadcast_in_dim3A_1 {strides = array<i32>} : memref<16x128xf32, #tpu.memory_space<vmem>>, vector<16xf32>,
    %swap3A_165 = arith.constant 5 : i32
    %swap3A_166 = arith.index_cast %swap3A_165 : i32 to index
    %swap3A_167 = arith.constant 16 : index
    %swap3A_168 = tpu.vector_load %arg15[%swap3A_166, %swap3A_167] {strides = array<i32>} : memref<16x128xf32, #tpu.memory_space<vmem>>, vector<16xf32>,
    tpu.vector_store %arg15[%swap3A_166, %swap3A_167], %broadcast_in_dim3A_1 {strides = array<i32>} : memref<16x128xf32, #tpu.memory_space<vmem>>, vector<16xf32>,
    %swap3A_169 = arith.constant 5 : i32
    %swap3A_170 = arith.index_cast %swap3A_169 : i32 to index
    %swap3A_171 = arith.constant 32 : index
    %swap3A_172 = tpu.vector_load %arg15[%swap3A_170, %swap3A_171] {strides = array<i32>} : memref<16x128xf32, #tpu.memory_space<vmem>>, vector<16xf32>,
    tpu.vector_store %arg15[%swap3A_170, %swap3A_171], %broadcast_in_dim3A_1 {strides = array<i32>} : memref<16x128xf32, #tpu.memory_space<vmem>>, vector<16xf32>,
    %swap3A_173 = arith.constant 5 : i32
    %swap3A_174 = arith.index_cast %swap3A_173 : i32 to index
    %swap3A_175 = arith.constant 48 : index
    %swap3A_176 = tpu.vector_load %arg15[%swap3A_174, %swap3A_175] {strides = array<i32>} : memref<16x128xf32, #tpu.memory_space<vmem>>, vector<16xf32>,
    tpu.vector_store %arg15[%swap3A_174, %swap3A_175], %broadcast_in_dim3A_1 {strides = array<i32>} : memref<16x128xf32, #tpu.memory_space<vmem>>, vector<16xf32>,
    %swap3A_177 = arith.constant 5 : i32
    %swap3A_178 = arith.index_cast %swap3A_177 : i32 to index
    %swap3A_179 = arith.constant 64 : index
    %swap3A_180 = tpu.vector_load %arg15[%swap3A_178, %swap3A_179] {strides = array<i32>} : memref<16x128xf32, #tpu.memory_space<vmem>>, vector<16xf32>,
    tpu.vector_store %arg15[%swap3A_178, %swap3A_179], %broadcast_in_dim3A_1 {strides = array<i32>} : memref<16x128xf32, #tpu.memory_space<vmem>>, vector<16xf32>,
    %swap3A_181 = arith.constant 5 : i32
    %swap3A_182 = arith.index_cast %swap3A_181 : i32 to index
    %swap3A_183 = arith.constant 80 : index
    %swap3A_184 = tpu.vector_load %arg15[%swap3A_182, %swap3A_183] {strides = array<i32>} : memref<16x128xf32, #tpu.memory_space<vmem>>, vector<16xf32>,
    tpu.vector_store %arg15[%swap3A_182, %swap3A_183], %broadcast_in_dim3A_1 {strides = array<i32>} : memref<16x128xf32, #tpu.memory_space<vmem>>, vector<16xf32>,
    %swap3A_185 = arith.constant 5 : i32
    %swap3A_186 = arith.index_cast %swap3A_185 : i32 to index
    %swap3A_187 = arith.constant 96 : index
    %swap3A_188 = tpu.vector_load %arg15[%swap3A_186, %swap3A_187] {strides = array<i32>} : memref<16x128xf32, #tpu.memory_space<vmem>>, vector<16xf32>,
    tpu.vector_store %arg15[%swap3A_186, %swap3A_187], %broadcast_in_dim3A_1 {strides = array<i32>} : memref<16x128xf32, #tpu.memory_space<vmem>>, vector<16xf32>,
    %swap3A_189 = arith.constant 5 : i32
    %swap3A_190 = arith.index_cast %swap3A_189 : i32 to index
    %swap3A_191 = arith.constant 112 : index
    %swap3A_192 = tpu.vector_load %arg15[%swap3A_190, %swap3A_191] {strides = array<i32>} : memref<16x128xf32, #tpu.memory_space<vmem>>, vector<16xf32>,
    tpu.vector_store %arg15[%swap3A_190, %swap3A_191], %broadcast_in_dim3A_1 {strides = array<i32>} : memref<16x128xf32, #tpu.memory_space<vmem>>, vector<16xf32>,
    %swap3A_193 = arith.constant 6 : i32
    %swap3A_194 = arith.index_cast %swap3A_193 : i32 to index
    %swap3A_195 = arith.constant 0 : index
    %swap3A_196 = tpu.vector_load %arg15[%swap3A_194, %swap3A_195] {strides = array<i32>} : memref<16x128xf32, #tpu.memory_space<vmem>>, vector<16xf32>,
    tpu.vector_store %arg15[%swap3A_194, %swap3A_195], %broadcast_in_dim3A_1 {strides = array<i32>} : memref<16x128xf32, #tpu.memory_space<vmem>>, vector<16xf32>,
    %swap3A_197 = arith.constant 6 : i32
    %swap3A_198 = arith.index_cast %swap3A_197 : i32 to index
    %swap3A_199 = arith.constant 16 : index
    %swap3A_200 = tpu.vector_load %arg15[%swap3A_198, %swap3A_199] {strides = array<i32>} : memref<16x128xf32, #tpu.memory_space<vmem>>, vector<16xf32>,
    tpu.vector_store %arg15[%swap3A_198, %swap3A_199], %broadcast_in_dim3A_1 {strides = array<i32>} : memref<16x128xf32, #tpu.memory_space<vmem>>, vector<16xf32>,
    %swap3A_201 = arith.constant 6 : i32
    %swap3A_202 = arith.index_cast %swap3A_201 : i32 to index
    %swap3A_203 = arith.constant 32 : index
    %swap3A_204 = tpu.vector_load %arg15[%swap3A_202, %swap3A_203] {strides = array<i32>} : memref<16x128xf32, #tpu.memory_space<vmem>>, vector<16xf32>,
    tpu.vector_store %arg15[%swap3A_202, %swap3A_203], %broadcast_in_dim3A_1 {strides = array<i32>} : memref<16x128xf32, #tpu.memory_space<vmem>>, vector<16xf32>,
    %swap3A_205 = arith.constant 6 : i32
    %swap3A_206 = arith.index_cast %swap3A_205 : i32 to index
    %swap3A_207 = arith.constant 48 : index
    %swap3A_208 = tpu.vector_load %arg15[%swap3A_206, %swap3A_207] {strides = array<i32>} : memref<16x128xf32, #tpu.memory_space<vmem>>, vector<16xf32>,
    tpu.vector_store %arg15[%swap3A_206, %swap3A_207], %broadcast_in_dim3A_1 {strides = array<i32>} : memref<16x128xf32, #tpu.memory_space<vmem>>, vector<16xf32>,
    %swap3A_209 = arith.constant 6 : i32
    %swap3A_210 = arith.index_cast %swap3A_209 : i32 to index
    %swap3A_211 = arith.constant 64 : index
    %swap3A_212 = tpu.vector_load %arg15[%swap3A_210, %swap3A_211] {strides = array<i32>} : memref<16x128xf32, #tpu.memory_space<vmem>>, vector<16xf32>,
    tpu.vector_store %arg15[%swap3A_210, %swap3A_211], %broadcast_in_dim3A_1 {strides = array<i32>} : memref<16x128xf32, #tpu.memory_space<vmem>>, vector<16xf32>,
    %swap3A_213 = arith.constant 6 : i32
    %swap3A_214 = arith.index_cast %swap3A_213 : i32 to index
    %swap3A_215 = arith.constant 80 : index
    %swap3A_216 = tpu.vector_load %arg15[%swap3A_214, %swap3A_215] {strides = array<i32>} : memref<16x128xf32, #tpu.memory_space<vmem>>, vector<16xf32>,
    tpu.vector_store %arg15[%swap3A_214, %swap3A_215], %broadcast_in_dim3A_1 {strides = array<i32>} : memref<16x128xf32, #tpu.memory_space<vmem>>, vector<16xf32>,
    %swap3A_217 = arith.constant 6 : i32
    %swap3A_218 = arith.index_cast %swap3A_217 : i32 to index
    %swap3A_219 = arith.constant 96 : index
    %swap3A_220 = tpu.vector_load %arg15[%swap3A_218, %swap3A_219] {strides = array<i32>} : memref<16x128xf32, #tpu.memory_space<vmem>>, vector<16xf32>,
    tpu.vector_store %arg15[%swap3A_218, %swap3A_219], %broadcast_in_dim3A_1 {strides = array<i32>} : memref<16x128xf32, #tpu.memory_space<vmem>>, vector<16xf32>,
    %swap3A_221 = arith.constant 6 : i32
    %swap3A_222 = arith.index_cast %swap3A_221 : i32 to index
    %swap3A_223 = arith.constant 112 : index
    %swap3A_224 = tpu.vector_load %arg15[%swap3A_222, %swap3A_223] {strides = array<i32>} : memref<16x128xf32, #tpu.memory_space<vmem>>, vector<16xf32>,
    tpu.vector_store %arg15[%swap3A_222, %swap3A_223], %broadcast_in_dim3A_1 {strides = array<i32>} : memref<16x128xf32, #tpu.memory_space<vmem>>, vector<16xf32>,
    %swap3A_225 = arith.constant 7 : i32
    %swap3A_226 = arith.index_cast %swap3A_225 : i32 to index
    %swap3A_227 = arith.constant 0 : index
    %swap3A_228 = tpu.vector_load %arg15[%swap3A_226, %swap3A_227] {strides = array<i32>} : memref<16x128xf32, #tpu.memory_space<vmem>>, vector<16xf32>,
    tpu.vector_store %arg15[%swap3A_226, %swap3A_227], %broadcast_in_dim3A_1 {strides = array<i32>} : memref<16x128xf32, #tpu.memory_space<vmem>>, vector<16xf32>,
    %swap3A_229 = arith.constant 7 : i32
    %swap3A_230 = arith.index_cast %swap3A_229 : i32 to index
    %swap3A_231 = arith.constant 16 : index
    %swap3A_232 = tpu.vector_load %arg15[%swap3A_230, %swap3A_231] {strides = array<i32>} : memref<16x128xf32, #tpu.memory_space<vmem>>, vector<16xf32>,
    tpu.vector_store %arg15[%swap3A_230, %swap3A_231], %broadcast_in_dim3A_1 {strides = array<i32>} : memref<16x128xf32, #tpu.memory_space<vmem>>, vector<16xf32>,
    %swap3A_233 = arith.constant 7 : i32
    %swap3A_234 = arith.index_cast %swap3A_233 : i32 to index
    %swap3A_235 = arith.constant 32 : index
    %swap3A_236 = tpu.vector_load %arg15[%swap3A_234, %swap3A_235] {strides = array<i32>} : memref<16x128xf32, #tpu.memory_space<vmem>>, vector<16xf32>,
    tpu.vector_store %arg15[%swap3A_234, %swap3A_235], %broadcast_in_dim3A_1 {strides = array<i32>} : memref<16x128xf32, #tpu.memory_space<vmem>>, vector<16xf32>,
    %swap3A_237 = arith.constant 7 : i32
    %swap3A_238 = arith.index_cast %swap3A_237 : i32 to index
    %swap3A_239 = arith.constant 48 : index
    %swap3A_240 = tpu.vector_load %arg15[%swap3A_238, %swap3A_239] {strides = array<i32>} : memref<16x128xf32, #tpu.memory_space<vmem>>, vector<16xf32>,
    tpu.vector_store %arg15[%swap3A_238, %swap3A_239], %broadcast_in_dim3A_1 {strides = array<i32>} : memref<16x128xf32, #tpu.memory_space<vmem>>, vector<16xf32>,
    %swap3A_241 = arith.constant 7 : i32
    %swap3A_242 = arith.index_cast %swap3A_241 : i32 to index
    %swap3A_243 = arith.constant 64 : index
    %swap3A_244 = tpu.vector_load %arg15[%swap3A_242, %swap3A_243] {strides = array<i32>} : memref<16x128xf32, #tpu.memory_space<vmem>>, vector<16xf32>,
    tpu.vector_store %arg15[%swap3A_242, %swap3A_243], %broadcast_in_dim3A_1 {strides = array<i32>} : memref<16x128xf32, #tpu.memory_space<vmem>>, vector<16xf32>,
    %swap3A_245 = arith.constant 7 : i32
    %swap3A_246 = arith.index_cast %swap3A_245 : i32 to index
    %swap3A_247 = arith.constant 80 : index
    %swap3A_248 = tpu.vector_load %arg15[%swap3A_246, %swap3A_247] {strides = array<i32>} : memref<16x128xf32, #tpu.memory_space<vmem>>, vector<16xf32>,
    tpu.vector_store %arg15[%swap3A_246, %swap3A_247], %broadcast_in_dim3A_1 {strides = array<i32>} : memref<16x128xf32, #tpu.memory_space<vmem>>, vector<16xf32>,
    %swap3A_249 = arith.constant 7 : i32
    %swap3A_250 = arith.index_cast %swap3A_249 : i32 to index
    %swap3A_251 = arith.constant 96 : index
    %swap3A_252 = tpu.vector_load %arg15[%swap3A_250, %swap3A_251] {strides = array<i32>} : memref<16x128xf32, #tpu.memory_space<vmem>>, vector<16xf32>,
    tpu.vector_store %arg15[%swap3A_250, %swap3A_251], %broadcast_in_dim3A_1 {strides = array<i32>} : memref<16x128xf32, #tpu.memory_space<vmem>>, vector<16xf32>,
    %swap3A_253 = arith.constant 7 : i32
    %swap3A_254 = arith.index_cast %swap3A_253 : i32 to index
    %swap3A_255 = arith.constant 112 : index
    %swap3A_256 = tpu.vector_load %arg15[%swap3A_254, %swap3A_255] {strides = array<i32>} : memref<16x128xf32, #tpu.memory_space<vmem>>, vector<16xf32>,
    tpu.vector_store %arg15[%swap3A_254, %swap3A_255], %broadcast_in_dim3A_1 {strides = array<i32>} : memref<16x128xf32, #tpu.memory_space<vmem>>, vector<16xf32>,
    %swap3A_257 = arith.constant 8 : i32
    %swap3A_258 = arith.index_cast %swap3A_257 : i32 to index
    %swap3A_259 = arith.constant 0 : index
    %swap3A_260 = tpu.vector_load %arg15[%swap3A_258, %swap3A_259] {strides = array<i32>} : memref<16x128xf32, #tpu.memory_space<vmem>>, vector<16xf32>,
    tpu.vector_store %arg15[%swap3A_258, %swap3A_259], %broadcast_in_dim3A_1 {strides = array<i32>} : memref<16x128xf32, #tpu.memory_space<vmem>>, vector<16xf32>,
    %swap3A_261 = arith.constant 8 : i32
    %swap3A_262 = arith.index_cast %swap3A_261 : i32 to index
    %swap3A_263 = arith.constant 16 : index
    %swap3A_264 = tpu.vector_load %arg15[%swap3A_262, %swap3A_263] {strides = array<i32>} : memref<16x128xf32, #tpu.memory_space<vmem>>, vector<16xf32>,
    tpu.vector_store %arg15[%swap3A_262, %swap3A_263], %broadcast_in_dim3A_1 {strides = array<i32>} : memref<16x128xf32, #tpu.memory_space<vmem>>, vector<16xf32>,
    %swap3A_265 = arith.constant 8 : i32
    %swap3A_266 = arith.index_cast %swap3A_265 : i32 to index
    %swap3A_267 = arith.constant 32 : index
    %swap3A_268 = tpu.vector_load %arg15[%swap3A_266, %swap3A_267] {strides = array<i32>} : memref<16x128xf32, #tpu.memory_space<vmem>>, vector<16xf32>,
    tpu.vector_store %arg15[%swap3A_266, %swap3A_267], %broadcast_in_dim3A_1 {strides = array<i32>} : memref<16x128xf32, #tpu.memory_space<vmem>>, vector<16xf32>,
    %swap3A_269 = arith.constant 8 : i32
    %swap3A_270 = arith.index_cast %swap3A_269 : i32 to index
    %swap3A_271 = arith.constant 48 : index
    %swap3A_272 = tpu.vector_load %arg15[%swap3A_270, %swap3A_271] {strides = array<i32>} : memref<16x128xf32, #tpu.memory_space<vmem>>, vector<16xf32>,
    tpu.vector_store %arg15[%swap3A_270, %swap3A_271], %broadcast_in_dim3A_1 {strides = array<i32>} : memref<16x128xf32, #tpu.memory_space<vmem>>, vector<16xf32>,
    %swap3A_273 = arith.constant 8 : i32
    %swap3A_274 = arith.index_cast %swap3A_273 : i32 to index
    %swap3A_275 = arith.constant 64 : index
    %swap3A_276 = tpu.vector_load %arg15[%swap3A_274, %swap3A_275] {strides = array<i32>} : memref<16x128xf32, #tpu.memory_space<vmem>>, vector<16xf32>,
    tpu.vector_store %arg15[%swap3A_274, %swap3A_275], %broadcast_in_dim3A_1 {strides = array<i32>} : memref<16x128xf32, #tpu.memory_space<vmem>>, vector<16xf32>,
    %swap3A_277 = arith.constant 8 : i32
    %swap3A_278 = arith.index_cast %swap3A_277 : i32 to index
    %swap3A_279 = arith.constant 80 : index
    %swap3A_280 = tpu.vector_load %arg15[%swap3A_278, %swap3A_279] {strides = array<i32>} : memref<16x128xf32, #tpu.memory_space<vmem>>, vector<16xf32>,
    tpu.vector_store %arg15[%swap3A_278, %swap3A_279], %broadcast_in_dim3A_1 {strides = array<i32>} : memref<16x128xf32, #tpu.memory_space<vmem>>, vector<16xf32>,
    %swap3A_281 = arith.constant 8 : i32
    %swap3A_282 = arith.index_cast %swap3A_281 : i32 to index
    %swap3A_283 = arith.constant 96 : index
    %swap3A_284 = tpu.vector_load %arg15[%swap3A_282, %swap3A_283] {strides = array<i32>} : memref<16x128xf32, #tpu.memory_space<vmem>>, vector<16xf32>,
    tpu.vector_store %arg15[%swap3A_282, %swap3A_283], %broadcast_in_dim3A_1 {strides = array<i32>} : memref<16x128xf32, #tpu.memory_space<vmem>>, vector<16xf32>,
    %swap3A_285 = arith.constant 8 : i32
    %swap3A_286 = arith.index_cast %swap3A_285 : i32 to index
    %swap3A_287 = arith.constant 112 : index
    %swap3A_288 = tpu.vector_load %arg15[%swap3A_286, %swap3A_287] {strides = array<i32>} : memref<16x128xf32, #tpu.memory_space<vmem>>, vector<16xf32>,
    tpu.vector_store %arg15[%swap3A_286, %swap3A_287], %broadcast_in_dim3A_1 {strides = array<i32>} : memref<16x128xf32, #tpu.memory_space<vmem>>, vector<16xf32>,
    %swap3A_289 = arith.constant 9 : i32
    %swap3A_290 = arith.index_cast %swap3A_289 : i32 to index
    %swap3A_291 = arith.constant 0 : index
    %swap3A_292 = tpu.vector_load %arg15[%swap3A_290, %swap3A_291] {strides = array<i32>} : memref<16x128xf32, #tpu.memory_space<vmem>>, vector<16xf32>,
    tpu.vector_store %arg15[%swap3A_290, %swap3A_291], %broadcast_in_dim3A_1 {strides = array<i32>} : memref<16x128xf32, #tpu.memory_space<vmem>>, vector<16xf32>,
    %swap3A_293 = arith.constant 9 : i32
    %swap3A_294 = arith.index_cast %swap3A_293 : i32 to index
    %swap3A_295 = arith.constant 16 : index
    %swap3A_296 = tpu.vector_load %arg15[%swap3A_294, %swap3A_295] {strides = array<i32>} : memref<16x128xf32, #tpu.memory_space<vmem>>, vector<16xf32>,
    tpu.vector_store %arg15[%swap3A_294, %swap3A_295], %broadcast_in_dim3A_1 {strides = array<i32>} : memref<16x128xf32, #tpu.memory_space<vmem>>, vector<16xf32>,
    %swap3A_297 = arith.constant 9 : i32
    %swap3A_298 = arith.index_cast %swap3A_297 : i32 to index
    %swap3A_299 = arith.constant 32 : index
    %swap3A_300 = tpu.vector_load %arg15[%swap3A_298, %swap3A_299] {strides = array<i32>} : memref<16x128xf32, #tpu.memory_space<vmem>>, vector<16xf32>,
    tpu.vector_store %arg15[%swap3A_298, %swap3A_299], %broadcast_in_dim3A_1 {strides = array<i32>} : memref<16x128xf32, #tpu.memory_space<vmem>>, vector<16xf32>,
    %swap3A_301 = arith.constant 9 : i32
    %swap3A_302 = arith.index_cast %swap3A_301 : i32 to index
    %swap3A_303 = arith.constant 48 : index
    %swap3A_304 = tpu.vector_load %arg15[%swap3A_302, %swap3A_303] {strides = array<i32>} : memref<16x128xf32, #tpu.memory_space<vmem>>, vector<16xf32>,
    tpu.vector_store %arg15[%swap3A_302, %swap3A_303], %broadcast_in_dim3A_1 {strides = array<i32>} : memref<16x128xf32, #tpu.memory_space<vmem>>, vector<16xf32>,
    %swap3A_305 = arith.constant 9 : i32
    %swap3A_306 = arith.index_cast %swap3A_305 : i32 to index
    %swap3A_307 = arith.constant 64 : index
    %swap3A_308 = tpu.vector_load %arg15[%swap3A_306, %swap3A_307] {strides = array<i32>} : memref<16x128xf32, #tpu.memory_space<vmem>>, vector<16xf32>,
    tpu.vector_store %arg15[%swap3A_306, %swap3A_307], %broadcast_in_dim3A_1 {strides = array<i32>} : memref<16x128xf32, #tpu.memory_space<vmem>>, vector<16xf32>,
    %swap3A_309 = arith.constant 9 : i32
    %swap3A_310 = arith.index_cast %swap3A_309 : i32 to index
    %swap3A_311 = arith.constant 80 : index
    %swap3A_312 = tpu.vector_load %arg15[%swap3A_310, %swap3A_311] {strides = array<i32>} : memref<16x128xf32, #tpu.memory_space<vmem>>, vector<16xf32>,
    tpu.vector_store %arg15[%swap3A_310, %swap3A_311], %broadcast_in_dim3A_1 {strides = array<i32>} : memref<16x128xf32, #tpu.memory_space<vmem>>, vector<16xf32>,
    %swap3A_313 = arith.constant 9 : i32
    %swap3A_314 = arith.index_cast %swap3A_313 : i32 to index
    %swap3A_315 = arith.constant 96 : index
    %swap3A_316 = tpu.vector_load %arg15[%swap3A_314, %swap3A_315] {strides = array<i32>} : memref<16x128xf32, #tpu.memory_space<vmem>>, vector<16xf32>,
    tpu.vector_store %arg15[%swap3A_314, %swap3A_315], %broadcast_in_dim3A_1 {strides = array<i32>} : memref<16x128xf32, #tpu.memory_space<vmem>>, vector<16xf32>,
    %swap3A_317 = arith.constant 9 : i32
    %swap3A_318 = arith.index_cast %swap3A_317 : i32 to index
    %swap3A_319 = arith.constant 112 : index
    %swap3A_320 = tpu.vector_load %arg15[%swap3A_318, %swap3A_319] {strides = array<i32>} : memref<16x128xf32, #tpu.memory_space<vmem>>, vector<16xf32>,
    tpu.vector_store %arg15[%swap3A_318, %swap3A_319], %broadcast_in_dim3A_1 {strides = array<i32>} : memref<16x128xf32, #tpu.memory_space<vmem>>, vector<16xf32>,
    %swap3A_321 = arith.constant 10 : i32
    %swap3A_322 = arith.index_cast %swap3A_321 : i32 to index
    %swap3A_323 = arith.constant 0 : index
    %swap3A_324 = tpu.vector_load %arg15[%swap3A_322, %swap3A_323] {strides = array<i32>} : memref<16x128xf32, #tpu.memory_space<vmem>>, vector<16xf32>,
    tpu.vector_store %arg15[%swap3A_322, %swap3A_323], %broadcast_in_dim3A_1 {strides = array<i32>} : memref<16x128xf32, #tpu.memory_space<vmem>>, vector<16xf32>,
    %swap3A_325 = arith.constant 10 : i32
    %swap3A_326 = arith.index_cast %swap3A_325 : i32 to index
    %swap3A_327 = arith.constant 16 : index
    %swap3A_328 = tpu.vector_load %arg15[%swap3A_326, %swap3A_327] {strides = array<i32>} : memref<16x128xf32, #tpu.memory_space<vmem>>, vector<16xf32>,
    tpu.vector_store %arg15[%swap3A_326, %swap3A_327], %broadcast_in_dim3A_1 {strides = array<i32>} : memref<16x128xf32, #tpu.memory_space<vmem>>, vector<16xf32>,
    %swap3A_329 = arith.constant 10 : i32
    %swap3A_330 = arith.index_cast %swap3A_329 : i32 to index
    %swap3A_331 = arith.constant 32 : index
    %swap3A_332 = tpu.vector_load %arg15[%swap3A_330, %swap3A_331] {strides = array<i32>} : memref<16x128xf32, #tpu.memory_space<vmem>>, vector<16xf32>,
    tpu.vector_store %arg15[%swap3A_330, %swap3A_331], %broadcast_in_dim3A_1 {strides = array<i32>} : memref<16x128xf32, #tpu.memory_space<vmem>>, vector<16xf32>,
    %swap3A_333 = arith.constant 10 : i32
    %swap3A_334 = arith.index_cast %swap3A_333 : i32 to index
    %swap3A_335 = arith.constant 48 : index
    %swap3A_336 = tpu.vector_load %arg15[%swap3A_334, %swap3A_335] {strides = array<i32>} : memref<16x128xf32, #tpu.memory_space<vmem>>, vector<16xf32>,
    tpu.vector_store %arg15[%swap3A_334, %swap3A_335], %broadcast_in_dim3A_1 {strides = array<i32>} : memref<16x128xf32, #tpu.memory_space<vmem>>, vector<16xf32>,
    %swap3A_337 = arith.constant 10 : i32
    %swap3A_338 = arith.index_cast %swap3A_337 : i32 to index
    %swap3A_339 = arith.constant 64 : index
    %swap3A_340 = tpu.vector_load %arg15[%swap3A_338, %swap3A_339] {strides = array<i32>} : memref<16x128xf32, #tpu.memory_space<vmem>>, vector<16xf32>,
    tpu.vector_store %arg15[%swap3A_338, %swap3A_339], %broadcast_in_dim3A_1 {strides = array<i32>} : memref<16x128xf32, #tpu.memory_space<vmem>>, vector<16xf32>,
    %swap3A_341 = arith.constant 10 : i32
    %swap3A_342 = arith.index_cast %swap3A_341 : i32 to index
    %swap3A_343 = arith.constant 80 : index
    %swap3A_344 = tpu.vector_load %arg15[%swap3A_342, %swap3A_343] {strides = array<i32>} : memref<16x128xf32, #tpu.memory_space<vmem>>, vector<16xf32>,
    tpu.vector_store %arg15[%swap3A_342, %swap3A_343], %broadcast_in_dim3A_1 {strides = array<i32>} : memref<16x128xf32, #tpu.memory_space<vmem>>, vector<16xf32>,
    %swap3A_345 = arith.constant 10 : i32
    %swap3A_346 = arith.index_cast %swap3A_345 : i32 to index
    %swap3A_347 = arith.constant 96 : index
    %swap3A_348 = tpu.vector_load %arg15[%swap3A_346, %swap3A_347] {strides = array<i32>} : memref<16x128xf32, #tpu.memory_space<vmem>>, vector<16xf32>,
    tpu.vector_store %arg15[%swap3A_346, %swap3A_347], %broadcast_in_dim3A_1 {strides = array<i32>} : memref<16x128xf32, #tpu.memory_space<vmem>>, vector<16xf32>,
    %swap3A_349 = arith.constant 10 : i32
    %swap3A_350 = arith.index_cast %swap3A_349 : i32 to index
    %swap3A_351 = arith.constant 112 : index
    %swap3A_352 = tpu.vector_load %arg15[%swap3A_350, %swap3A_351] {strides = array<i32>} : memref<16x128xf32, #tpu.memory_space<vmem>>, vector<16xf32>,
    tpu.vector_store %arg15[%swap3A_350, %swap3A_351], %broadcast_in_dim3A_1 {strides = array<i32>} : memref<16x128xf32, #tpu.memory_space<vmem>>, vector<16xf32>,
    %swap3A_353 = arith.constant 11 : i32
    %swap3A_354 = arith.index_cast %swap3A_353 : i32 to index
    %swap3A_355 = arith.constant 0 : index
    %swap3A_356 = tpu.vector_load %arg15[%swap3A_354, %swap3A_355] {strides = array<i32>} : memref<16x128xf32, #tpu.memory_space<vmem>>, vector<16xf32>,
    tpu.vector_store %arg15[%swap3A_354, %swap3A_355], %broadcast_in_dim3A_1 {strides = array<i32>} : memref<16x128xf32, #tpu.memory_space<vmem>>, vector<16xf32>,
    %swap3A_357 = arith.constant 11 : i32
    %swap3A_358 = arith.index_cast %swap3A_357 : i32 to index
    %swap3A_359 = arith.constant 16 : index
    %swap3A_360 = tpu.vector_load %arg15[%swap3A_358, %swap3A_359] {strides = array<i32>} : memref<16x128xf32, #tpu.memory_space<vmem>>, vector<16xf32>,
    tpu.vector_store %arg15[%swap3A_358, %swap3A_359], %broadcast_in_dim3A_1 {strides = array<i32>} : memref<16x128xf32, #tpu.memory_space<vmem>>, vector<16xf32>,
    %swap3A_361 = arith.constant 11 : i32
    %swap3A_362 = arith.index_cast %swap3A_361 : i32 to index
    %swap3A_363 = arith.constant 32 : index
    %swap3A_364 = tpu.vector_load %arg15[%swap3A_362, %swap3A_363] {strides = array<i32>} : memref<16x128xf32, #tpu.memory_space<vmem>>, vector<16xf32>,
    tpu.vector_store %arg15[%swap3A_362, %swap3A_363], %broadcast_in_dim3A_1 {strides = array<i32>} : memref<16x128xf32, #tpu.memory_space<vmem>>, vector<16xf32>,
    %swap3A_365 = arith.constant 11 : i32
    %swap3A_366 = arith.index_cast %swap3A_365 : i32 to index
    %swap3A_367 = arith.constant 48 : index
    %swap3A_368 = tpu.vector_load %arg15[%swap3A_366, %swap3A_367] {strides = array<i32>} : memref<16x128xf32, #tpu.memory_space<vmem>>, vector<16xf32>,
    tpu.vector_store %arg15[%swap3A_366, %swap3A_367], %broadcast_in_dim3A_1 {strides = array<i32>} : memref<16x128xf32, #tpu.memory_space<vmem>>, vector<16xf32>,
    %swap3A_369 = arith.constant 11 : i32
    %swap3A_370 = arith.index_cast %swap3A_369 : i32 to index
    %swap3A_371 = arith.constant 64 : index
    %swap3A_372 = tpu.vector_load %arg15[%swap3A_370, %swap3A_371] {strides = array<i32>} : memref<16x128xf32, #tpu.memory_space<vmem>>, vector<16xf32>,
    tpu.vector_store %arg15[%swap3A_370, %swap3A_371], %broadcast_in_dim3A_1 {strides = array<i32>} : memref<16x128xf32, #tpu.memory_space<vmem>>, vector<16xf32>,
    %swap3A_373 = arith.constant 11 : i32
    %swap3A_374 = arith.index_cast %swap3A_373 : i32 to index
    %swap3A_375 = arith.constant 80 : index
    %swap3A_376 = tpu.vector_load %arg15[%swap3A_374, %swap3A_375] {strides = array<i32>} : memref<16x128xf32, #tpu.memory_space<vmem>>, vector<16xf32>,
    tpu.vector_store %arg15[%swap3A_374, %swap3A_375], %broadcast_in_dim3A_1 {strides = array<i32>} : memref<16x128xf32, #tpu.memory_space<vmem>>, vector<16xf32>,
    %swap3A_377 = arith.constant 11 : i32
    %swap3A_378 = arith.index_cast %swap3A_377 : i32 to index
    %swap3A_379 = arith.constant 96 : index
    %swap3A_380 = tpu.vector_load %arg15[%swap3A_378, %swap3A_379] {strides = array<i32>} : memref<16x128xf32, #tpu.memory_space<vmem>>, vector<16xf32>,
    tpu.vector_store %arg15[%swap3A_378, %swap3A_379], %broadcast_in_dim3A_1 {strides = array<i32>} : memref<16x128xf32, #tpu.memory_space<vmem>>, vector<16xf32>,
    %swap3A_381 = arith.constant 11 : i32
    %swap3A_382 = arith.index_cast %swap3A_381 : i32 to index
    %swap3A_383 = arith.constant 112 : index
    %swap3A_384 = tpu.vector_load %arg15[%swap3A_382, %swap3A_383] {strides = array<i32>} : memref<16x128xf32, #tpu.memory_space<vmem>>, vector<16xf32>,
    tpu.vector_store %arg15[%swap3A_382, %swap3A_383], %broadcast_in_dim3A_1 {strides = array<i32>} : memref<16x128xf32, #tpu.memory_space<vmem>>, vector<16xf32>,
    %swap3A_385 = arith.constant 12 : i32
    %swap3A_386 = arith.index_cast %swap3A_385 : i32 to index
    %swap3A_387 = arith.constant 0 : index
    %swap3A_388 = tpu.vector_load %arg15[%swap3A_386, %swap3A_387] {strides = array<i32>} : memref<16x128xf32, #tpu.memory_space<vmem>>, vector<16xf32>,
    tpu.vector_store %arg15[%swap3A_386, %swap3A_387], %broadcast_in_dim3A_1 {strides = array<i32>} : memref<16x128xf32, #tpu.memory_space<vmem>>, vector<16xf32>,
    %swap3A_389 = arith.constant 12 : i32
    %swap3A_390 = arith.index_cast %swap3A_389 : i32 to index
    %swap3A_391 = arith.constant 16 : index
    %swap3A_392 = tpu.vector_load %arg15[%swap3A_390, %swap3A_391] {strides = array<i32>} : memref<16x128xf32, #tpu.memory_space<vmem>>, vector<16xf32>,
    tpu.vector_store %arg15[%swap3A_390, %swap3A_391], %broadcast_in_dim3A_1 {strides = array<i32>} : memref<16x128xf32, #tpu.memory_space<vmem>>, vector<16xf32>,
    %swap3A_393 = arith.constant 12 : i32
    %swap3A_394 = arith.index_cast %swap3A_393 : i32 to index
    %swap3A_395 = arith.constant 32 : index
    %swap3A_396 = tpu.vector_load %arg15[%swap3A_394, %swap3A_395] {strides = array<i32>} : memref<16x128xf32, #tpu.memory_space<vmem>>, vector<16xf32>,
    tpu.vector_store %arg15[%swap3A_394, %swap3A_395], %broadcast_in_dim3A_1 {strides = array<i32>} : memref<16x128xf32, #tpu.memory_space<vmem>>, vector<16xf32>,
    %swap3A_397 = arith.constant 12 : i32
    %swap3A_398 = arith.index_cast %swap3A_397 : i32 to index
    %swap3A_399 = arith.constant 48 : index
    %swap3A_400 = tpu.vector_load %arg15[%swap3A_398, %swap3A_399] {strides = array<i32>} : memref<16x128xf32, #tpu.memory_space<vmem>>, vector<16xf32>,
    tpu.vector_store %arg15[%swap3A_398, %swap3A_399], %broadcast_in_dim3A_1 {strides = array<i32>} : memref<16x128xf32, #tpu.memory_space<vmem>>, vector<16xf32>,
    %swap3A_401 = arith.constant 12 : i32
    %swap3A_402 = arith.index_cast %swap3A_401 : i32 to index
    %swap3A_403 = arith.constant 64 : index
    %swap3A_404 = tpu.vector_load %arg15[%swap3A_402, %swap3A_403] {strides = array<i32>} : memref<16x128xf32, #tpu.memory_space<vmem>>, vector<16xf32>,
    tpu.vector_store %arg15[%swap3A_402, %swap3A_403], %broadcast_in_dim3A_1 {strides = array<i32>} : memref<16x128xf32, #tpu.memory_space<vmem>>, vector<16xf32>,
    %swap3A_405 = arith.constant 12 : i32
    %swap3A_406 = arith.index_cast %swap3A_405 : i32 to index
    %swap3A_407 = arith.constant 80 : index
    %swap3A_408 = tpu.vector_load %arg15[%swap3A_406, %swap3A_407] {strides = array<i32>} : memref<16x128xf32, #tpu.memory_space<vmem>>, vector<16xf32>,
    tpu.vector_store %arg15[%swap3A_406, %swap3A_407], %broadcast_in_dim3A_1 {strides = array<i32>} : memref<16x128xf32, #tpu.memory_space<vmem>>, vector<16xf32>,
    %swap3A_409 = arith.constant 12 : i32
    %swap3A_410 = arith.index_cast %swap3A_409 : i32 to index
    %swap3A_411 = arith.constant 96 : index
    %swap3A_412 = tpu.vector_load %arg15[%swap3A_410, %swap3A_411] {strides = array<i32>} : memref<16x128xf32, #tpu.memory_space<vmem>>, vector<16xf32>,
    tpu.vector_store %arg15[%swap3A_410, %swap3A_411], %broadcast_in_dim3A_1 {strides = array<i32>} : memref<16x128xf32, #tpu.memory_space<vmem>>, vector<16xf32>,
    %swap3A_413 = arith.constant 12 : i32
    %swap3A_414 = arith.index_cast %swap3A_413 : i32 to index
    %swap3A_415 = arith.constant 112 : index
    %swap3A_416 = tpu.vector_load %arg15[%swap3A_414, %swap3A_415] {strides = array<i32>} : memref<16x128xf32, #tpu.memory_space<vmem>>, vector<16xf32>,
    tpu.vector_store %arg15[%swap3A_414, %swap3A_415], %broadcast_in_dim3A_1 {strides = array<i32>} : memref<16x128xf32, #tpu.memory_space<vmem>>, vector<16xf32>,
    %swap3A_417 = arith.constant 13 : i32
    %swap3A_418 = arith.index_cast %swap3A_417 : i32 to index
    %swap3A_419 = arith.constant 0 : index
    %swap3A_420 = tpu.vector_load %arg15[%swap3A_418, %swap3A_419] {strides = array<i32>} : memref<16x128xf32, #tpu.memory_space<vmem>>, vector<16xf32>,
    tpu.vector_store %arg15[%swap3A_418, %swap3A_419], %broadcast_in_dim3A_1 {strides = array<i32>} : memref<16x128xf32, #tpu.memory_space<vmem>>, vector<16xf32>,
    %swap3A_421 = arith.constant 13 : i32
    %swap3A_422 = arith.index_cast %swap3A_421 : i32 to index
    %swap3A_423 = arith.constant 16 : index
    %swap3A_424 = tpu.vector_load %arg15[%swap3A_422, %swap3A_423] {strides = array<i32>} : memref<16x128xf32, #tpu.memory_space<vmem>>, vector<16xf32>,
    tpu.vector_store %arg15[%swap3A_422, %swap3A_423], %broadcast_in_dim3A_1 {strides = array<i32>} : memref<16x128xf32, #tpu.memory_space<vmem>>, vector<16xf32>,
    %swap3A_425 = arith.constant 13 : i32
    %swap3A_426 = arith.index_cast %swap3A_425 : i32 to index
    %swap3A_427 = arith.constant 32 : index
    %swap3A_428 = tpu.vector_load %arg15[%swap3A_426, %swap3A_427] {strides = array<i32>} : memref<16x128xf32, #tpu.memory_space<vmem>>, vector<16xf32>,
    tpu.vector_store %arg15[%swap3A_426, %swap3A_427], %broadcast_in_dim3A_1 {strides = array<i32>} : memref<16x128xf32, #tpu.memory_space<vmem>>, vector<16xf32>,
    %swap3A_429 = arith.constant 13 : i32
    %swap3A_430 = arith.index_cast %swap3A_429 : i32 to index
    %swap3A_431 = arith.constant 48 : index
    %swap3A_432 = tpu.vector_load %arg15[%swap3A_430, %swap3A_431] {strides = array<i32>} : memref<16x128xf32, #tpu.memory_space<vmem>>, vector<16xf32>,
    tpu.vector_store %arg15[%swap3A_430, %swap3A_431], %broadcast_in_dim3A_1 {strides = array<i32>} : memref<16x128xf32, #tpu.memory_space<vmem>>, vector<16xf32>,
    %swap3A_433 = arith.constant 13 : i32
    %swap3A_434 = arith.index_cast %swap3A_433 : i32 to index
    %swap3A_435 = arith.constant 64 : index
    %swap3A_436 = tpu.vector_load %arg15[%swap3A_434, %swap3A_435] {strides = array<i32>} : memref<16x128xf32, #tpu.memory_space<vmem>>, vector<16xf32>,
    tpu.vector_store %arg15[%swap3A_434, %swap3A_435], %broadcast_in_dim3A_1 {strides = array<i32>} : memref<16x128xf32, #tpu.memory_space<vmem>>, vector<16xf32>,
    %swap3A_437 = arith.constant 13 : i32
    %swap3A_438 = arith.index_cast %swap3A_437 : i32 to index
    %swap3A_439 = arith.constant 80 : index
    %swap3A_440 = tpu.vector_load %arg15[%swap3A_438, %swap3A_439] {strides = array<i32>} : memref<16x128xf32, #tpu.memory_space<vmem>>, vector<16xf32>,
    tpu.vector_store %arg15[%swap3A_438, %swap3A_439], %broadcast_in_dim3A_1 {strides = array<i32>} : memref<16x128xf32, #tpu.memory_space<vmem>>, vector<16xf32>,
    %swap3A_441 = arith.constant 13 : i32
    %swap3A_442 = arith.index_cast %swap3A_441 : i32 to index
    %swap3A_443 = arith.constant 96 : index
    %swap3A_444 = tpu.vector_load %arg15[%swap3A_442, %swap3A_443] {strides = array<i32>} : memref<16x128xf32, #tpu.memory_space<vmem>>, vector<16xf32>,
    tpu.vector_store %arg15[%swap3A_442, %swap3A_443], %broadcast_in_dim3A_1 {strides = array<i32>} : memref<16x128xf32, #tpu.memory_space<vmem>>, vector<16xf32>,
    %swap3A_445 = arith.constant 13 : i32
    %swap3A_446 = arith.index_cast %swap3A_445 : i32 to index
    %swap3A_447 = arith.constant 112 : index
    %swap3A_448 = tpu.vector_load %arg15[%swap3A_446, %swap3A_447] {strides = array<i32>} : memref<16x128xf32, #tpu.memory_space<vmem>>, vector<16xf32>,
    tpu.vector_store %arg15[%swap3A_446, %swap3A_447], %broadcast_in_dim3A_1 {strides = array<i32>} : memref<16x128xf32, #tpu.memory_space<vmem>>, vector<16xf32>,
    %swap3A_449 = arith.constant 14 : i32
    %swap3A_450 = arith.index_cast %swap3A_449 : i32 to index
    %swap3A_451 = arith.constant 0 : index
    %swap3A_452 = tpu.vector_load %arg15[%swap3A_450, %swap3A_451] {strides = array<i32>} : memref<16x128xf32, #tpu.memory_space<vmem>>, vector<16xf32>,
    tpu.vector_store %arg15[%swap3A_450, %swap3A_451], %broadcast_in_dim3A_1 {strides = array<i32>} : memref<16x128xf32, #tpu.memory_space<vmem>>, vector<16xf32>,
    %swap3A_453 = arith.constant 14 : i32
    %swap3A_454 = arith.index_cast %swap3A_453 : i32 to index
    %swap3A_455 = arith.constant 16 : index
    %swap3A_456 = tpu.vector_load %arg15[%swap3A_454, %swap3A_455] {strides = array<i32>} : memref<16x128xf32, #tpu.memory_space<vmem>>, vector<16xf32>,
    tpu.vector_store %arg15[%swap3A_454, %swap3A_455], %broadcast_in_dim3A_1 {strides = array<i32>} : memref<16x128xf32, #tpu.memory_space<vmem>>, vector<16xf32>,
    %swap3A_457 = arith.constant 14 : i32
    %swap3A_458 = arith.index_cast %swap3A_457 : i32 to index
    %swap3A_459 = arith.constant 32 : index
    %swap3A_460 = tpu.vector_load %arg15[%swap3A_458, %swap3A_459] {strides = array<i32>} : memref<16x128xf32, #tpu.memory_space<vmem>>, vector<16xf32>,
    tpu.vector_store %arg15[%swap3A_458, %swap3A_459], %broadcast_in_dim3A_1 {strides = array<i32>} : memref<16x128xf32, #tpu.memory_space<vmem>>, vector<16xf32>,
    %swap3A_461 = arith.constant 14 : i32
    %swap3A_462 = arith.index_cast %swap3A_461 : i32 to index
    %swap3A_463 = arith.constant 48 : index
    %swap3A_464 = tpu.vector_load %arg15[%swap3A_462, %swap3A_463] {strides = array<i32>} : memref<16x128xf32, #tpu.memory_space<vmem>>, vector<16xf32>,
    tpu.vector_store %arg15[%swap3A_462, %swap3A_463], %broadcast_in_dim3A_1 {strides = array<i32>} : memref<16x128xf32, #tpu.memory_space<vmem>>, vector<16xf32>,
    %swap3A_465 = arith.constant 14 : i32
    %swap3A_466 = arith.index_cast %swap3A_465 : i32 to index
    %swap3A_467 = arith.constant 64 : index
    %swap3A_468 = tpu.vector_load %arg15[%swap3A_466, %swap3A_467] {strides = array<i32>} : memref<16x128xf32, #tpu.memory_space<vmem>>, vector<16xf32>,
    tpu.vector_store %arg15[%swap3A_466, %swap3A_467], %broadcast_in_dim3A_1 {strides = array<i32>} : memref<16x128xf32, #tpu.memory_space<vmem>>, vector<16xf32>,
    %swap3A_469 = arith.constant 14 : i32
    %swap3A_470 = arith.index_cast %swap3A_469 : i32 to index
    %swap3A_471 = arith.constant 80 : index
    %swap3A_472 = tpu.vector_load %arg15[%swap3A_470, %swap3A_471] {strides = array<i32>} : memref<16x128xf32, #tpu.memory_space<vmem>>, vector<16xf32>,
    tpu.vector_store %arg15[%swap3A_470, %swap3A_471], %broadcast_in_dim3A_1 {strides = array<i32>} : memref<16x128xf32, #tpu.memory_space<vmem>>, vector<16xf32>,
    %swap3A_473 = arith.constant 14 : i32
    %swap3A_474 = arith.index_cast %swap3A_473 : i32 to index
    %swap3A_475 = arith.constant 96 : index
    %swap3A_476 = tpu.vector_load %arg15[%swap3A_474, %swap3A_475] {strides = array<i32>} : memref<16x128xf32, #tpu.memory_space<vmem>>, vector<16xf32>,
    tpu.vector_store %arg15[%swap3A_474, %swap3A_475], %broadcast_in_dim3A_1 {strides = array<i32>} : memref<16x128xf32, #tpu.memory_space<vmem>>, vector<16xf32>,
    %swap3A_477 = arith.constant 14 : i32
    %swap3A_478 = arith.index_cast %swap3A_477 : i32 to index
    %swap3A_479 = arith.constant 112 : index
    %swap3A_480 = tpu.vector_load %arg15[%swap3A_478, %swap3A_479] {strides = array<i32>} : memref<16x128xf32, #tpu.memory_space<vmem>>, vector<16xf32>,
    tpu.vector_store %arg15[%swap3A_478, %swap3A_479], %broadcast_in_dim3A_1 {strides = array<i32>} : memref<16x128xf32, #tpu.memory_space<vmem>>, vector<16xf32>,
    %swap3A_481 = arith.constant 15 : i32
    %swap3A_482 = arith.index_cast %swap3A_481 : i32 to index
    %swap3A_483 = arith.constant 0 : index
    %swap3A_484 = tpu.vector_load %arg15[%swap3A_482, %swap3A_483] {strides = array<i32>} : memref<16x128xf32, #tpu.memory_space<vmem>>, vector<16xf32>,
    tpu.vector_store %arg15[%swap3A_482, %swap3A_483], %broadcast_in_dim3A_1 {strides = array<i32>} : memref<16x128xf32, #tpu.memory_space<vmem>>, vector<16xf32>,
    %swap3A_485 = arith.constant 15 : i32
    %swap3A_486 = arith.index_cast %swap3A_485 : i32 to index
    %swap3A_487 = arith.constant 16 : index
    %swap3A_488 = tpu.vector_load %arg15[%swap3A_486, %swap3A_487] {strides = array<i32>} : memref<16x128xf32, #tpu.memory_space<vmem>>, vector<16xf32>,
    tpu.vector_store %arg15[%swap3A_486, %swap3A_487], %broadcast_in_dim3A_1 {strides = array<i32>} : memref<16x128xf32, #tpu.memory_space<vmem>>, vector<16xf32>,
    %swap3A_489 = arith.constant 15 : i32
    %swap3A_490 = arith.index_cast %swap3A_489 : i32 to index
    %swap3A_491 = arith.constant 32 : index
    %swap3A_492 = tpu.vector_load %arg15[%swap3A_490, %swap3A_491] {strides = array<i32>} : memref<16x128xf32, #tpu.memory_space<vmem>>, vector<16xf32>,
    tpu.vector_store %arg15[%swap3A_490, %swap3A_491], %broadcast_in_dim3A_1 {strides = array<i32>} : memref<16x128xf32, #tpu.memory_space<vmem>>, vector<16xf32>,
    %swap3A_493 = arith.constant 15 : i32
    %swap3A_494 = arith.index_cast %swap3A_493 : i32 to index
    %swap3A_495 = arith.constant 48 : index
    %swap3A_496 = tpu.vector_load %arg15[%swap3A_494, %swap3A_495] {strides = array<i32>} : memref<16x128xf32, #tpu.memory_space<vmem>>, vector<16xf32>,
    tpu.vector_store %arg15[%swap3A_494, %swap3A_495], %broadcast_in_dim3A_1 {strides = array<i32>} : memref<16x128xf32, #tpu.memory_space<vmem>>, vector<16xf32>,
    %swap3A_497 = arith.constant 15 : i32
    %swap3A_498 = arith.index_cast %swap3A_497 : i32 to index
    %swap3A_499 = arith.constant 64 : index
    %swap3A_500 = tpu.vector_load %arg15[%swap3A_498, %swap3A_499] {strides = array<i32>} : memref<16x128xf32, #tpu.memory_space<vmem>>, vector<16xf32>,
    tpu.vector_store %arg15[%swap3A_498, %swap3A_499], %broadcast_in_dim3A_1 {strides = array<i32>} : memref<16x128xf32, #tpu.memory_space<vmem>>, vector<16xf32>,
    %swap3A_501 = arith.constant 15 : i32
    %swap3A_502 = arith.index_cast %swap3A_501 : i32 to index
    %swap3A_503 = arith.constant 80 : index
    %swap3A_504 = tpu.vector_load %arg15[%swap3A_502, %swap3A_503] {strides = array<i32>} : memref<16x128xf32, #tpu.memory_space<vmem>>, vector<16xf32>,
    tpu.vector_store %arg15[%swap3A_502, %swap3A_503], %broadcast_in_dim3A_1 {strides = array<i32>} : memref<16x128xf32, #tpu.memory_space<vmem>>, vector<16xf32>,
    %swap3A_505 = arith.constant 15 : i32
    %swap3A_506 = arith.index_cast %swap3A_505 : i32 to index
    %swap3A_507 = arith.constant 96 : index
    %swap3A_508 = tpu.vector_load %arg15[%swap3A_506, %swap3A_507] {strides = array<i32>} : memref<16x128xf32, #tpu.memory_space<vmem>>, vector<16xf32>,
    tpu.vector_store %arg15[%swap3A_506, %swap3A_507], %broadcast_in_dim3A_1 {strides = array<i32>} : memref<16x128xf32, #tpu.memory_space<vmem>>, vector<16xf32>,
    %swap3A_509 = arith.constant 15 : i32
    %swap3A_510 = arith.index_cast %swap3A_509 : i32 to index
    %swap3A_511 = arith.constant 112 : index
    %swap3A_512 = tpu.vector_load %arg15[%swap3A_510, %swap3A_511] {strides = array<i32>} : memref<16x128xf32, #tpu.memory_space<vmem>>, vector<16xf32>,
    tpu.vector_store %arg15[%swap3A_510, %swap3A_511], %broadcast_in_dim3A_1 {strides = array<i32>} : memref<16x128xf32, #tpu.memory_space<vmem>>, vector<16xf32>,
    %swap3A_513 = arith.constant 0 : index
    %swap3A_514 = tpu.vector_load %arg16[%swap3A_513] {strides = array<i32>} : memref<640xf32, #tpu.memory_space<vmem>>, vector<16xf32>,
    tpu.vector_store %arg16[%swap3A_513], %broadcast_in_dim3A_1 {strides = array<i32>} : memref<640xf32, #tpu.memory_space<vmem>>, vector<16xf32>,
    %swap3A_515 = arith.constant 16 : index
    %swap3A_516 = tpu.vector_load %arg16[%swap3A_515] {strides = array<i32>} : memref<640xf32, #tpu.memory_space<vmem>>, vector<16xf32>,
    tpu.vector_store %arg16[%swap3A_515], %broadcast_in_dim3A_1 {strides = array<i32>} : memref<640xf32, #tpu.memory_space<vmem>>, vector<16xf32>,
    %swap3A_517 = arith.constant 32 : index
    %swap3A_518 = tpu.vector_load %arg16[%swap3A_517] {strides = array<i32>} : memref<640xf32, #tpu.memory_space<vmem>>, vector<16xf32>,
    tpu.vector_store %arg16[%swap3A_517], %broadcast_in_dim3A_1 {strides = array<i32>} : memref<640xf32, #tpu.memory_space<vmem>>, vector<16xf32>,
    %swap3A_519 = arith.constant 48 : index
    %swap3A_520 = tpu.vector_load %arg16[%swap3A_519] {strides = array<i32>} : memref<640xf32, #tpu.memory_space<vmem>>, vector<16xf32>,
    tpu.vector_store %arg16[%swap3A_519], %broadcast_in_dim3A_1 {strides = array<i32>} : memref<640xf32, #tpu.memory_space<vmem>>, vector<16xf32>,
    %swap3A_521 = arith.constant 64 : index
    %swap3A_522 = tpu.vector_load %arg16[%swap3A_521] {strides = array<i32>} : memref<640xf32, #tpu.memory_space<vmem>>, vector<16xf32>,
    tpu.vector_store %arg16[%swap3A_521], %broadcast_in_dim3A_1 {strides = array<i32>} : memref<640xf32, #tpu.memory_space<vmem>>, vector<16xf32>,
    %swap3A_523 = arith.constant 80 : index
    %swap3A_524 = tpu.vector_load %arg16[%swap3A_523] {strides = array<i32>} : memref<640xf32, #tpu.memory_space<vmem>>, vector<16xf32>,
    tpu.vector_store %arg16[%swap3A_523], %broadcast_in_dim3A_1 {strides = array<i32>} : memref<640xf32, #tpu.memory_space<vmem>>, vector<16xf32>,
    %swap3A_525 = arith.constant 96 : index
    %swap3A_526 = tpu.vector_load %arg16[%swap3A_525] {strides = array<i32>} : memref<640xf32, #tpu.memory_space<vmem>>, vector<16xf32>,
    tpu.vector_store %arg16[%swap3A_525], %broadcast_in_dim3A_1 {strides = array<i32>} : memref<640xf32, #tpu.memory_space<vmem>>, vector<16xf32>,
    %swap3A_527 = arith.constant 112 : index
    %swap3A_528 = tpu.vector_load %arg16[%swap3A_527] {strides = array<i32>} : memref<640xf32, #tpu.memory_space<vmem>>, vector<16xf32>,
    tpu.vector_store %arg16[%swap3A_527], %broadcast_in_dim3A_1 {strides = array<i32>} : memref<640xf32, #tpu.memory_space<vmem>>, vector<16xf32>,
    %swap3A_529 = arith.constant 128 : index
    %swap3A_530 = tpu.vector_load %arg16[%swap3A_529] {strides = array<i32>} : memref<640xf32, #tpu.memory_space<vmem>>, vector<16xf32>,
    tpu.vector_store %arg16[%swap3A_529], %broadcast_in_dim3A_1 {strides = array<i32>} : memref<640xf32, #tpu.memory_space<vmem>>, vector<16xf32>,
    %swap3A_531 = arith.constant 144 : index
    %swap3A_532 = tpu.vector_load %arg16[%swap3A_531] {strides = array<i32>} : memref<640xf32, #tpu.memory_space<vmem>>, vector<16xf32>,
    tpu.vector_store %arg16[%swap3A_531], %broadcast_in_dim3A_1 {strides = array<i32>} : memref<640xf32, #tpu.memory_space<vmem>>, vector<16xf32>,
    %swap3A_533 = arith.constant 160 : index
    %swap3A_534 = tpu.vector_load %arg16[%swap3A_533] {strides = array<i32>} : memref<640xf32, #tpu.memory_space<vmem>>, vector<16xf32>,
    tpu.vector_store %arg16[%swap3A_533], %broadcast_in_dim3A_1 {strides = array<i32>} : memref<640xf32, #tpu.memory_space<vmem>>, vector<16xf32>,
    %swap3A_535 = arith.constant 176 : index
    %swap3A_536 = tpu.vector_load %arg16[%swap3A_535] {strides = array<i32>} : memref<640xf32, #tpu.memory_space<vmem>>, vector<16xf32>,
    tpu.vector_store %arg16[%swap3A_535], %broadcast_in_dim3A_1 {strides = array<i32>} : memref<640xf32, #tpu.memory_space<vmem>>, vector<16xf32>,
    %swap3A_537 = arith.constant 192 : index
    %swap3A_538 = tpu.vector_load %arg16[%swap3A_537] {strides = array<i32>} : memref<640xf32, #tpu.memory_space<vmem>>, vector<16xf32>,
    tpu.vector_store %arg16[%swap3A_537], %broadcast_in_dim3A_1 {strides = array<i32>} : memref<640xf32, #tpu.memory_space<vmem>>, vector<16xf32>,
    %swap3A_539 = arith.constant 208 : index
    %swap3A_540 = tpu.vector_load %arg16[%swap3A_539] {strides = array<i32>} : memref<640xf32, #tpu.memory_space<vmem>>, vector<16xf32>,
    tpu.vector_store %arg16[%swap3A_539], %broadcast_in_dim3A_1 {strides = array<i32>} : memref<640xf32, #tpu.memory_space<vmem>>, vector<16xf32>,
    %swap3A_541 = arith.constant 224 : index
    %swap3A_542 = tpu.vector_load %arg16[%swap3A_541] {strides = array<i32>} : memref<640xf32, #tpu.memory_space<vmem>>, vector<16xf32>,
    tpu.vector_store %arg16[%swap3A_541], %broadcast_in_dim3A_1 {strides = array<i32>} : memref<640xf32, #tpu.memory_space<vmem>>, vector<16xf32>,
    %swap3A_543 = arith.constant 240 : index
    %swap3A_544 = tpu.vector_load %arg16[%swap3A_543] {strides = array<i32>} : memref<640xf32, #tpu.memory_space<vmem>>, vector<16xf32>,
    tpu.vector_store %arg16[%swap3A_543], %broadcast_in_dim3A_1 {strides = array<i32>} : memref<640xf32, #tpu.memory_space<vmem>>, vector<16xf32>,
    %swap3A_545 = arith.constant 256 : index
    %swap3A_546 = tpu.vector_load %arg16[%swap3A_545] {strides = array<i32>} : memref<640xf32, #tpu.memory_space<vmem>>, vector<16xf32>,
    tpu.vector_store %arg16[%swap3A_545], %broadcast_in_dim3A_1 {strides = array<i32>} : memref<640xf32, #tpu.memory_space<vmem>>, vector<16xf32>,
    %swap3A_547 = arith.constant 272 : index
    %swap3A_548 = tpu.vector_load %arg16[%swap3A_547] {strides = array<i32>} : memref<640xf32, #tpu.memory_space<vmem>>, vector<16xf32>,
    tpu.vector_store %arg16[%swap3A_547], %broadcast_in_dim3A_1 {strides = array<i32>} : memref<640xf32, #tpu.memory_space<vmem>>, vector<16xf32>,
    %swap3A_549 = arith.constant 288 : index
    %swap3A_550 = tpu.vector_load %arg16[%swap3A_549] {strides = array<i32>} : memref<640xf32, #tpu.memory_space<vmem>>, vector<16xf32>,
    tpu.vector_store %arg16[%swap3A_549], %broadcast_in_dim3A_1 {strides = array<i32>} : memref<640xf32, #tpu.memory_space<vmem>>, vector<16xf32>,
    %swap3A_551 = arith.constant 304 : index
    %swap3A_552 = tpu.vector_load %arg16[%swap3A_551] {strides = array<i32>} : memref<640xf32, #tpu.memory_space<vmem>>, vector<16xf32>,
    tpu.vector_store %arg16[%swap3A_551], %broadcast_in_dim3A_1 {strides = array<i32>} : memref<640xf32, #tpu.memory_space<vmem>>, vector<16xf32>,
    %swap3A_553 = arith.constant 320 : index
    %swap3A_554 = tpu.vector_load %arg16[%swap3A_553] {strides = array<i32>} : memref<640xf32, #tpu.memory_space<vmem>>, vector<16xf32>,
    tpu.vector_store %arg16[%swap3A_553], %broadcast_in_dim3A_1 {strides = array<i32>} : memref<640xf32, #tpu.memory_space<vmem>>, vector<16xf32>,
    %swap3A_555 = arith.constant 336 : index
    %swap3A_556 = tpu.vector_load %arg16[%swap3A_555] {strides = array<i32>} : memref<640xf32, #tpu.memory_space<vmem>>, vector<16xf32>,
    tpu.vector_store %arg16[%swap3A_555], %broadcast_in_dim3A_1 {strides = array<i32>} : memref<640xf32, #tpu.memory_space<vmem>>, vector<16xf32>,
    %swap3A_557 = arith.constant 352 : index
    %swap3A_558 = tpu.vector_load %arg16[%swap3A_557] {strides = array<i32>} : memref<640xf32, #tpu.memory_space<vmem>>, vector<16xf32>,
    tpu.vector_store %arg16[%swap3A_557], %broadcast_in_dim3A_1 {strides = array<i32>} : memref<640xf32, #tpu.memory_space<vmem>>, vector<16xf32>,
    %swap3A_559 = arith.constant 368 : index
    %swap3A_560 = tpu.vector_load %arg16[%swap3A_559] {strides = array<i32>} : memref<640xf32, #tpu.memory_space<vmem>>, vector<16xf32>,
    tpu.vector_store %arg16[%swap3A_559], %broadcast_in_dim3A_1 {strides = array<i32>} : memref<640xf32, #tpu.memory_space<vmem>>, vector<16xf32>,
    %swap3A_561 = arith.constant 384 : index
    %swap3A_562 = tpu.vector_load %arg16[%swap3A_561] {strides = array<i32>} : memref<640xf32, #tpu.memory_space<vmem>>, vector<16xf32>,
    tpu.vector_store %arg16[%swap3A_561], %broadcast_in_dim3A_1 {strides = array<i32>} : memref<640xf32, #tpu.memory_space<vmem>>, vector<16xf32>,
    %swap3A_563 = arith.constant 400 : index
    %swap3A_564 = tpu.vector_load %arg16[%swap3A_563] {strides = array<i32>} : memref<640xf32, #tpu.memory_space<vmem>>, vector<16xf32>,
    tpu.vector_store %arg16[%swap3A_563], %broadcast_in_dim3A_1 {strides = array<i32>} : memref<640xf32, #tpu.memory_space<vmem>>, vector<16xf32>,
    %swap3A_565 = arith.constant 416 : index
    %swap3A_566 = tpu.vector_load %arg16[%swap3A_565] {strides = array<i32>} : memref<640xf32, #tpu.memory_space<vmem>>, vector<16xf32>,
    tpu.vector_store %arg16[%swap3A_565], %broadcast_in_dim3A_1 {strides = array<i32>} : memref<640xf32, #tpu.memory_space<vmem>>, vector<16xf32>,
    %swap3A_567 = arith.constant 432 : index
    %swap3A_568 = tpu.vector_load %arg16[%swap3A_567] {strides = array<i32>} : memref<640xf32, #tpu.memory_space<vmem>>, vector<16xf32>,
    tpu.vector_store %arg16[%swap3A_567], %broadcast_in_dim3A_1 {strides = array<i32>} : memref<640xf32, #tpu.memory_space<vmem>>, vector<16xf32>,
    %swap3A_569 = arith.constant 448 : index
    %swap3A_570 = tpu.vector_load %arg16[%swap3A_569] {strides = array<i32>} : memref<640xf32, #tpu.memory_space<vmem>>, vector<16xf32>,
    tpu.vector_store %arg16[%swap3A_569], %broadcast_in_dim3A_1 {strides = array<i32>} : memref<640xf32, #tpu.memory_space<vmem>>, vector<16xf32>,
    %swap3A_571 = arith.constant 464 : index
    %swap3A_572 = tpu.vector_load %arg16[%swap3A_571] {strides = array<i32>} : memref<640xf32, #tpu.memory_space<vmem>>, vector<16xf32>,
    tpu.vector_store %arg16[%swap3A_571], %broadcast_in_dim3A_1 {strides = array<i32>} : memref<640xf32, #tpu.memory_space<vmem>>, vector<16xf32>,
    %swap3A_573 = arith.constant 480 : index
    %swap3A_574 = tpu.vector_load %arg16[%swap3A_573] {strides = array<i32>} : memref<640xf32, #tpu.memory_space<vmem>>, vector<16xf32>,
    tpu.vector_store %arg16[%swap3A_573], %broadcast_in_dim3A_1 {strides = array<i32>} : memref<640xf32, #tpu.memory_space<vmem>>, vector<16xf32>,
    %swap3A_575 = arith.constant 496 : index
    %swap3A_576 = tpu.vector_load %arg16[%swap3A_575] {strides = array<i32>} : memref<640xf32, #tpu.memory_space<vmem>>, vector<16xf32>,
    tpu.vector_store %arg16[%swap3A_575], %broadcast_in_dim3A_1 {strides = array<i32>} : memref<640xf32, #tpu.memory_space<vmem>>, vector<16xf32>,
    %swap3A_577 = arith.constant 512 : index
    %swap3A_578 = tpu.vector_load %arg16[%swap3A_577] {strides = array<i32>} : memref<640xf32, #tpu.memory_space<vmem>>, vector<16xf32>,
    tpu.vector_store %arg16[%swap3A_577], %broadcast_in_dim3A_1 {strides = array<i32>} : memref<640xf32, #tpu.memory_space<vmem>>, vector<16xf32>,
    %swap3A_579 = arith.constant 528 : index
    %swap3A_580 = tpu.vector_load %arg16[%swap3A_579] {strides = array<i32>} : memref<640xf32, #tpu.memory_space<vmem>>, vector<16xf32>,
    tpu.vector_store %arg16[%swap3A_579], %broadcast_in_dim3A_1 {strides = array<i32>} : memref<640xf32, #tpu.memory_space<vmem>>, vector<16xf32>,
    %swap3A_581 = arith.constant 544 : index
    %swap3A_582 = tpu.vector_load %arg16[%swap3A_581] {strides = array<i32>} : memref<640xf32, #tpu.memory_space<vmem>>, vector<16xf32>,
    tpu.vector_store %arg16[%swap3A_581], %broadcast_in_dim3A_1 {strides = array<i32>} : memref<640xf32, #tpu.memory_space<vmem>>, vector<16xf32>,
    %swap3A_583 = arith.constant 560 : index
    %swap3A_584 = tpu.vector_load %arg16[%swap3A_583] {strides = array<i32>} : memref<640xf32, #tpu.memory_space<vmem>>, vector<16xf32>,
    tpu.vector_store %arg16[%swap3A_583], %broadcast_in_dim3A_1 {strides = array<i32>} : memref<640xf32, #tpu.memory_space<vmem>>, vector<16xf32>,
    %swap3A_585 = arith.constant 576 : index
    %swap3A_586 = tpu.vector_load %arg16[%swap3A_585] {strides = array<i32>} : memref<640xf32, #tpu.memory_space<vmem>>, vector<16xf32>,
    tpu.vector_store %arg16[%swap3A_585], %broadcast_in_dim3A_1 {strides = array<i32>} : memref<640xf32, #tpu.memory_space<vmem>>, vector<16xf32>,
    %swap3A_587 = arith.constant 592 : index
    %swap3A_588 = tpu.vector_load %arg16[%swap3A_587] {strides = array<i32>} : memref<640xf32, #tpu.memory_space<vmem>>, vector<16xf32>,
    tpu.vector_store %arg16[%swap3A_587], %broadcast_in_dim3A_1 {strides = array<i32>} : memref<640xf32, #tpu.memory_space<vmem>>, vector<16xf32>,
    %swap3A_589 = arith.constant 608 : index
    %swap3A_590 = tpu.vector_load %arg16[%swap3A_589] {strides = array<i32>} : memref<640xf32, #tpu.memory_space<vmem>>, vector<16xf32>,
    tpu.vector_store %arg16[%swap3A_589], %broadcast_in_dim3A_1 {strides = array<i32>} : memref<640xf32, #tpu.memory_space<vmem>>, vector<16xf32>,
    %swap3A_591 = arith.constant 624 : index
    %swap3A_592 = tpu.vector_load %arg16[%swap3A_591] {strides = array<i32>} : memref<640xf32, #tpu.memory_space<vmem>>, vector<16xf32>,
    tpu.vector_store %arg16[%swap3A_591], %broadcast_in_dim3A_1 {strides = array<i32>} : memref<640xf32, #tpu.memory_space<vmem>>, vector<16xf32>,
    %mul3A_593 = arith.constant 640 : i32
    %mul3A_594 = arith.muli %arg1, %mul3A_593 : i32
    %add3A_595 = arith.constant 0 : i32
    %add3A_596 = arith.addi %mul3A_594, %add3A_595 : i32
    "tpu.region"() ({
      %run_scoped3A = tpu.sem_alloc : memref<!tpu.dma_semaphore, #tpu.memory_space<semaphore_mem>>
      %dma_start3A = arith.constant 0 : i32
      %dma_start3A_771 = tpu.memref_slice %arg17[%add3A_596, %dma_start3A] : memref<10240x128xf32, #tpu.memory_space<vmem_shared>> -> memref<16x128xf32, #tpu.memory_space<vmem_shared>>
      %dma_start3A_772 = arith.constant 0 : i32
      %dma_start3A_773 = tpu.memref_slice %arg17[%add3A_596, %dma_start3A_772] : memref<10240x128xf32, #tpu.memory_space<vmem_shared>> -> memref<16x128xf32, #tpu.memory_space<vmem_shared>>
      tpu.enqueue_dma source(%arg15 : memref<16x128xf32, #tpu.memory_space<vmem>>) target(%dma_start3A_773 : memref<16x128xf32, #tpu.memory_space<vmem_shared>>) target_semaphore(%run_scoped3A : memref<!tpu.dma_semaphore, #tpu.memory_space<semaphore_mem>>)
      %dma_wait3A = arith.constant 0 : i32
      %dma_wait3A_774 = tpu.memref_slice %arg17[%add3A_596, %dma_wait3A] : memref<10240x128xf32, #tpu.memory_space<vmem_shared>> -> memref<16x128xf32, #tpu.memory_space<vmem_shared>>
      %dma_wait3A_775 = arith.constant 0 : i32
      %dma_wait3A_776 = tpu.memref_slice %arg17[%add3A_596, %dma_wait3A_775] : memref<10240x128xf32, #tpu.memory_space<vmem_shared>> -> memref<16x128xf32, #tpu.memory_space<vmem_shared>>
      tpu.wait_dma2 semaphore(%run_scoped3A : memref<!tpu.dma_semaphore, #tpu.memory_space<semaphore_mem>>) src(%arg15 : memref<16x128xf32, #tpu.memory_space<vmem>>) dst(%dma_wait3A_776 : memref<16x128xf32, #tpu.memory_space<vmem_shared>>)
      tpu.yield
    }) : () -> ()
    %mul3A_597 = arith.constant 640 : i32
    %mul3A_598 = arith.muli %arg1, %mul3A_597 : i32
    %add3A_599 = arith.constant 16 : i32
    %add3A_600 = arith.addi %mul3A_598, %add3A_599 : i32
    "tpu.region"() ({
      %run_scoped3A = tpu.sem_alloc : memref<!tpu.dma_semaphore, #tpu.memory_space<semaphore_mem>>
      %dma_start3A = arith.constant 0 : i32
      %dma_start3A_771 = tpu.memref_slice %arg17[%add3A_600, %dma_start3A] : memref<10240x128xf32, #tpu.memory_space<vmem_shared>> -> memref<16x128xf32, #tpu.memory_space<vmem_shared>>
      %dma_start3A_772 = arith.constant 0 : i32
      %dma_start3A_773 = tpu.memref_slice %arg17[%add3A_600, %dma_start3A_772] : memref<10240x128xf32, #tpu.memory_space<vmem_shared>> -> memref<16x128xf32, #tpu.memory_space<vmem_shared>>
      tpu.enqueue_dma source(%arg15 : memref<16x128xf32, #tpu.memory_space<vmem>>) target(%dma_start3A_773 : memref<16x128xf32, #tpu.memory_space<vmem_shared>>) target_semaphore(%run_scoped3A : memref<!tpu.dma_semaphore, #tpu.memory_space<semaphore_mem>>)
      %dma_wait3A = arith.constant 0 : i32
      %dma_wait3A_774 = tpu.memref_slice %arg17[%add3A_600, %dma_wait3A] : memref<10240x128xf32, #tpu.memory_space<vmem_shared>> -> memref<16x128xf32, #tpu.memory_space<vmem_shared>>
      %dma_wait3A_775 = arith.constant 0 : i32
      %dma_wait3A_776 = tpu.memref_slice %arg17[%add3A_600, %dma_wait3A_775] : memref<10240x128xf32, #tpu.memory_space<vmem_shared>> -> memref<16x128xf32, #tpu.memory_space<vmem_shared>>
      tpu.wait_dma2 semaphore(%run_scoped3A : memref<!tpu.dma_semaphore, #tpu.memory_space<semaphore_mem>>) src(%arg15 : memref<16x128xf32, #tpu.memory_space<vmem>>) dst(%dma_wait3A_776 : memref<16x128xf32, #tpu.memory_space<vmem_shared>>)
      tpu.yield
    }) : () -> ()
    %mul3A_601 = arith.constant 640 : i32
    %mul3A_602 = arith.muli %arg1, %mul3A_601 : i32
    %add3A_603 = arith.constant 32 : i32
    %add3A_604 = arith.addi %mul3A_602, %add3A_603 : i32
    "tpu.region"() ({
      %run_scoped3A = tpu.sem_alloc : memref<!tpu.dma_semaphore, #tpu.memory_space<semaphore_mem>>
      %dma_start3A = arith.constant 0 : i32
      %dma_start3A_771 = tpu.memref_slice %arg17[%add3A_604, %dma_start3A] : memref<10240x128xf32, #tpu.memory_space<vmem_shared>> -> memref<16x128xf32, #tpu.memory_space<vmem_shared>>
      %dma_start3A_772 = arith.constant 0 : i32
      %dma_start3A_773 = tpu.memref_slice %arg17[%add3A_604, %dma_start3A_772] : memref<10240x128xf32, #tpu.memory_space<vmem_shared>> -> memref<16x128xf32, #tpu.memory_space<vmem_shared>>
      tpu.enqueue_dma source(%arg15 : memref<16x128xf32, #tpu.memory_space<vmem>>) target(%dma_start3A_773 : memref<16x128xf32, #tpu.memory_space<vmem_shared>>) target_semaphore(%run_scoped3A : memref<!tpu.dma_semaphore, #tpu.memory_space<semaphore_mem>>)
      %dma_wait3A = arith.constant 0 : i32
      %dma_wait3A_774 = tpu.memref_slice %arg17[%add3A_604, %dma_wait3A] : memref<10240x128xf32, #tpu.memory_space<vmem_shared>> -> memref<16x128xf32, #tpu.memory_space<vmem_shared>>
      %dma_wait3A_775 = arith.constant 0 : i32
      %dma_wait3A_776 = tpu.memref_slice %arg17[%add3A_604, %dma_wait3A_775] : memref<10240x128xf32, #tpu.memory_space<vmem_shared>> -> memref<16x128xf32, #tpu.memory_space<vmem_shared>>
      tpu.wait_dma2 semaphore(%run_scoped3A : memref<!tpu.dma_semaphore, #tpu.memory_space<semaphore_mem>>) src(%arg15 : memref<16x128xf32, #tpu.memory_space<vmem>>) dst(%dma_wait3A_776 : memref<16x128xf32, #tpu.memory_space<vmem_shared>>)
      tpu.yield
    }) : () -> ()
    %mul3A_605 = arith.constant 640 : i32
    %mul3A_606 = arith.muli %arg1, %mul3A_605 : i32
    %add3A_607 = arith.constant 48 : i32
    %add3A_608 = arith.addi %mul3A_606, %add3A_607 : i32
    "tpu.region"() ({
      %run_scoped3A = tpu.sem_alloc : memref<!tpu.dma_semaphore, #tpu.memory_space<semaphore_mem>>
      %dma_start3A = arith.constant 0 : i32
      %dma_start3A_771 = tpu.memref_slice %arg17[%add3A_608, %dma_start3A] : memref<10240x128xf32, #tpu.memory_space<vmem_shared>> -> memref<16x128xf32, #tpu.memory_space<vmem_shared>>
      %dma_start3A_772 = arith.constant 0 : i32
      %dma_start3A_773 = tpu.memref_slice %arg17[%add3A_608, %dma_start3A_772] : memref<10240x128xf32, #tpu.memory_space<vmem_shared>> -> memref<16x128xf32, #tpu.memory_space<vmem_shared>>
      tpu.enqueue_dma source(%arg15 : memref<16x128xf32, #tpu.memory_space<vmem>>) target(%dma_start3A_773 : memref<16x128xf32, #tpu.memory_space<vmem_shared>>) target_semaphore(%run_scoped3A : memref<!tpu.dma_semaphore, #tpu.memory_space<semaphore_mem>>)
      %dma_wait3A = arith.constant 0 : i32
      %dma_wait3A_774 = tpu.memref_slice %arg17[%add3A_608, %dma_wait3A] : memref<10240x128xf32, #tpu.memory_space<vmem_shared>> -> memref<16x128xf32, #tpu.memory_space<vmem_shared>>
      %dma_wait3A_775 = arith.constant 0 : i32
      %dma_wait3A_776 = tpu.memref_slice %arg17[%add3A_608, %dma_wait3A_775] : memref<10240x128xf32, #tpu.memory_space<vmem_shared>> -> memref<16x128xf32, #tpu.memory_space<vmem_shared>>
      tpu.wait_dma2 semaphore(%run_scoped3A : memref<!tpu.dma_semaphore, #tpu.memory_space<semaphore_mem>>) src(%arg15 : memref<16x128xf32, #tpu.memory_space<vmem>>) dst(%dma_wait3A_776 : memref<16x128xf32, #tpu.memory_space<vmem_shared>>)
      tpu.yield
    }) : () -> ()
    %mul3A_609 = arith.constant 640 : i32
    %mul3A_610 = arith.muli %arg1, %mul3A_609 : i32
    %add3A_611 = arith.constant 64 : i32
    %add3A_612 = arith.addi %mul3A_610, %add3A_611 : i32
    "tpu.region"() ({
      %run_scoped3A = tpu.sem_alloc : memref<!tpu.dma_semaphore, #tpu.memory_space<semaphore_mem>>
      %dma_start3A = arith.constant 0 : i32
      %dma_start3A_771 = tpu.memref_slice %arg17[%add3A_612, %dma_start3A] : memref<10240x128xf32, #tpu.memory_space<vmem_shared>> -> memref<16x128xf32, #tpu.memory_space<vmem_shared>>
      %dma_start3A_772 = arith.constant 0 : i32
      %dma_start3A_773 = tpu.memref_slice %arg17[%add3A_612, %dma_start3A_772] : memref<10240x128xf32, #tpu.memory_space<vmem_shared>> -> memref<16x128xf32, #tpu.memory_space<vmem_shared>>
      tpu.enqueue_dma source(%arg15 : memref<16x128xf32, #tpu.memory_space<vmem>>) target(%dma_start3A_773 : memref<16x128xf32, #tpu.memory_space<vmem_shared>>) target_semaphore(%run_scoped3A : memref<!tpu.dma_semaphore, #tpu.memory_space<semaphore_mem>>)
      %dma_wait3A = arith.constant 0 : i32
      %dma_wait3A_774 = tpu.memref_slice %arg17[%add3A_612, %dma_wait3A] : memref<10240x128xf32, #tpu.memory_space<vmem_shared>> -> memref<16x128xf32, #tpu.memory_space<vmem_shared>>
      %dma_wait3A_775 = arith.constant 0 : i32
      %dma_wait3A_776 = tpu.memref_slice %arg17[%add3A_612, %dma_wait3A_775] : memref<10240x128xf32, #tpu.memory_space<vmem_shared>> -> memref<16x128xf32, #tpu.memory_space<vmem_shared>>
      tpu.wait_dma2 semaphore(%run_scoped3A : memref<!tpu.dma_semaphore, #tpu.memory_space<semaphore_mem>>) src(%arg15 : memref<16x128xf32, #tpu.memory_space<vmem>>) dst(%dma_wait3A_776 : memref<16x128xf32, #tpu.memory_space<vmem_shared>>)
      tpu.yield
    }) : () -> ()
    %mul3A_613 = arith.constant 640 : i32
    %mul3A_614 = arith.muli %arg1, %mul3A_613 : i32
    %add3A_615 = arith.constant 80 : i32
    %add3A_616 = arith.addi %mul3A_614, %add3A_615 : i32
    "tpu.region"() ({
      %run_scoped3A = tpu.sem_alloc : memref<!tpu.dma_semaphore, #tpu.memory_space<semaphore_mem>>
      %dma_start3A = arith.constant 0 : i32
      %dma_start3A_771 = tpu.memref_slice %arg17[%add3A_616, %dma_start3A] : memref<10240x128xf32, #tpu.memory_space<vmem_shared>> -> memref<16x128xf32, #tpu.memory_space<vmem_shared>>
      %dma_start3A_772 = arith.constant 0 : i32
      %dma_start3A_773 = tpu.memref_slice %arg17[%add3A_616, %dma_start3A_772] : memref<10240x128xf32, #tpu.memory_space<vmem_shared>> -> memref<16x128xf32, #tpu.memory_space<vmem_shared>>
      tpu.enqueue_dma source(%arg15 : memref<16x128xf32, #tpu.memory_space<vmem>>) target(%dma_start3A_773 : memref<16x128xf32, #tpu.memory_space<vmem_shared>>) target_semaphore(%run_scoped3A : memref<!tpu.dma_semaphore, #tpu.memory_space<semaphore_mem>>)
      %dma_wait3A = arith.constant 0 : i32
      %dma_wait3A_774 = tpu.memref_slice %arg17[%add3A_616, %dma_wait3A] : memref<10240x128xf32, #tpu.memory_space<vmem_shared>> -> memref<16x128xf32, #tpu.memory_space<vmem_shared>>
      %dma_wait3A_775 = arith.constant 0 : i32
      %dma_wait3A_776 = tpu.memref_slice %arg17[%add3A_616, %dma_wait3A_775] : memref<10240x128xf32, #tpu.memory_space<vmem_shared>> -> memref<16x128xf32, #tpu.memory_space<vmem_shared>>
      tpu.wait_dma2 semaphore(%run_scoped3A : memref<!tpu.dma_semaphore, #tpu.memory_space<semaphore_mem>>) src(%arg15 : memref<16x128xf32, #tpu.memory_space<vmem>>) dst(%dma_wait3A_776 : memref<16x128xf32, #tpu.memory_space<vmem_shared>>)
      tpu.yield
    }) : () -> ()
    %mul3A_617 = arith.constant 640 : i32
    %mul3A_618 = arith.muli %arg1, %mul3A_617 : i32
    %add3A_619 = arith.constant 96 : i32
    %add3A_620 = arith.addi %mul3A_618, %add3A_619 : i32
    "tpu.region"() ({
      %run_scoped3A = tpu.sem_alloc : memref<!tpu.dma_semaphore, #tpu.memory_space<semaphore_mem>>
      %dma_start3A = arith.constant 0 : i32
      %dma_start3A_771 = tpu.memref_slice %arg17[%add3A_620, %dma_start3A] : memref<10240x128xf32, #tpu.memory_space<vmem_shared>> -> memref<16x128xf32, #tpu.memory_space<vmem_shared>>
      %dma_start3A_772 = arith.constant 0 : i32
      %dma_start3A_773 = tpu.memref_slice %arg17[%add3A_620, %dma_start3A_772] : memref<10240x128xf32, #tpu.memory_space<vmem_shared>> -> memref<16x128xf32, #tpu.memory_space<vmem_shared>>
      tpu.enqueue_dma source(%arg15 : memref<16x128xf32, #tpu.memory_space<vmem>>) target(%dma_start3A_773 : memref<16x128xf32, #tpu.memory_space<vmem_shared>>) target_semaphore(%run_scoped3A : memref<!tpu.dma_semaphore, #tpu.memory_space<semaphore_mem>>)
      %dma_wait3A = arith.constant 0 : i32
      %dma_wait3A_774 = tpu.memref_slice %arg17[%add3A_620, %dma_wait3A] : memref<10240x128xf32, #tpu.memory_space<vmem_shared>> -> memref<16x128xf32, #tpu.memory_space<vmem_shared>>
      %dma_wait3A_775 = arith.constant 0 : i32
      %dma_wait3A_776 = tpu.memref_slice %arg17[%add3A_620, %dma_wait3A_775] : memref<10240x128xf32, #tpu.memory_space<vmem_shared>> -> memref<16x128xf32, #tpu.memory_space<vmem_shared>>
      tpu.wait_dma2 semaphore(%run_scoped3A : memref<!tpu.dma_semaphore, #tpu.memory_space<semaphore_mem>>) src(%arg15 : memref<16x128xf32, #tpu.memory_space<vmem>>) dst(%dma_wait3A_776 : memref<16x128xf32, #tpu.memory_space<vmem_shared>>)
      tpu.yield
    }) : () -> ()
    %mul3A_621 = arith.constant 640 : i32
    %mul3A_622 = arith.muli %arg1, %mul3A_621 : i32
    %add3A_623 = arith.constant 112 : i32
    %add3A_624 = arith.addi %mul3A_622, %add3A_623 : i32
    "tpu.region"() ({
      %run_scoped3A = tpu.sem_alloc : memref<!tpu.dma_semaphore, #tpu.memory_space<semaphore_mem>>
      %dma_start3A = arith.constant 0 : i32
      %dma_start3A_771 = tpu.memref_slice %arg17[%add3A_624, %dma_start3A] : memref<10240x128xf32, #tpu.memory_space<vmem_shared>> -> memref<16x128xf32, #tpu.memory_space<vmem_shared>>
      %dma_start3A_772 = arith.constant 0 : i32
      %dma_start3A_773 = tpu.memref_slice %arg17[%add3A_624, %dma_start3A_772] : memref<10240x128xf32, #tpu.memory_space<vmem_shared>> -> memref<16x128xf32, #tpu.memory_space<vmem_shared>>
      tpu.enqueue_dma source(%arg15 : memref<16x128xf32, #tpu.memory_space<vmem>>) target(%dma_start3A_773 : memref<16x128xf32, #tpu.memory_space<vmem_shared>>) target_semaphore(%run_scoped3A : memref<!tpu.dma_semaphore, #tpu.memory_space<semaphore_mem>>)
      %dma_wait3A = arith.constant 0 : i32
      %dma_wait3A_774 = tpu.memref_slice %arg17[%add3A_624, %dma_wait3A] : memref<10240x128xf32, #tpu.memory_space<vmem_shared>> -> memref<16x128xf32, #tpu.memory_space<vmem_shared>>
      %dma_wait3A_775 = arith.constant 0 : i32
      %dma_wait3A_776 = tpu.memref_slice %arg17[%add3A_624, %dma_wait3A_775] : memref<10240x128xf32, #tpu.memory_space<vmem_shared>> -> memref<16x128xf32, #tpu.memory_space<vmem_shared>>
      tpu.wait_dma2 semaphore(%run_scoped3A : memref<!tpu.dma_semaphore, #tpu.memory_space<semaphore_mem>>) src(%arg15 : memref<16x128xf32, #tpu.memory_space<vmem>>) dst(%dma_wait3A_776 : memref<16x128xf32, #tpu.memory_space<vmem_shared>>)
      tpu.yield
    }) : () -> ()
    %mul3A_625 = arith.constant 640 : i32
    %mul3A_626 = arith.muli %arg1, %mul3A_625 : i32
    %add3A_627 = arith.constant 128 : i32
    %add3A_628 = arith.addi %mul3A_626, %add3A_627 : i32
    "tpu.region"() ({
      %run_scoped3A = tpu.sem_alloc : memref<!tpu.dma_semaphore, #tpu.memory_space<semaphore_mem>>
      %dma_start3A = arith.constant 0 : i32
      %dma_start3A_771 = tpu.memref_slice %arg17[%add3A_628, %dma_start3A] : memref<10240x128xf32, #tpu.memory_space<vmem_shared>> -> memref<16x128xf32, #tpu.memory_space<vmem_shared>>
      %dma_start3A_772 = arith.constant 0 : i32
      %dma_start3A_773 = tpu.memref_slice %arg17[%add3A_628, %dma_start3A_772] : memref<10240x128xf32, #tpu.memory_space<vmem_shared>> -> memref<16x128xf32, #tpu.memory_space<vmem_shared>>
      tpu.enqueue_dma source(%arg15 : memref<16x128xf32, #tpu.memory_space<vmem>>) target(%dma_start3A_773 : memref<16x128xf32, #tpu.memory_space<vmem_shared>>) target_semaphore(%run_scoped3A : memref<!tpu.dma_semaphore, #tpu.memory_space<semaphore_mem>>)
      %dma_wait3A = arith.constant 0 : i32
      %dma_wait3A_774 = tpu.memref_slice %arg17[%add3A_628, %dma_wait3A] : memref<10240x128xf32, #tpu.memory_space<vmem_shared>> -> memref<16x128xf32, #tpu.memory_space<vmem_shared>>
      %dma_wait3A_775 = arith.constant 0 : i32
      %dma_wait3A_776 = tpu.memref_slice %arg17[%add3A_628, %dma_wait3A_775] : memref<10240x128xf32, #tpu.memory_space<vmem_shared>> -> memref<16x128xf32, #tpu.memory_space<vmem_shared>>
      tpu.wait_dma2 semaphore(%run_scoped3A : memref<!tpu.dma_semaphore, #tpu.memory_space<semaphore_mem>>) src(%arg15 : memref<16x128xf32, #tpu.memory_space<vmem>>) dst(%dma_wait3A_776 : memref<16x128xf32, #tpu.memory_space<vmem_shared>>)
      tpu.yield
    }) : () -> ()
    %mul3A_629 = arith.constant 640 : i32
    %mul3A_630 = arith.muli %arg1, %mul3A_629 : i32
    %add3A_631 = arith.constant 144 : i32
    %add3A_632 = arith.addi %mul3A_630, %add3A_631 : i32
    "tpu.region"() ({
      %run_scoped3A = tpu.sem_alloc : memref<!tpu.dma_semaphore, #tpu.memory_space<semaphore_mem>>
      %dma_start3A = arith.constant 0 : i32
      %dma_start3A_771 = tpu.memref_slice %arg17[%add3A_632, %dma_start3A] : memref<10240x128xf32, #tpu.memory_space<vmem_shared>> -> memref<16x128xf32, #tpu.memory_space<vmem_shared>>
      %dma_start3A_772 = arith.constant 0 : i32
      %dma_start3A_773 = tpu.memref_slice %arg17[%add3A_632, %dma_start3A_772] : memref<10240x128xf32, #tpu.memory_space<vmem_shared>> -> memref<16x128xf32, #tpu.memory_space<vmem_shared>>
      tpu.enqueue_dma source(%arg15 : memref<16x128xf32, #tpu.memory_space<vmem>>) target(%dma_start3A_773 : memref<16x128xf32, #tpu.memory_space<vmem_shared>>) target_semaphore(%run_scoped3A : memref<!tpu.dma_semaphore, #tpu.memory_space<semaphore_mem>>)
      %dma_wait3A = arith.constant 0 : i32
      %dma_wait3A_774 = tpu.memref_slice %arg17[%add3A_632, %dma_wait3A] : memref<10240x128xf32, #tpu.memory_space<vmem_shared>> -> memref<16x128xf32, #tpu.memory_space<vmem_shared>>
      %dma_wait3A_775 = arith.constant 0 : i32
      %dma_wait3A_776 = tpu.memref_slice %arg17[%add3A_632, %dma_wait3A_775] : memref<10240x128xf32, #tpu.memory_space<vmem_shared>> -> memref<16x128xf32, #tpu.memory_space<vmem_shared>>
      tpu.wait_dma2 semaphore(%run_scoped3A : memref<!tpu.dma_semaphore, #tpu.memory_space<semaphore_mem>>) src(%arg15 : memref<16x128xf32, #tpu.memory_space<vmem>>) dst(%dma_wait3A_776 : memref<16x128xf32, #tpu.memory_space<vmem_shared>>)
      tpu.yield
    }) : () -> ()
    %mul3A_633 = arith.constant 640 : i32
    %mul3A_634 = arith.muli %arg1, %mul3A_633 : i32
    %add3A_635 = arith.constant 160 : i32
    %add3A_636 = arith.addi %mul3A_634, %add3A_635 : i32
    "tpu.region"() ({
      %run_scoped3A = tpu.sem_alloc : memref<!tpu.dma_semaphore, #tpu.memory_space<semaphore_mem>>
      %dma_start3A = arith.constant 0 : i32
      %dma_start3A_771 = tpu.memref_slice %arg17[%add3A_636, %dma_start3A] : memref<10240x128xf32, #tpu.memory_space<vmem_shared>> -> memref<16x128xf32, #tpu.memory_space<vmem_shared>>
      %dma_start3A_772 = arith.constant 0 : i32
      %dma_start3A_773 = tpu.memref_slice %arg17[%add3A_636, %dma_start3A_772] : memref<10240x128xf32, #tpu.memory_space<vmem_shared>> -> memref<16x128xf32, #tpu.memory_space<vmem_shared>>
      tpu.enqueue_dma source(%arg15 : memref<16x128xf32, #tpu.memory_space<vmem>>) target(%dma_start3A_773 : memref<16x128xf32, #tpu.memory_space<vmem_shared>>) target_semaphore(%run_scoped3A : memref<!tpu.dma_semaphore, #tpu.memory_space<semaphore_mem>>)
      %dma_wait3A = arith.constant 0 : i32
      %dma_wait3A_774 = tpu.memref_slice %arg17[%add3A_636, %dma_wait3A] : memref<10240x128xf32, #tpu.memory_space<vmem_shared>> -> memref<16x128xf32, #tpu.memory_space<vmem_shared>>
      %dma_wait3A_775 = arith.constant 0 : i32
      %dma_wait3A_776 = tpu.memref_slice %arg17[%add3A_636, %dma_wait3A_775] : memref<10240x128xf32, #tpu.memory_space<vmem_shared>> -> memref<16x128xf32, #tpu.memory_space<vmem_shared>>
      tpu.wait_dma2 semaphore(%run_scoped3A : memref<!tpu.dma_semaphore, #tpu.memory_space<semaphore_mem>>) src(%arg15 : memref<16x128xf32, #tpu.memory_space<vmem>>) dst(%dma_wait3A_776 : memref<16x128xf32, #tpu.memory_space<vmem_shared>>)
      tpu.yield
    }) : () -> ()
    %mul3A_637 = arith.constant 640 : i32
    %mul3A_638 = arith.muli %arg1, %mul3A_637 : i32
    %add3A_639 = arith.constant 176 : i32
    %add3A_640 = arith.addi %mul3A_638, %add3A_639 : i32
    "tpu.region"() ({
      %run_scoped3A = tpu.sem_alloc : memref<!tpu.dma_semaphore, #tpu.memory_space<semaphore_mem>>
      %dma_start3A = arith.constant 0 : i32
      %dma_start3A_771 = tpu.memref_slice %arg17[%add3A_640, %dma_start3A] : memref<10240x128xf32, #tpu.memory_space<vmem_shared>> -> memref<16x128xf32, #tpu.memory_space<vmem_shared>>
      %dma_start3A_772 = arith.constant 0 : i32
      %dma_start3A_773 = tpu.memref_slice %arg17[%add3A_640, %dma_start3A_772] : memref<10240x128xf32, #tpu.memory_space<vmem_shared>> -> memref<16x128xf32, #tpu.memory_space<vmem_shared>>
      tpu.enqueue_dma source(%arg15 : memref<16x128xf32, #tpu.memory_space<vmem>>) target(%dma_start3A_773 : memref<16x128xf32, #tpu.memory_space<vmem_shared>>) target_semaphore(%run_scoped3A : memref<!tpu.dma_semaphore, #tpu.memory_space<semaphore_mem>>)
      %dma_wait3A = arith.constant 0 : i32
      %dma_wait3A_774 = tpu.memref_slice %arg17[%add3A_640, %dma_wait3A] : memref<10240x128xf32, #tpu.memory_space<vmem_shared>> -> memref<16x128xf32, #tpu.memory_space<vmem_shared>>
      %dma_wait3A_775 = arith.constant 0 : i32
      %dma_wait3A_776 = tpu.memref_slice %arg17[%add3A_640, %dma_wait3A_775] : memref<10240x128xf32, #tpu.memory_space<vmem_shared>> -> memref<16x128xf32, #tpu.memory_space<vmem_shared>>
      tpu.wait_dma2 semaphore(%run_scoped3A : memref<!tpu.dma_semaphore, #tpu.memory_space<semaphore_mem>>) src(%arg15 : memref<16x128xf32, #tpu.memory_space<vmem>>) dst(%dma_wait3A_776 : memref<16x128xf32, #tpu.memory_space<vmem_shared>>)
      tpu.yield
    }) : () -> ()
    %mul3A_641 = arith.constant 640 : i32
    %mul3A_642 = arith.muli %arg1, %mul3A_641 : i32
    %add3A_643 = arith.constant 192 : i32
    %add3A_644 = arith.addi %mul3A_642, %add3A_643 : i32
    "tpu.region"() ({
      %run_scoped3A = tpu.sem_alloc : memref<!tpu.dma_semaphore, #tpu.memory_space<semaphore_mem>>
      %dma_start3A = arith.constant 0 : i32
      %dma_start3A_771 = tpu.memref_slice %arg17[%add3A_644, %dma_start3A] : memref<10240x128xf32, #tpu.memory_space<vmem_shared>> -> memref<16x128xf32, #tpu.memory_space<vmem_shared>>
      %dma_start3A_772 = arith.constant 0 : i32
      %dma_start3A_773 = tpu.memref_slice %arg17[%add3A_644, %dma_start3A_772] : memref<10240x128xf32, #tpu.memory_space<vmem_shared>> -> memref<16x128xf32, #tpu.memory_space<vmem_shared>>
      tpu.enqueue_dma source(%arg15 : memref<16x128xf32, #tpu.memory_space<vmem>>) target(%dma_start3A_773 : memref<16x128xf32, #tpu.memory_space<vmem_shared>>) target_semaphore(%run_scoped3A : memref<!tpu.dma_semaphore, #tpu.memory_space<semaphore_mem>>)
      %dma_wait3A = arith.constant 0 : i32
      %dma_wait3A_774 = tpu.memref_slice %arg17[%add3A_644, %dma_wait3A] : memref<10240x128xf32, #tpu.memory_space<vmem_shared>> -> memref<16x128xf32, #tpu.memory_space<vmem_shared>>
      %dma_wait3A_775 = arith.constant 0 : i32
      %dma_wait3A_776 = tpu.memref_slice %arg17[%add3A_644, %dma_wait3A_775] : memref<10240x128xf32, #tpu.memory_space<vmem_shared>> -> memref<16x128xf32, #tpu.memory_space<vmem_shared>>
      tpu.wait_dma2 semaphore(%run_scoped3A : memref<!tpu.dma_semaphore, #tpu.memory_space<semaphore_mem>>) src(%arg15 : memref<16x128xf32, #tpu.memory_space<vmem>>) dst(%dma_wait3A_776 : memref<16x128xf32, #tpu.memory_space<vmem_shared>>)
      tpu.yield
    }) : () -> ()
    %mul3A_645 = arith.constant 640 : i32
    %mul3A_646 = arith.muli %arg1, %mul3A_645 : i32
    %add3A_647 = arith.constant 208 : i32
    %add3A_648 = arith.addi %mul3A_646, %add3A_647 : i32
    "tpu.region"() ({
      %run_scoped3A = tpu.sem_alloc : memref<!tpu.dma_semaphore, #tpu.memory_space<semaphore_mem>>
      %dma_start3A = arith.constant 0 : i32
      %dma_start3A_771 = tpu.memref_slice %arg17[%add3A_648, %dma_start3A] : memref<10240x128xf32, #tpu.memory_space<vmem_shared>> -> memref<16x128xf32, #tpu.memory_space<vmem_shared>>
      %dma_start3A_772 = arith.constant 0 : i32
      %dma_start3A_773 = tpu.memref_slice %arg17[%add3A_648, %dma_start3A_772] : memref<10240x128xf32, #tpu.memory_space<vmem_shared>> -> memref<16x128xf32, #tpu.memory_space<vmem_shared>>
      tpu.enqueue_dma source(%arg15 : memref<16x128xf32, #tpu.memory_space<vmem>>) target(%dma_start3A_773 : memref<16x128xf32, #tpu.memory_space<vmem_shared>>) target_semaphore(%run_scoped3A : memref<!tpu.dma_semaphore, #tpu.memory_space<semaphore_mem>>)
      %dma_wait3A = arith.constant 0 : i32
      %dma_wait3A_774 = tpu.memref_slice %arg17[%add3A_648, %dma_wait3A] : memref<10240x128xf32, #tpu.memory_space<vmem_shared>> -> memref<16x128xf32, #tpu.memory_space<vmem_shared>>
      %dma_wait3A_775 = arith.constant 0 : i32
      %dma_wait3A_776 = tpu.memref_slice %arg17[%add3A_648, %dma_wait3A_775] : memref<10240x128xf32, #tpu.memory_space<vmem_shared>> -> memref<16x128xf32, #tpu.memory_space<vmem_shared>>
      tpu.wait_dma2 semaphore(%run_scoped3A : memref<!tpu.dma_semaphore, #tpu.memory_space<semaphore_mem>>) src(%arg15 : memref<16x128xf32, #tpu.memory_space<vmem>>) dst(%dma_wait3A_776 : memref<16x128xf32, #tpu.memory_space<vmem_shared>>)
      tpu.yield
    }) : () -> ()
    %mul3A_649 = arith.constant 640 : i32
    %mul3A_650 = arith.muli %arg1, %mul3A_649 : i32
    %add3A_651 = arith.constant 224 : i32
    %add3A_652 = arith.addi %mul3A_650, %add3A_651 : i32
    "tpu.region"() ({
      %run_scoped3A = tpu.sem_alloc : memref<!tpu.dma_semaphore, #tpu.memory_space<semaphore_mem>>
      %dma_start3A = arith.constant 0 : i32
      %dma_start3A_771 = tpu.memref_slice %arg17[%add3A_652, %dma_start3A] : memref<10240x128xf32, #tpu.memory_space<vmem_shared>> -> memref<16x128xf32, #tpu.memory_space<vmem_shared>>
      %dma_start3A_772 = arith.constant 0 : i32
      %dma_start3A_773 = tpu.memref_slice %arg17[%add3A_652, %dma_start3A_772] : memref<10240x128xf32, #tpu.memory_space<vmem_shared>> -> memref<16x128xf32, #tpu.memory_space<vmem_shared>>
      tpu.enqueue_dma source(%arg15 : memref<16x128xf32, #tpu.memory_space<vmem>>) target(%dma_start3A_773 : memref<16x128xf32, #tpu.memory_space<vmem_shared>>) target_semaphore(%run_scoped3A : memref<!tpu.dma_semaphore, #tpu.memory_space<semaphore_mem>>)
      %dma_wait3A = arith.constant 0 : i32
      %dma_wait3A_774 = tpu.memref_slice %arg17[%add3A_652, %dma_wait3A] : memref<10240x128xf32, #tpu.memory_space<vmem_shared>> -> memref<16x128xf32, #tpu.memory_space<vmem_shared>>
      %dma_wait3A_775 = arith.constant 0 : i32
      %dma_wait3A_776 = tpu.memref_slice %arg17[%add3A_652, %dma_wait3A_775] : memref<10240x128xf32, #tpu.memory_space<vmem_shared>> -> memref<16x128xf32, #tpu.memory_space<vmem_shared>>
      tpu.wait_dma2 semaphore(%run_scoped3A : memref<!tpu.dma_semaphore, #tpu.memory_space<semaphore_mem>>) src(%arg15 : memref<16x128xf32, #tpu.memory_space<vmem>>) dst(%dma_wait3A_776 : memref<16x128xf32, #tpu.memory_space<vmem_shared>>)
      tpu.yield
    }) : () -> ()
    %mul3A_653 = arith.constant 640 : i32
    %mul3A_654 = arith.muli %arg1, %mul3A_653 : i32
    %add3A_655 = arith.constant 240 : i32
    %add3A_656 = arith.addi %mul3A_654, %add3A_655 : i32
    "tpu.region"() ({
      %run_scoped3A = tpu.sem_alloc : memref<!tpu.dma_semaphore, #tpu.memory_space<semaphore_mem>>
      %dma_start3A = arith.constant 0 : i32
      %dma_start3A_771 = tpu.memref_slice %arg17[%add3A_656, %dma_start3A] : memref<10240x128xf32, #tpu.memory_space<vmem_shared>> -> memref<16x128xf32, #tpu.memory_space<vmem_shared>>
      %dma_start3A_772 = arith.constant 0 : i32
      %dma_start3A_773 = tpu.memref_slice %arg17[%add3A_656, %dma_start3A_772] : memref<10240x128xf32, #tpu.memory_space<vmem_shared>> -> memref<16x128xf32, #tpu.memory_space<vmem_shared>>
      tpu.enqueue_dma source(%arg15 : memref<16x128xf32, #tpu.memory_space<vmem>>) target(%dma_start3A_773 : memref<16x128xf32, #tpu.memory_space<vmem_shared>>) target_semaphore(%run_scoped3A : memref<!tpu.dma_semaphore, #tpu.memory_space<semaphore_mem>>)
      %dma_wait3A = arith.constant 0 : i32
      %dma_wait3A_774 = tpu.memref_slice %arg17[%add3A_656, %dma_wait3A] : memref<10240x128xf32, #tpu.memory_space<vmem_shared>> -> memref<16x128xf32, #tpu.memory_space<vmem_shared>>
      %dma_wait3A_775 = arith.constant 0 : i32
      %dma_wait3A_776 = tpu.memref_slice %arg17[%add3A_656, %dma_wait3A_775] : memref<10240x128xf32, #tpu.memory_space<vmem_shared>> -> memref<16x128xf32, #tpu.memory_space<vmem_shared>>
      tpu.wait_dma2 semaphore(%run_scoped3A : memref<!tpu.dma_semaphore, #tpu.memory_space<semaphore_mem>>) src(%arg15 : memref<16x128xf32, #tpu.memory_space<vmem>>) dst(%dma_wait3A_776 : memref<16x128xf32, #tpu.memory_space<vmem_shared>>)
      tpu.yield
    }) : () -> ()
    %mul3A_657 = arith.constant 640 : i32
    %mul3A_658 = arith.muli %arg1, %mul3A_657 : i32
    %add3A_659 = arith.constant 256 : i32
    %add3A_660 = arith.addi %mul3A_658, %add3A_659 : i32
    "tpu.region"() ({
      %run_scoped3A = tpu.sem_alloc : memref<!tpu.dma_semaphore, #tpu.memory_space<semaphore_mem>>
      %dma_start3A = arith.constant 0 : i32
      %dma_start3A_771 = tpu.memref_slice %arg17[%add3A_660, %dma_start3A] : memref<10240x128xf32, #tpu.memory_space<vmem_shared>> -> memref<16x128xf32, #tpu.memory_space<vmem_shared>>
      %dma_start3A_772 = arith.constant 0 : i32
      %dma_start3A_773 = tpu.memref_slice %arg17[%add3A_660, %dma_start3A_772] : memref<10240x128xf32, #tpu.memory_space<vmem_shared>> -> memref<16x128xf32, #tpu.memory_space<vmem_shared>>
      tpu.enqueue_dma source(%arg15 : memref<16x128xf32, #tpu.memory_space<vmem>>) target(%dma_start3A_773 : memref<16x128xf32, #tpu.memory_space<vmem_shared>>) target_semaphore(%run_scoped3A : memref<!tpu.dma_semaphore, #tpu.memory_space<semaphore_mem>>)
      %dma_wait3A = arith.constant 0 : i32
      %dma_wait3A_774 = tpu.memref_slice %arg17[%add3A_660, %dma_wait3A] : memref<10240x128xf32, #tpu.memory_space<vmem_shared>> -> memref<16x128xf32, #tpu.memory_space<vmem_shared>>
      %dma_wait3A_775 = arith.constant 0 : i32
      %dma_wait3A_776 = tpu.memref_slice %arg17[%add3A_660, %dma_wait3A_775] : memref<10240x128xf32, #tpu.memory_space<vmem_shared>> -> memref<16x128xf32, #tpu.memory_space<vmem_shared>>
      tpu.wait_dma2 semaphore(%run_scoped3A : memref<!tpu.dma_semaphore, #tpu.memory_space<semaphore_mem>>) src(%arg15 : memref<16x128xf32, #tpu.memory_space<vmem>>) dst(%dma_wait3A_776 : memref<16x128xf32, #tpu.memory_space<vmem_shared>>)
      tpu.yield
    }) : () -> ()
    %mul3A_661 = arith.constant 640 : i32
    %mul3A_662 = arith.muli %arg1, %mul3A_661 : i32
    %add3A_663 = arith.constant 272 : i32
    %add3A_664 = arith.addi %mul3A_662, %add3A_663 : i32
    "tpu.region"() ({
      %run_scoped3A = tpu.sem_alloc : memref<!tpu.dma_semaphore, #tpu.memory_space<semaphore_mem>>
      %dma_start3A = arith.constant 0 : i32
      %dma_start3A_771 = tpu.memref_slice %arg17[%add3A_664, %dma_start3A] : memref<10240x128xf32, #tpu.memory_space<vmem_shared>> -> memref<16x128xf32, #tpu.memory_space<vmem_shared>>
      %dma_start3A_772 = arith.constant 0 : i32
      %dma_start3A_773 = tpu.memref_slice %arg17[%add3A_664, %dma_start3A_772] : memref<10240x128xf32, #tpu.memory_space<vmem_shared>> -> memref<16x128xf32, #tpu.memory_space<vmem_shared>>
      tpu.enqueue_dma source(%arg15 : memref<16x128xf32, #tpu.memory_space<vmem>>) target(%dma_start3A_773 : memref<16x128xf32, #tpu.memory_space<vmem_shared>>) target_semaphore(%run_scoped3A : memref<!tpu.dma_semaphore, #tpu.memory_space<semaphore_mem>>)
      %dma_wait3A = arith.constant 0 : i32
      %dma_wait3A_774 = tpu.memref_slice %arg17[%add3A_664, %dma_wait3A] : memref<10240x128xf32, #tpu.memory_space<vmem_shared>> -> memref<16x128xf32, #tpu.memory_space<vmem_shared>>
      %dma_wait3A_775 = arith.constant 0 : i32
      %dma_wait3A_776 = tpu.memref_slice %arg17[%add3A_664, %dma_wait3A_775] : memref<10240x128xf32, #tpu.memory_space<vmem_shared>> -> memref<16x128xf32, #tpu.memory_space<vmem_shared>>
      tpu.wait_dma2 semaphore(%run_scoped3A : memref<!tpu.dma_semaphore, #tpu.memory_space<semaphore_mem>>) src(%arg15 : memref<16x128xf32, #tpu.memory_space<vmem>>) dst(%dma_wait3A_776 : memref<16x128xf32, #tpu.memory_space<vmem_shared>>)
      tpu.yield
    }) : () -> ()
    %mul3A_665 = arith.constant 640 : i32
    %mul3A_666 = arith.muli %arg1, %mul3A_665 : i32
    %add3A_667 = arith.constant 288 : i32
    %add3A_668 = arith.addi %mul3A_666, %add3A_667 : i32
    "tpu.region"() ({
      %run_scoped3A = tpu.sem_alloc : memref<!tpu.dma_semaphore, #tpu.memory_space<semaphore_mem>>
      %dma_start3A = arith.constant 0 : i32
      %dma_start3A_771 = tpu.memref_slice %arg17[%add3A_668, %dma_start3A] : memref<10240x128xf32, #tpu.memory_space<vmem_shared>> -> memref<16x128xf32, #tpu.memory_space<vmem_shared>>
      %dma_start3A_772 = arith.constant 0 : i32
      %dma_start3A_773 = tpu.memref_slice %arg17[%add3A_668, %dma_start3A_772] : memref<10240x128xf32, #tpu.memory_space<vmem_shared>> -> memref<16x128xf32, #tpu.memory_space<vmem_shared>>
      tpu.enqueue_dma source(%arg15 : memref<16x128xf32, #tpu.memory_space<vmem>>) target(%dma_start3A_773 : memref<16x128xf32, #tpu.memory_space<vmem_shared>>) target_semaphore(%run_scoped3A : memref<!tpu.dma_semaphore, #tpu.memory_space<semaphore_mem>>)
      %dma_wait3A = arith.constant 0 : i32
      %dma_wait3A_774 = tpu.memref_slice %arg17[%add3A_668, %dma_wait3A] : memref<10240x128xf32, #tpu.memory_space<vmem_shared>> -> memref<16x128xf32, #tpu.memory_space<vmem_shared>>
      %dma_wait3A_775 = arith.constant 0 : i32
      %dma_wait3A_776 = tpu.memref_slice %arg17[%add3A_668, %dma_wait3A_775] : memref<10240x128xf32, #tpu.memory_space<vmem_shared>> -> memref<16x128xf32, #tpu.memory_space<vmem_shared>>
      tpu.wait_dma2 semaphore(%run_scoped3A : memref<!tpu.dma_semaphore, #tpu.memory_space<semaphore_mem>>) src(%arg15 : memref<16x128xf32, #tpu.memory_space<vmem>>) dst(%dma_wait3A_776 : memref<16x128xf32, #tpu.memory_space<vmem_shared>>)
      tpu.yield
    }) : () -> ()
    %mul3A_669 = arith.constant 640 : i32
    %mul3A_670 = arith.muli %arg1, %mul3A_669 : i32
    %add3A_671 = arith.constant 304 : i32
    %add3A_672 = arith.addi %mul3A_670, %add3A_671 : i32
    "tpu.region"() ({
      %run_scoped3A = tpu.sem_alloc : memref<!tpu.dma_semaphore, #tpu.memory_space<semaphore_mem>>
      %dma_start3A = arith.constant 0 : i32
      %dma_start3A_771 = tpu.memref_slice %arg17[%add3A_672, %dma_start3A] : memref<10240x128xf32, #tpu.memory_space<vmem_shared>> -> memref<16x128xf32, #tpu.memory_space<vmem_shared>>
      %dma_start3A_772 = arith.constant 0 : i32
      %dma_start3A_773 = tpu.memref_slice %arg17[%add3A_672, %dma_start3A_772] : memref<10240x128xf32, #tpu.memory_space<vmem_shared>> -> memref<16x128xf32, #tpu.memory_space<vmem_shared>>
      tpu.enqueue_dma source(%arg15 : memref<16x128xf32, #tpu.memory_space<vmem>>) target(%dma_start3A_773 : memref<16x128xf32, #tpu.memory_space<vmem_shared>>) target_semaphore(%run_scoped3A : memref<!tpu.dma_semaphore, #tpu.memory_space<semaphore_mem>>)
      %dma_wait3A = arith.constant 0 : i32
      %dma_wait3A_774 = tpu.memref_slice %arg17[%add3A_672, %dma_wait3A] : memref<10240x128xf32, #tpu.memory_space<vmem_shared>> -> memref<16x128xf32, #tpu.memory_space<vmem_shared>>
      %dma_wait3A_775 = arith.constant 0 : i32
      %dma_wait3A_776 = tpu.memref_slice %arg17[%add3A_672, %dma_wait3A_775] : memref<10240x128xf32, #tpu.memory_space<vmem_shared>> -> memref<16x128xf32, #tpu.memory_space<vmem_shared>>
      tpu.wait_dma2 semaphore(%run_scoped3A : memref<!tpu.dma_semaphore, #tpu.memory_space<semaphore_mem>>) src(%arg15 : memref<16x128xf32, #tpu.memory_space<vmem>>) dst(%dma_wait3A_776 : memref<16x128xf32, #tpu.memory_space<vmem_shared>>)
      tpu.yield
    }) : () -> ()
    %mul3A_673 = arith.constant 640 : i32
    %mul3A_674 = arith.muli %arg1, %mul3A_673 : i32
    %add3A_675 = arith.constant 320 : i32
    %add3A_676 = arith.addi %mul3A_674, %add3A_675 : i32
    "tpu.region"() ({
      %run_scoped3A = tpu.sem_alloc : memref<!tpu.dma_semaphore, #tpu.memory_space<semaphore_mem>>
      %dma_start3A = arith.constant 0 : i32
      %dma_start3A_771 = tpu.memref_slice %arg17[%add3A_676, %dma_start3A] : memref<10240x128xf32, #tpu.memory_space<vmem_shared>> -> memref<16x128xf32, #tpu.memory_space<vmem_shared>>
      %dma_start3A_772 = arith.constant 0 : i32
      %dma_start3A_773 = tpu.memref_slice %arg17[%add3A_676, %dma_start3A_772] : memref<10240x128xf32, #tpu.memory_space<vmem_shared>> -> memref<16x128xf32, #tpu.memory_space<vmem_shared>>
      tpu.enqueue_dma source(%arg15 : memref<16x128xf32, #tpu.memory_space<vmem>>) target(%dma_start3A_773 : memref<16x128xf32, #tpu.memory_space<vmem_shared>>) target_semaphore(%run_scoped3A : memref<!tpu.dma_semaphore, #tpu.memory_space<semaphore_mem>>)
      %dma_wait3A = arith.constant 0 : i32
      %dma_wait3A_774 = tpu.memref_slice %arg17[%add3A_676, %dma_wait3A] : memref<10240x128xf32, #tpu.memory_space<vmem_shared>> -> memref<16x128xf32, #tpu.memory_space<vmem_shared>>
      %dma_wait3A_775 = arith.constant 0 : i32
      %dma_wait3A_776 = tpu.memref_slice %arg17[%add3A_676, %dma_wait3A_775] : memref<10240x128xf32, #tpu.memory_space<vmem_shared>> -> memref<16x128xf32, #tpu.memory_space<vmem_shared>>
      tpu.wait_dma2 semaphore(%run_scoped3A : memref<!tpu.dma_semaphore, #tpu.memory_space<semaphore_mem>>) src(%arg15 : memref<16x128xf32, #tpu.memory_space<vmem>>) dst(%dma_wait3A_776 : memref<16x128xf32, #tpu.memory_space<vmem_shared>>)
      tpu.yield
    }) : () -> ()
    %mul3A_677 = arith.constant 640 : i32
    %mul3A_678 = arith.muli %arg1, %mul3A_677 : i32
    %add3A_679 = arith.constant 336 : i32
    %add3A_680 = arith.addi %mul3A_678, %add3A_679 : i32
    "tpu.region"() ({
      %run_scoped3A = tpu.sem_alloc : memref<!tpu.dma_semaphore, #tpu.memory_space<semaphore_mem>>
      %dma_start3A = arith.constant 0 : i32
      %dma_start3A_771 = tpu.memref_slice %arg17[%add3A_680, %dma_start3A] : memref<10240x128xf32, #tpu.memory_space<vmem_shared>> -> memref<16x128xf32, #tpu.memory_space<vmem_shared>>
      %dma_start3A_772 = arith.constant 0 : i32
      %dma_start3A_773 = tpu.memref_slice %arg17[%add3A_680, %dma_start3A_772] : memref<10240x128xf32, #tpu.memory_space<vmem_shared>> -> memref<16x128xf32, #tpu.memory_space<vmem_shared>>
      tpu.enqueue_dma source(%arg15 : memref<16x128xf32, #tpu.memory_space<vmem>>) target(%dma_start3A_773 : memref<16x128xf32, #tpu.memory_space<vmem_shared>>) target_semaphore(%run_scoped3A : memref<!tpu.dma_semaphore, #tpu.memory_space<semaphore_mem>>)
      %dma_wait3A = arith.constant 0 : i32
      %dma_wait3A_774 = tpu.memref_slice %arg17[%add3A_680, %dma_wait3A] : memref<10240x128xf32, #tpu.memory_space<vmem_shared>> -> memref<16x128xf32, #tpu.memory_space<vmem_shared>>
      %dma_wait3A_775 = arith.constant 0 : i32
      %dma_wait3A_776 = tpu.memref_slice %arg17[%add3A_680, %dma_wait3A_775] : memref<10240x128xf32, #tpu.memory_space<vmem_shared>> -> memref<16x128xf32, #tpu.memory_space<vmem_shared>>
      tpu.wait_dma2 semaphore(%run_scoped3A : memref<!tpu.dma_semaphore, #tpu.memory_space<semaphore_mem>>) src(%arg15 : memref<16x128xf32, #tpu.memory_space<vmem>>) dst(%dma_wait3A_776 : memref<16x128xf32, #tpu.memory_space<vmem_shared>>)
      tpu.yield
    }) : () -> ()
    %mul3A_681 = arith.constant 640 : i32
    %mul3A_682 = arith.muli %arg1, %mul3A_681 : i32
    %add3A_683 = arith.constant 352 : i32
    %add3A_684 = arith.addi %mul3A_682, %add3A_683 : i32
    "tpu.region"() ({
      %run_scoped3A = tpu.sem_alloc : memref<!tpu.dma_semaphore, #tpu.memory_space<semaphore_mem>>
      %dma_start3A = arith.constant 0 : i32
      %dma_start3A_771 = tpu.memref_slice %arg17[%add3A_684, %dma_start3A] : memref<10240x128xf32, #tpu.memory_space<vmem_shared>> -> memref<16x128xf32, #tpu.memory_space<vmem_shared>>
      %dma_start3A_772 = arith.constant 0 : i32
      %dma_start3A_773 = tpu.memref_slice %arg17[%add3A_684, %dma_start3A_772] : memref<10240x128xf32, #tpu.memory_space<vmem_shared>> -> memref<16x128xf32, #tpu.memory_space<vmem_shared>>
      tpu.enqueue_dma source(%arg15 : memref<16x128xf32, #tpu.memory_space<vmem>>) target(%dma_start3A_773 : memref<16x128xf32, #tpu.memory_space<vmem_shared>>) target_semaphore(%run_scoped3A : memref<!tpu.dma_semaphore, #tpu.memory_space<semaphore_mem>>)
      %dma_wait3A = arith.constant 0 : i32
      %dma_wait3A_774 = tpu.memref_slice %arg17[%add3A_684, %dma_wait3A] : memref<10240x128xf32, #tpu.memory_space<vmem_shared>> -> memref<16x128xf32, #tpu.memory_space<vmem_shared>>
      %dma_wait3A_775 = arith.constant 0 : i32
      %dma_wait3A_776 = tpu.memref_slice %arg17[%add3A_684, %dma_wait3A_775] : memref<10240x128xf32, #tpu.memory_space<vmem_shared>> -> memref<16x128xf32, #tpu.memory_space<vmem_shared>>
      tpu.wait_dma2 semaphore(%run_scoped3A : memref<!tpu.dma_semaphore, #tpu.memory_space<semaphore_mem>>) src(%arg15 : memref<16x128xf32, #tpu.memory_space<vmem>>) dst(%dma_wait3A_776 : memref<16x128xf32, #tpu.memory_space<vmem_shared>>)
      tpu.yield
    }) : () -> ()
    %mul3A_685 = arith.constant 640 : i32
    %mul3A_686 = arith.muli %arg1, %mul3A_685 : i32
    %add3A_687 = arith.constant 368 : i32
    %add3A_688 = arith.addi %mul3A_686, %add3A_687 : i32
    "tpu.region"() ({
      %run_scoped3A = tpu.sem_alloc : memref<!tpu.dma_semaphore, #tpu.memory_space<semaphore_mem>>
      %dma_start3A = arith.constant 0 : i32
      %dma_start3A_771 = tpu.memref_slice %arg17[%add3A_688, %dma_start3A] : memref<10240x128xf32, #tpu.memory_space<vmem_shared>> -> memref<16x128xf32, #tpu.memory_space<vmem_shared>>
      %dma_start3A_772 = arith.constant 0 : i32
      %dma_start3A_773 = tpu.memref_slice %arg17[%add3A_688, %dma_start3A_772] : memref<10240x128xf32, #tpu.memory_space<vmem_shared>> -> memref<16x128xf32, #tpu.memory_space<vmem_shared>>
      tpu.enqueue_dma source(%arg15 : memref<16x128xf32, #tpu.memory_space<vmem>>) target(%dma_start3A_773 : memref<16x128xf32, #tpu.memory_space<vmem_shared>>) target_semaphore(%run_scoped3A : memref<!tpu.dma_semaphore, #tpu.memory_space<semaphore_mem>>)
      %dma_wait3A = arith.constant 0 : i32
      %dma_wait3A_774 = tpu.memref_slice %arg17[%add3A_688, %dma_wait3A] : memref<10240x128xf32, #tpu.memory_space<vmem_shared>> -> memref<16x128xf32, #tpu.memory_space<vmem_shared>>
      %dma_wait3A_775 = arith.constant 0 : i32
      %dma_wait3A_776 = tpu.memref_slice %arg17[%add3A_688, %dma_wait3A_775] : memref<10240x128xf32, #tpu.memory_space<vmem_shared>> -> memref<16x128xf32, #tpu.memory_space<vmem_shared>>
      tpu.wait_dma2 semaphore(%run_scoped3A : memref<!tpu.dma_semaphore, #tpu.memory_space<semaphore_mem>>) src(%arg15 : memref<16x128xf32, #tpu.memory_space<vmem>>) dst(%dma_wait3A_776 : memref<16x128xf32, #tpu.memory_space<vmem_shared>>)
      tpu.yield
    }) : () -> ()
    %mul3A_689 = arith.constant 640 : i32
    %mul3A_690 = arith.muli %arg1, %mul3A_689 : i32
    %add3A_691 = arith.constant 384 : i32
    %add3A_692 = arith.addi %mul3A_690, %add3A_691 : i32
    "tpu.region"() ({
      %run_scoped3A = tpu.sem_alloc : memref<!tpu.dma_semaphore, #tpu.memory_space<semaphore_mem>>
      %dma_start3A = arith.constant 0 : i32
      %dma_start3A_771 = tpu.memref_slice %arg17[%add3A_692, %dma_start3A] : memref<10240x128xf32, #tpu.memory_space<vmem_shared>> -> memref<16x128xf32, #tpu.memory_space<vmem_shared>>
      %dma_start3A_772 = arith.constant 0 : i32
      %dma_start3A_773 = tpu.memref_slice %arg17[%add3A_692, %dma_start3A_772] : memref<10240x128xf32, #tpu.memory_space<vmem_shared>> -> memref<16x128xf32, #tpu.memory_space<vmem_shared>>
      tpu.enqueue_dma source(%arg15 : memref<16x128xf32, #tpu.memory_space<vmem>>) target(%dma_start3A_773 : memref<16x128xf32, #tpu.memory_space<vmem_shared>>) target_semaphore(%run_scoped3A : memref<!tpu.dma_semaphore, #tpu.memory_space<semaphore_mem>>)
      %dma_wait3A = arith.constant 0 : i32
      %dma_wait3A_774 = tpu.memref_slice %arg17[%add3A_692, %dma_wait3A] : memref<10240x128xf32, #tpu.memory_space<vmem_shared>> -> memref<16x128xf32, #tpu.memory_space<vmem_shared>>
      %dma_wait3A_775 = arith.constant 0 : i32
      %dma_wait3A_776 = tpu.memref_slice %arg17[%add3A_692, %dma_wait3A_775] : memref<10240x128xf32, #tpu.memory_space<vmem_shared>> -> memref<16x128xf32, #tpu.memory_space<vmem_shared>>
      tpu.wait_dma2 semaphore(%run_scoped3A : memref<!tpu.dma_semaphore, #tpu.memory_space<semaphore_mem>>) src(%arg15 : memref<16x128xf32, #tpu.memory_space<vmem>>) dst(%dma_wait3A_776 : memref<16x128xf32, #tpu.memory_space<vmem_shared>>)
      tpu.yield
    }) : () -> ()
    %mul3A_693 = arith.constant 640 : i32
    %mul3A_694 = arith.muli %arg1, %mul3A_693 : i32
    %add3A_695 = arith.constant 400 : i32
    %add3A_696 = arith.addi %mul3A_694, %add3A_695 : i32
    "tpu.region"() ({
      %run_scoped3A = tpu.sem_alloc : memref<!tpu.dma_semaphore, #tpu.memory_space<semaphore_mem>>
      %dma_start3A = arith.constant 0 : i32
      %dma_start3A_771 = tpu.memref_slice %arg17[%add3A_696, %dma_start3A] : memref<10240x128xf32, #tpu.memory_space<vmem_shared>> -> memref<16x128xf32, #tpu.memory_space<vmem_shared>>
      %dma_start3A_772 = arith.constant 0 : i32
      %dma_start3A_773 = tpu.memref_slice %arg17[%add3A_696, %dma_start3A_772] : memref<10240x128xf32, #tpu.memory_space<vmem_shared>> -> memref<16x128xf32, #tpu.memory_space<vmem_shared>>
      tpu.enqueue_dma source(%arg15 : memref<16x128xf32, #tpu.memory_space<vmem>>) target(%dma_start3A_773 : memref<16x128xf32, #tpu.memory_space<vmem_shared>>) target_semaphore(%run_scoped3A : memref<!tpu.dma_semaphore, #tpu.memory_space<semaphore_mem>>)
      %dma_wait3A = arith.constant 0 : i32
      %dma_wait3A_774 = tpu.memref_slice %arg17[%add3A_696, %dma_wait3A] : memref<10240x128xf32, #tpu.memory_space<vmem_shared>> -> memref<16x128xf32, #tpu.memory_space<vmem_shared>>
      %dma_wait3A_775 = arith.constant 0 : i32
      %dma_wait3A_776 = tpu.memref_slice %arg17[%add3A_696, %dma_wait3A_775] : memref<10240x128xf32, #tpu.memory_space<vmem_shared>> -> memref<16x128xf32, #tpu.memory_space<vmem_shared>>
      tpu.wait_dma2 semaphore(%run_scoped3A : memref<!tpu.dma_semaphore, #tpu.memory_space<semaphore_mem>>) src(%arg15 : memref<16x128xf32, #tpu.memory_space<vmem>>) dst(%dma_wait3A_776 : memref<16x128xf32, #tpu.memory_space<vmem_shared>>)
      tpu.yield
    }) : () -> ()
    %mul3A_697 = arith.constant 640 : i32
    %mul3A_698 = arith.muli %arg1, %mul3A_697 : i32
    %add3A_699 = arith.constant 416 : i32
    %add3A_700 = arith.addi %mul3A_698, %add3A_699 : i32
    "tpu.region"() ({
      %run_scoped3A = tpu.sem_alloc : memref<!tpu.dma_semaphore, #tpu.memory_space<semaphore_mem>>
      %dma_start3A = arith.constant 0 : i32
      %dma_start3A_771 = tpu.memref_slice %arg17[%add3A_700, %dma_start3A] : memref<10240x128xf32, #tpu.memory_space<vmem_shared>> -> memref<16x128xf32, #tpu.memory_space<vmem_shared>>
      %dma_start3A_772 = arith.constant 0 : i32
      %dma_start3A_773 = tpu.memref_slice %arg17[%add3A_700, %dma_start3A_772] : memref<10240x128xf32, #tpu.memory_space<vmem_shared>> -> memref<16x128xf32, #tpu.memory_space<vmem_shared>>
      tpu.enqueue_dma source(%arg15 : memref<16x128xf32, #tpu.memory_space<vmem>>) target(%dma_start3A_773 : memref<16x128xf32, #tpu.memory_space<vmem_shared>>) target_semaphore(%run_scoped3A : memref<!tpu.dma_semaphore, #tpu.memory_space<semaphore_mem>>)
      %dma_wait3A = arith.constant 0 : i32
      %dma_wait3A_774 = tpu.memref_slice %arg17[%add3A_700, %dma_wait3A] : memref<10240x128xf32, #tpu.memory_space<vmem_shared>> -> memref<16x128xf32, #tpu.memory_space<vmem_shared>>
      %dma_wait3A_775 = arith.constant 0 : i32
      %dma_wait3A_776 = tpu.memref_slice %arg17[%add3A_700, %dma_wait3A_775] : memref<10240x128xf32, #tpu.memory_space<vmem_shared>> -> memref<16x128xf32, #tpu.memory_space<vmem_shared>>
      tpu.wait_dma2 semaphore(%run_scoped3A : memref<!tpu.dma_semaphore, #tpu.memory_space<semaphore_mem>>) src(%arg15 : memref<16x128xf32, #tpu.memory_space<vmem>>) dst(%dma_wait3A_776 : memref<16x128xf32, #tpu.memory_space<vmem_shared>>)
      tpu.yield
    }) : () -> ()
    %mul3A_701 = arith.constant 640 : i32
    %mul3A_702 = arith.muli %arg1, %mul3A_701 : i32
    %add3A_703 = arith.constant 432 : i32
    %add3A_704 = arith.addi %mul3A_702, %add3A_703 : i32
    "tpu.region"() ({
      %run_scoped3A = tpu.sem_alloc : memref<!tpu.dma_semaphore, #tpu.memory_space<semaphore_mem>>
      %dma_start3A = arith.constant 0 : i32
      %dma_start3A_771 = tpu.memref_slice %arg17[%add3A_704, %dma_start3A] : memref<10240x128xf32, #tpu.memory_space<vmem_shared>> -> memref<16x128xf32, #tpu.memory_space<vmem_shared>>
      %dma_start3A_772 = arith.constant 0 : i32
      %dma_start3A_773 = tpu.memref_slice %arg17[%add3A_704, %dma_start3A_772] : memref<10240x128xf32, #tpu.memory_space<vmem_shared>> -> memref<16x128xf32, #tpu.memory_space<vmem_shared>>
      tpu.enqueue_dma source(%arg15 : memref<16x128xf32, #tpu.memory_space<vmem>>) target(%dma_start3A_773 : memref<16x128xf32, #tpu.memory_space<vmem_shared>>) target_semaphore(%run_scoped3A : memref<!tpu.dma_semaphore, #tpu.memory_space<semaphore_mem>>)
      %dma_wait3A = arith.constant 0 : i32
      %dma_wait3A_774 = tpu.memref_slice %arg17[%add3A_704, %dma_wait3A] : memref<10240x128xf32, #tpu.memory_space<vmem_shared>> -> memref<16x128xf32, #tpu.memory_space<vmem_shared>>
      %dma_wait3A_775 = arith.constant 0 : i32
      %dma_wait3A_776 = tpu.memref_slice %arg17[%add3A_704, %dma_wait3A_775] : memref<10240x128xf32, #tpu.memory_space<vmem_shared>> -> memref<16x128xf32, #tpu.memory_space<vmem_shared>>
      tpu.wait_dma2 semaphore(%run_scoped3A : memref<!tpu.dma_semaphore, #tpu.memory_space<semaphore_mem>>) src(%arg15 : memref<16x128xf32, #tpu.memory_space<vmem>>) dst(%dma_wait3A_776 : memref<16x128xf32, #tpu.memory_space<vmem_shared>>)
      tpu.yield
    }) : () -> ()
    %mul3A_705 = arith.constant 640 : i32
    %mul3A_706 = arith.muli %arg1, %mul3A_705 : i32
    %add3A_707 = arith.constant 448 : i32
    %add3A_708 = arith.addi %mul3A_706, %add3A_707 : i32
    "tpu.region"() ({
      %run_scoped3A = tpu.sem_alloc : memref<!tpu.dma_semaphore, #tpu.memory_space<semaphore_mem>>
      %dma_start3A = arith.constant 0 : i32
      %dma_start3A_771 = tpu.memref_slice %arg17[%add3A_708, %dma_start3A] : memref<10240x128xf32, #tpu.memory_space<vmem_shared>> -> memref<16x128xf32, #tpu.memory_space<vmem_shared>>
      %dma_start3A_772 = arith.constant 0 : i32
      %dma_start3A_773 = tpu.memref_slice %arg17[%add3A_708, %dma_start3A_772] : memref<10240x128xf32, #tpu.memory_space<vmem_shared>> -> memref<16x128xf32, #tpu.memory_space<vmem_shared>>
      tpu.enqueue_dma source(%arg15 : memref<16x128xf32, #tpu.memory_space<vmem>>) target(%dma_start3A_773 : memref<16x128xf32, #tpu.memory_space<vmem_shared>>) target_semaphore(%run_scoped3A : memref<!tpu.dma_semaphore, #tpu.memory_space<semaphore_mem>>)
      %dma_wait3A = arith.constant 0 : i32
      %dma_wait3A_774 = tpu.memref_slice %arg17[%add3A_708, %dma_wait3A] : memref<10240x128xf32, #tpu.memory_space<vmem_shared>> -> memref<16x128xf32, #tpu.memory_space<vmem_shared>>
      %dma_wait3A_775 = arith.constant 0 : i32
      %dma_wait3A_776 = tpu.memref_slice %arg17[%add3A_708, %dma_wait3A_775] : memref<10240x128xf32, #tpu.memory_space<vmem_shared>> -> memref<16x128xf32, #tpu.memory_space<vmem_shared>>
      tpu.wait_dma2 semaphore(%run_scoped3A : memref<!tpu.dma_semaphore, #tpu.memory_space<semaphore_mem>>) src(%arg15 : memref<16x128xf32, #tpu.memory_space<vmem>>) dst(%dma_wait3A_776 : memref<16x128xf32, #tpu.memory_space<vmem_shared>>)
      tpu.yield
    }) : () -> ()
    %mul3A_709 = arith.constant 640 : i32
    %mul3A_710 = arith.muli %arg1, %mul3A_709 : i32
    %add3A_711 = arith.constant 464 : i32
    %add3A_712 = arith.addi %mul3A_710, %add3A_711 : i32
    "tpu.region"() ({
      %run_scoped3A = tpu.sem_alloc : memref<!tpu.dma_semaphore, #tpu.memory_space<semaphore_mem>>
      %dma_start3A = arith.constant 0 : i32
      %dma_start3A_771 = tpu.memref_slice %arg17[%add3A_712, %dma_start3A] : memref<10240x128xf32, #tpu.memory_space<vmem_shared>> -> memref<16x128xf32, #tpu.memory_space<vmem_shared>>
      %dma_start3A_772 = arith.constant 0 : i32
      %dma_start3A_773 = tpu.memref_slice %arg17[%add3A_712, %dma_start3A_772] : memref<10240x128xf32, #tpu.memory_space<vmem_shared>> -> memref<16x128xf32, #tpu.memory_space<vmem_shared>>
      tpu.enqueue_dma source(%arg15 : memref<16x128xf32, #tpu.memory_space<vmem>>) target(%dma_start3A_773 : memref<16x128xf32, #tpu.memory_space<vmem_shared>>) target_semaphore(%run_scoped3A : memref<!tpu.dma_semaphore, #tpu.memory_space<semaphore_mem>>)
      %dma_wait3A = arith.constant 0 : i32
      %dma_wait3A_774 = tpu.memref_slice %arg17[%add3A_712, %dma_wait3A] : memref<10240x128xf32, #tpu.memory_space<vmem_shared>> -> memref<16x128xf32, #tpu.memory_space<vmem_shared>>
      %dma_wait3A_775 = arith.constant 0 : i32
      %dma_wait3A_776 = tpu.memref_slice %arg17[%add3A_712, %dma_wait3A_775] : memref<10240x128xf32, #tpu.memory_space<vmem_shared>> -> memref<16x128xf32, #tpu.memory_space<vmem_shared>>
      tpu.wait_dma2 semaphore(%run_scoped3A : memref<!tpu.dma_semaphore, #tpu.memory_space<semaphore_mem>>) src(%arg15 : memref<16x128xf32, #tpu.memory_space<vmem>>) dst(%dma_wait3A_776 : memref<16x128xf32, #tpu.memory_space<vmem_shared>>)
      tpu.yield
    }) : () -> ()
    %mul3A_713 = arith.constant 640 : i32
    %mul3A_714 = arith.muli %arg1, %mul3A_713 : i32
    %add3A_715 = arith.constant 480 : i32
    %add3A_716 = arith.addi %mul3A_714, %add3A_715 : i32
    "tpu.region"() ({
      %run_scoped3A = tpu.sem_alloc : memref<!tpu.dma_semaphore, #tpu.memory_space<semaphore_mem>>
      %dma_start3A = arith.constant 0 : i32
      %dma_start3A_771 = tpu.memref_slice %arg17[%add3A_716, %dma_start3A] : memref<10240x128xf32, #tpu.memory_space<vmem_shared>> -> memref<16x128xf32, #tpu.memory_space<vmem_shared>>
      %dma_start3A_772 = arith.constant 0 : i32
      %dma_start3A_773 = tpu.memref_slice %arg17[%add3A_716, %dma_start3A_772] : memref<10240x128xf32, #tpu.memory_space<vmem_shared>> -> memref<16x128xf32, #tpu.memory_space<vmem_shared>>
      tpu.enqueue_dma source(%arg15 : memref<16x128xf32, #tpu.memory_space<vmem>>) target(%dma_start3A_773 : memref<16x128xf32, #tpu.memory_space<vmem_shared>>) target_semaphore(%run_scoped3A : memref<!tpu.dma_semaphore, #tpu.memory_space<semaphore_mem>>)
      %dma_wait3A = arith.constant 0 : i32
      %dma_wait3A_774 = tpu.memref_slice %arg17[%add3A_716, %dma_wait3A] : memref<10240x128xf32, #tpu.memory_space<vmem_shared>> -> memref<16x128xf32, #tpu.memory_space<vmem_shared>>
      %dma_wait3A_775 = arith.constant 0 : i32
      %dma_wait3A_776 = tpu.memref_slice %arg17[%add3A_716, %dma_wait3A_775] : memref<10240x128xf32, #tpu.memory_space<vmem_shared>> -> memref<16x128xf32, #tpu.memory_space<vmem_shared>>
      tpu.wait_dma2 semaphore(%run_scoped3A : memref<!tpu.dma_semaphore, #tpu.memory_space<semaphore_mem>>) src(%arg15 : memref<16x128xf32, #tpu.memory_space<vmem>>) dst(%dma_wait3A_776 : memref<16x128xf32, #tpu.memory_space<vmem_shared>>)
      tpu.yield
    }) : () -> ()
    %mul3A_717 = arith.constant 640 : i32
    %mul3A_718 = arith.muli %arg1, %mul3A_717 : i32
    %add3A_719 = arith.constant 496 : i32
    %add3A_720 = arith.addi %mul3A_718, %add3A_719 : i32
    "tpu.region"() ({
      %run_scoped3A = tpu.sem_alloc : memref<!tpu.dma_semaphore, #tpu.memory_space<semaphore_mem>>
      %dma_start3A = arith.constant 0 : i32
      %dma_start3A_771 = tpu.memref_slice %arg17[%add3A_720, %dma_start3A] : memref<10240x128xf32, #tpu.memory_space<vmem_shared>> -> memref<16x128xf32, #tpu.memory_space<vmem_shared>>
      %dma_start3A_772 = arith.constant 0 : i32
      %dma_start3A_773 = tpu.memref_slice %arg17[%add3A_720, %dma_start3A_772] : memref<10240x128xf32, #tpu.memory_space<vmem_shared>> -> memref<16x128xf32, #tpu.memory_space<vmem_shared>>
      tpu.enqueue_dma source(%arg15 : memref<16x128xf32, #tpu.memory_space<vmem>>) target(%dma_start3A_773 : memref<16x128xf32, #tpu.memory_space<vmem_shared>>) target_semaphore(%run_scoped3A : memref<!tpu.dma_semaphore, #tpu.memory_space<semaphore_mem>>)
      %dma_wait3A = arith.constant 0 : i32
      %dma_wait3A_774 = tpu.memref_slice %arg17[%add3A_720, %dma_wait3A] : memref<10240x128xf32, #tpu.memory_space<vmem_shared>> -> memref<16x128xf32, #tpu.memory_space<vmem_shared>>
      %dma_wait3A_775 = arith.constant 0 : i32
      %dma_wait3A_776 = tpu.memref_slice %arg17[%add3A_720, %dma_wait3A_775] : memref<10240x128xf32, #tpu.memory_space<vmem_shared>> -> memref<16x128xf32, #tpu.memory_space<vmem_shared>>
      tpu.wait_dma2 semaphore(%run_scoped3A : memref<!tpu.dma_semaphore, #tpu.memory_space<semaphore_mem>>) src(%arg15 : memref<16x128xf32, #tpu.memory_space<vmem>>) dst(%dma_wait3A_776 : memref<16x128xf32, #tpu.memory_space<vmem_shared>>)
      tpu.yield
    }) : () -> ()
    %mul3A_721 = arith.constant 640 : i32
    %mul3A_722 = arith.muli %arg1, %mul3A_721 : i32
    %add3A_723 = arith.constant 512 : i32
    %add3A_724 = arith.addi %mul3A_722, %add3A_723 : i32
    "tpu.region"() ({
      %run_scoped3A = tpu.sem_alloc : memref<!tpu.dma_semaphore, #tpu.memory_space<semaphore_mem>>
      %dma_start3A = arith.constant 0 : i32
      %dma_start3A_771 = tpu.memref_slice %arg17[%add3A_724, %dma_start3A] : memref<10240x128xf32, #tpu.memory_space<vmem_shared>> -> memref<16x128xf32, #tpu.memory_space<vmem_shared>>
      %dma_start3A_772 = arith.constant 0 : i32
      %dma_start3A_773 = tpu.memref_slice %arg17[%add3A_724, %dma_start3A_772] : memref<10240x128xf32, #tpu.memory_space<vmem_shared>> -> memref<16x128xf32, #tpu.memory_space<vmem_shared>>
      tpu.enqueue_dma source(%arg15 : memref<16x128xf32, #tpu.memory_space<vmem>>) target(%dma_start3A_773 : memref<16x128xf32, #tpu.memory_space<vmem_shared>>) target_semaphore(%run_scoped3A : memref<!tpu.dma_semaphore, #tpu.memory_space<semaphore_mem>>)
      %dma_wait3A = arith.constant 0 : i32
      %dma_wait3A_774 = tpu.memref_slice %arg17[%add3A_724, %dma_wait3A] : memref<10240x128xf32, #tpu.memory_space<vmem_shared>> -> memref<16x128xf32, #tpu.memory_space<vmem_shared>>
      %dma_wait3A_775 = arith.constant 0 : i32
      %dma_wait3A_776 = tpu.memref_slice %arg17[%add3A_724, %dma_wait3A_775] : memref<10240x128xf32, #tpu.memory_space<vmem_shared>> -> memref<16x128xf32, #tpu.memory_space<vmem_shared>>
      tpu.wait_dma2 semaphore(%run_scoped3A : memref<!tpu.dma_semaphore, #tpu.memory_space<semaphore_mem>>) src(%arg15 : memref<16x128xf32, #tpu.memory_space<vmem>>) dst(%dma_wait3A_776 : memref<16x128xf32, #tpu.memory_space<vmem_shared>>)
      tpu.yield
    }) : () -> ()
    %mul3A_725 = arith.constant 640 : i32
    %mul3A_726 = arith.muli %arg1, %mul3A_725 : i32
    %add3A_727 = arith.constant 528 : i32
    %add3A_728 = arith.addi %mul3A_726, %add3A_727 : i32
    "tpu.region"() ({
      %run_scoped3A = tpu.sem_alloc : memref<!tpu.dma_semaphore, #tpu.memory_space<semaphore_mem>>
      %dma_start3A = arith.constant 0 : i32
      %dma_start3A_771 = tpu.memref_slice %arg17[%add3A_728, %dma_start3A] : memref<10240x128xf32, #tpu.memory_space<vmem_shared>> -> memref<16x128xf32, #tpu.memory_space<vmem_shared>>
      %dma_start3A_772 = arith.constant 0 : i32
      %dma_start3A_773 = tpu.memref_slice %arg17[%add3A_728, %dma_start3A_772] : memref<10240x128xf32, #tpu.memory_space<vmem_shared>> -> memref<16x128xf32, #tpu.memory_space<vmem_shared>>
      tpu.enqueue_dma source(%arg15 : memref<16x128xf32, #tpu.memory_space<vmem>>) target(%dma_start3A_773 : memref<16x128xf32, #tpu.memory_space<vmem_shared>>) target_semaphore(%run_scoped3A : memref<!tpu.dma_semaphore, #tpu.memory_space<semaphore_mem>>)
      %dma_wait3A = arith.constant 0 : i32
      %dma_wait3A_774 = tpu.memref_slice %arg17[%add3A_728, %dma_wait3A] : memref<10240x128xf32, #tpu.memory_space<vmem_shared>> -> memref<16x128xf32, #tpu.memory_space<vmem_shared>>
      %dma_wait3A_775 = arith.constant 0 : i32
      %dma_wait3A_776 = tpu.memref_slice %arg17[%add3A_728, %dma_wait3A_775] : memref<10240x128xf32, #tpu.memory_space<vmem_shared>> -> memref<16x128xf32, #tpu.memory_space<vmem_shared>>
      tpu.wait_dma2 semaphore(%run_scoped3A : memref<!tpu.dma_semaphore, #tpu.memory_space<semaphore_mem>>) src(%arg15 : memref<16x128xf32, #tpu.memory_space<vmem>>) dst(%dma_wait3A_776 : memref<16x128xf32, #tpu.memory_space<vmem_shared>>)
      tpu.yield
    }) : () -> ()
    %mul3A_729 = arith.constant 640 : i32
    %mul3A_730 = arith.muli %arg1, %mul3A_729 : i32
    %add3A_731 = arith.constant 544 : i32
    %add3A_732 = arith.addi %mul3A_730, %add3A_731 : i32
    "tpu.region"() ({
      %run_scoped3A = tpu.sem_alloc : memref<!tpu.dma_semaphore, #tpu.memory_space<semaphore_mem>>
      %dma_start3A = arith.constant 0 : i32
      %dma_start3A_771 = tpu.memref_slice %arg17[%add3A_732, %dma_start3A] : memref<10240x128xf32, #tpu.memory_space<vmem_shared>> -> memref<16x128xf32, #tpu.memory_space<vmem_shared>>
      %dma_start3A_772 = arith.constant 0 : i32
      %dma_start3A_773 = tpu.memref_slice %arg17[%add3A_732, %dma_start3A_772] : memref<10240x128xf32, #tpu.memory_space<vmem_shared>> -> memref<16x128xf32, #tpu.memory_space<vmem_shared>>
      tpu.enqueue_dma source(%arg15 : memref<16x128xf32, #tpu.memory_space<vmem>>) target(%dma_start3A_773 : memref<16x128xf32, #tpu.memory_space<vmem_shared>>) target_semaphore(%run_scoped3A : memref<!tpu.dma_semaphore, #tpu.memory_space<semaphore_mem>>)
      %dma_wait3A = arith.constant 0 : i32
      %dma_wait3A_774 = tpu.memref_slice %arg17[%add3A_732, %dma_wait3A] : memref<10240x128xf32, #tpu.memory_space<vmem_shared>> -> memref<16x128xf32, #tpu.memory_space<vmem_shared>>
      %dma_wait3A_775 = arith.constant 0 : i32
      %dma_wait3A_776 = tpu.memref_slice %arg17[%add3A_732, %dma_wait3A_775] : memref<10240x128xf32, #tpu.memory_space<vmem_shared>> -> memref<16x128xf32, #tpu.memory_space<vmem_shared>>
      tpu.wait_dma2 semaphore(%run_scoped3A : memref<!tpu.dma_semaphore, #tpu.memory_space<semaphore_mem>>) src(%arg15 : memref<16x128xf32, #tpu.memory_space<vmem>>) dst(%dma_wait3A_776 : memref<16x128xf32, #tpu.memory_space<vmem_shared>>)
      tpu.yield
    }) : () -> ()
    %mul3A_733 = arith.constant 640 : i32
    %mul3A_734 = arith.muli %arg1, %mul3A_733 : i32
    %add3A_735 = arith.constant 560 : i32
    %add3A_736 = arith.addi %mul3A_734, %add3A_735 : i32
    "tpu.region"() ({
      %run_scoped3A = tpu.sem_alloc : memref<!tpu.dma_semaphore, #tpu.memory_space<semaphore_mem>>
      %dma_start3A = arith.constant 0 : i32
      %dma_start3A_771 = tpu.memref_slice %arg17[%add3A_736, %dma_start3A] : memref<10240x128xf32, #tpu.memory_space<vmem_shared>> -> memref<16x128xf32, #tpu.memory_space<vmem_shared>>
      %dma_start3A_772 = arith.constant 0 : i32
      %dma_start3A_773 = tpu.memref_slice %arg17[%add3A_736, %dma_start3A_772] : memref<10240x128xf32, #tpu.memory_space<vmem_shared>> -> memref<16x128xf32, #tpu.memory_space<vmem_shared>>
      tpu.enqueue_dma source(%arg15 : memref<16x128xf32, #tpu.memory_space<vmem>>) target(%dma_start3A_773 : memref<16x128xf32, #tpu.memory_space<vmem_shared>>) target_semaphore(%run_scoped3A : memref<!tpu.dma_semaphore, #tpu.memory_space<semaphore_mem>>)
      %dma_wait3A = arith.constant 0 : i32
      %dma_wait3A_774 = tpu.memref_slice %arg17[%add3A_736, %dma_wait3A] : memref<10240x128xf32, #tpu.memory_space<vmem_shared>> -> memref<16x128xf32, #tpu.memory_space<vmem_shared>>
      %dma_wait3A_775 = arith.constant 0 : i32
      %dma_wait3A_776 = tpu.memref_slice %arg17[%add3A_736, %dma_wait3A_775] : memref<10240x128xf32, #tpu.memory_space<vmem_shared>> -> memref<16x128xf32, #tpu.memory_space<vmem_shared>>
      tpu.wait_dma2 semaphore(%run_scoped3A : memref<!tpu.dma_semaphore, #tpu.memory_space<semaphore_mem>>) src(%arg15 : memref<16x128xf32, #tpu.memory_space<vmem>>) dst(%dma_wait3A_776 : memref<16x128xf32, #tpu.memory_space<vmem_shared>>)
      tpu.yield
    }) : () -> ()
    %mul3A_737 = arith.constant 640 : i32
    %mul3A_738 = arith.muli %arg1, %mul3A_737 : i32
    %add3A_739 = arith.constant 576 : i32
    %add3A_740 = arith.addi %mul3A_738, %add3A_739 : i32
    "tpu.region"() ({
      %run_scoped3A = tpu.sem_alloc : memref<!tpu.dma_semaphore, #tpu.memory_space<semaphore_mem>>
      %dma_start3A = arith.constant 0 : i32
      %dma_start3A_771 = tpu.memref_slice %arg17[%add3A_740, %dma_start3A] : memref<10240x128xf32, #tpu.memory_space<vmem_shared>> -> memref<16x128xf32, #tpu.memory_space<vmem_shared>>
      %dma_start3A_772 = arith.constant 0 : i32
      %dma_start3A_773 = tpu.memref_slice %arg17[%add3A_740, %dma_start3A_772] : memref<10240x128xf32, #tpu.memory_space<vmem_shared>> -> memref<16x128xf32, #tpu.memory_space<vmem_shared>>
      tpu.enqueue_dma source(%arg15 : memref<16x128xf32, #tpu.memory_space<vmem>>) target(%dma_start3A_773 : memref<16x128xf32, #tpu.memory_space<vmem_shared>>) target_semaphore(%run_scoped3A : memref<!tpu.dma_semaphore, #tpu.memory_space<semaphore_mem>>)
      %dma_wait3A = arith.constant 0 : i32
      %dma_wait3A_774 = tpu.memref_slice %arg17[%add3A_740, %dma_wait3A] : memref<10240x128xf32, #tpu.memory_space<vmem_shared>> -> memref<16x128xf32, #tpu.memory_space<vmem_shared>>
      %dma_wait3A_775 = arith.constant 0 : i32
      %dma_wait3A_776 = tpu.memref_slice %arg17[%add3A_740, %dma_wait3A_775] : memref<10240x128xf32, #tpu.memory_space<vmem_shared>> -> memref<16x128xf32, #tpu.memory_space<vmem_shared>>
      tpu.wait_dma2 semaphore(%run_scoped3A : memref<!tpu.dma_semaphore, #tpu.memory_space<semaphore_mem>>) src(%arg15 : memref<16x128xf32, #tpu.memory_space<vmem>>) dst(%dma_wait3A_776 : memref<16x128xf32, #tpu.memory_space<vmem_shared>>)
      tpu.yield
    }) : () -> ()
    %mul3A_741 = arith.constant 640 : i32
    %mul3A_742 = arith.muli %arg1, %mul3A_741 : i32
    %add3A_743 = arith.constant 592 : i32
    %add3A_744 = arith.addi %mul3A_742, %add3A_743 : i32
    "tpu.region"() ({
      %run_scoped3A = tpu.sem_alloc : memref<!tpu.dma_semaphore, #tpu.memory_space<semaphore_mem>>
      %dma_start3A = arith.constant 0 : i32
      %dma_start3A_771 = tpu.memref_slice %arg17[%add3A_744, %dma_start3A] : memref<10240x128xf32, #tpu.memory_space<vmem_shared>> -> memref<16x128xf32, #tpu.memory_space<vmem_shared>>
      %dma_start3A_772 = arith.constant 0 : i32
      %dma_start3A_773 = tpu.memref_slice %arg17[%add3A_744, %dma_start3A_772] : memref<10240x128xf32, #tpu.memory_space<vmem_shared>> -> memref<16x128xf32, #tpu.memory_space<vmem_shared>>
      tpu.enqueue_dma source(%arg15 : memref<16x128xf32, #tpu.memory_space<vmem>>) target(%dma_start3A_773 : memref<16x128xf32, #tpu.memory_space<vmem_shared>>) target_semaphore(%run_scoped3A : memref<!tpu.dma_semaphore, #tpu.memory_space<semaphore_mem>>)
      %dma_wait3A = arith.constant 0 : i32
      %dma_wait3A_774 = tpu.memref_slice %arg17[%add3A_744, %dma_wait3A] : memref<10240x128xf32, #tpu.memory_space<vmem_shared>> -> memref<16x128xf32, #tpu.memory_space<vmem_shared>>
      %dma_wait3A_775 = arith.constant 0 : i32
      %dma_wait3A_776 = tpu.memref_slice %arg17[%add3A_744, %dma_wait3A_775] : memref<10240x128xf32, #tpu.memory_space<vmem_shared>> -> memref<16x128xf32, #tpu.memory_space<vmem_shared>>
      tpu.wait_dma2 semaphore(%run_scoped3A : memref<!tpu.dma_semaphore, #tpu.memory_space<semaphore_mem>>) src(%arg15 : memref<16x128xf32, #tpu.memory_space<vmem>>) dst(%dma_wait3A_776 : memref<16x128xf32, #tpu.memory_space<vmem_shared>>)
      tpu.yield
    }) : () -> ()
    %mul3A_745 = arith.constant 640 : i32
    %mul3A_746 = arith.muli %arg1, %mul3A_745 : i32
    %add3A_747 = arith.constant 608 : i32
    %add3A_748 = arith.addi %mul3A_746, %add3A_747 : i32
    "tpu.region"() ({
      %run_scoped3A = tpu.sem_alloc : memref<!tpu.dma_semaphore, #tpu.memory_space<semaphore_mem>>
      %dma_start3A = arith.constant 0 : i32
      %dma_start3A_771 = tpu.memref_slice %arg17[%add3A_748, %dma_start3A] : memref<10240x128xf32, #tpu.memory_space<vmem_shared>> -> memref<16x128xf32, #tpu.memory_space<vmem_shared>>
      %dma_start3A_772 = arith.constant 0 : i32
      %dma_start3A_773 = tpu.memref_slice %arg17[%add3A_748, %dma_start3A_772] : memref<10240x128xf32, #tpu.memory_space<vmem_shared>> -> memref<16x128xf32, #tpu.memory_space<vmem_shared>>
      tpu.enqueue_dma source(%arg15 : memref<16x128xf32, #tpu.memory_space<vmem>>) target(%dma_start3A_773 : memref<16x128xf32, #tpu.memory_space<vmem_shared>>) target_semaphore(%run_scoped3A : memref<!tpu.dma_semaphore, #tpu.memory_space<semaphore_mem>>)
      %dma_wait3A = arith.constant 0 : i32
      %dma_wait3A_774 = tpu.memref_slice %arg17[%add3A_748, %dma_wait3A] : memref<10240x128xf32, #tpu.memory_space<vmem_shared>> -> memref<16x128xf32, #tpu.memory_space<vmem_shared>>
      %dma_wait3A_775 = arith.constant 0 : i32
      %dma_wait3A_776 = tpu.memref_slice %arg17[%add3A_748, %dma_wait3A_775] : memref<10240x128xf32, #tpu.memory_space<vmem_shared>> -> memref<16x128xf32, #tpu.memory_space<vmem_shared>>
      tpu.wait_dma2 semaphore(%run_scoped3A : memref<!tpu.dma_semaphore, #tpu.memory_space<semaphore_mem>>) src(%arg15 : memref<16x128xf32, #tpu.memory_space<vmem>>) dst(%dma_wait3A_776 : memref<16x128xf32, #tpu.memory_space<vmem_shared>>)
      tpu.yield
    }) : () -> ()
    %mul3A_749 = arith.constant 640 : i32
    %mul3A_750 = arith.muli %arg1, %mul3A_749 : i32
    %add3A_751 = arith.constant 624 : i32
    %add3A_752 = arith.addi %mul3A_750, %add3A_751 : i32
    "tpu.region"() ({
      %run_scoped3A = tpu.sem_alloc : memref<!tpu.dma_semaphore, #tpu.memory_space<semaphore_mem>>
      %dma_start3A = arith.constant 0 : i32
      %dma_start3A_771 = tpu.memref_slice %arg17[%add3A_752, %dma_start3A] : memref<10240x128xf32, #tpu.memory_space<vmem_shared>> -> memref<16x128xf32, #tpu.memory_space<vmem_shared>>
      %dma_start3A_772 = arith.constant 0 : i32
      %dma_start3A_773 = tpu.memref_slice %arg17[%add3A_752, %dma_start3A_772] : memref<10240x128xf32, #tpu.memory_space<vmem_shared>> -> memref<16x128xf32, #tpu.memory_space<vmem_shared>>
      tpu.enqueue_dma source(%arg15 : memref<16x128xf32, #tpu.memory_space<vmem>>) target(%dma_start3A_773 : memref<16x128xf32, #tpu.memory_space<vmem_shared>>) target_semaphore(%run_scoped3A : memref<!tpu.dma_semaphore, #tpu.memory_space<semaphore_mem>>)
      %dma_wait3A = arith.constant 0 : i32
      %dma_wait3A_774 = tpu.memref_slice %arg17[%add3A_752, %dma_wait3A] : memref<10240x128xf32, #tpu.memory_space<vmem_shared>> -> memref<16x128xf32, #tpu.memory_space<vmem_shared>>
      %dma_wait3A_775 = arith.constant 0 : i32
      %dma_wait3A_776 = tpu.memref_slice %arg17[%add3A_752, %dma_wait3A_775] : memref<10240x128xf32, #tpu.memory_space<vmem_shared>> -> memref<16x128xf32, #tpu.memory_space<vmem_shared>>
      tpu.wait_dma2 semaphore(%run_scoped3A : memref<!tpu.dma_semaphore, #tpu.memory_space<semaphore_mem>>) src(%arg15 : memref<16x128xf32, #tpu.memory_space<vmem>>) dst(%dma_wait3A_776 : memref<16x128xf32, #tpu.memory_space<vmem_shared>>)
      tpu.yield
    }) : () -> ()
    %mul3A_753 = arith.constant 640 : i32
    %mul3A_754 = arith.muli %arg1, %mul3A_753 : i32
    "tpu.region"() ({
      %run_scoped3A = tpu.sem_alloc : memref<!tpu.dma_semaphore, #tpu.memory_space<semaphore_mem>>
      %dma_start3A = tpu.memref_slice %arg18[%mul3A_754] : memref<10240xf32, #tpu.memory_space<vmem_shared>> -> memref<640xf32, #tpu.memory_space<vmem_shared>>
      %dma_start3A_771 = tpu.memref_slice %arg18[%mul3A_754] : memref<10240xf32, #tpu.memory_space<vmem_shared>> -> memref<640xf32, #tpu.memory_space<vmem_shared>>
      tpu.enqueue_dma source(%arg16 : memref<640xf32, #tpu.memory_space<vmem>>) target(%dma_start3A_771 : memref<640xf32, #tpu.memory_space<vmem_shared>>) target_semaphore(%run_scoped3A : memref<!tpu.dma_semaphore, #tpu.memory_space<semaphore_mem>>)
      %dma_wait3A = tpu.memref_slice %arg18[%mul3A_754] : memref<10240xf32, #tpu.memory_space<vmem_shared>> -> memref<640xf32, #tpu.memory_space<vmem_shared>>
      %dma_wait3A_772 = tpu.memref_slice %arg18[%mul3A_754] : memref<10240xf32, #tpu.memory_space<vmem_shared>> -> memref<640xf32, #tpu.memory_space<vmem_shared>>
      tpu.wait_dma2 semaphore(%run_scoped3A : memref<!tpu.dma_semaphore, #tpu.memory_space<semaphore_mem>>) src(%arg16 : memref<640xf32, #tpu.memory_space<vmem>>) dst(%dma_wait3A_772 : memref<640xf32, #tpu.memory_space<vmem_shared>>)
      tpu.yield
    }) : () -> ()
    "tpu.region"() ({
      %run_scoped3A = tpu.sem_alloc : memref<!tpu.dma_semaphore, #tpu.memory_space<semaphore_mem>>
      tpu.enqueue_dma source(%arg4 : memref<10000xf32, #tpu.memory_space<hbm>>) target(%arg9 : memref<10000xf32, #tpu.memory_space<vmem>>) target_semaphore(%run_scoped3A : memref<!tpu.dma_semaphore, #tpu.memory_space<semaphore_mem>>)
      tpu.wait_dma2 semaphore(%run_scoped3A : memref<!tpu.dma_semaphore, #tpu.memory_space<semaphore_mem>>) src(%arg4 : memref<10000xf32, #tpu.memory_space<hbm>>) dst(%arg9 : memref<10000xf32, #tpu.memory_space<vmem>>)
      tpu.yield
    }) : () -> ()
    "tpu.region"() ({
      %run_scoped3A = tpu.sem_alloc : memref<!tpu.dma_semaphore, #tpu.memory_space<semaphore_mem>>
      tpu.enqueue_dma source(%arg5 : memref<10000xf32, #tpu.memory_space<hbm>>) target(%arg10 : memref<10000xf32, #tpu.memory_space<vmem>>) target_semaphore(%run_scoped3A : memref<!tpu.dma_semaphore, #tpu.memory_space<semaphore_mem>>)
      tpu.wait_dma2 semaphore(%run_scoped3A : memref<!tpu.dma_semaphore, #tpu.memory_space<semaphore_mem>>) src(%arg5 : memref<10000xf32, #tpu.memory_space<hbm>>) dst(%arg10 : memref<10000xf32, #tpu.memory_space<vmem>>)
      tpu.yield
    }) : () -> ()
    %barrier3A = arith.constant 0 : index
    tpu.barrier barrier_id(%barrier3A)
    %mul3A_755 = arith.constant 10112 : i32
    %mul3A_756 = arith.muli %add3A, %mul3A_755 : i32
    %scan3A = arith.constant 0 : i32
    %scan3A_757 = arith.constant 0 : i32
    %scan3A_758 = arith.constant 79 : i32
    %scan3A_759 = arith.addi %scan3A_757, %scan3A_758 : i32
    %scan3A_760 = arith.constant 1 : i32
    scf.for %scan3A_771 = %scan3A_757 to %scan3A_759 step %scan3A_760  : i32 {
      %mul3A_772 = arith.constant 128 : i32
      %mul3A_773 = arith.muli %scan3A_771, %mul3A_772 : i32
      %add3A_774 = arith.addi %mul3A_756, %mul3A_773 : i32
      "tpu.region"() ({
        %run_scoped3A = tpu.sem_alloc : memref<!tpu.dma_semaphore, #tpu.memory_space<semaphore_mem>>
        %dma_start3A_1025 = tpu.memref_slice %arg2[%add3A_774] : memref<323584xi32, #tpu.memory_space<hbm>> -> memref<128xi32, #tpu.memory_space<hbm>>
        %dma_start3A_1026 = tpu.memref_slice %arg2[%add3A_774] : memref<323584xi32, #tpu.memory_space<hbm>> -> memref<128xi32, #tpu.memory_space<hbm>>
        tpu.enqueue_dma source(%dma_start3A_1026 : memref<128xi32, #tpu.memory_space<hbm>>) target(%arg11 : memref<128xi32, #tpu.memory_space<vmem>>) target_semaphore(%run_scoped3A : memref<!tpu.dma_semaphore, #tpu.memory_space<semaphore_mem>>)
        %dma_wait3A_1027 = tpu.memref_slice %arg2[%add3A_774] : memref<323584xi32, #tpu.memory_space<hbm>> -> memref<128xi32, #tpu.memory_space<hbm>>
        %dma_wait3A_1028 = tpu.memref_slice %arg2[%add3A_774] : memref<323584xi32, #tpu.memory_space<hbm>> -> memref<128xi32, #tpu.memory_space<hbm>>
        tpu.wait_dma2 semaphore(%run_scoped3A : memref<!tpu.dma_semaphore, #tpu.memory_space<semaphore_mem>>) src(%dma_wait3A_1028 : memref<128xi32, #tpu.memory_space<hbm>>) dst(%arg11 : memref<128xi32, #tpu.memory_space<vmem>>)
        tpu.yield
      }) : () -> ()
      "tpu.region"() ({
        %run_scoped3A = tpu.sem_alloc : memref<!tpu.dma_semaphore, #tpu.memory_space<semaphore_mem>>
        %dma_start3A_1025 = tpu.memref_slice %arg3[%add3A_774] : memref<323584xi32, #tpu.memory_space<hbm>> -> memref<128xi32, #tpu.memory_space<hbm>>
        %dma_start3A_1026 = tpu.memref_slice %arg3[%add3A_774] : memref<323584xi32, #tpu.memory_space<hbm>> -> memref<128xi32, #tpu.memory_space<hbm>>
        tpu.enqueue_dma source(%dma_start3A_1026 : memref<128xi32, #tpu.memory_space<hbm>>) target(%arg12 : memref<128xi32, #tpu.memory_space<vmem>>) target_semaphore(%run_scoped3A : memref<!tpu.dma_semaphore, #tpu.memory_space<semaphore_mem>>)
        %dma_wait3A_1027 = tpu.memref_slice %arg3[%add3A_774] : memref<323584xi32, #tpu.memory_space<hbm>> -> memref<128xi32, #tpu.memory_space<hbm>>
        %dma_wait3A_1028 = tpu.memref_slice %arg3[%add3A_774] : memref<323584xi32, #tpu.memory_space<hbm>> -> memref<128xi32, #tpu.memory_space<hbm>>
        tpu.wait_dma2 semaphore(%run_scoped3A : memref<!tpu.dma_semaphore, #tpu.memory_space<semaphore_mem>>) src(%dma_wait3A_1028 : memref<128xi32, #tpu.memory_space<hbm>>) dst(%arg12 : memref<128xi32, #tpu.memory_space<vmem>>)
        tpu.yield
      }) : () -> ()
      %dma_start3A = arith.constant 0 : i32
      %dma_start3A_775 = arith.constant 0 : i32
      %dma_start3A_776 = tpu.memref_slice %arg6[%dma_start3A, %dma_start3A_775] : memref<10000x128xf32, #tpu.memory_space<hbm>> -> memref<10000x128xf32, #tpu.memory_space<hbm>>
      tpu.enqueue_indirect_dma source(%dma_start3A_776 : memref<10000x128xf32, #tpu.memory_space<hbm>>) target(%arg14 : memref<128x128xf32, #tpu.memory_space<vmem>>) offsets(%arg11 : memref<128xi32, #tpu.memory_space<vmem>>) semaphore(%arg19 : memref<!tpu.dma_semaphore, #tpu.memory_space<semaphore_mem>>)
      %get3A = arith.constant 0 : index
      %get3A_777 = tpu.vector_load %arg11[%get3A] {strides = array<i32>} : memref<128xi32, #tpu.memory_space<vmem>>, vector<16xi32>,
      %get3A_778 = arith.constant 0 : index
      %get3A_779 = tpu.vector_load %arg12[%get3A_778] {strides = array<i32>} : memref<128xi32, #tpu.memory_space<vmem>>, vector<16xi32>,
      %gather3A = tpu.vector_load_idx %arg9[%get3A_777] : memref<10000xf32, #tpu.memory_space<vmem>>[vector<16xi32>], vector<16xf32>,
      %gather3A_780 = tpu.vector_load_idx %arg10[%get3A_779] : memref<10000xf32, #tpu.memory_space<vmem>>[vector<16xi32>], vector<16xf32>,
      %add3A_781 = arith.addf %gather3A, %gather3A_780 : vector<16xf32>
      %neg3A = arith.constant 0.000000e+00 : f32
      %neg3A_782 = vector.broadcast %neg3A : f32 to vector<16xf32>
      %neg3A_783 = arith.subf %neg3A_782, %add3A_781 : vector<16xf32>
      %exp3A = math.exp %neg3A_783 : vector<16xf32>
      %add3A_784 = arith.constant 1.000000e+00 : f32
      %add3A_785 = vector.broadcast %add3A_784 : f32 to vector<16xf32>
      %add3A_786 = arith.addf %add3A_785, %exp3A : vector<16xf32>
      %div3A = arith.constant 1.000000e+00 : f32
      %div3A_787 = vector.broadcast %div3A : f32 to vector<16xf32>
      %div3A_788 = arith.divf %div3A_787, %add3A_786 : vector<16xf32>
      %exp3A_789 = math.exp %div3A_788 : vector<16xf32>
      %add3A_790 = arith.constant 0 : i32
      %add3A_791 = arith.addi %add3A_774, %add3A_790 : i32
      %iota3A = tpu.iota {dimensions = array<i32: 0>} : vector<16xi32>
      %add3A_792 = vector.broadcast %add3A_791 : i32 to vector<16xi32>
      %add3A_793 = arith.addi %add3A_792, %iota3A : vector<16xi32>
      %lt3A = arith.constant 320000 : i32
      %lt3A_794 = vector.broadcast %lt3A : i32 to vector<16xi32>
      %lt3A_795 = arith.cmpi slt, %add3A_793, %lt3A_794 : vector<16xi32>
      %jit3A = arith.constant 0.000000e+00 : f32
      %broadcast_in_dim3A_796 = vector.broadcast %jit3A : f32 to vector<16xf32>
      %select_n3A = arith.select %lt3A_795, %exp3A_789, %broadcast_in_dim3A_796 : vector<16xi1>, vector<16xf32>
      %swap3A_797 = arith.constant 0 : index
      %swap3A_798 = tpu.vector_load %arg13[%swap3A_797] {strides = array<i32>} : memref<128xf32, #tpu.memory_space<vmem>>, vector<16xf32>,
      tpu.vector_store %arg13[%swap3A_797], %select_n3A {strides = array<i32>} : memref<128xf32, #tpu.memory_space<vmem>>, vector<16xf32>,
      %get3A_799 = arith.constant 16 : index
      %get3A_800 = tpu.vector_load %arg11[%get3A_799] {strides = array<i32>} : memref<128xi32, #tpu.memory_space<vmem>>, vector<16xi32>,
      %get3A_801 = arith.constant 16 : index
      %get3A_802 = tpu.vector_load %arg12[%get3A_801] {strides = array<i32>} : memref<128xi32, #tpu.memory_space<vmem>>, vector<16xi32>,
      %gather3A_803 = tpu.vector_load_idx %arg9[%get3A_800] : memref<10000xf32, #tpu.memory_space<vmem>>[vector<16xi32>], vector<16xf32>,
      %gather3A_804 = tpu.vector_load_idx %arg10[%get3A_802] : memref<10000xf32, #tpu.memory_space<vmem>>[vector<16xi32>], vector<16xf32>,
      %add3A_805 = arith.addf %gather3A_803, %gather3A_804 : vector<16xf32>
      %neg3A_806 = arith.constant 0.000000e+00 : f32
      %neg3A_807 = vector.broadcast %neg3A_806 : f32 to vector<16xf32>
      %neg3A_808 = arith.subf %neg3A_807, %add3A_805 : vector<16xf32>
      %exp3A_809 = math.exp %neg3A_808 : vector<16xf32>
      %add3A_810 = arith.constant 1.000000e+00 : f32
      %add3A_811 = vector.broadcast %add3A_810 : f32 to vector<16xf32>
      %add3A_812 = arith.addf %add3A_811, %exp3A_809 : vector<16xf32>
      %div3A_813 = arith.constant 1.000000e+00 : f32
      %div3A_814 = vector.broadcast %div3A_813 : f32 to vector<16xf32>
      %div3A_815 = arith.divf %div3A_814, %add3A_812 : vector<16xf32>
      %exp3A_816 = math.exp %div3A_815 : vector<16xf32>
      %add3A_817 = arith.constant 16 : i32
      %add3A_818 = arith.addi %add3A_774, %add3A_817 : i32
      %iota3A_819 = tpu.iota {dimensions = array<i32: 0>} : vector<16xi32>
      %add3A_820 = vector.broadcast %add3A_818 : i32 to vector<16xi32>
      %add3A_821 = arith.addi %add3A_820, %iota3A_819 : vector<16xi32>
      %lt3A_822 = arith.constant 320000 : i32
      %lt3A_823 = vector.broadcast %lt3A_822 : i32 to vector<16xi32>
      %lt3A_824 = arith.cmpi slt, %add3A_821, %lt3A_823 : vector<16xi32>
      %jit3A_825 = arith.constant 0.000000e+00 : f32
      %broadcast_in_dim3A_826 = vector.broadcast %jit3A_825 : f32 to vector<16xf32>
      %select_n3A_827 = arith.select %lt3A_824, %exp3A_816, %broadcast_in_dim3A_826 : vector<16xi1>, vector<16xf32>
      %swap3A_828 = arith.constant 16 : index
      %swap3A_829 = tpu.vector_load %arg13[%swap3A_828] {strides = array<i32>} : memref<128xf32, #tpu.memory_space<vmem>>, vector<16xf32>,
      tpu.vector_store %arg13[%swap3A_828], %select_n3A_827 {strides = array<i32>} : memref<128xf32, #tpu.memory_space<vmem>>, vector<16xf32>,
      %get3A_830 = arith.constant 32 : index
      %get3A_831 = tpu.vector_load %arg11[%get3A_830] {strides = array<i32>} : memref<128xi32, #tpu.memory_space<vmem>>, vector<16xi32>,
      %get3A_832 = arith.constant 32 : index
      %get3A_833 = tpu.vector_load %arg12[%get3A_832] {strides = array<i32>} : memref<128xi32, #tpu.memory_space<vmem>>, vector<16xi32>,
      %gather3A_834 = tpu.vector_load_idx %arg9[%get3A_831] : memref<10000xf32, #tpu.memory_space<vmem>>[vector<16xi32>], vector<16xf32>,
      %gather3A_835 = tpu.vector_load_idx %arg10[%get3A_833] : memref<10000xf32, #tpu.memory_space<vmem>>[vector<16xi32>], vector<16xf32>,
      %add3A_836 = arith.addf %gather3A_834, %gather3A_835 : vector<16xf32>
      %neg3A_837 = arith.constant 0.000000e+00 : f32
      %neg3A_838 = vector.broadcast %neg3A_837 : f32 to vector<16xf32>
      %neg3A_839 = arith.subf %neg3A_838, %add3A_836 : vector<16xf32>
      %exp3A_840 = math.exp %neg3A_839 : vector<16xf32>
      %add3A_841 = arith.constant 1.000000e+00 : f32
      %add3A_842 = vector.broadcast %add3A_841 : f32 to vector<16xf32>
      %add3A_843 = arith.addf %add3A_842, %exp3A_840 : vector<16xf32>
      %div3A_844 = arith.constant 1.000000e+00 : f32
      %div3A_845 = vector.broadcast %div3A_844 : f32 to vector<16xf32>
      %div3A_846 = arith.divf %div3A_845, %add3A_843 : vector<16xf32>
      %exp3A_847 = math.exp %div3A_846 : vector<16xf32>
      %add3A_848 = arith.constant 32 : i32
      %add3A_849 = arith.addi %add3A_774, %add3A_848 : i32
      %iota3A_850 = tpu.iota {dimensions = array<i32: 0>} : vector<16xi32>
      %add3A_851 = vector.broadcast %add3A_849 : i32 to vector<16xi32>
      %add3A_852 = arith.addi %add3A_851, %iota3A_850 : vector<16xi32>
      %lt3A_853 = arith.constant 320000 : i32
      %lt3A_854 = vector.broadcast %lt3A_853 : i32 to vector<16xi32>
      %lt3A_855 = arith.cmpi slt, %add3A_852, %lt3A_854 : vector<16xi32>
      %jit3A_856 = arith.constant 0.000000e+00 : f32
      %broadcast_in_dim3A_857 = vector.broadcast %jit3A_856 : f32 to vector<16xf32>
      %select_n3A_858 = arith.select %lt3A_855, %exp3A_847, %broadcast_in_dim3A_857 : vector<16xi1>, vector<16xf32>
      %swap3A_859 = arith.constant 32 : index
      %swap3A_860 = tpu.vector_load %arg13[%swap3A_859] {strides = array<i32>} : memref<128xf32, #tpu.memory_space<vmem>>, vector<16xf32>,
      tpu.vector_store %arg13[%swap3A_859], %select_n3A_858 {strides = array<i32>} : memref<128xf32, #tpu.memory_space<vmem>>, vector<16xf32>,
      %get3A_861 = arith.constant 48 : index
      %get3A_862 = tpu.vector_load %arg11[%get3A_861] {strides = array<i32>} : memref<128xi32, #tpu.memory_space<vmem>>, vector<16xi32>,
      %get3A_863 = arith.constant 48 : index
      %get3A_864 = tpu.vector_load %arg12[%get3A_863] {strides = array<i32>} : memref<128xi32, #tpu.memory_space<vmem>>, vector<16xi32>,
      %gather3A_865 = tpu.vector_load_idx %arg9[%get3A_862] : memref<10000xf32, #tpu.memory_space<vmem>>[vector<16xi32>], vector<16xf32>,
      %gather3A_866 = tpu.vector_load_idx %arg10[%get3A_864] : memref<10000xf32, #tpu.memory_space<vmem>>[vector<16xi32>], vector<16xf32>,
      %add3A_867 = arith.addf %gather3A_865, %gather3A_866 : vector<16xf32>
      %neg3A_868 = arith.constant 0.000000e+00 : f32
      %neg3A_869 = vector.broadcast %neg3A_868 : f32 to vector<16xf32>
      %neg3A_870 = arith.subf %neg3A_869, %add3A_867 : vector<16xf32>
      %exp3A_871 = math.exp %neg3A_870 : vector<16xf32>
      %add3A_872 = arith.constant 1.000000e+00 : f32
      %add3A_873 = vector.broadcast %add3A_872 : f32 to vector<16xf32>
      %add3A_874 = arith.addf %add3A_873, %exp3A_871 : vector<16xf32>
      %div3A_875 = arith.constant 1.000000e+00 : f32
      %div3A_876 = vector.broadcast %div3A_875 : f32 to vector<16xf32>
      %div3A_877 = arith.divf %div3A_876, %add3A_874 : vector<16xf32>
      %exp3A_878 = math.exp %div3A_877 : vector<16xf32>
      %add3A_879 = arith.constant 48 : i32
      %add3A_880 = arith.addi %add3A_774, %add3A_879 : i32
      %iota3A_881 = tpu.iota {dimensions = array<i32: 0>} : vector<16xi32>
      %add3A_882 = vector.broadcast %add3A_880 : i32 to vector<16xi32>
      %add3A_883 = arith.addi %add3A_882, %iota3A_881 : vector<16xi32>
      %lt3A_884 = arith.constant 320000 : i32
      %lt3A_885 = vector.broadcast %lt3A_884 : i32 to vector<16xi32>
      %lt3A_886 = arith.cmpi slt, %add3A_883, %lt3A_885 : vector<16xi32>
      %jit3A_887 = arith.constant 0.000000e+00 : f32
      %broadcast_in_dim3A_888 = vector.broadcast %jit3A_887 : f32 to vector<16xf32>
      %select_n3A_889 = arith.select %lt3A_886, %exp3A_878, %broadcast_in_dim3A_888 : vector<16xi1>, vector<16xf32>
      %swap3A_890 = arith.constant 48 : index
      %swap3A_891 = tpu.vector_load %arg13[%swap3A_890] {strides = array<i32>} : memref<128xf32, #tpu.memory_space<vmem>>, vector<16xf32>,
      tpu.vector_store %arg13[%swap3A_890], %select_n3A_889 {strides = array<i32>} : memref<128xf32, #tpu.memory_space<vmem>>, vector<16xf32>,
      %get3A_892 = arith.constant 64 : index
      %get3A_893 = tpu.vector_load %arg11[%get3A_892] {strides = array<i32>} : memref<128xi32, #tpu.memory_space<vmem>>, vector<16xi32>,
      %get3A_894 = arith.constant 64 : index
      %get3A_895 = tpu.vector_load %arg12[%get3A_894] {strides = array<i32>} : memref<128xi32, #tpu.memory_space<vmem>>, vector<16xi32>,
      %gather3A_896 = tpu.vector_load_idx %arg9[%get3A_893] : memref<10000xf32, #tpu.memory_space<vmem>>[vector<16xi32>], vector<16xf32>,
      %gather3A_897 = tpu.vector_load_idx %arg10[%get3A_895] : memref<10000xf32, #tpu.memory_space<vmem>>[vector<16xi32>], vector<16xf32>,
      %add3A_898 = arith.addf %gather3A_896, %gather3A_897 : vector<16xf32>
      %neg3A_899 = arith.constant 0.000000e+00 : f32
      %neg3A_900 = vector.broadcast %neg3A_899 : f32 to vector<16xf32>
      %neg3A_901 = arith.subf %neg3A_900, %add3A_898 : vector<16xf32>
      %exp3A_902 = math.exp %neg3A_901 : vector<16xf32>
      %add3A_903 = arith.constant 1.000000e+00 : f32
      %add3A_904 = vector.broadcast %add3A_903 : f32 to vector<16xf32>
      %add3A_905 = arith.addf %add3A_904, %exp3A_902 : vector<16xf32>
      %div3A_906 = arith.constant 1.000000e+00 : f32
      %div3A_907 = vector.broadcast %div3A_906 : f32 to vector<16xf32>
      %div3A_908 = arith.divf %div3A_907, %add3A_905 : vector<16xf32>
      %exp3A_909 = math.exp %div3A_908 : vector<16xf32>
      %add3A_910 = arith.constant 64 : i32
      %add3A_911 = arith.addi %add3A_774, %add3A_910 : i32
      %iota3A_912 = tpu.iota {dimensions = array<i32: 0>} : vector<16xi32>
      %add3A_913 = vector.broadcast %add3A_911 : i32 to vector<16xi32>
      %add3A_914 = arith.addi %add3A_913, %iota3A_912 : vector<16xi32>
      %lt3A_915 = arith.constant 320000 : i32
      %lt3A_916 = vector.broadcast %lt3A_915 : i32 to vector<16xi32>
      %lt3A_917 = arith.cmpi slt, %add3A_914, %lt3A_916 : vector<16xi32>
      %jit3A_918 = arith.constant 0.000000e+00 : f32
      %broadcast_in_dim3A_919 = vector.broadcast %jit3A_918 : f32 to vector<16xf32>
      %select_n3A_920 = arith.select %lt3A_917, %exp3A_909, %broadcast_in_dim3A_919 : vector<16xi1>, vector<16xf32>
      %swap3A_921 = arith.constant 64 : index
      %swap3A_922 = tpu.vector_load %arg13[%swap3A_921] {strides = array<i32>} : memref<128xf32, #tpu.memory_space<vmem>>, vector<16xf32>,
      tpu.vector_store %arg13[%swap3A_921], %select_n3A_920 {strides = array<i32>} : memref<128xf32, #tpu.memory_space<vmem>>, vector<16xf32>,
      %get3A_923 = arith.constant 80 : index
      %get3A_924 = tpu.vector_load %arg11[%get3A_923] {strides = array<i32>} : memref<128xi32, #tpu.memory_space<vmem>>, vector<16xi32>,
      %get3A_925 = arith.constant 80 : index
      %get3A_926 = tpu.vector_load %arg12[%get3A_925] {strides = array<i32>} : memref<128xi32, #tpu.memory_space<vmem>>, vector<16xi32>,
      %gather3A_927 = tpu.vector_load_idx %arg9[%get3A_924] : memref<10000xf32, #tpu.memory_space<vmem>>[vector<16xi32>], vector<16xf32>,
      %gather3A_928 = tpu.vector_load_idx %arg10[%get3A_926] : memref<10000xf32, #tpu.memory_space<vmem>>[vector<16xi32>], vector<16xf32>,
      %add3A_929 = arith.addf %gather3A_927, %gather3A_928 : vector<16xf32>
      %neg3A_930 = arith.constant 0.000000e+00 : f32
      %neg3A_931 = vector.broadcast %neg3A_930 : f32 to vector<16xf32>
      %neg3A_932 = arith.subf %neg3A_931, %add3A_929 : vector<16xf32>
      %exp3A_933 = math.exp %neg3A_932 : vector<16xf32>
      %add3A_934 = arith.constant 1.000000e+00 : f32
      %add3A_935 = vector.broadcast %add3A_934 : f32 to vector<16xf32>
      %add3A_936 = arith.addf %add3A_935, %exp3A_933 : vector<16xf32>
      %div3A_937 = arith.constant 1.000000e+00 : f32
      %div3A_938 = vector.broadcast %div3A_937 : f32 to vector<16xf32>
      %div3A_939 = arith.divf %div3A_938, %add3A_936 : vector<16xf32>
      %exp3A_940 = math.exp %div3A_939 : vector<16xf32>
      %add3A_941 = arith.constant 80 : i32
      %add3A_942 = arith.addi %add3A_774, %add3A_941 : i32
      %iota3A_943 = tpu.iota {dimensions = array<i32: 0>} : vector<16xi32>
      %add3A_944 = vector.broadcast %add3A_942 : i32 to vector<16xi32>
      %add3A_945 = arith.addi %add3A_944, %iota3A_943 : vector<16xi32>
      %lt3A_946 = arith.constant 320000 : i32
      %lt3A_947 = vector.broadcast %lt3A_946 : i32 to vector<16xi32>
      %lt3A_948 = arith.cmpi slt, %add3A_945, %lt3A_947 : vector<16xi32>
      %jit3A_949 = arith.constant 0.000000e+00 : f32
      %broadcast_in_dim3A_950 = vector.broadcast %jit3A_949 : f32 to vector<16xf32>
      %select_n3A_951 = arith.select %lt3A_948, %exp3A_940, %broadcast_in_dim3A_950 : vector<16xi1>, vector<16xf32>
      %swap3A_952 = arith.constant 80 : index
      %swap3A_953 = tpu.vector_load %arg13[%swap3A_952] {strides = array<i32>} : memref<128xf32, #tpu.memory_space<vmem>>, vector<16xf32>,
      tpu.vector_store %arg13[%swap3A_952], %select_n3A_951 {strides = array<i32>} : memref<128xf32, #tpu.memory_space<vmem>>, vector<16xf32>,
      %get3A_954 = arith.constant 96 : index
      %get3A_955 = tpu.vector_load %arg11[%get3A_954] {strides = array<i32>} : memref<128xi32, #tpu.memory_space<vmem>>, vector<16xi32>,
      %get3A_956 = arith.constant 96 : index
      %get3A_957 = tpu.vector_load %arg12[%get3A_956] {strides = array<i32>} : memref<128xi32, #tpu.memory_space<vmem>>, vector<16xi32>,
      %gather3A_958 = tpu.vector_load_idx %arg9[%get3A_955] : memref<10000xf32, #tpu.memory_space<vmem>>[vector<16xi32>], vector<16xf32>,
      %gather3A_959 = tpu.vector_load_idx %arg10[%get3A_957] : memref<10000xf32, #tpu.memory_space<vmem>>[vector<16xi32>], vector<16xf32>,
      %add3A_960 = arith.addf %gather3A_958, %gather3A_959 : vector<16xf32>
      %neg3A_961 = arith.constant 0.000000e+00 : f32
      %neg3A_962 = vector.broadcast %neg3A_961 : f32 to vector<16xf32>
      %neg3A_963 = arith.subf %neg3A_962, %add3A_960 : vector<16xf32>
      %exp3A_964 = math.exp %neg3A_963 : vector<16xf32>
      %add3A_965 = arith.constant 1.000000e+00 : f32
      %add3A_966 = vector.broadcast %add3A_965 : f32 to vector<16xf32>
      %add3A_967 = arith.addf %add3A_966, %exp3A_964 : vector<16xf32>
      %div3A_968 = arith.constant 1.000000e+00 : f32
      %div3A_969 = vector.broadcast %div3A_968 : f32 to vector<16xf32>
      %div3A_970 = arith.divf %div3A_969, %add3A_967 : vector<16xf32>
      %exp3A_971 = math.exp %div3A_970 : vector<16xf32>
      %add3A_972 = arith.constant 96 : i32
      %add3A_973 = arith.addi %add3A_774, %add3A_972 : i32
      %iota3A_974 = tpu.iota {dimensions = array<i32: 0>} : vector<16xi32>
      %add3A_975 = vector.broadcast %add3A_973 : i32 to vector<16xi32>
      %add3A_976 = arith.addi %add3A_975, %iota3A_974 : vector<16xi32>
      %lt3A_977 = arith.constant 320000 : i32
      %lt3A_978 = vector.broadcast %lt3A_977 : i32 to vector<16xi32>
      %lt3A_979 = arith.cmpi slt, %add3A_976, %lt3A_978 : vector<16xi32>
      %jit3A_980 = arith.constant 0.000000e+00 : f32
      %broadcast_in_dim3A_981 = vector.broadcast %jit3A_980 : f32 to vector<16xf32>
      %select_n3A_982 = arith.select %lt3A_979, %exp3A_971, %broadcast_in_dim3A_981 : vector<16xi1>, vector<16xf32>
      %swap3A_983 = arith.constant 96 : index
      %swap3A_984 = tpu.vector_load %arg13[%swap3A_983] {strides = array<i32>} : memref<128xf32, #tpu.memory_space<vmem>>, vector<16xf32>,
      tpu.vector_store %arg13[%swap3A_983], %select_n3A_982 {strides = array<i32>} : memref<128xf32, #tpu.memory_space<vmem>>, vector<16xf32>,
      %get3A_985 = arith.constant 112 : index
      %get3A_986 = tpu.vector_load %arg11[%get3A_985] {strides = array<i32>} : memref<128xi32, #tpu.memory_space<vmem>>, vector<16xi32>,
      %get3A_987 = arith.constant 112 : index
      %get3A_988 = tpu.vector_load %arg12[%get3A_987] {strides = array<i32>} : memref<128xi32, #tpu.memory_space<vmem>>, vector<16xi32>,
      %gather3A_989 = tpu.vector_load_idx %arg9[%get3A_986] : memref<10000xf32, #tpu.memory_space<vmem>>[vector<16xi32>], vector<16xf32>,
      %gather3A_990 = tpu.vector_load_idx %arg10[%get3A_988] : memref<10000xf32, #tpu.memory_space<vmem>>[vector<16xi32>], vector<16xf32>,
      %add3A_991 = arith.addf %gather3A_989, %gather3A_990 : vector<16xf32>
      %neg3A_992 = arith.constant 0.000000e+00 : f32
      %neg3A_993 = vector.broadcast %neg3A_992 : f32 to vector<16xf32>
      %neg3A_994 = arith.subf %neg3A_993, %add3A_991 : vector<16xf32>
      %exp3A_995 = math.exp %neg3A_994 : vector<16xf32>
      %add3A_996 = arith.constant 1.000000e+00 : f32
      %add3A_997 = vector.broadcast %add3A_996 : f32 to vector<16xf32>
      %add3A_998 = arith.addf %add3A_997, %exp3A_995 : vector<16xf32>
      %div3A_999 = arith.constant 1.000000e+00 : f32
      %div3A_1000 = vector.broadcast %div3A_999 : f32 to vector<16xf32>
      %div3A_1001 = arith.divf %div3A_1000, %add3A_998 : vector<16xf32>
      %exp3A_1002 = math.exp %div3A_1001 : vector<16xf32>
      %add3A_1003 = arith.constant 112 : i32
      %add3A_1004 = arith.addi %add3A_774, %add3A_1003 : i32
      %iota3A_1005 = tpu.iota {dimensions = array<i32: 0>} : vector<16xi32>
      %add3A_1006 = vector.broadcast %add3A_1004 : i32 to vector<16xi32>
      %add3A_1007 = arith.addi %add3A_1006, %iota3A_1005 : vector<16xi32>
      %lt3A_1008 = arith.constant 320000 : i32
      %lt3A_1009 = vector.broadcast %lt3A_1008 : i32 to vector<16xi32>
      %lt3A_1010 = arith.cmpi slt, %add3A_1007, %lt3A_1009 : vector<16xi32>
      %jit3A_1011 = arith.constant 0.000000e+00 : f32
      %broadcast_in_dim3A_1012 = vector.broadcast %jit3A_1011 : f32 to vector<16xf32>
      %select_n3A_1013 = arith.select %lt3A_1010, %exp3A_1002, %broadcast_in_dim3A_1012 : vector<16xi1>, vector<16xf32>
      %swap3A_1014 = arith.constant 112 : index
      %swap3A_1015 = tpu.vector_load %arg13[%swap3A_1014] {strides = array<i32>} : memref<128xf32, #tpu.memory_space<vmem>>, vector<16xf32>,
      tpu.vector_store %arg13[%swap3A_1014], %select_n3A_1013 {strides = array<i32>} : memref<128xf32, #tpu.memory_space<vmem>>, vector<16xf32>,
      %dma_wait3A = arith.constant 0 : i32
      %dma_wait3A_1016 = arith.constant 0 : i32
      %dma_wait3A_1017 = tpu.memref_slice %arg6[%dma_wait3A, %dma_wait3A_1016] : memref<10000x128xf32, #tpu.memory_space<hbm>> -> memref<10000x128xf32, #tpu.memory_space<hbm>>
      tpu.wait_indirect_dma semaphore(%arg19 : memref<!tpu.dma_semaphore, #tpu.memory_space<semaphore_mem>>) src(%dma_wait3A_1017 : memref<10000x128xf32, #tpu.memory_space<hbm>>) dst(%arg14 : memref<128x128xf32, #tpu.memory_space<vmem>>)
      %scan3A_1018 = arith.constant 0 : i32
      %scan3A_1019 = arith.constant 0 : i32
      %scan3A_1020 = arith.constant 8 : i32
      %scan3A_1021 = arith.addi %scan3A_1019, %scan3A_1020 : i32
      %scan3A_1022 = arith.constant 1 : i32
      %scan3A_1023 = scf.for %scan3A_1025 = %scan3A_1019 to %scan3A_1021 step %scan3A_1022 iter_args(%scan3A_1026 = %scan3A_1018) -> (i32)  : i32 {
        %mul3A_1027 = arith.constant 16 : i32
        %mul3A_1028 = arith.muli %scan3A_1025, %mul3A_1027 : i32
        %get3A_1029 = arith.index_cast %mul3A_1028 : i32 to index
        %get3A_1030 = tpu.vector_load %arg13[%get3A_1029] {strides = array<i32>} : memref<128xf32, #tpu.memory_space<vmem>>, vector<16xf32>,
        %slice3A = vector.extract_strided_slice %get3A_1030 {offsets = [0], sizes = [1], strides = [1]} : vector<16xf32> to vector<1xf32>
        %squeeze3A = vector.extract %slice3A[0] : f32 from vector<1xf32>
        %mul3A_1031 = arith.constant 16 : i32
        %mul3A_1032 = arith.muli %scan3A_1025, %mul3A_1031 : i32
        %add3A_1033 = arith.constant 0 : i32
        %add3A_1034 = arith.addi %mul3A_1032, %add3A_1033 : i32
        %get3A_1035 = arith.index_cast %add3A_1034 : i32 to index
        %get3A_1036 = arith.constant 0 : index
        %get3A_1037 = tpu.vector_load %arg14[%get3A_1035, %get3A_1036] {strides = array<i32>} : memref<128x128xf32, #tpu.memory_space<vmem>>, vector<16xf32>,
        %mul3A_1038 = vector.broadcast %squeeze3A : f32 to vector<16xf32>
        %mul3A_1039 = arith.mulf %get3A_1037, %mul3A_1038 : vector<16xf32>
        %swap3A_1040 = arith.index_cast %add3A_1034 : i32 to index
        %swap3A_1041 = arith.constant 0 : index
        %swap3A_1042 = tpu.vector_load %arg14[%swap3A_1040, %swap3A_1041] {strides = array<i32>} : memref<128x128xf32, #tpu.memory_space<vmem>>, vector<16xf32>,
        tpu.vector_store %arg14[%swap3A_1040, %swap3A_1041], %mul3A_1039 {strides = array<i32>} : memref<128x128xf32, #tpu.memory_space<vmem>>, vector<16xf32>,
        %get3A_1043 = arith.index_cast %add3A_1034 : i32 to index
        %get3A_1044 = arith.constant 16 : index
        %get3A_1045 = tpu.vector_load %arg14[%get3A_1043, %get3A_1044] {strides = array<i32>} : memref<128x128xf32, #tpu.memory_space<vmem>>, vector<16xf32>,
        %mul3A_1046 = vector.broadcast %squeeze3A : f32 to vector<16xf32>
        %mul3A_1047 = arith.mulf %get3A_1045, %mul3A_1046 : vector<16xf32>
        %swap3A_1048 = arith.index_cast %add3A_1034 : i32 to index
        %swap3A_1049 = arith.constant 16 : index
        %swap3A_1050 = tpu.vector_load %arg14[%swap3A_1048, %swap3A_1049] {strides = array<i32>} : memref<128x128xf32, #tpu.memory_space<vmem>>, vector<16xf32>,
        tpu.vector_store %arg14[%swap3A_1048, %swap3A_1049], %mul3A_1047 {strides = array<i32>} : memref<128x128xf32, #tpu.memory_space<vmem>>, vector<16xf32>,
        %get3A_1051 = arith.index_cast %add3A_1034 : i32 to index
        %get3A_1052 = arith.constant 32 : index
        %get3A_1053 = tpu.vector_load %arg14[%get3A_1051, %get3A_1052] {strides = array<i32>} : memref<128x128xf32, #tpu.memory_space<vmem>>, vector<16xf32>,
        %mul3A_1054 = vector.broadcast %squeeze3A : f32 to vector<16xf32>
        %mul3A_1055 = arith.mulf %get3A_1053, %mul3A_1054 : vector<16xf32>
        %swap3A_1056 = arith.index_cast %add3A_1034 : i32 to index
        %swap3A_1057 = arith.constant 32 : index
        %swap3A_1058 = tpu.vector_load %arg14[%swap3A_1056, %swap3A_1057] {strides = array<i32>} : memref<128x128xf32, #tpu.memory_space<vmem>>, vector<16xf32>,
        tpu.vector_store %arg14[%swap3A_1056, %swap3A_1057], %mul3A_1055 {strides = array<i32>} : memref<128x128xf32, #tpu.memory_space<vmem>>, vector<16xf32>,
        %get3A_1059 = arith.index_cast %add3A_1034 : i32 to index
        %get3A_1060 = arith.constant 48 : index
        %get3A_1061 = tpu.vector_load %arg14[%get3A_1059, %get3A_1060] {strides = array<i32>} : memref<128x128xf32, #tpu.memory_space<vmem>>, vector<16xf32>,
        %mul3A_1062 = vector.broadcast %squeeze3A : f32 to vector<16xf32>
        %mul3A_1063 = arith.mulf %get3A_1061, %mul3A_1062 : vector<16xf32>
        %swap3A_1064 = arith.index_cast %add3A_1034 : i32 to index
        %swap3A_1065 = arith.constant 48 : index
        %swap3A_1066 = tpu.vector_load %arg14[%swap3A_1064, %swap3A_1065] {strides = array<i32>} : memref<128x128xf32, #tpu.memory_space<vmem>>, vector<16xf32>,
        tpu.vector_store %arg14[%swap3A_1064, %swap3A_1065], %mul3A_1063 {strides = array<i32>} : memref<128x128xf32, #tpu.memory_space<vmem>>, vector<16xf32>,
        %get3A_1067 = arith.index_cast %add3A_1034 : i32 to index
        %get3A_1068 = arith.constant 64 : index
        %get3A_1069 = tpu.vector_load %arg14[%get3A_1067, %get3A_1068] {strides = array<i32>} : memref<128x128xf32, #tpu.memory_space<vmem>>, vector<16xf32>,
        %mul3A_1070 = vector.broadcast %squeeze3A : f32 to vector<16xf32>
        %mul3A_1071 = arith.mulf %get3A_1069, %mul3A_1070 : vector<16xf32>
        %swap3A_1072 = arith.index_cast %add3A_1034 : i32 to index
        %swap3A_1073 = arith.constant 64 : index
        %swap3A_1074 = tpu.vector_load %arg14[%swap3A_1072, %swap3A_1073] {strides = array<i32>} : memref<128x128xf32, #tpu.memory_space<vmem>>, vector<16xf32>,
        tpu.vector_store %arg14[%swap3A_1072, %swap3A_1073], %mul3A_1071 {strides = array<i32>} : memref<128x128xf32, #tpu.memory_space<vmem>>, vector<16xf32>,
        %get3A_1075 = arith.index_cast %add3A_1034 : i32 to index
        %get3A_1076 = arith.constant 80 : index
        %get3A_1077 = tpu.vector_load %arg14[%get3A_1075, %get3A_1076] {strides = array<i32>} : memref<128x128xf32, #tpu.memory_space<vmem>>, vector<16xf32>,
        %mul3A_1078 = vector.broadcast %squeeze3A : f32 to vector<16xf32>
        %mul3A_1079 = arith.mulf %get3A_1077, %mul3A_1078 : vector<16xf32>
        %swap3A_1080 = arith.index_cast %add3A_1034 : i32 to index
        %swap3A_1081 = arith.constant 80 : index
        %swap3A_1082 = tpu.vector_load %arg14[%swap3A_1080, %swap3A_1081] {strides = array<i32>} : memref<128x128xf32, #tpu.memory_space<vmem>>, vector<16xf32>,
        tpu.vector_store %arg14[%swap3A_1080, %swap3A_1081], %mul3A_1079 {strides = array<i32>} : memref<128x128xf32, #tpu.memory_space<vmem>>, vector<16xf32>,
        %get3A_1083 = arith.index_cast %add3A_1034 : i32 to index
        %get3A_1084 = arith.constant 96 : index
        %get3A_1085 = tpu.vector_load %arg14[%get3A_1083, %get3A_1084] {strides = array<i32>} : memref<128x128xf32, #tpu.memory_space<vmem>>, vector<16xf32>,
        %mul3A_1086 = vector.broadcast %squeeze3A : f32 to vector<16xf32>
        %mul3A_1087 = arith.mulf %get3A_1085, %mul3A_1086 : vector<16xf32>
        %swap3A_1088 = arith.index_cast %add3A_1034 : i32 to index
        %swap3A_1089 = arith.constant 96 : index
        %swap3A_1090 = tpu.vector_load %arg14[%swap3A_1088, %swap3A_1089] {strides = array<i32>} : memref<128x128xf32, #tpu.memory_space<vmem>>, vector<16xf32>,
        tpu.vector_store %arg14[%swap3A_1088, %swap3A_1089], %mul3A_1087 {strides = array<i32>} : memref<128x128xf32, #tpu.memory_space<vmem>>, vector<16xf32>,
        %get3A_1091 = arith.index_cast %add3A_1034 : i32 to index
        %get3A_1092 = arith.constant 112 : index
        %get3A_1093 = tpu.vector_load %arg14[%get3A_1091, %get3A_1092] {strides = array<i32>} : memref<128x128xf32, #tpu.memory_space<vmem>>, vector<16xf32>,
        %mul3A_1094 = vector.broadcast %squeeze3A : f32 to vector<16xf32>
        %mul3A_1095 = arith.mulf %get3A_1093, %mul3A_1094 : vector<16xf32>
        %swap3A_1096 = arith.index_cast %add3A_1034 : i32 to index
        %swap3A_1097 = arith.constant 112 : index
        %swap3A_1098 = tpu.vector_load %arg14[%swap3A_1096, %swap3A_1097] {strides = array<i32>} : memref<128x128xf32, #tpu.memory_space<vmem>>, vector<16xf32>,
        tpu.vector_store %arg14[%swap3A_1096, %swap3A_1097], %mul3A_1095 {strides = array<i32>} : memref<128x128xf32, #tpu.memory_space<vmem>>, vector<16xf32>,
        %slice3A_1099 = vector.extract_strided_slice %get3A_1030 {offsets = [1], sizes = [1], strides = [1]} : vector<16xf32> to vector<1xf32>
        %squeeze3A_1100 = vector.extract %slice3A_1099[0] : f32 from vector<1xf32>
        %mul3A_1101 = arith.constant 16 : i32
        %mul3A_1102 = arith.muli %scan3A_1025, %mul3A_1101 : i32
        %add3A_1103 = arith.constant 1 : i32
        %add3A_1104 = arith.addi %mul3A_1102, %add3A_1103 : i32
        %get3A_1105 = arith.index_cast %add3A_1104 : i32 to index
        %get3A_1106 = arith.constant 0 : index
        %get3A_1107 = tpu.vector_load %arg14[%get3A_1105, %get3A_1106] {strides = array<i32>} : memref<128x128xf32, #tpu.memory_space<vmem>>, vector<16xf32>,
        %mul3A_1108 = vector.broadcast %squeeze3A_1100 : f32 to vector<16xf32>
        %mul3A_1109 = arith.mulf %get3A_1107, %mul3A_1108 : vector<16xf32>
        %swap3A_1110 = arith.index_cast %add3A_1104 : i32 to index
        %swap3A_1111 = arith.constant 0 : index
        %swap3A_1112 = tpu.vector_load %arg14[%swap3A_1110, %swap3A_1111] {strides = array<i32>} : memref<128x128xf32, #tpu.memory_space<vmem>>, vector<16xf32>,
        tpu.vector_store %arg14[%swap3A_1110, %swap3A_1111], %mul3A_1109 {strides = array<i32>} : memref<128x128xf32, #tpu.memory_space<vmem>>, vector<16xf32>,
        %get3A_1113 = arith.index_cast %add3A_1104 : i32 to index
        %get3A_1114 = arith.constant 16 : index
        %get3A_1115 = tpu.vector_load %arg14[%get3A_1113, %get3A_1114] {strides = array<i32>} : memref<128x128xf32, #tpu.memory_space<vmem>>, vector<16xf32>,
        %mul3A_1116 = vector.broadcast %squeeze3A_1100 : f32 to vector<16xf32>
        %mul3A_1117 = arith.mulf %get3A_1115, %mul3A_1116 : vector<16xf32>
        %swap3A_1118 = arith.index_cast %add3A_1104 : i32 to index
        %swap3A_1119 = arith.constant 16 : index
        %swap3A_1120 = tpu.vector_load %arg14[%swap3A_1118, %swap3A_1119] {strides = array<i32>} : memref<128x128xf32, #tpu.memory_space<vmem>>, vector<16xf32>,
        tpu.vector_store %arg14[%swap3A_1118, %swap3A_1119], %mul3A_1117 {strides = array<i32>} : memref<128x128xf32, #tpu.memory_space<vmem>>, vector<16xf32>,
        %get3A_1121 = arith.index_cast %add3A_1104 : i32 to index
        %get3A_1122 = arith.constant 32 : index
        %get3A_1123 = tpu.vector_load %arg14[%get3A_1121, %get3A_1122] {strides = array<i32>} : memref<128x128xf32, #tpu.memory_space<vmem>>, vector<16xf32>,
        %mul3A_1124 = vector.broadcast %squeeze3A_1100 : f32 to vector<16xf32>
        %mul3A_1125 = arith.mulf %get3A_1123, %mul3A_1124 : vector<16xf32>
        %swap3A_1126 = arith.index_cast %add3A_1104 : i32 to index
        %swap3A_1127 = arith.constant 32 : index
        %swap3A_1128 = tpu.vector_load %arg14[%swap3A_1126, %swap3A_1127] {strides = array<i32>} : memref<128x128xf32, #tpu.memory_space<vmem>>, vector<16xf32>,
        tpu.vector_store %arg14[%swap3A_1126, %swap3A_1127], %mul3A_1125 {strides = array<i32>} : memref<128x128xf32, #tpu.memory_space<vmem>>, vector<16xf32>,
        %get3A_1129 = arith.index_cast %add3A_1104 : i32 to index
        %get3A_1130 = arith.constant 48 : index
        %get3A_1131 = tpu.vector_load %arg14[%get3A_1129, %get3A_1130] {strides = array<i32>} : memref<128x128xf32, #tpu.memory_space<vmem>>, vector<16xf32>,
        %mul3A_1132 = vector.broadcast %squeeze3A_1100 : f32 to vector<16xf32>
        %mul3A_1133 = arith.mulf %get3A_1131, %mul3A_1132 : vector<16xf32>
        %swap3A_1134 = arith.index_cast %add3A_1104 : i32 to index
        %swap3A_1135 = arith.constant 48 : index
        %swap3A_1136 = tpu.vector_load %arg14[%swap3A_1134, %swap3A_1135] {strides = array<i32>} : memref<128x128xf32, #tpu.memory_space<vmem>>, vector<16xf32>,
        tpu.vector_store %arg14[%swap3A_1134, %swap3A_1135], %mul3A_1133 {strides = array<i32>} : memref<128x128xf32, #tpu.memory_space<vmem>>, vector<16xf32>,
        %get3A_1137 = arith.index_cast %add3A_1104 : i32 to index
        %get3A_1138 = arith.constant 64 : index
        %get3A_1139 = tpu.vector_load %arg14[%get3A_1137, %get3A_1138] {strides = array<i32>} : memref<128x128xf32, #tpu.memory_space<vmem>>, vector<16xf32>,
        %mul3A_1140 = vector.broadcast %squeeze3A_1100 : f32 to vector<16xf32>
        %mul3A_1141 = arith.mulf %get3A_1139, %mul3A_1140 : vector<16xf32>
        %swap3A_1142 = arith.index_cast %add3A_1104 : i32 to index
        %swap3A_1143 = arith.constant 64 : index
        %swap3A_1144 = tpu.vector_load %arg14[%swap3A_1142, %swap3A_1143] {strides = array<i32>} : memref<128x128xf32, #tpu.memory_space<vmem>>, vector<16xf32>,
        tpu.vector_store %arg14[%swap3A_1142, %swap3A_1143], %mul3A_1141 {strides = array<i32>} : memref<128x128xf32, #tpu.memory_space<vmem>>, vector<16xf32>,
        %get3A_1145 = arith.index_cast %add3A_1104 : i32 to index
        %get3A_1146 = arith.constant 80 : index
        %get3A_1147 = tpu.vector_load %arg14[%get3A_1145, %get3A_1146] {strides = array<i32>} : memref<128x128xf32, #tpu.memory_space<vmem>>, vector<16xf32>,
        %mul3A_1148 = vector.broadcast %squeeze3A_1100 : f32 to vector<16xf32>
        %mul3A_1149 = arith.mulf %get3A_1147, %mul3A_1148 : vector<16xf32>
        %swap3A_1150 = arith.index_cast %add3A_1104 : i32 to index
        %swap3A_1151 = arith.constant 80 : index
        %swap3A_1152 = tpu.vector_load %arg14[%swap3A_1150, %swap3A_1151] {strides = array<i32>} : memref<128x128xf32, #tpu.memory_space<vmem>>, vector<16xf32>,
        tpu.vector_store %arg14[%swap3A_1150, %swap3A_1151], %mul3A_1149 {strides = array<i32>} : memref<128x128xf32, #tpu.memory_space<vmem>>, vector<16xf32>,
        %get3A_1153 = arith.index_cast %add3A_1104 : i32 to index
        %get3A_1154 = arith.constant 96 : index
        %get3A_1155 = tpu.vector_load %arg14[%get3A_1153, %get3A_1154] {strides = array<i32>} : memref<128x128xf32, #tpu.memory_space<vmem>>, vector<16xf32>,
        %mul3A_1156 = vector.broadcast %squeeze3A_1100 : f32 to vector<16xf32>
        %mul3A_1157 = arith.mulf %get3A_1155, %mul3A_1156 : vector<16xf32>
        %swap3A_1158 = arith.index_cast %add3A_1104 : i32 to index
        %swap3A_1159 = arith.constant 96 : index
        %swap3A_1160 = tpu.vector_load %arg14[%swap3A_1158, %swap3A_1159] {strides = array<i32>} : memref<128x128xf32, #tpu.memory_space<vmem>>, vector<16xf32>,
        tpu.vector_store %arg14[%swap3A_1158, %swap3A_1159], %mul3A_1157 {strides = array<i32>} : memref<128x128xf32, #tpu.memory_space<vmem>>, vector<16xf32>,
        %get3A_1161 = arith.index_cast %add3A_1104 : i32 to index
        %get3A_1162 = arith.constant 112 : index
        %get3A_1163 = tpu.vector_load %arg14[%get3A_1161, %get3A_1162] {strides = array<i32>} : memref<128x128xf32, #tpu.memory_space<vmem>>, vector<16xf32>,
        %mul3A_1164 = vector.broadcast %squeeze3A_1100 : f32 to vector<16xf32>
        %mul3A_1165 = arith.mulf %get3A_1163, %mul3A_1164 : vector<16xf32>
        %swap3A_1166 = arith.index_cast %add3A_1104 : i32 to index
        %swap3A_1167 = arith.constant 112 : index
        %swap3A_1168 = tpu.vector_load %arg14[%swap3A_1166, %swap3A_1167] {strides = array<i32>} : memref<128x128xf32, #tpu.memory_space<vmem>>, vector<16xf32>,
        tpu.vector_store %arg14[%swap3A_1166, %swap3A_1167], %mul3A_1165 {strides = array<i32>} : memref<128x128xf32, #tpu.memory_space<vmem>>, vector<16xf32>,
        %slice3A_1169 = vector.extract_strided_slice %get3A_1030 {offsets = [2], sizes = [1], strides = [1]} : vector<16xf32> to vector<1xf32>
        %squeeze3A_1170 = vector.extract %slice3A_1169[0] : f32 from vector<1xf32>
        %mul3A_1171 = arith.constant 16 : i32
        %mul3A_1172 = arith.muli %scan3A_1025, %mul3A_1171 : i32
        %add3A_1173 = arith.constant 2 : i32
        %add3A_1174 = arith.addi %mul3A_1172, %add3A_1173 : i32
        %get3A_1175 = arith.index_cast %add3A_1174 : i32 to index
        %get3A_1176 = arith.constant 0 : index
        %get3A_1177 = tpu.vector_load %arg14[%get3A_1175, %get3A_1176] {strides = array<i32>} : memref<128x128xf32, #tpu.memory_space<vmem>>, vector<16xf32>,
        %mul3A_1178 = vector.broadcast %squeeze3A_1170 : f32 to vector<16xf32>
        %mul3A_1179 = arith.mulf %get3A_1177, %mul3A_1178 : vector<16xf32>
        %swap3A_1180 = arith.index_cast %add3A_1174 : i32 to index
        %swap3A_1181 = arith.constant 0 : index
        %swap3A_1182 = tpu.vector_load %arg14[%swap3A_1180, %swap3A_1181] {strides = array<i32>} : memref<128x128xf32, #tpu.memory_space<vmem>>, vector<16xf32>,
        tpu.vector_store %arg14[%swap3A_1180, %swap3A_1181], %mul3A_1179 {strides = array<i32>} : memref<128x128xf32, #tpu.memory_space<vmem>>, vector<16xf32>,
        %get3A_1183 = arith.index_cast %add3A_1174 : i32 to index
        %get3A_1184 = arith.constant 16 : index
        %get3A_1185 = tpu.vector_load %arg14[%get3A_1183, %get3A_1184] {strides = array<i32>} : memref<128x128xf32, #tpu.memory_space<vmem>>, vector<16xf32>,
        %mul3A_1186 = vector.broadcast %squeeze3A_1170 : f32 to vector<16xf32>
        %mul3A_1187 = arith.mulf %get3A_1185, %mul3A_1186 : vector<16xf32>
        %swap3A_1188 = arith.index_cast %add3A_1174 : i32 to index
        %swap3A_1189 = arith.constant 16 : index
        %swap3A_1190 = tpu.vector_load %arg14[%swap3A_1188, %swap3A_1189] {strides = array<i32>} : memref<128x128xf32, #tpu.memory_space<vmem>>, vector<16xf32>,
        tpu.vector_store %arg14[%swap3A_1188, %swap3A_1189], %mul3A_1187 {strides = array<i32>} : memref<128x128xf32, #tpu.memory_space<vmem>>, vector<16xf32>,
        %get3A_1191 = arith.index_cast %add3A_1174 : i32 to index
        %get3A_1192 = arith.constant 32 : index
        %get3A_1193 = tpu.vector_load %arg14[%get3A_1191, %get3A_1192] {strides = array<i32>} : memref<128x128xf32, #tpu.memory_space<vmem>>, vector<16xf32>,
        %mul3A_1194 = vector.broadcast %squeeze3A_1170 : f32 to vector<16xf32>
        %mul3A_1195 = arith.mulf %get3A_1193, %mul3A_1194 : vector<16xf32>
        %swap3A_1196 = arith.index_cast %add3A_1174 : i32 to index
        %swap3A_1197 = arith.constant 32 : index
        %swap3A_1198 = tpu.vector_load %arg14[%swap3A_1196, %swap3A_1197] {strides = array<i32>} : memref<128x128xf32, #tpu.memory_space<vmem>>, vector<16xf32>,
        tpu.vector_store %arg14[%swap3A_1196, %swap3A_1197], %mul3A_1195 {strides = array<i32>} : memref<128x128xf32, #tpu.memory_space<vmem>>, vector<16xf32>,
        %get3A_1199 = arith.index_cast %add3A_1174 : i32 to index
        %get3A_1200 = arith.constant 48 : index
        %get3A_1201 = tpu.vector_load %arg14[%get3A_1199, %get3A_1200] {strides = array<i32>} : memref<128x128xf32, #tpu.memory_space<vmem>>, vector<16xf32>,
        %mul3A_1202 = vector.broadcast %squeeze3A_1170 : f32 to vector<16xf32>
        %mul3A_1203 = arith.mulf %get3A_1201, %mul3A_1202 : vector<16xf32>
        %swap3A_1204 = arith.index_cast %add3A_1174 : i32 to index
        %swap3A_1205 = arith.constant 48 : index
        %swap3A_1206 = tpu.vector_load %arg14[%swap3A_1204, %swap3A_1205] {strides = array<i32>} : memref<128x128xf32, #tpu.memory_space<vmem>>, vector<16xf32>,
        tpu.vector_store %arg14[%swap3A_1204, %swap3A_1205], %mul3A_1203 {strides = array<i32>} : memref<128x128xf32, #tpu.memory_space<vmem>>, vector<16xf32>,
        %get3A_1207 = arith.index_cast %add3A_1174 : i32 to index
        %get3A_1208 = arith.constant 64 : index
        %get3A_1209 = tpu.vector_load %arg14[%get3A_1207, %get3A_1208] {strides = array<i32>} : memref<128x128xf32, #tpu.memory_space<vmem>>, vector<16xf32>,
        %mul3A_1210 = vector.broadcast %squeeze3A_1170 : f32 to vector<16xf32>
        %mul3A_1211 = arith.mulf %get3A_1209, %mul3A_1210 : vector<16xf32>
        %swap3A_1212 = arith.index_cast %add3A_1174 : i32 to index
        %swap3A_1213 = arith.constant 64 : index
        %swap3A_1214 = tpu.vector_load %arg14[%swap3A_1212, %swap3A_1213] {strides = array<i32>} : memref<128x128xf32, #tpu.memory_space<vmem>>, vector<16xf32>,
        tpu.vector_store %arg14[%swap3A_1212, %swap3A_1213], %mul3A_1211 {strides = array<i32>} : memref<128x128xf32, #tpu.memory_space<vmem>>, vector<16xf32>,
        %get3A_1215 = arith.index_cast %add3A_1174 : i32 to index
        %get3A_1216 = arith.constant 80 : index
        %get3A_1217 = tpu.vector_load %arg14[%get3A_1215, %get3A_1216] {strides = array<i32>} : memref<128x128xf32, #tpu.memory_space<vmem>>, vector<16xf32>,
        %mul3A_1218 = vector.broadcast %squeeze3A_1170 : f32 to vector<16xf32>
        %mul3A_1219 = arith.mulf %get3A_1217, %mul3A_1218 : vector<16xf32>
        %swap3A_1220 = arith.index_cast %add3A_1174 : i32 to index
        %swap3A_1221 = arith.constant 80 : index
        %swap3A_1222 = tpu.vector_load %arg14[%swap3A_1220, %swap3A_1221] {strides = array<i32>} : memref<128x128xf32, #tpu.memory_space<vmem>>, vector<16xf32>,
        tpu.vector_store %arg14[%swap3A_1220, %swap3A_1221], %mul3A_1219 {strides = array<i32>} : memref<128x128xf32, #tpu.memory_space<vmem>>, vector<16xf32>,
        %get3A_1223 = arith.index_cast %add3A_1174 : i32 to index
        %get3A_1224 = arith.constant 96 : index
        %get3A_1225 = tpu.vector_load %arg14[%get3A_1223, %get3A_1224] {strides = array<i32>} : memref<128x128xf32, #tpu.memory_space<vmem>>, vector<16xf32>,
        %mul3A_1226 = vector.broadcast %squeeze3A_1170 : f32 to vector<16xf32>
        %mul3A_1227 = arith.mulf %get3A_1225, %mul3A_1226 : vector<16xf32>
        %swap3A_1228 = arith.index_cast %add3A_1174 : i32 to index
        %swap3A_1229 = arith.constant 96 : index
        %swap3A_1230 = tpu.vector_load %arg14[%swap3A_1228, %swap3A_1229] {strides = array<i32>} : memref<128x128xf32, #tpu.memory_space<vmem>>, vector<16xf32>,
        tpu.vector_store %arg14[%swap3A_1228, %swap3A_1229], %mul3A_1227 {strides = array<i32>} : memref<128x128xf32, #tpu.memory_space<vmem>>, vector<16xf32>,
        %get3A_1231 = arith.index_cast %add3A_1174 : i32 to index
        %get3A_1232 = arith.constant 112 : index
        %get3A_1233 = tpu.vector_load %arg14[%get3A_1231, %get3A_1232] {strides = array<i32>} : memref<128x128xf32, #tpu.memory_space<vmem>>, vector<16xf32>,
        %mul3A_1234 = vector.broadcast %squeeze3A_1170 : f32 to vector<16xf32>
        %mul3A_1235 = arith.mulf %get3A_1233, %mul3A_1234 : vector<16xf32>
        %swap3A_1236 = arith.index_cast %add3A_1174 : i32 to index
        %swap3A_1237 = arith.constant 112 : index
        %swap3A_1238 = tpu.vector_load %arg14[%swap3A_1236, %swap3A_1237] {strides = array<i32>} : memref<128x128xf32, #tpu.memory_space<vmem>>, vector<16xf32>,
        tpu.vector_store %arg14[%swap3A_1236, %swap3A_1237], %mul3A_1235 {strides = array<i32>} : memref<128x128xf32, #tpu.memory_space<vmem>>, vector<16xf32>,
        %slice3A_1239 = vector.extract_strided_slice %get3A_1030 {offsets = [3], sizes = [1], strides = [1]} : vector<16xf32> to vector<1xf32>
        %squeeze3A_1240 = vector.extract %slice3A_1239[0] : f32 from vector<1xf32>
        %mul3A_1241 = arith.constant 16 : i32
        %mul3A_1242 = arith.muli %scan3A_1025, %mul3A_1241 : i32
        %add3A_1243 = arith.constant 3 : i32
        %add3A_1244 = arith.addi %mul3A_1242, %add3A_1243 : i32
        %get3A_1245 = arith.index_cast %add3A_1244 : i32 to index
        %get3A_1246 = arith.constant 0 : index
        %get3A_1247 = tpu.vector_load %arg14[%get3A_1245, %get3A_1246] {strides = array<i32>} : memref<128x128xf32, #tpu.memory_space<vmem>>, vector<16xf32>,
        %mul3A_1248 = vector.broadcast %squeeze3A_1240 : f32 to vector<16xf32>
        %mul3A_1249 = arith.mulf %get3A_1247, %mul3A_1248 : vector<16xf32>
        %swap3A_1250 = arith.index_cast %add3A_1244 : i32 to index
        %swap3A_1251 = arith.constant 0 : index
        %swap3A_1252 = tpu.vector_load %arg14[%swap3A_1250, %swap3A_1251] {strides = array<i32>} : memref<128x128xf32, #tpu.memory_space<vmem>>, vector<16xf32>,
        tpu.vector_store %arg14[%swap3A_1250, %swap3A_1251], %mul3A_1249 {strides = array<i32>} : memref<128x128xf32, #tpu.memory_space<vmem>>, vector<16xf32>,
        %get3A_1253 = arith.index_cast %add3A_1244 : i32 to index
        %get3A_1254 = arith.constant 16 : index
        %get3A_1255 = tpu.vector_load %arg14[%get3A_1253, %get3A_1254] {strides = array<i32>} : memref<128x128xf32, #tpu.memory_space<vmem>>, vector<16xf32>,
        %mul3A_1256 = vector.broadcast %squeeze3A_1240 : f32 to vector<16xf32>
        %mul3A_1257 = arith.mulf %get3A_1255, %mul3A_1256 : vector<16xf32>
        %swap3A_1258 = arith.index_cast %add3A_1244 : i32 to index
        %swap3A_1259 = arith.constant 16 : index
        %swap3A_1260 = tpu.vector_load %arg14[%swap3A_1258, %swap3A_1259] {strides = array<i32>} : memref<128x128xf32, #tpu.memory_space<vmem>>, vector<16xf32>,
        tpu.vector_store %arg14[%swap3A_1258, %swap3A_1259], %mul3A_1257 {strides = array<i32>} : memref<128x128xf32, #tpu.memory_space<vmem>>, vector<16xf32>,
        %get3A_1261 = arith.index_cast %add3A_1244 : i32 to index
        %get3A_1262 = arith.constant 32 : index
        %get3A_1263 = tpu.vector_load %arg14[%get3A_1261, %get3A_1262] {strides = array<i32>} : memref<128x128xf32, #tpu.memory_space<vmem>>, vector<16xf32>,
        %mul3A_1264 = vector.broadcast %squeeze3A_1240 : f32 to vector<16xf32>
        %mul3A_1265 = arith.mulf %get3A_1263, %mul3A_1264 : vector<16xf32>
        %swap3A_1266 = arith.index_cast %add3A_1244 : i32 to index
        %swap3A_1267 = arith.constant 32 : index
        %swap3A_1268 = tpu.vector_load %arg14[%swap3A_1266, %swap3A_1267] {strides = array<i32>} : memref<128x128xf32, #tpu.memory_space<vmem>>, vector<16xf32>,
        tpu.vector_store %arg14[%swap3A_1266, %swap3A_1267], %mul3A_1265 {strides = array<i32>} : memref<128x128xf32, #tpu.memory_space<vmem>>, vector<16xf32>,
        %get3A_1269 = arith.index_cast %add3A_1244 : i32 to index
        %get3A_1270 = arith.constant 48 : index
        %get3A_1271 = tpu.vector_load %arg14[%get3A_1269, %get3A_1270] {strides = array<i32>} : memref<128x128xf32, #tpu.memory_space<vmem>>, vector<16xf32>,
        %mul3A_1272 = vector.broadcast %squeeze3A_1240 : f32 to vector<16xf32>
        %mul3A_1273 = arith.mulf %get3A_1271, %mul3A_1272 : vector<16xf32>
        %swap3A_1274 = arith.index_cast %add3A_1244 : i32 to index
        %swap3A_1275 = arith.constant 48 : index
        %swap3A_1276 = tpu.vector_load %arg14[%swap3A_1274, %swap3A_1275] {strides = array<i32>} : memref<128x128xf32, #tpu.memory_space<vmem>>, vector<16xf32>,
        tpu.vector_store %arg14[%swap3A_1274, %swap3A_1275], %mul3A_1273 {strides = array<i32>} : memref<128x128xf32, #tpu.memory_space<vmem>>, vector<16xf32>,
        %get3A_1277 = arith.index_cast %add3A_1244 : i32 to index
        %get3A_1278 = arith.constant 64 : index
        %get3A_1279 = tpu.vector_load %arg14[%get3A_1277, %get3A_1278] {strides = array<i32>} : memref<128x128xf32, #tpu.memory_space<vmem>>, vector<16xf32>,
        %mul3A_1280 = vector.broadcast %squeeze3A_1240 : f32 to vector<16xf32>
        %mul3A_1281 = arith.mulf %get3A_1279, %mul3A_1280 : vector<16xf32>
        %swap3A_1282 = arith.index_cast %add3A_1244 : i32 to index
        %swap3A_1283 = arith.constant 64 : index
        %swap3A_1284 = tpu.vector_load %arg14[%swap3A_1282, %swap3A_1283] {strides = array<i32>} : memref<128x128xf32, #tpu.memory_space<vmem>>, vector<16xf32>,
        tpu.vector_store %arg14[%swap3A_1282, %swap3A_1283], %mul3A_1281 {strides = array<i32>} : memref<128x128xf32, #tpu.memory_space<vmem>>, vector<16xf32>,
        %get3A_1285 = arith.index_cast %add3A_1244 : i32 to index
        %get3A_1286 = arith.constant 80 : index
        %get3A_1287 = tpu.vector_load %arg14[%get3A_1285, %get3A_1286] {strides = array<i32>} : memref<128x128xf32, #tpu.memory_space<vmem>>, vector<16xf32>,
        %mul3A_1288 = vector.broadcast %squeeze3A_1240 : f32 to vector<16xf32>
        %mul3A_1289 = arith.mulf %get3A_1287, %mul3A_1288 : vector<16xf32>
        %swap3A_1290 = arith.index_cast %add3A_1244 : i32 to index
        %swap3A_1291 = arith.constant 80 : index
        %swap3A_1292 = tpu.vector_load %arg14[%swap3A_1290, %swap3A_1291] {strides = array<i32>} : memref<128x128xf32, #tpu.memory_space<vmem>>, vector<16xf32>,
        tpu.vector_store %arg14[%swap3A_1290, %swap3A_1291], %mul3A_1289 {strides = array<i32>} : memref<128x128xf32, #tpu.memory_space<vmem>>, vector<16xf32>,
        %get3A_1293 = arith.index_cast %add3A_1244 : i32 to index
        %get3A_1294 = arith.constant 96 : index
        %get3A_1295 = tpu.vector_load %arg14[%get3A_1293, %get3A_1294] {strides = array<i32>} : memref<128x128xf32, #tpu.memory_space<vmem>>, vector<16xf32>,
        %mul3A_1296 = vector.broadcast %squeeze3A_1240 : f32 to vector<16xf32>
        %mul3A_1297 = arith.mulf %get3A_1295, %mul3A_1296 : vector<16xf32>
        %swap3A_1298 = arith.index_cast %add3A_1244 : i32 to index
        %swap3A_1299 = arith.constant 96 : index
        %swap3A_1300 = tpu.vector_load %arg14[%swap3A_1298, %swap3A_1299] {strides = array<i32>} : memref<128x128xf32, #tpu.memory_space<vmem>>, vector<16xf32>,
        tpu.vector_store %arg14[%swap3A_1298, %swap3A_1299], %mul3A_1297 {strides = array<i32>} : memref<128x128xf32, #tpu.memory_space<vmem>>, vector<16xf32>,
        %get3A_1301 = arith.index_cast %add3A_1244 : i32 to index
        %get3A_1302 = arith.constant 112 : index
        %get3A_1303 = tpu.vector_load %arg14[%get3A_1301, %get3A_1302] {strides = array<i32>} : memref<128x128xf32, #tpu.memory_space<vmem>>, vector<16xf32>,
        %mul3A_1304 = vector.broadcast %squeeze3A_1240 : f32 to vector<16xf32>
        %mul3A_1305 = arith.mulf %get3A_1303, %mul3A_1304 : vector<16xf32>
        %swap3A_1306 = arith.index_cast %add3A_1244 : i32 to index
        %swap3A_1307 = arith.constant 112 : index
        %swap3A_1308 = tpu.vector_load %arg14[%swap3A_1306, %swap3A_1307] {strides = array<i32>} : memref<128x128xf32, #tpu.memory_space<vmem>>, vector<16xf32>,
        tpu.vector_store %arg14[%swap3A_1306, %swap3A_1307], %mul3A_1305 {strides = array<i32>} : memref<128x128xf32, #tpu.memory_space<vmem>>, vector<16xf32>,
        %slice3A_1309 = vector.extract_strided_slice %get3A_1030 {offsets = [4], sizes = [1], strides = [1]} : vector<16xf32> to vector<1xf32>
        %squeeze3A_1310 = vector.extract %slice3A_1309[0] : f32 from vector<1xf32>
        %mul3A_1311 = arith.constant 16 : i32
        %mul3A_1312 = arith.muli %scan3A_1025, %mul3A_1311 : i32
        %add3A_1313 = arith.constant 4 : i32
        %add3A_1314 = arith.addi %mul3A_1312, %add3A_1313 : i32
        %get3A_1315 = arith.index_cast %add3A_1314 : i32 to index
        %get3A_1316 = arith.constant 0 : index
        %get3A_1317 = tpu.vector_load %arg14[%get3A_1315, %get3A_1316] {strides = array<i32>} : memref<128x128xf32, #tpu.memory_space<vmem>>, vector<16xf32>,
        %mul3A_1318 = vector.broadcast %squeeze3A_1310 : f32 to vector<16xf32>
        %mul3A_1319 = arith.mulf %get3A_1317, %mul3A_1318 : vector<16xf32>
        %swap3A_1320 = arith.index_cast %add3A_1314 : i32 to index
        %swap3A_1321 = arith.constant 0 : index
        %swap3A_1322 = tpu.vector_load %arg14[%swap3A_1320, %swap3A_1321] {strides = array<i32>} : memref<128x128xf32, #tpu.memory_space<vmem>>, vector<16xf32>,
        tpu.vector_store %arg14[%swap3A_1320, %swap3A_1321], %mul3A_1319 {strides = array<i32>} : memref<128x128xf32, #tpu.memory_space<vmem>>, vector<16xf32>,
        %get3A_1323 = arith.index_cast %add3A_1314 : i32 to index
        %get3A_1324 = arith.constant 16 : index
        %get3A_1325 = tpu.vector_load %arg14[%get3A_1323, %get3A_1324] {strides = array<i32>} : memref<128x128xf32, #tpu.memory_space<vmem>>, vector<16xf32>,
        %mul3A_1326 = vector.broadcast %squeeze3A_1310 : f32 to vector<16xf32>
        %mul3A_1327 = arith.mulf %get3A_1325, %mul3A_1326 : vector<16xf32>
        %swap3A_1328 = arith.index_cast %add3A_1314 : i32 to index
        %swap3A_1329 = arith.constant 16 : index
        %swap3A_1330 = tpu.vector_load %arg14[%swap3A_1328, %swap3A_1329] {strides = array<i32>} : memref<128x128xf32, #tpu.memory_space<vmem>>, vector<16xf32>,
        tpu.vector_store %arg14[%swap3A_1328, %swap3A_1329], %mul3A_1327 {strides = array<i32>} : memref<128x128xf32, #tpu.memory_space<vmem>>, vector<16xf32>,
        %get3A_1331 = arith.index_cast %add3A_1314 : i32 to index
        %get3A_1332 = arith.constant 32 : index
        %get3A_1333 = tpu.vector_load %arg14[%get3A_1331, %get3A_1332] {strides = array<i32>} : memref<128x128xf32, #tpu.memory_space<vmem>>, vector<16xf32>,
        %mul3A_1334 = vector.broadcast %squeeze3A_1310 : f32 to vector<16xf32>
        %mul3A_1335 = arith.mulf %get3A_1333, %mul3A_1334 : vector<16xf32>
        %swap3A_1336 = arith.index_cast %add3A_1314 : i32 to index
        %swap3A_1337 = arith.constant 32 : index
        %swap3A_1338 = tpu.vector_load %arg14[%swap3A_1336, %swap3A_1337] {strides = array<i32>} : memref<128x128xf32, #tpu.memory_space<vmem>>, vector<16xf32>,
        tpu.vector_store %arg14[%swap3A_1336, %swap3A_1337], %mul3A_1335 {strides = array<i32>} : memref<128x128xf32, #tpu.memory_space<vmem>>, vector<16xf32>,
        %get3A_1339 = arith.index_cast %add3A_1314 : i32 to index
        %get3A_1340 = arith.constant 48 : index
        %get3A_1341 = tpu.vector_load %arg14[%get3A_1339, %get3A_1340] {strides = array<i32>} : memref<128x128xf32, #tpu.memory_space<vmem>>, vector<16xf32>,
        %mul3A_1342 = vector.broadcast %squeeze3A_1310 : f32 to vector<16xf32>
        %mul3A_1343 = arith.mulf %get3A_1341, %mul3A_1342 : vector<16xf32>
        %swap3A_1344 = arith.index_cast %add3A_1314 : i32 to index
        %swap3A_1345 = arith.constant 48 : index
        %swap3A_1346 = tpu.vector_load %arg14[%swap3A_1344, %swap3A_1345] {strides = array<i32>} : memref<128x128xf32, #tpu.memory_space<vmem>>, vector<16xf32>,
        tpu.vector_store %arg14[%swap3A_1344, %swap3A_1345], %mul3A_1343 {strides = array<i32>} : memref<128x128xf32, #tpu.memory_space<vmem>>, vector<16xf32>,
        %get3A_1347 = arith.index_cast %add3A_1314 : i32 to index
        %get3A_1348 = arith.constant 64 : index
        %get3A_1349 = tpu.vector_load %arg14[%get3A_1347, %get3A_1348] {strides = array<i32>} : memref<128x128xf32, #tpu.memory_space<vmem>>, vector<16xf32>,
        %mul3A_1350 = vector.broadcast %squeeze3A_1310 : f32 to vector<16xf32>
        %mul3A_1351 = arith.mulf %get3A_1349, %mul3A_1350 : vector<16xf32>
        %swap3A_1352 = arith.index_cast %add3A_1314 : i32 to index
        %swap3A_1353 = arith.constant 64 : index
        %swap3A_1354 = tpu.vector_load %arg14[%swap3A_1352, %swap3A_1353] {strides = array<i32>} : memref<128x128xf32, #tpu.memory_space<vmem>>, vector<16xf32>,
        tpu.vector_store %arg14[%swap3A_1352, %swap3A_1353], %mul3A_1351 {strides = array<i32>} : memref<128x128xf32, #tpu.memory_space<vmem>>, vector<16xf32>,
        %get3A_1355 = arith.index_cast %add3A_1314 : i32 to index
        %get3A_1356 = arith.constant 80 : index
        %get3A_1357 = tpu.vector_load %arg14[%get3A_1355, %get3A_1356] {strides = array<i32>} : memref<128x128xf32, #tpu.memory_space<vmem>>, vector<16xf32>,
        %mul3A_1358 = vector.broadcast %squeeze3A_1310 : f32 to vector<16xf32>
        %mul3A_1359 = arith.mulf %get3A_1357, %mul3A_1358 : vector<16xf32>
        %swap3A_1360 = arith.index_cast %add3A_1314 : i32 to index
        %swap3A_1361 = arith.constant 80 : index
        %swap3A_1362 = tpu.vector_load %arg14[%swap3A_1360, %swap3A_1361] {strides = array<i32>} : memref<128x128xf32, #tpu.memory_space<vmem>>, vector<16xf32>,
        tpu.vector_store %arg14[%swap3A_1360, %swap3A_1361], %mul3A_1359 {strides = array<i32>} : memref<128x128xf32, #tpu.memory_space<vmem>>, vector<16xf32>,
        %get3A_1363 = arith.index_cast %add3A_1314 : i32 to index
        %get3A_1364 = arith.constant 96 : index
        %get3A_1365 = tpu.vector_load %arg14[%get3A_1363, %get3A_1364] {strides = array<i32>} : memref<128x128xf32, #tpu.memory_space<vmem>>, vector<16xf32>,
        %mul3A_1366 = vector.broadcast %squeeze3A_1310 : f32 to vector<16xf32>
        %mul3A_1367 = arith.mulf %get3A_1365, %mul3A_1366 : vector<16xf32>
        %swap3A_1368 = arith.index_cast %add3A_1314 : i32 to index
        %swap3A_1369 = arith.constant 96 : index
        %swap3A_1370 = tpu.vector_load %arg14[%swap3A_1368, %swap3A_1369] {strides = array<i32>} : memref<128x128xf32, #tpu.memory_space<vmem>>, vector<16xf32>,
        tpu.vector_store %arg14[%swap3A_1368, %swap3A_1369], %mul3A_1367 {strides = array<i32>} : memref<128x128xf32, #tpu.memory_space<vmem>>, vector<16xf32>,
        %get3A_1371 = arith.index_cast %add3A_1314 : i32 to index
        %get3A_1372 = arith.constant 112 : index
        %get3A_1373 = tpu.vector_load %arg14[%get3A_1371, %get3A_1372] {strides = array<i32>} : memref<128x128xf32, #tpu.memory_space<vmem>>, vector<16xf32>,
        %mul3A_1374 = vector.broadcast %squeeze3A_1310 : f32 to vector<16xf32>
        %mul3A_1375 = arith.mulf %get3A_1373, %mul3A_1374 : vector<16xf32>
        %swap3A_1376 = arith.index_cast %add3A_1314 : i32 to index
        %swap3A_1377 = arith.constant 112 : index
        %swap3A_1378 = tpu.vector_load %arg14[%swap3A_1376, %swap3A_1377] {strides = array<i32>} : memref<128x128xf32, #tpu.memory_space<vmem>>, vector<16xf32>,
        tpu.vector_store %arg14[%swap3A_1376, %swap3A_1377], %mul3A_1375 {strides = array<i32>} : memref<128x128xf32, #tpu.memory_space<vmem>>, vector<16xf32>,
        %slice3A_1379 = vector.extract_strided_slice %get3A_1030 {offsets = [5], sizes = [1], strides = [1]} : vector<16xf32> to vector<1xf32>
        %squeeze3A_1380 = vector.extract %slice3A_1379[0] : f32 from vector<1xf32>
        %mul3A_1381 = arith.constant 16 : i32
        %mul3A_1382 = arith.muli %scan3A_1025, %mul3A_1381 : i32
        %add3A_1383 = arith.constant 5 : i32
        %add3A_1384 = arith.addi %mul3A_1382, %add3A_1383 : i32
        %get3A_1385 = arith.index_cast %add3A_1384 : i32 to index
        %get3A_1386 = arith.constant 0 : index
        %get3A_1387 = tpu.vector_load %arg14[%get3A_1385, %get3A_1386] {strides = array<i32>} : memref<128x128xf32, #tpu.memory_space<vmem>>, vector<16xf32>,
        %mul3A_1388 = vector.broadcast %squeeze3A_1380 : f32 to vector<16xf32>
        %mul3A_1389 = arith.mulf %get3A_1387, %mul3A_1388 : vector<16xf32>
        %swap3A_1390 = arith.index_cast %add3A_1384 : i32 to index
        %swap3A_1391 = arith.constant 0 : index
        %swap3A_1392 = tpu.vector_load %arg14[%swap3A_1390, %swap3A_1391] {strides = array<i32>} : memref<128x128xf32, #tpu.memory_space<vmem>>, vector<16xf32>,
        tpu.vector_store %arg14[%swap3A_1390, %swap3A_1391], %mul3A_1389 {strides = array<i32>} : memref<128x128xf32, #tpu.memory_space<vmem>>, vector<16xf32>,
        %get3A_1393 = arith.index_cast %add3A_1384 : i32 to index
        %get3A_1394 = arith.constant 16 : index
        %get3A_1395 = tpu.vector_load %arg14[%get3A_1393, %get3A_1394] {strides = array<i32>} : memref<128x128xf32, #tpu.memory_space<vmem>>, vector<16xf32>,
        %mul3A_1396 = vector.broadcast %squeeze3A_1380 : f32 to vector<16xf32>
        %mul3A_1397 = arith.mulf %get3A_1395, %mul3A_1396 : vector<16xf32>
        %swap3A_1398 = arith.index_cast %add3A_1384 : i32 to index
        %swap3A_1399 = arith.constant 16 : index
        %swap3A_1400 = tpu.vector_load %arg14[%swap3A_1398, %swap3A_1399] {strides = array<i32>} : memref<128x128xf32, #tpu.memory_space<vmem>>, vector<16xf32>,
        tpu.vector_store %arg14[%swap3A_1398, %swap3A_1399], %mul3A_1397 {strides = array<i32>} : memref<128x128xf32, #tpu.memory_space<vmem>>, vector<16xf32>,
        %get3A_1401 = arith.index_cast %add3A_1384 : i32 to index
        %get3A_1402 = arith.constant 32 : index
        %get3A_1403 = tpu.vector_load %arg14[%get3A_1401, %get3A_1402] {strides = array<i32>} : memref<128x128xf32, #tpu.memory_space<vmem>>, vector<16xf32>,
        %mul3A_1404 = vector.broadcast %squeeze3A_1380 : f32 to vector<16xf32>
        %mul3A_1405 = arith.mulf %get3A_1403, %mul3A_1404 : vector<16xf32>
        %swap3A_1406 = arith.index_cast %add3A_1384 : i32 to index
        %swap3A_1407 = arith.constant 32 : index
        %swap3A_1408 = tpu.vector_load %arg14[%swap3A_1406, %swap3A_1407] {strides = array<i32>} : memref<128x128xf32, #tpu.memory_space<vmem>>, vector<16xf32>,
        tpu.vector_store %arg14[%swap3A_1406, %swap3A_1407], %mul3A_1405 {strides = array<i32>} : memref<128x128xf32, #tpu.memory_space<vmem>>, vector<16xf32>,
        %get3A_1409 = arith.index_cast %add3A_1384 : i32 to index
        %get3A_1410 = arith.constant 48 : index
        %get3A_1411 = tpu.vector_load %arg14[%get3A_1409, %get3A_1410] {strides = array<i32>} : memref<128x128xf32, #tpu.memory_space<vmem>>, vector<16xf32>,
        %mul3A_1412 = vector.broadcast %squeeze3A_1380 : f32 to vector<16xf32>
        %mul3A_1413 = arith.mulf %get3A_1411, %mul3A_1412 : vector<16xf32>
        %swap3A_1414 = arith.index_cast %add3A_1384 : i32 to index
        %swap3A_1415 = arith.constant 48 : index
        %swap3A_1416 = tpu.vector_load %arg14[%swap3A_1414, %swap3A_1415] {strides = array<i32>} : memref<128x128xf32, #tpu.memory_space<vmem>>, vector<16xf32>,
        tpu.vector_store %arg14[%swap3A_1414, %swap3A_1415], %mul3A_1413 {strides = array<i32>} : memref<128x128xf32, #tpu.memory_space<vmem>>, vector<16xf32>,
        %get3A_1417 = arith.index_cast %add3A_1384 : i32 to index
        %get3A_1418 = arith.constant 64 : index
        %get3A_1419 = tpu.vector_load %arg14[%get3A_1417, %get3A_1418] {strides = array<i32>} : memref<128x128xf32, #tpu.memory_space<vmem>>, vector<16xf32>,
        %mul3A_1420 = vector.broadcast %squeeze3A_1380 : f32 to vector<16xf32>
        %mul3A_1421 = arith.mulf %get3A_1419, %mul3A_1420 : vector<16xf32>
        %swap3A_1422 = arith.index_cast %add3A_1384 : i32 to index
        %swap3A_1423 = arith.constant 64 : index
        %swap3A_1424 = tpu.vector_load %arg14[%swap3A_1422, %swap3A_1423] {strides = array<i32>} : memref<128x128xf32, #tpu.memory_space<vmem>>, vector<16xf32>,
        tpu.vector_store %arg14[%swap3A_1422, %swap3A_1423], %mul3A_1421 {strides = array<i32>} : memref<128x128xf32, #tpu.memory_space<vmem>>, vector<16xf32>,
        %get3A_1425 = arith.index_cast %add3A_1384 : i32 to index
        %get3A_1426 = arith.constant 80 : index
        %get3A_1427 = tpu.vector_load %arg14[%get3A_1425, %get3A_1426] {strides = array<i32>} : memref<128x128xf32, #tpu.memory_space<vmem>>, vector<16xf32>,
        %mul3A_1428 = vector.broadcast %squeeze3A_1380 : f32 to vector<16xf32>
        %mul3A_1429 = arith.mulf %get3A_1427, %mul3A_1428 : vector<16xf32>
        %swap3A_1430 = arith.index_cast %add3A_1384 : i32 to index
        %swap3A_1431 = arith.constant 80 : index
        %swap3A_1432 = tpu.vector_load %arg14[%swap3A_1430, %swap3A_1431] {strides = array<i32>} : memref<128x128xf32, #tpu.memory_space<vmem>>, vector<16xf32>,
        tpu.vector_store %arg14[%swap3A_1430, %swap3A_1431], %mul3A_1429 {strides = array<i32>} : memref<128x128xf32, #tpu.memory_space<vmem>>, vector<16xf32>,
        %get3A_1433 = arith.index_cast %add3A_1384 : i32 to index
        %get3A_1434 = arith.constant 96 : index
        %get3A_1435 = tpu.vector_load %arg14[%get3A_1433, %get3A_1434] {strides = array<i32>} : memref<128x128xf32, #tpu.memory_space<vmem>>, vector<16xf32>,
        %mul3A_1436 = vector.broadcast %squeeze3A_1380 : f32 to vector<16xf32>
        %mul3A_1437 = arith.mulf %get3A_1435, %mul3A_1436 : vector<16xf32>
        %swap3A_1438 = arith.index_cast %add3A_1384 : i32 to index
        %swap3A_1439 = arith.constant 96 : index
        %swap3A_1440 = tpu.vector_load %arg14[%swap3A_1438, %swap3A_1439] {strides = array<i32>} : memref<128x128xf32, #tpu.memory_space<vmem>>, vector<16xf32>,
        tpu.vector_store %arg14[%swap3A_1438, %swap3A_1439], %mul3A_1437 {strides = array<i32>} : memref<128x128xf32, #tpu.memory_space<vmem>>, vector<16xf32>,
        %get3A_1441 = arith.index_cast %add3A_1384 : i32 to index
        %get3A_1442 = arith.constant 112 : index
        %get3A_1443 = tpu.vector_load %arg14[%get3A_1441, %get3A_1442] {strides = array<i32>} : memref<128x128xf32, #tpu.memory_space<vmem>>, vector<16xf32>,
        %mul3A_1444 = vector.broadcast %squeeze3A_1380 : f32 to vector<16xf32>
        %mul3A_1445 = arith.mulf %get3A_1443, %mul3A_1444 : vector<16xf32>
        %swap3A_1446 = arith.index_cast %add3A_1384 : i32 to index
        %swap3A_1447 = arith.constant 112 : index
        %swap3A_1448 = tpu.vector_load %arg14[%swap3A_1446, %swap3A_1447] {strides = array<i32>} : memref<128x128xf32, #tpu.memory_space<vmem>>, vector<16xf32>,
        tpu.vector_store %arg14[%swap3A_1446, %swap3A_1447], %mul3A_1445 {strides = array<i32>} : memref<128x128xf32, #tpu.memory_space<vmem>>, vector<16xf32>,
        %slice3A_1449 = vector.extract_strided_slice %get3A_1030 {offsets = [6], sizes = [1], strides = [1]} : vector<16xf32> to vector<1xf32>
        %squeeze3A_1450 = vector.extract %slice3A_1449[0] : f32 from vector<1xf32>
        %mul3A_1451 = arith.constant 16 : i32
        %mul3A_1452 = arith.muli %scan3A_1025, %mul3A_1451 : i32
        %add3A_1453 = arith.constant 6 : i32
        %add3A_1454 = arith.addi %mul3A_1452, %add3A_1453 : i32
        %get3A_1455 = arith.index_cast %add3A_1454 : i32 to index
        %get3A_1456 = arith.constant 0 : index
        %get3A_1457 = tpu.vector_load %arg14[%get3A_1455, %get3A_1456] {strides = array<i32>} : memref<128x128xf32, #tpu.memory_space<vmem>>, vector<16xf32>,
        %mul3A_1458 = vector.broadcast %squeeze3A_1450 : f32 to vector<16xf32>
        %mul3A_1459 = arith.mulf %get3A_1457, %mul3A_1458 : vector<16xf32>
        %swap3A_1460 = arith.index_cast %add3A_1454 : i32 to index
        %swap3A_1461 = arith.constant 0 : index
        %swap3A_1462 = tpu.vector_load %arg14[%swap3A_1460, %swap3A_1461] {strides = array<i32>} : memref<128x128xf32, #tpu.memory_space<vmem>>, vector<16xf32>,
        tpu.vector_store %arg14[%swap3A_1460, %swap3A_1461], %mul3A_1459 {strides = array<i32>} : memref<128x128xf32, #tpu.memory_space<vmem>>, vector<16xf32>,
        %get3A_1463 = arith.index_cast %add3A_1454 : i32 to index
        %get3A_1464 = arith.constant 16 : index
        %get3A_1465 = tpu.vector_load %arg14[%get3A_1463, %get3A_1464] {strides = array<i32>} : memref<128x128xf32, #tpu.memory_space<vmem>>, vector<16xf32>,
        %mul3A_1466 = vector.broadcast %squeeze3A_1450 : f32 to vector<16xf32>
        %mul3A_1467 = arith.mulf %get3A_1465, %mul3A_1466 : vector<16xf32>
        %swap3A_1468 = arith.index_cast %add3A_1454 : i32 to index
        %swap3A_1469 = arith.constant 16 : index
        %swap3A_1470 = tpu.vector_load %arg14[%swap3A_1468, %swap3A_1469] {strides = array<i32>} : memref<128x128xf32, #tpu.memory_space<vmem>>, vector<16xf32>,
        tpu.vector_store %arg14[%swap3A_1468, %swap3A_1469], %mul3A_1467 {strides = array<i32>} : memref<128x128xf32, #tpu.memory_space<vmem>>, vector<16xf32>,
        %get3A_1471 = arith.index_cast %add3A_1454 : i32 to index
        %get3A_1472 = arith.constant 32 : index
        %get3A_1473 = tpu.vector_load %arg14[%get3A_1471, %get3A_1472] {strides = array<i32>} : memref<128x128xf32, #tpu.memory_space<vmem>>, vector<16xf32>,
        %mul3A_1474 = vector.broadcast %squeeze3A_1450 : f32 to vector<16xf32>
        %mul3A_1475 = arith.mulf %get3A_1473, %mul3A_1474 : vector<16xf32>
        %swap3A_1476 = arith.index_cast %add3A_1454 : i32 to index
        %swap3A_1477 = arith.constant 32 : index
        %swap3A_1478 = tpu.vector_load %arg14[%swap3A_1476, %swap3A_1477] {strides = array<i32>} : memref<128x128xf32, #tpu.memory_space<vmem>>, vector<16xf32>,
        tpu.vector_store %arg14[%swap3A_1476, %swap3A_1477], %mul3A_1475 {strides = array<i32>} : memref<128x128xf32, #tpu.memory_space<vmem>>, vector<16xf32>,
        %get3A_1479 = arith.index_cast %add3A_1454 : i32 to index
        %get3A_1480 = arith.constant 48 : index
        %get3A_1481 = tpu.vector_load %arg14[%get3A_1479, %get3A_1480] {strides = array<i32>} : memref<128x128xf32, #tpu.memory_space<vmem>>, vector<16xf32>,
        %mul3A_1482 = vector.broadcast %squeeze3A_1450 : f32 to vector<16xf32>
        %mul3A_1483 = arith.mulf %get3A_1481, %mul3A_1482 : vector<16xf32>
        %swap3A_1484 = arith.index_cast %add3A_1454 : i32 to index
        %swap3A_1485 = arith.constant 48 : index
        %swap3A_1486 = tpu.vector_load %arg14[%swap3A_1484, %swap3A_1485] {strides = array<i32>} : memref<128x128xf32, #tpu.memory_space<vmem>>, vector<16xf32>,
        tpu.vector_store %arg14[%swap3A_1484, %swap3A_1485], %mul3A_1483 {strides = array<i32>} : memref<128x128xf32, #tpu.memory_space<vmem>>, vector<16xf32>,
        %get3A_1487 = arith.index_cast %add3A_1454 : i32 to index
        %get3A_1488 = arith.constant 64 : index
        %get3A_1489 = tpu.vector_load %arg14[%get3A_1487, %get3A_1488] {strides = array<i32>} : memref<128x128xf32, #tpu.memory_space<vmem>>, vector<16xf32>,
        %mul3A_1490 = vector.broadcast %squeeze3A_1450 : f32 to vector<16xf32>
        %mul3A_1491 = arith.mulf %get3A_1489, %mul3A_1490 : vector<16xf32>
        %swap3A_1492 = arith.index_cast %add3A_1454 : i32 to index
        %swap3A_1493 = arith.constant 64 : index
        %swap3A_1494 = tpu.vector_load %arg14[%swap3A_1492, %swap3A_1493] {strides = array<i32>} : memref<128x128xf32, #tpu.memory_space<vmem>>, vector<16xf32>,
        tpu.vector_store %arg14[%swap3A_1492, %swap3A_1493], %mul3A_1491 {strides = array<i32>} : memref<128x128xf32, #tpu.memory_space<vmem>>, vector<16xf32>,
        %get3A_1495 = arith.index_cast %add3A_1454 : i32 to index
        %get3A_1496 = arith.constant 80 : index
        %get3A_1497 = tpu.vector_load %arg14[%get3A_1495, %get3A_1496] {strides = array<i32>} : memref<128x128xf32, #tpu.memory_space<vmem>>, vector<16xf32>,
        %mul3A_1498 = vector.broadcast %squeeze3A_1450 : f32 to vector<16xf32>
        %mul3A_1499 = arith.mulf %get3A_1497, %mul3A_1498 : vector<16xf32>
        %swap3A_1500 = arith.index_cast %add3A_1454 : i32 to index
        %swap3A_1501 = arith.constant 80 : index
        %swap3A_1502 = tpu.vector_load %arg14[%swap3A_1500, %swap3A_1501] {strides = array<i32>} : memref<128x128xf32, #tpu.memory_space<vmem>>, vector<16xf32>,
        tpu.vector_store %arg14[%swap3A_1500, %swap3A_1501], %mul3A_1499 {strides = array<i32>} : memref<128x128xf32, #tpu.memory_space<vmem>>, vector<16xf32>,
        %get3A_1503 = arith.index_cast %add3A_1454 : i32 to index
        %get3A_1504 = arith.constant 96 : index
        %get3A_1505 = tpu.vector_load %arg14[%get3A_1503, %get3A_1504] {strides = array<i32>} : memref<128x128xf32, #tpu.memory_space<vmem>>, vector<16xf32>,
        %mul3A_1506 = vector.broadcast %squeeze3A_1450 : f32 to vector<16xf32>
        %mul3A_1507 = arith.mulf %get3A_1505, %mul3A_1506 : vector<16xf32>
        %swap3A_1508 = arith.index_cast %add3A_1454 : i32 to index
        %swap3A_1509 = arith.constant 96 : index
        %swap3A_1510 = tpu.vector_load %arg14[%swap3A_1508, %swap3A_1509] {strides = array<i32>} : memref<128x128xf32, #tpu.memory_space<vmem>>, vector<16xf32>,
        tpu.vector_store %arg14[%swap3A_1508, %swap3A_1509], %mul3A_1507 {strides = array<i32>} : memref<128x128xf32, #tpu.memory_space<vmem>>, vector<16xf32>,
        %get3A_1511 = arith.index_cast %add3A_1454 : i32 to index
        %get3A_1512 = arith.constant 112 : index
        %get3A_1513 = tpu.vector_load %arg14[%get3A_1511, %get3A_1512] {strides = array<i32>} : memref<128x128xf32, #tpu.memory_space<vmem>>, vector<16xf32>,
        %mul3A_1514 = vector.broadcast %squeeze3A_1450 : f32 to vector<16xf32>
        %mul3A_1515 = arith.mulf %get3A_1513, %mul3A_1514 : vector<16xf32>
        %swap3A_1516 = arith.index_cast %add3A_1454 : i32 to index
        %swap3A_1517 = arith.constant 112 : index
        %swap3A_1518 = tpu.vector_load %arg14[%swap3A_1516, %swap3A_1517] {strides = array<i32>} : memref<128x128xf32, #tpu.memory_space<vmem>>, vector<16xf32>,
        tpu.vector_store %arg14[%swap3A_1516, %swap3A_1517], %mul3A_1515 {strides = array<i32>} : memref<128x128xf32, #tpu.memory_space<vmem>>, vector<16xf32>,
        %slice3A_1519 = vector.extract_strided_slice %get3A_1030 {offsets = [7], sizes = [1], strides = [1]} : vector<16xf32> to vector<1xf32>
        %squeeze3A_1520 = vector.extract %slice3A_1519[0] : f32 from vector<1xf32>
        %mul3A_1521 = arith.constant 16 : i32
        %mul3A_1522 = arith.muli %scan3A_1025, %mul3A_1521 : i32
        %add3A_1523 = arith.constant 7 : i32
        %add3A_1524 = arith.addi %mul3A_1522, %add3A_1523 : i32
        %get3A_1525 = arith.index_cast %add3A_1524 : i32 to index
        %get3A_1526 = arith.constant 0 : index
        %get3A_1527 = tpu.vector_load %arg14[%get3A_1525, %get3A_1526] {strides = array<i32>} : memref<128x128xf32, #tpu.memory_space<vmem>>, vector<16xf32>,
        %mul3A_1528 = vector.broadcast %squeeze3A_1520 : f32 to vector<16xf32>
        %mul3A_1529 = arith.mulf %get3A_1527, %mul3A_1528 : vector<16xf32>
        %swap3A_1530 = arith.index_cast %add3A_1524 : i32 to index
        %swap3A_1531 = arith.constant 0 : index
        %swap3A_1532 = tpu.vector_load %arg14[%swap3A_1530, %swap3A_1531] {strides = array<i32>} : memref<128x128xf32, #tpu.memory_space<vmem>>, vector<16xf32>,
        tpu.vector_store %arg14[%swap3A_1530, %swap3A_1531], %mul3A_1529 {strides = array<i32>} : memref<128x128xf32, #tpu.memory_space<vmem>>, vector<16xf32>,
        %get3A_1533 = arith.index_cast %add3A_1524 : i32 to index
        %get3A_1534 = arith.constant 16 : index
        %get3A_1535 = tpu.vector_load %arg14[%get3A_1533, %get3A_1534] {strides = array<i32>} : memref<128x128xf32, #tpu.memory_space<vmem>>, vector<16xf32>,
        %mul3A_1536 = vector.broadcast %squeeze3A_1520 : f32 to vector<16xf32>
        %mul3A_1537 = arith.mulf %get3A_1535, %mul3A_1536 : vector<16xf32>
        %swap3A_1538 = arith.index_cast %add3A_1524 : i32 to index
        %swap3A_1539 = arith.constant 16 : index
        %swap3A_1540 = tpu.vector_load %arg14[%swap3A_1538, %swap3A_1539] {strides = array<i32>} : memref<128x128xf32, #tpu.memory_space<vmem>>, vector<16xf32>,
        tpu.vector_store %arg14[%swap3A_1538, %swap3A_1539], %mul3A_1537 {strides = array<i32>} : memref<128x128xf32, #tpu.memory_space<vmem>>, vector<16xf32>,
        %get3A_1541 = arith.index_cast %add3A_1524 : i32 to index
        %get3A_1542 = arith.constant 32 : index
        %get3A_1543 = tpu.vector_load %arg14[%get3A_1541, %get3A_1542] {strides = array<i32>} : memref<128x128xf32, #tpu.memory_space<vmem>>, vector<16xf32>,
        %mul3A_1544 = vector.broadcast %squeeze3A_1520 : f32 to vector<16xf32>
        %mul3A_1545 = arith.mulf %get3A_1543, %mul3A_1544 : vector<16xf32>
        %swap3A_1546 = arith.index_cast %add3A_1524 : i32 to index
        %swap3A_1547 = arith.constant 32 : index
        %swap3A_1548 = tpu.vector_load %arg14[%swap3A_1546, %swap3A_1547] {strides = array<i32>} : memref<128x128xf32, #tpu.memory_space<vmem>>, vector<16xf32>,
        tpu.vector_store %arg14[%swap3A_1546, %swap3A_1547], %mul3A_1545 {strides = array<i32>} : memref<128x128xf32, #tpu.memory_space<vmem>>, vector<16xf32>,
        %get3A_1549 = arith.index_cast %add3A_1524 : i32 to index
        %get3A_1550 = arith.constant 48 : index
        %get3A_1551 = tpu.vector_load %arg14[%get3A_1549, %get3A_1550] {strides = array<i32>} : memref<128x128xf32, #tpu.memory_space<vmem>>, vector<16xf32>,
        %mul3A_1552 = vector.broadcast %squeeze3A_1520 : f32 to vector<16xf32>
        %mul3A_1553 = arith.mulf %get3A_1551, %mul3A_1552 : vector<16xf32>
        %swap3A_1554 = arith.index_cast %add3A_1524 : i32 to index
        %swap3A_1555 = arith.constant 48 : index
        %swap3A_1556 = tpu.vector_load %arg14[%swap3A_1554, %swap3A_1555] {strides = array<i32>} : memref<128x128xf32, #tpu.memory_space<vmem>>, vector<16xf32>,
        tpu.vector_store %arg14[%swap3A_1554, %swap3A_1555], %mul3A_1553 {strides = array<i32>} : memref<128x128xf32, #tpu.memory_space<vmem>>, vector<16xf32>,
        %get3A_1557 = arith.index_cast %add3A_1524 : i32 to index
        %get3A_1558 = arith.constant 64 : index
        %get3A_1559 = tpu.vector_load %arg14[%get3A_1557, %get3A_1558] {strides = array<i32>} : memref<128x128xf32, #tpu.memory_space<vmem>>, vector<16xf32>,
        %mul3A_1560 = vector.broadcast %squeeze3A_1520 : f32 to vector<16xf32>
        %mul3A_1561 = arith.mulf %get3A_1559, %mul3A_1560 : vector<16xf32>
        %swap3A_1562 = arith.index_cast %add3A_1524 : i32 to index
        %swap3A_1563 = arith.constant 64 : index
        %swap3A_1564 = tpu.vector_load %arg14[%swap3A_1562, %swap3A_1563] {strides = array<i32>} : memref<128x128xf32, #tpu.memory_space<vmem>>, vector<16xf32>,
        tpu.vector_store %arg14[%swap3A_1562, %swap3A_1563], %mul3A_1561 {strides = array<i32>} : memref<128x128xf32, #tpu.memory_space<vmem>>, vector<16xf32>,
        %get3A_1565 = arith.index_cast %add3A_1524 : i32 to index
        %get3A_1566 = arith.constant 80 : index
        %get3A_1567 = tpu.vector_load %arg14[%get3A_1565, %get3A_1566] {strides = array<i32>} : memref<128x128xf32, #tpu.memory_space<vmem>>, vector<16xf32>,
        %mul3A_1568 = vector.broadcast %squeeze3A_1520 : f32 to vector<16xf32>
        %mul3A_1569 = arith.mulf %get3A_1567, %mul3A_1568 : vector<16xf32>
        %swap3A_1570 = arith.index_cast %add3A_1524 : i32 to index
        %swap3A_1571 = arith.constant 80 : index
        %swap3A_1572 = tpu.vector_load %arg14[%swap3A_1570, %swap3A_1571] {strides = array<i32>} : memref<128x128xf32, #tpu.memory_space<vmem>>, vector<16xf32>,
        tpu.vector_store %arg14[%swap3A_1570, %swap3A_1571], %mul3A_1569 {strides = array<i32>} : memref<128x128xf32, #tpu.memory_space<vmem>>, vector<16xf32>,
        %get3A_1573 = arith.index_cast %add3A_1524 : i32 to index
        %get3A_1574 = arith.constant 96 : index
        %get3A_1575 = tpu.vector_load %arg14[%get3A_1573, %get3A_1574] {strides = array<i32>} : memref<128x128xf32, #tpu.memory_space<vmem>>, vector<16xf32>,
        %mul3A_1576 = vector.broadcast %squeeze3A_1520 : f32 to vector<16xf32>
        %mul3A_1577 = arith.mulf %get3A_1575, %mul3A_1576 : vector<16xf32>
        %swap3A_1578 = arith.index_cast %add3A_1524 : i32 to index
        %swap3A_1579 = arith.constant 96 : index
        %swap3A_1580 = tpu.vector_load %arg14[%swap3A_1578, %swap3A_1579] {strides = array<i32>} : memref<128x128xf32, #tpu.memory_space<vmem>>, vector<16xf32>,
        tpu.vector_store %arg14[%swap3A_1578, %swap3A_1579], %mul3A_1577 {strides = array<i32>} : memref<128x128xf32, #tpu.memory_space<vmem>>, vector<16xf32>,
        %get3A_1581 = arith.index_cast %add3A_1524 : i32 to index
        %get3A_1582 = arith.constant 112 : index
        %get3A_1583 = tpu.vector_load %arg14[%get3A_1581, %get3A_1582] {strides = array<i32>} : memref<128x128xf32, #tpu.memory_space<vmem>>, vector<16xf32>,
        %mul3A_1584 = vector.broadcast %squeeze3A_1520 : f32 to vector<16xf32>
        %mul3A_1585 = arith.mulf %get3A_1583, %mul3A_1584 : vector<16xf32>
        %swap3A_1586 = arith.index_cast %add3A_1524 : i32 to index
        %swap3A_1587 = arith.constant 112 : index
        %swap3A_1588 = tpu.vector_load %arg14[%swap3A_1586, %swap3A_1587] {strides = array<i32>} : memref<128x128xf32, #tpu.memory_space<vmem>>, vector<16xf32>,
        tpu.vector_store %arg14[%swap3A_1586, %swap3A_1587], %mul3A_1585 {strides = array<i32>} : memref<128x128xf32, #tpu.memory_space<vmem>>, vector<16xf32>,
        %slice3A_1589 = vector.extract_strided_slice %get3A_1030 {offsets = [8], sizes = [1], strides = [1]} : vector<16xf32> to vector<1xf32>
        %squeeze3A_1590 = vector.extract %slice3A_1589[0] : f32 from vector<1xf32>
        %mul3A_1591 = arith.constant 16 : i32
        %mul3A_1592 = arith.muli %scan3A_1025, %mul3A_1591 : i32
        %add3A_1593 = arith.constant 8 : i32
        %add3A_1594 = arith.addi %mul3A_1592, %add3A_1593 : i32
        %get3A_1595 = arith.index_cast %add3A_1594 : i32 to index
        %get3A_1596 = arith.constant 0 : index
        %get3A_1597 = tpu.vector_load %arg14[%get3A_1595, %get3A_1596] {strides = array<i32>} : memref<128x128xf32, #tpu.memory_space<vmem>>, vector<16xf32>,
        %mul3A_1598 = vector.broadcast %squeeze3A_1590 : f32 to vector<16xf32>
        %mul3A_1599 = arith.mulf %get3A_1597, %mul3A_1598 : vector<16xf32>
        %swap3A_1600 = arith.index_cast %add3A_1594 : i32 to index
        %swap3A_1601 = arith.constant 0 : index
        %swap3A_1602 = tpu.vector_load %arg14[%swap3A_1600, %swap3A_1601] {strides = array<i32>} : memref<128x128xf32, #tpu.memory_space<vmem>>, vector<16xf32>,
        tpu.vector_store %arg14[%swap3A_1600, %swap3A_1601], %mul3A_1599 {strides = array<i32>} : memref<128x128xf32, #tpu.memory_space<vmem>>, vector<16xf32>,
        %get3A_1603 = arith.index_cast %add3A_1594 : i32 to index
        %get3A_1604 = arith.constant 16 : index
        %get3A_1605 = tpu.vector_load %arg14[%get3A_1603, %get3A_1604] {strides = array<i32>} : memref<128x128xf32, #tpu.memory_space<vmem>>, vector<16xf32>,
        %mul3A_1606 = vector.broadcast %squeeze3A_1590 : f32 to vector<16xf32>
        %mul3A_1607 = arith.mulf %get3A_1605, %mul3A_1606 : vector<16xf32>
        %swap3A_1608 = arith.index_cast %add3A_1594 : i32 to index
        %swap3A_1609 = arith.constant 16 : index
        %swap3A_1610 = tpu.vector_load %arg14[%swap3A_1608, %swap3A_1609] {strides = array<i32>} : memref<128x128xf32, #tpu.memory_space<vmem>>, vector<16xf32>,
        tpu.vector_store %arg14[%swap3A_1608, %swap3A_1609], %mul3A_1607 {strides = array<i32>} : memref<128x128xf32, #tpu.memory_space<vmem>>, vector<16xf32>,
        %get3A_1611 = arith.index_cast %add3A_1594 : i32 to index
        %get3A_1612 = arith.constant 32 : index
        %get3A_1613 = tpu.vector_load %arg14[%get3A_1611, %get3A_1612] {strides = array<i32>} : memref<128x128xf32, #tpu.memory_space<vmem>>, vector<16xf32>,
        %mul3A_1614 = vector.broadcast %squeeze3A_1590 : f32 to vector<16xf32>
        %mul3A_1615 = arith.mulf %get3A_1613, %mul3A_1614 : vector<16xf32>
        %swap3A_1616 = arith.index_cast %add3A_1594 : i32 to index
        %swap3A_1617 = arith.constant 32 : index
        %swap3A_1618 = tpu.vector_load %arg14[%swap3A_1616, %swap3A_1617] {strides = array<i32>} : memref<128x128xf32, #tpu.memory_space<vmem>>, vector<16xf32>,
        tpu.vector_store %arg14[%swap3A_1616, %swap3A_1617], %mul3A_1615 {strides = array<i32>} : memref<128x128xf32, #tpu.memory_space<vmem>>, vector<16xf32>,
        %get3A_1619 = arith.index_cast %add3A_1594 : i32 to index
        %get3A_1620 = arith.constant 48 : index
        %get3A_1621 = tpu.vector_load %arg14[%get3A_1619, %get3A_1620] {strides = array<i32>} : memref<128x128xf32, #tpu.memory_space<vmem>>, vector<16xf32>,
        %mul3A_1622 = vector.broadcast %squeeze3A_1590 : f32 to vector<16xf32>
        %mul3A_1623 = arith.mulf %get3A_1621, %mul3A_1622 : vector<16xf32>
        %swap3A_1624 = arith.index_cast %add3A_1594 : i32 to index
        %swap3A_1625 = arith.constant 48 : index
        %swap3A_1626 = tpu.vector_load %arg14[%swap3A_1624, %swap3A_1625] {strides = array<i32>} : memref<128x128xf32, #tpu.memory_space<vmem>>, vector<16xf32>,
        tpu.vector_store %arg14[%swap3A_1624, %swap3A_1625], %mul3A_1623 {strides = array<i32>} : memref<128x128xf32, #tpu.memory_space<vmem>>, vector<16xf32>,
        %get3A_1627 = arith.index_cast %add3A_1594 : i32 to index
        %get3A_1628 = arith.constant 64 : index
        %get3A_1629 = tpu.vector_load %arg14[%get3A_1627, %get3A_1628] {strides = array<i32>} : memref<128x128xf32, #tpu.memory_space<vmem>>, vector<16xf32>,
        %mul3A_1630 = vector.broadcast %squeeze3A_1590 : f32 to vector<16xf32>
        %mul3A_1631 = arith.mulf %get3A_1629, %mul3A_1630 : vector<16xf32>
        %swap3A_1632 = arith.index_cast %add3A_1594 : i32 to index
        %swap3A_1633 = arith.constant 64 : index
        %swap3A_1634 = tpu.vector_load %arg14[%swap3A_1632, %swap3A_1633] {strides = array<i32>} : memref<128x128xf32, #tpu.memory_space<vmem>>, vector<16xf32>,
        tpu.vector_store %arg14[%swap3A_1632, %swap3A_1633], %mul3A_1631 {strides = array<i32>} : memref<128x128xf32, #tpu.memory_space<vmem>>, vector<16xf32>,
        %get3A_1635 = arith.index_cast %add3A_1594 : i32 to index
        %get3A_1636 = arith.constant 80 : index
        %get3A_1637 = tpu.vector_load %arg14[%get3A_1635, %get3A_1636] {strides = array<i32>} : memref<128x128xf32, #tpu.memory_space<vmem>>, vector<16xf32>,
        %mul3A_1638 = vector.broadcast %squeeze3A_1590 : f32 to vector<16xf32>
        %mul3A_1639 = arith.mulf %get3A_1637, %mul3A_1638 : vector<16xf32>
        %swap3A_1640 = arith.index_cast %add3A_1594 : i32 to index
        %swap3A_1641 = arith.constant 80 : index
        %swap3A_1642 = tpu.vector_load %arg14[%swap3A_1640, %swap3A_1641] {strides = array<i32>} : memref<128x128xf32, #tpu.memory_space<vmem>>, vector<16xf32>,
        tpu.vector_store %arg14[%swap3A_1640, %swap3A_1641], %mul3A_1639 {strides = array<i32>} : memref<128x128xf32, #tpu.memory_space<vmem>>, vector<16xf32>,
        %get3A_1643 = arith.index_cast %add3A_1594 : i32 to index
        %get3A_1644 = arith.constant 96 : index
        %get3A_1645 = tpu.vector_load %arg14[%get3A_1643, %get3A_1644] {strides = array<i32>} : memref<128x128xf32, #tpu.memory_space<vmem>>, vector<16xf32>,
        %mul3A_1646 = vector.broadcast %squeeze3A_1590 : f32 to vector<16xf32>
        %mul3A_1647 = arith.mulf %get3A_1645, %mul3A_1646 : vector<16xf32>
        %swap3A_1648 = arith.index_cast %add3A_1594 : i32 to index
        %swap3A_1649 = arith.constant 96 : index
        %swap3A_1650 = tpu.vector_load %arg14[%swap3A_1648, %swap3A_1649] {strides = array<i32>} : memref<128x128xf32, #tpu.memory_space<vmem>>, vector<16xf32>,
        tpu.vector_store %arg14[%swap3A_1648, %swap3A_1649], %mul3A_1647 {strides = array<i32>} : memref<128x128xf32, #tpu.memory_space<vmem>>, vector<16xf32>,
        %get3A_1651 = arith.index_cast %add3A_1594 : i32 to index
        %get3A_1652 = arith.constant 112 : index
        %get3A_1653 = tpu.vector_load %arg14[%get3A_1651, %get3A_1652] {strides = array<i32>} : memref<128x128xf32, #tpu.memory_space<vmem>>, vector<16xf32>,
        %mul3A_1654 = vector.broadcast %squeeze3A_1590 : f32 to vector<16xf32>
        %mul3A_1655 = arith.mulf %get3A_1653, %mul3A_1654 : vector<16xf32>
        %swap3A_1656 = arith.index_cast %add3A_1594 : i32 to index
        %swap3A_1657 = arith.constant 112 : index
        %swap3A_1658 = tpu.vector_load %arg14[%swap3A_1656, %swap3A_1657] {strides = array<i32>} : memref<128x128xf32, #tpu.memory_space<vmem>>, vector<16xf32>,
        tpu.vector_store %arg14[%swap3A_1656, %swap3A_1657], %mul3A_1655 {strides = array<i32>} : memref<128x128xf32, #tpu.memory_space<vmem>>, vector<16xf32>,
        %slice3A_1659 = vector.extract_strided_slice %get3A_1030 {offsets = [9], sizes = [1], strides = [1]} : vector<16xf32> to vector<1xf32>
        %squeeze3A_1660 = vector.extract %slice3A_1659[0] : f32 from vector<1xf32>
        %mul3A_1661 = arith.constant 16 : i32
        %mul3A_1662 = arith.muli %scan3A_1025, %mul3A_1661 : i32
        %add3A_1663 = arith.constant 9 : i32
        %add3A_1664 = arith.addi %mul3A_1662, %add3A_1663 : i32
        %get3A_1665 = arith.index_cast %add3A_1664 : i32 to index
        %get3A_1666 = arith.constant 0 : index
        %get3A_1667 = tpu.vector_load %arg14[%get3A_1665, %get3A_1666] {strides = array<i32>} : memref<128x128xf32, #tpu.memory_space<vmem>>, vector<16xf32>,
        %mul3A_1668 = vector.broadcast %squeeze3A_1660 : f32 to vector<16xf32>
        %mul3A_1669 = arith.mulf %get3A_1667, %mul3A_1668 : vector<16xf32>
        %swap3A_1670 = arith.index_cast %add3A_1664 : i32 to index
        %swap3A_1671 = arith.constant 0 : index
        %swap3A_1672 = tpu.vector_load %arg14[%swap3A_1670, %swap3A_1671] {strides = array<i32>} : memref<128x128xf32, #tpu.memory_space<vmem>>, vector<16xf32>,
        tpu.vector_store %arg14[%swap3A_1670, %swap3A_1671], %mul3A_1669 {strides = array<i32>} : memref<128x128xf32, #tpu.memory_space<vmem>>, vector<16xf32>,
        %get3A_1673 = arith.index_cast %add3A_1664 : i32 to index
        %get3A_1674 = arith.constant 16 : index
        %get3A_1675 = tpu.vector_load %arg14[%get3A_1673, %get3A_1674] {strides = array<i32>} : memref<128x128xf32, #tpu.memory_space<vmem>>, vector<16xf32>,
        %mul3A_1676 = vector.broadcast %squeeze3A_1660 : f32 to vector<16xf32>
        %mul3A_1677 = arith.mulf %get3A_1675, %mul3A_1676 : vector<16xf32>
        %swap3A_1678 = arith.index_cast %add3A_1664 : i32 to index
        %swap3A_1679 = arith.constant 16 : index
        %swap3A_1680 = tpu.vector_load %arg14[%swap3A_1678, %swap3A_1679] {strides = array<i32>} : memref<128x128xf32, #tpu.memory_space<vmem>>, vector<16xf32>,
        tpu.vector_store %arg14[%swap3A_1678, %swap3A_1679], %mul3A_1677 {strides = array<i32>} : memref<128x128xf32, #tpu.memory_space<vmem>>, vector<16xf32>,
        %get3A_1681 = arith.index_cast %add3A_1664 : i32 to index
        %get3A_1682 = arith.constant 32 : index
        %get3A_1683 = tpu.vector_load %arg14[%get3A_1681, %get3A_1682] {strides = array<i32>} : memref<128x128xf32, #tpu.memory_space<vmem>>, vector<16xf32>,
        %mul3A_1684 = vector.broadcast %squeeze3A_1660 : f32 to vector<16xf32>
        %mul3A_1685 = arith.mulf %get3A_1683, %mul3A_1684 : vector<16xf32>
        %swap3A_1686 = arith.index_cast %add3A_1664 : i32 to index
        %swap3A_1687 = arith.constant 32 : index
        %swap3A_1688 = tpu.vector_load %arg14[%swap3A_1686, %swap3A_1687] {strides = array<i32>} : memref<128x128xf32, #tpu.memory_space<vmem>>, vector<16xf32>,
        tpu.vector_store %arg14[%swap3A_1686, %swap3A_1687], %mul3A_1685 {strides = array<i32>} : memref<128x128xf32, #tpu.memory_space<vmem>>, vector<16xf32>,
        %get3A_1689 = arith.index_cast %add3A_1664 : i32 to index
        %get3A_1690 = arith.constant 48 : index
        %get3A_1691 = tpu.vector_load %arg14[%get3A_1689, %get3A_1690] {strides = array<i32>} : memref<128x128xf32, #tpu.memory_space<vmem>>, vector<16xf32>,
        %mul3A_1692 = vector.broadcast %squeeze3A_1660 : f32 to vector<16xf32>
        %mul3A_1693 = arith.mulf %get3A_1691, %mul3A_1692 : vector<16xf32>
        %swap3A_1694 = arith.index_cast %add3A_1664 : i32 to index
        %swap3A_1695 = arith.constant 48 : index
        %swap3A_1696 = tpu.vector_load %arg14[%swap3A_1694, %swap3A_1695] {strides = array<i32>} : memref<128x128xf32, #tpu.memory_space<vmem>>, vector<16xf32>,
        tpu.vector_store %arg14[%swap3A_1694, %swap3A_1695], %mul3A_1693 {strides = array<i32>} : memref<128x128xf32, #tpu.memory_space<vmem>>, vector<16xf32>,
        %get3A_1697 = arith.index_cast %add3A_1664 : i32 to index
        %get3A_1698 = arith.constant 64 : index
        %get3A_1699 = tpu.vector_load %arg14[%get3A_1697, %get3A_1698] {strides = array<i32>} : memref<128x128xf32, #tpu.memory_space<vmem>>, vector<16xf32>,
        %mul3A_1700 = vector.broadcast %squeeze3A_1660 : f32 to vector<16xf32>
        %mul3A_1701 = arith.mulf %get3A_1699, %mul3A_1700 : vector<16xf32>
        %swap3A_1702 = arith.index_cast %add3A_1664 : i32 to index
        %swap3A_1703 = arith.constant 64 : index
        %swap3A_1704 = tpu.vector_load %arg14[%swap3A_1702, %swap3A_1703] {strides = array<i32>} : memref<128x128xf32, #tpu.memory_space<vmem>>, vector<16xf32>,
        tpu.vector_store %arg14[%swap3A_1702, %swap3A_1703], %mul3A_1701 {strides = array<i32>} : memref<128x128xf32, #tpu.memory_space<vmem>>, vector<16xf32>,
        %get3A_1705 = arith.index_cast %add3A_1664 : i32 to index
        %get3A_1706 = arith.constant 80 : index
        %get3A_1707 = tpu.vector_load %arg14[%get3A_1705, %get3A_1706] {strides = array<i32>} : memref<128x128xf32, #tpu.memory_space<vmem>>, vector<16xf32>,
        %mul3A_1708 = vector.broadcast %squeeze3A_1660 : f32 to vector<16xf32>
        %mul3A_1709 = arith.mulf %get3A_1707, %mul3A_1708 : vector<16xf32>
        %swap3A_1710 = arith.index_cast %add3A_1664 : i32 to index
        %swap3A_1711 = arith.constant 80 : index
        %swap3A_1712 = tpu.vector_load %arg14[%swap3A_1710, %swap3A_1711] {strides = array<i32>} : memref<128x128xf32, #tpu.memory_space<vmem>>, vector<16xf32>,
        tpu.vector_store %arg14[%swap3A_1710, %swap3A_1711], %mul3A_1709 {strides = array<i32>} : memref<128x128xf32, #tpu.memory_space<vmem>>, vector<16xf32>,
        %get3A_1713 = arith.index_cast %add3A_1664 : i32 to index
        %get3A_1714 = arith.constant 96 : index
        %get3A_1715 = tpu.vector_load %arg14[%get3A_1713, %get3A_1714] {strides = array<i32>} : memref<128x128xf32, #tpu.memory_space<vmem>>, vector<16xf32>,
        %mul3A_1716 = vector.broadcast %squeeze3A_1660 : f32 to vector<16xf32>
        %mul3A_1717 = arith.mulf %get3A_1715, %mul3A_1716 : vector<16xf32>
        %swap3A_1718 = arith.index_cast %add3A_1664 : i32 to index
        %swap3A_1719 = arith.constant 96 : index
        %swap3A_1720 = tpu.vector_load %arg14[%swap3A_1718, %swap3A_1719] {strides = array<i32>} : memref<128x128xf32, #tpu.memory_space<vmem>>, vector<16xf32>,
        tpu.vector_store %arg14[%swap3A_1718, %swap3A_1719], %mul3A_1717 {strides = array<i32>} : memref<128x128xf32, #tpu.memory_space<vmem>>, vector<16xf32>,
        %get3A_1721 = arith.index_cast %add3A_1664 : i32 to index
        %get3A_1722 = arith.constant 112 : index
        %get3A_1723 = tpu.vector_load %arg14[%get3A_1721, %get3A_1722] {strides = array<i32>} : memref<128x128xf32, #tpu.memory_space<vmem>>, vector<16xf32>,
        %mul3A_1724 = vector.broadcast %squeeze3A_1660 : f32 to vector<16xf32>
        %mul3A_1725 = arith.mulf %get3A_1723, %mul3A_1724 : vector<16xf32>
        %swap3A_1726 = arith.index_cast %add3A_1664 : i32 to index
        %swap3A_1727 = arith.constant 112 : index
        %swap3A_1728 = tpu.vector_load %arg14[%swap3A_1726, %swap3A_1727] {strides = array<i32>} : memref<128x128xf32, #tpu.memory_space<vmem>>, vector<16xf32>,
        tpu.vector_store %arg14[%swap3A_1726, %swap3A_1727], %mul3A_1725 {strides = array<i32>} : memref<128x128xf32, #tpu.memory_space<vmem>>, vector<16xf32>,
        %slice3A_1729 = vector.extract_strided_slice %get3A_1030 {offsets = [10], sizes = [1], strides = [1]} : vector<16xf32> to vector<1xf32>
        %squeeze3A_1730 = vector.extract %slice3A_1729[0] : f32 from vector<1xf32>
        %mul3A_1731 = arith.constant 16 : i32
        %mul3A_1732 = arith.muli %scan3A_1025, %mul3A_1731 : i32
        %add3A_1733 = arith.constant 10 : i32
        %add3A_1734 = arith.addi %mul3A_1732, %add3A_1733 : i32
        %get3A_1735 = arith.index_cast %add3A_1734 : i32 to index
        %get3A_1736 = arith.constant 0 : index
        %get3A_1737 = tpu.vector_load %arg14[%get3A_1735, %get3A_1736] {strides = array<i32>} : memref<128x128xf32, #tpu.memory_space<vmem>>, vector<16xf32>,
        %mul3A_1738 = vector.broadcast %squeeze3A_1730 : f32 to vector<16xf32>
        %mul3A_1739 = arith.mulf %get3A_1737, %mul3A_1738 : vector<16xf32>
        %swap3A_1740 = arith.index_cast %add3A_1734 : i32 to index
        %swap3A_1741 = arith.constant 0 : index
        %swap3A_1742 = tpu.vector_load %arg14[%swap3A_1740, %swap3A_1741] {strides = array<i32>} : memref<128x128xf32, #tpu.memory_space<vmem>>, vector<16xf32>,
        tpu.vector_store %arg14[%swap3A_1740, %swap3A_1741], %mul3A_1739 {strides = array<i32>} : memref<128x128xf32, #tpu.memory_space<vmem>>, vector<16xf32>,
        %get3A_1743 = arith.index_cast %add3A_1734 : i32 to index
        %get3A_1744 = arith.constant 16 : index
        %get3A_1745 = tpu.vector_load %arg14[%get3A_1743, %get3A_1744] {strides = array<i32>} : memref<128x128xf32, #tpu.memory_space<vmem>>, vector<16xf32>,
        %mul3A_1746 = vector.broadcast %squeeze3A_1730 : f32 to vector<16xf32>
        %mul3A_1747 = arith.mulf %get3A_1745, %mul3A_1746 : vector<16xf32>
        %swap3A_1748 = arith.index_cast %add3A_1734 : i32 to index
        %swap3A_1749 = arith.constant 16 : index
        %swap3A_1750 = tpu.vector_load %arg14[%swap3A_1748, %swap3A_1749] {strides = array<i32>} : memref<128x128xf32, #tpu.memory_space<vmem>>, vector<16xf32>,
        tpu.vector_store %arg14[%swap3A_1748, %swap3A_1749], %mul3A_1747 {strides = array<i32>} : memref<128x128xf32, #tpu.memory_space<vmem>>, vector<16xf32>,
        %get3A_1751 = arith.index_cast %add3A_1734 : i32 to index
        %get3A_1752 = arith.constant 32 : index
        %get3A_1753 = tpu.vector_load %arg14[%get3A_1751, %get3A_1752] {strides = array<i32>} : memref<128x128xf32, #tpu.memory_space<vmem>>, vector<16xf32>,
        %mul3A_1754 = vector.broadcast %squeeze3A_1730 : f32 to vector<16xf32>
        %mul3A_1755 = arith.mulf %get3A_1753, %mul3A_1754 : vector<16xf32>
        %swap3A_1756 = arith.index_cast %add3A_1734 : i32 to index
        %swap3A_1757 = arith.constant 32 : index
        %swap3A_1758 = tpu.vector_load %arg14[%swap3A_1756, %swap3A_1757] {strides = array<i32>} : memref<128x128xf32, #tpu.memory_space<vmem>>, vector<16xf32>,
        tpu.vector_store %arg14[%swap3A_1756, %swap3A_1757], %mul3A_1755 {strides = array<i32>} : memref<128x128xf32, #tpu.memory_space<vmem>>, vector<16xf32>,
        %get3A_1759 = arith.index_cast %add3A_1734 : i32 to index
        %get3A_1760 = arith.constant 48 : index
        %get3A_1761 = tpu.vector_load %arg14[%get3A_1759, %get3A_1760] {strides = array<i32>} : memref<128x128xf32, #tpu.memory_space<vmem>>, vector<16xf32>,
        %mul3A_1762 = vector.broadcast %squeeze3A_1730 : f32 to vector<16xf32>
        %mul3A_1763 = arith.mulf %get3A_1761, %mul3A_1762 : vector<16xf32>
        %swap3A_1764 = arith.index_cast %add3A_1734 : i32 to index
        %swap3A_1765 = arith.constant 48 : index
        %swap3A_1766 = tpu.vector_load %arg14[%swap3A_1764, %swap3A_1765] {strides = array<i32>} : memref<128x128xf32, #tpu.memory_space<vmem>>, vector<16xf32>,
        tpu.vector_store %arg14[%swap3A_1764, %swap3A_1765], %mul3A_1763 {strides = array<i32>} : memref<128x128xf32, #tpu.memory_space<vmem>>, vector<16xf32>,
        %get3A_1767 = arith.index_cast %add3A_1734 : i32 to index
        %get3A_1768 = arith.constant 64 : index
        %get3A_1769 = tpu.vector_load %arg14[%get3A_1767, %get3A_1768] {strides = array<i32>} : memref<128x128xf32, #tpu.memory_space<vmem>>, vector<16xf32>,
        %mul3A_1770 = vector.broadcast %squeeze3A_1730 : f32 to vector<16xf32>
        %mul3A_1771 = arith.mulf %get3A_1769, %mul3A_1770 : vector<16xf32>
        %swap3A_1772 = arith.index_cast %add3A_1734 : i32 to index
        %swap3A_1773 = arith.constant 64 : index
        %swap3A_1774 = tpu.vector_load %arg14[%swap3A_1772, %swap3A_1773] {strides = array<i32>} : memref<128x128xf32, #tpu.memory_space<vmem>>, vector<16xf32>,
        tpu.vector_store %arg14[%swap3A_1772, %swap3A_1773], %mul3A_1771 {strides = array<i32>} : memref<128x128xf32, #tpu.memory_space<vmem>>, vector<16xf32>,
        %get3A_1775 = arith.index_cast %add3A_1734 : i32 to index
        %get3A_1776 = arith.constant 80 : index
        %get3A_1777 = tpu.vector_load %arg14[%get3A_1775, %get3A_1776] {strides = array<i32>} : memref<128x128xf32, #tpu.memory_space<vmem>>, vector<16xf32>,
        %mul3A_1778 = vector.broadcast %squeeze3A_1730 : f32 to vector<16xf32>
        %mul3A_1779 = arith.mulf %get3A_1777, %mul3A_1778 : vector<16xf32>
        %swap3A_1780 = arith.index_cast %add3A_1734 : i32 to index
        %swap3A_1781 = arith.constant 80 : index
        %swap3A_1782 = tpu.vector_load %arg14[%swap3A_1780, %swap3A_1781] {strides = array<i32>} : memref<128x128xf32, #tpu.memory_space<vmem>>, vector<16xf32>,
        tpu.vector_store %arg14[%swap3A_1780, %swap3A_1781], %mul3A_1779 {strides = array<i32>} : memref<128x128xf32, #tpu.memory_space<vmem>>, vector<16xf32>,
        %get3A_1783 = arith.index_cast %add3A_1734 : i32 to index
        %get3A_1784 = arith.constant 96 : index
        %get3A_1785 = tpu.vector_load %arg14[%get3A_1783, %get3A_1784] {strides = array<i32>} : memref<128x128xf32, #tpu.memory_space<vmem>>, vector<16xf32>,
        %mul3A_1786 = vector.broadcast %squeeze3A_1730 : f32 to vector<16xf32>
        %mul3A_1787 = arith.mulf %get3A_1785, %mul3A_1786 : vector<16xf32>
        %swap3A_1788 = arith.index_cast %add3A_1734 : i32 to index
        %swap3A_1789 = arith.constant 96 : index
        %swap3A_1790 = tpu.vector_load %arg14[%swap3A_1788, %swap3A_1789] {strides = array<i32>} : memref<128x128xf32, #tpu.memory_space<vmem>>, vector<16xf32>,
        tpu.vector_store %arg14[%swap3A_1788, %swap3A_1789], %mul3A_1787 {strides = array<i32>} : memref<128x128xf32, #tpu.memory_space<vmem>>, vector<16xf32>,
        %get3A_1791 = arith.index_cast %add3A_1734 : i32 to index
        %get3A_1792 = arith.constant 112 : index
        %get3A_1793 = tpu.vector_load %arg14[%get3A_1791, %get3A_1792] {strides = array<i32>} : memref<128x128xf32, #tpu.memory_space<vmem>>, vector<16xf32>,
        %mul3A_1794 = vector.broadcast %squeeze3A_1730 : f32 to vector<16xf32>
        %mul3A_1795 = arith.mulf %get3A_1793, %mul3A_1794 : vector<16xf32>
        %swap3A_1796 = arith.index_cast %add3A_1734 : i32 to index
        %swap3A_1797 = arith.constant 112 : index
        %swap3A_1798 = tpu.vector_load %arg14[%swap3A_1796, %swap3A_1797] {strides = array<i32>} : memref<128x128xf32, #tpu.memory_space<vmem>>, vector<16xf32>,
        tpu.vector_store %arg14[%swap3A_1796, %swap3A_1797], %mul3A_1795 {strides = array<i32>} : memref<128x128xf32, #tpu.memory_space<vmem>>, vector<16xf32>,
        %slice3A_1799 = vector.extract_strided_slice %get3A_1030 {offsets = [11], sizes = [1], strides = [1]} : vector<16xf32> to vector<1xf32>
        %squeeze3A_1800 = vector.extract %slice3A_1799[0] : f32 from vector<1xf32>
        %mul3A_1801 = arith.constant 16 : i32
        %mul3A_1802 = arith.muli %scan3A_1025, %mul3A_1801 : i32
        %add3A_1803 = arith.constant 11 : i32
        %add3A_1804 = arith.addi %mul3A_1802, %add3A_1803 : i32
        %get3A_1805 = arith.index_cast %add3A_1804 : i32 to index
        %get3A_1806 = arith.constant 0 : index
        %get3A_1807 = tpu.vector_load %arg14[%get3A_1805, %get3A_1806] {strides = array<i32>} : memref<128x128xf32, #tpu.memory_space<vmem>>, vector<16xf32>,
        %mul3A_1808 = vector.broadcast %squeeze3A_1800 : f32 to vector<16xf32>
        %mul3A_1809 = arith.mulf %get3A_1807, %mul3A_1808 : vector<16xf32>
        %swap3A_1810 = arith.index_cast %add3A_1804 : i32 to index
        %swap3A_1811 = arith.constant 0 : index
        %swap3A_1812 = tpu.vector_load %arg14[%swap3A_1810, %swap3A_1811] {strides = array<i32>} : memref<128x128xf32, #tpu.memory_space<vmem>>, vector<16xf32>,
        tpu.vector_store %arg14[%swap3A_1810, %swap3A_1811], %mul3A_1809 {strides = array<i32>} : memref<128x128xf32, #tpu.memory_space<vmem>>, vector<16xf32>,
        %get3A_1813 = arith.index_cast %add3A_1804 : i32 to index
        %get3A_1814 = arith.constant 16 : index
        %get3A_1815 = tpu.vector_load %arg14[%get3A_1813, %get3A_1814] {strides = array<i32>} : memref<128x128xf32, #tpu.memory_space<vmem>>, vector<16xf32>,
        %mul3A_1816 = vector.broadcast %squeeze3A_1800 : f32 to vector<16xf32>
        %mul3A_1817 = arith.mulf %get3A_1815, %mul3A_1816 : vector<16xf32>
        %swap3A_1818 = arith.index_cast %add3A_1804 : i32 to index
        %swap3A_1819 = arith.constant 16 : index
        %swap3A_1820 = tpu.vector_load %arg14[%swap3A_1818, %swap3A_1819] {strides = array<i32>} : memref<128x128xf32, #tpu.memory_space<vmem>>, vector<16xf32>,
        tpu.vector_store %arg14[%swap3A_1818, %swap3A_1819], %mul3A_1817 {strides = array<i32>} : memref<128x128xf32, #tpu.memory_space<vmem>>, vector<16xf32>,
        %get3A_1821 = arith.index_cast %add3A_1804 : i32 to index
        %get3A_1822 = arith.constant 32 : index
        %get3A_1823 = tpu.vector_load %arg14[%get3A_1821, %get3A_1822] {strides = array<i32>} : memref<128x128xf32, #tpu.memory_space<vmem>>, vector<16xf32>,
        %mul3A_1824 = vector.broadcast %squeeze3A_1800 : f32 to vector<16xf32>
        %mul3A_1825 = arith.mulf %get3A_1823, %mul3A_1824 : vector<16xf32>
        %swap3A_1826 = arith.index_cast %add3A_1804 : i32 to index
        %swap3A_1827 = arith.constant 32 : index
        %swap3A_1828 = tpu.vector_load %arg14[%swap3A_1826, %swap3A_1827] {strides = array<i32>} : memref<128x128xf32, #tpu.memory_space<vmem>>, vector<16xf32>,
        tpu.vector_store %arg14[%swap3A_1826, %swap3A_1827], %mul3A_1825 {strides = array<i32>} : memref<128x128xf32, #tpu.memory_space<vmem>>, vector<16xf32>,
        %get3A_1829 = arith.index_cast %add3A_1804 : i32 to index
        %get3A_1830 = arith.constant 48 : index
        %get3A_1831 = tpu.vector_load %arg14[%get3A_1829, %get3A_1830] {strides = array<i32>} : memref<128x128xf32, #tpu.memory_space<vmem>>, vector<16xf32>,
        %mul3A_1832 = vector.broadcast %squeeze3A_1800 : f32 to vector<16xf32>
        %mul3A_1833 = arith.mulf %get3A_1831, %mul3A_1832 : vector<16xf32>
        %swap3A_1834 = arith.index_cast %add3A_1804 : i32 to index
        %swap3A_1835 = arith.constant 48 : index
        %swap3A_1836 = tpu.vector_load %arg14[%swap3A_1834, %swap3A_1835] {strides = array<i32>} : memref<128x128xf32, #tpu.memory_space<vmem>>, vector<16xf32>,
        tpu.vector_store %arg14[%swap3A_1834, %swap3A_1835], %mul3A_1833 {strides = array<i32>} : memref<128x128xf32, #tpu.memory_space<vmem>>, vector<16xf32>,
        %get3A_1837 = arith.index_cast %add3A_1804 : i32 to index
        %get3A_1838 = arith.constant 64 : index
        %get3A_1839 = tpu.vector_load %arg14[%get3A_1837, %get3A_1838] {strides = array<i32>} : memref<128x128xf32, #tpu.memory_space<vmem>>, vector<16xf32>,
        %mul3A_1840 = vector.broadcast %squeeze3A_1800 : f32 to vector<16xf32>
        %mul3A_1841 = arith.mulf %get3A_1839, %mul3A_1840 : vector<16xf32>
        %swap3A_1842 = arith.index_cast %add3A_1804 : i32 to index
        %swap3A_1843 = arith.constant 64 : index
        %swap3A_1844 = tpu.vector_load %arg14[%swap3A_1842, %swap3A_1843] {strides = array<i32>} : memref<128x128xf32, #tpu.memory_space<vmem>>, vector<16xf32>,
        tpu.vector_store %arg14[%swap3A_1842, %swap3A_1843], %mul3A_1841 {strides = array<i32>} : memref<128x128xf32, #tpu.memory_space<vmem>>, vector<16xf32>,
        %get3A_1845 = arith.index_cast %add3A_1804 : i32 to index
        %get3A_1846 = arith.constant 80 : index
        %get3A_1847 = tpu.vector_load %arg14[%get3A_1845, %get3A_1846] {strides = array<i32>} : memref<128x128xf32, #tpu.memory_space<vmem>>, vector<16xf32>,
        %mul3A_1848 = vector.broadcast %squeeze3A_1800 : f32 to vector<16xf32>
        %mul3A_1849 = arith.mulf %get3A_1847, %mul3A_1848 : vector<16xf32>
        %swap3A_1850 = arith.index_cast %add3A_1804 : i32 to index
        %swap3A_1851 = arith.constant 80 : index
        %swap3A_1852 = tpu.vector_load %arg14[%swap3A_1850, %swap3A_1851] {strides = array<i32>} : memref<128x128xf32, #tpu.memory_space<vmem>>, vector<16xf32>,
        tpu.vector_store %arg14[%swap3A_1850, %swap3A_1851], %mul3A_1849 {strides = array<i32>} : memref<128x128xf32, #tpu.memory_space<vmem>>, vector<16xf32>,
        %get3A_1853 = arith.index_cast %add3A_1804 : i32 to index
        %get3A_1854 = arith.constant 96 : index
        %get3A_1855 = tpu.vector_load %arg14[%get3A_1853, %get3A_1854] {strides = array<i32>} : memref<128x128xf32, #tpu.memory_space<vmem>>, vector<16xf32>,
        %mul3A_1856 = vector.broadcast %squeeze3A_1800 : f32 to vector<16xf32>
        %mul3A_1857 = arith.mulf %get3A_1855, %mul3A_1856 : vector<16xf32>
        %swap3A_1858 = arith.index_cast %add3A_1804 : i32 to index
        %swap3A_1859 = arith.constant 96 : index
        %swap3A_1860 = tpu.vector_load %arg14[%swap3A_1858, %swap3A_1859] {strides = array<i32>} : memref<128x128xf32, #tpu.memory_space<vmem>>, vector<16xf32>,
        tpu.vector_store %arg14[%swap3A_1858, %swap3A_1859], %mul3A_1857 {strides = array<i32>} : memref<128x128xf32, #tpu.memory_space<vmem>>, vector<16xf32>,
        %get3A_1861 = arith.index_cast %add3A_1804 : i32 to index
        %get3A_1862 = arith.constant 112 : index
        %get3A_1863 = tpu.vector_load %arg14[%get3A_1861, %get3A_1862] {strides = array<i32>} : memref<128x128xf32, #tpu.memory_space<vmem>>, vector<16xf32>,
        %mul3A_1864 = vector.broadcast %squeeze3A_1800 : f32 to vector<16xf32>
        %mul3A_1865 = arith.mulf %get3A_1863, %mul3A_1864 : vector<16xf32>
        %swap3A_1866 = arith.index_cast %add3A_1804 : i32 to index
        %swap3A_1867 = arith.constant 112 : index
        %swap3A_1868 = tpu.vector_load %arg14[%swap3A_1866, %swap3A_1867] {strides = array<i32>} : memref<128x128xf32, #tpu.memory_space<vmem>>, vector<16xf32>,
        tpu.vector_store %arg14[%swap3A_1866, %swap3A_1867], %mul3A_1865 {strides = array<i32>} : memref<128x128xf32, #tpu.memory_space<vmem>>, vector<16xf32>,
        %slice3A_1869 = vector.extract_strided_slice %get3A_1030 {offsets = [12], sizes = [1], strides = [1]} : vector<16xf32> to vector<1xf32>
        %squeeze3A_1870 = vector.extract %slice3A_1869[0] : f32 from vector<1xf32>
        %mul3A_1871 = arith.constant 16 : i32
        %mul3A_1872 = arith.muli %scan3A_1025, %mul3A_1871 : i32
        %add3A_1873 = arith.constant 12 : i32
        %add3A_1874 = arith.addi %mul3A_1872, %add3A_1873 : i32
        %get3A_1875 = arith.index_cast %add3A_1874 : i32 to index
        %get3A_1876 = arith.constant 0 : index
        %get3A_1877 = tpu.vector_load %arg14[%get3A_1875, %get3A_1876] {strides = array<i32>} : memref<128x128xf32, #tpu.memory_space<vmem>>, vector<16xf32>,
        %mul3A_1878 = vector.broadcast %squeeze3A_1870 : f32 to vector<16xf32>
        %mul3A_1879 = arith.mulf %get3A_1877, %mul3A_1878 : vector<16xf32>
        %swap3A_1880 = arith.index_cast %add3A_1874 : i32 to index
        %swap3A_1881 = arith.constant 0 : index
        %swap3A_1882 = tpu.vector_load %arg14[%swap3A_1880, %swap3A_1881] {strides = array<i32>} : memref<128x128xf32, #tpu.memory_space<vmem>>, vector<16xf32>,
        tpu.vector_store %arg14[%swap3A_1880, %swap3A_1881], %mul3A_1879 {strides = array<i32>} : memref<128x128xf32, #tpu.memory_space<vmem>>, vector<16xf32>,
        %get3A_1883 = arith.index_cast %add3A_1874 : i32 to index
        %get3A_1884 = arith.constant 16 : index
        %get3A_1885 = tpu.vector_load %arg14[%get3A_1883, %get3A_1884] {strides = array<i32>} : memref<128x128xf32, #tpu.memory_space<vmem>>, vector<16xf32>,
        %mul3A_1886 = vector.broadcast %squeeze3A_1870 : f32 to vector<16xf32>
        %mul3A_1887 = arith.mulf %get3A_1885, %mul3A_1886 : vector<16xf32>
        %swap3A_1888 = arith.index_cast %add3A_1874 : i32 to index
        %swap3A_1889 = arith.constant 16 : index
        %swap3A_1890 = tpu.vector_load %arg14[%swap3A_1888, %swap3A_1889] {strides = array<i32>} : memref<128x128xf32, #tpu.memory_space<vmem>>, vector<16xf32>,
        tpu.vector_store %arg14[%swap3A_1888, %swap3A_1889], %mul3A_1887 {strides = array<i32>} : memref<128x128xf32, #tpu.memory_space<vmem>>, vector<16xf32>,
        %get3A_1891 = arith.index_cast %add3A_1874 : i32 to index
        %get3A_1892 = arith.constant 32 : index
        %get3A_1893 = tpu.vector_load %arg14[%get3A_1891, %get3A_1892] {strides = array<i32>} : memref<128x128xf32, #tpu.memory_space<vmem>>, vector<16xf32>,
        %mul3A_1894 = vector.broadcast %squeeze3A_1870 : f32 to vector<16xf32>
        %mul3A_1895 = arith.mulf %get3A_1893, %mul3A_1894 : vector<16xf32>
        %swap3A_1896 = arith.index_cast %add3A_1874 : i32 to index
        %swap3A_1897 = arith.constant 32 : index
        %swap3A_1898 = tpu.vector_load %arg14[%swap3A_1896, %swap3A_1897] {strides = array<i32>} : memref<128x128xf32, #tpu.memory_space<vmem>>, vector<16xf32>,
        tpu.vector_store %arg14[%swap3A_1896, %swap3A_1897], %mul3A_1895 {strides = array<i32>} : memref<128x128xf32, #tpu.memory_space<vmem>>, vector<16xf32>,
        %get3A_1899 = arith.index_cast %add3A_1874 : i32 to index
        %get3A_1900 = arith.constant 48 : index
        %get3A_1901 = tpu.vector_load %arg14[%get3A_1899, %get3A_1900] {strides = array<i32>} : memref<128x128xf32, #tpu.memory_space<vmem>>, vector<16xf32>,
        %mul3A_1902 = vector.broadcast %squeeze3A_1870 : f32 to vector<16xf32>
        %mul3A_1903 = arith.mulf %get3A_1901, %mul3A_1902 : vector<16xf32>
        %swap3A_1904 = arith.index_cast %add3A_1874 : i32 to index
        %swap3A_1905 = arith.constant 48 : index
        %swap3A_1906 = tpu.vector_load %arg14[%swap3A_1904, %swap3A_1905] {strides = array<i32>} : memref<128x128xf32, #tpu.memory_space<vmem>>, vector<16xf32>,
        tpu.vector_store %arg14[%swap3A_1904, %swap3A_1905], %mul3A_1903 {strides = array<i32>} : memref<128x128xf32, #tpu.memory_space<vmem>>, vector<16xf32>,
        %get3A_1907 = arith.index_cast %add3A_1874 : i32 to index
        %get3A_1908 = arith.constant 64 : index
        %get3A_1909 = tpu.vector_load %arg14[%get3A_1907, %get3A_1908] {strides = array<i32>} : memref<128x128xf32, #tpu.memory_space<vmem>>, vector<16xf32>,
        %mul3A_1910 = vector.broadcast %squeeze3A_1870 : f32 to vector<16xf32>
        %mul3A_1911 = arith.mulf %get3A_1909, %mul3A_1910 : vector<16xf32>
        %swap3A_1912 = arith.index_cast %add3A_1874 : i32 to index
        %swap3A_1913 = arith.constant 64 : index
        %swap3A_1914 = tpu.vector_load %arg14[%swap3A_1912, %swap3A_1913] {strides = array<i32>} : memref<128x128xf32, #tpu.memory_space<vmem>>, vector<16xf32>,
        tpu.vector_store %arg14[%swap3A_1912, %swap3A_1913], %mul3A_1911 {strides = array<i32>} : memref<128x128xf32, #tpu.memory_space<vmem>>, vector<16xf32>,
        %get3A_1915 = arith.index_cast %add3A_1874 : i32 to index
        %get3A_1916 = arith.constant 80 : index
        %get3A_1917 = tpu.vector_load %arg14[%get3A_1915, %get3A_1916] {strides = array<i32>} : memref<128x128xf32, #tpu.memory_space<vmem>>, vector<16xf32>,
        %mul3A_1918 = vector.broadcast %squeeze3A_1870 : f32 to vector<16xf32>
        %mul3A_1919 = arith.mulf %get3A_1917, %mul3A_1918 : vector<16xf32>
        %swap3A_1920 = arith.index_cast %add3A_1874 : i32 to index
        %swap3A_1921 = arith.constant 80 : index
        %swap3A_1922 = tpu.vector_load %arg14[%swap3A_1920, %swap3A_1921] {strides = array<i32>} : memref<128x128xf32, #tpu.memory_space<vmem>>, vector<16xf32>,
        tpu.vector_store %arg14[%swap3A_1920, %swap3A_1921], %mul3A_1919 {strides = array<i32>} : memref<128x128xf32, #tpu.memory_space<vmem>>, vector<16xf32>,
        %get3A_1923 = arith.index_cast %add3A_1874 : i32 to index
        %get3A_1924 = arith.constant 96 : index
        %get3A_1925 = tpu.vector_load %arg14[%get3A_1923, %get3A_1924] {strides = array<i32>} : memref<128x128xf32, #tpu.memory_space<vmem>>, vector<16xf32>,
        %mul3A_1926 = vector.broadcast %squeeze3A_1870 : f32 to vector<16xf32>
        %mul3A_1927 = arith.mulf %get3A_1925, %mul3A_1926 : vector<16xf32>
        %swap3A_1928 = arith.index_cast %add3A_1874 : i32 to index
        %swap3A_1929 = arith.constant 96 : index
        %swap3A_1930 = tpu.vector_load %arg14[%swap3A_1928, %swap3A_1929] {strides = array<i32>} : memref<128x128xf32, #tpu.memory_space<vmem>>, vector<16xf32>,
        tpu.vector_store %arg14[%swap3A_1928, %swap3A_1929], %mul3A_1927 {strides = array<i32>} : memref<128x128xf32, #tpu.memory_space<vmem>>, vector<16xf32>,
        %get3A_1931 = arith.index_cast %add3A_1874 : i32 to index
        %get3A_1932 = arith.constant 112 : index
        %get3A_1933 = tpu.vector_load %arg14[%get3A_1931, %get3A_1932] {strides = array<i32>} : memref<128x128xf32, #tpu.memory_space<vmem>>, vector<16xf32>,
        %mul3A_1934 = vector.broadcast %squeeze3A_1870 : f32 to vector<16xf32>
        %mul3A_1935 = arith.mulf %get3A_1933, %mul3A_1934 : vector<16xf32>
        %swap3A_1936 = arith.index_cast %add3A_1874 : i32 to index
        %swap3A_1937 = arith.constant 112 : index
        %swap3A_1938 = tpu.vector_load %arg14[%swap3A_1936, %swap3A_1937] {strides = array<i32>} : memref<128x128xf32, #tpu.memory_space<vmem>>, vector<16xf32>,
        tpu.vector_store %arg14[%swap3A_1936, %swap3A_1937], %mul3A_1935 {strides = array<i32>} : memref<128x128xf32, #tpu.memory_space<vmem>>, vector<16xf32>,
        %slice3A_1939 = vector.extract_strided_slice %get3A_1030 {offsets = [13], sizes = [1], strides = [1]} : vector<16xf32> to vector<1xf32>
        %squeeze3A_1940 = vector.extract %slice3A_1939[0] : f32 from vector<1xf32>
        %mul3A_1941 = arith.constant 16 : i32
        %mul3A_1942 = arith.muli %scan3A_1025, %mul3A_1941 : i32
        %add3A_1943 = arith.constant 13 : i32
        %add3A_1944 = arith.addi %mul3A_1942, %add3A_1943 : i32
        %get3A_1945 = arith.index_cast %add3A_1944 : i32 to index
        %get3A_1946 = arith.constant 0 : index
        %get3A_1947 = tpu.vector_load %arg14[%get3A_1945, %get3A_1946] {strides = array<i32>} : memref<128x128xf32, #tpu.memory_space<vmem>>, vector<16xf32>,
        %mul3A_1948 = vector.broadcast %squeeze3A_1940 : f32 to vector<16xf32>
        %mul3A_1949 = arith.mulf %get3A_1947, %mul3A_1948 : vector<16xf32>
        %swap3A_1950 = arith.index_cast %add3A_1944 : i32 to index
        %swap3A_1951 = arith.constant 0 : index
        %swap3A_1952 = tpu.vector_load %arg14[%swap3A_1950, %swap3A_1951] {strides = array<i32>} : memref<128x128xf32, #tpu.memory_space<vmem>>, vector<16xf32>,
        tpu.vector_store %arg14[%swap3A_1950, %swap3A_1951], %mul3A_1949 {strides = array<i32>} : memref<128x128xf32, #tpu.memory_space<vmem>>, vector<16xf32>,
        %get3A_1953 = arith.index_cast %add3A_1944 : i32 to index
        %get3A_1954 = arith.constant 16 : index
        %get3A_1955 = tpu.vector_load %arg14[%get3A_1953, %get3A_1954] {strides = array<i32>} : memref<128x128xf32, #tpu.memory_space<vmem>>, vector<16xf32>,
        %mul3A_1956 = vector.broadcast %squeeze3A_1940 : f32 to vector<16xf32>
        %mul3A_1957 = arith.mulf %get3A_1955, %mul3A_1956 : vector<16xf32>
        %swap3A_1958 = arith.index_cast %add3A_1944 : i32 to index
        %swap3A_1959 = arith.constant 16 : index
        %swap3A_1960 = tpu.vector_load %arg14[%swap3A_1958, %swap3A_1959] {strides = array<i32>} : memref<128x128xf32, #tpu.memory_space<vmem>>, vector<16xf32>,
        tpu.vector_store %arg14[%swap3A_1958, %swap3A_1959], %mul3A_1957 {strides = array<i32>} : memref<128x128xf32, #tpu.memory_space<vmem>>, vector<16xf32>,
        %get3A_1961 = arith.index_cast %add3A_1944 : i32 to index
        %get3A_1962 = arith.constant 32 : index
        %get3A_1963 = tpu.vector_load %arg14[%get3A_1961, %get3A_1962] {strides = array<i32>} : memref<128x128xf32, #tpu.memory_space<vmem>>, vector<16xf32>,
        %mul3A_1964 = vector.broadcast %squeeze3A_1940 : f32 to vector<16xf32>
        %mul3A_1965 = arith.mulf %get3A_1963, %mul3A_1964 : vector<16xf32>
        %swap3A_1966 = arith.index_cast %add3A_1944 : i32 to index
        %swap3A_1967 = arith.constant 32 : index
        %swap3A_1968 = tpu.vector_load %arg14[%swap3A_1966, %swap3A_1967] {strides = array<i32>} : memref<128x128xf32, #tpu.memory_space<vmem>>, vector<16xf32>,
        tpu.vector_store %arg14[%swap3A_1966, %swap3A_1967], %mul3A_1965 {strides = array<i32>} : memref<128x128xf32, #tpu.memory_space<vmem>>, vector<16xf32>,
        %get3A_1969 = arith.index_cast %add3A_1944 : i32 to index
        %get3A_1970 = arith.constant 48 : index
        %get3A_1971 = tpu.vector_load %arg14[%get3A_1969, %get3A_1970] {strides = array<i32>} : memref<128x128xf32, #tpu.memory_space<vmem>>, vector<16xf32>,
        %mul3A_1972 = vector.broadcast %squeeze3A_1940 : f32 to vector<16xf32>
        %mul3A_1973 = arith.mulf %get3A_1971, %mul3A_1972 : vector<16xf32>
        %swap3A_1974 = arith.index_cast %add3A_1944 : i32 to index
        %swap3A_1975 = arith.constant 48 : index
        %swap3A_1976 = tpu.vector_load %arg14[%swap3A_1974, %swap3A_1975] {strides = array<i32>} : memref<128x128xf32, #tpu.memory_space<vmem>>, vector<16xf32>,
        tpu.vector_store %arg14[%swap3A_1974, %swap3A_1975], %mul3A_1973 {strides = array<i32>} : memref<128x128xf32, #tpu.memory_space<vmem>>, vector<16xf32>,
        %get3A_1977 = arith.index_cast %add3A_1944 : i32 to index
        %get3A_1978 = arith.constant 64 : index
        %get3A_1979 = tpu.vector_load %arg14[%get3A_1977, %get3A_1978] {strides = array<i32>} : memref<128x128xf32, #tpu.memory_space<vmem>>, vector<16xf32>,
        %mul3A_1980 = vector.broadcast %squeeze3A_1940 : f32 to vector<16xf32>
        %mul3A_1981 = arith.mulf %get3A_1979, %mul3A_1980 : vector<16xf32>
        %swap3A_1982 = arith.index_cast %add3A_1944 : i32 to index
        %swap3A_1983 = arith.constant 64 : index
        %swap3A_1984 = tpu.vector_load %arg14[%swap3A_1982, %swap3A_1983] {strides = array<i32>} : memref<128x128xf32, #tpu.memory_space<vmem>>, vector<16xf32>,
        tpu.vector_store %arg14[%swap3A_1982, %swap3A_1983], %mul3A_1981 {strides = array<i32>} : memref<128x128xf32, #tpu.memory_space<vmem>>, vector<16xf32>,
        %get3A_1985 = arith.index_cast %add3A_1944 : i32 to index
        %get3A_1986 = arith.constant 80 : index
        %get3A_1987 = tpu.vector_load %arg14[%get3A_1985, %get3A_1986] {strides = array<i32>} : memref<128x128xf32, #tpu.memory_space<vmem>>, vector<16xf32>,
        %mul3A_1988 = vector.broadcast %squeeze3A_1940 : f32 to vector<16xf32>
        %mul3A_1989 = arith.mulf %get3A_1987, %mul3A_1988 : vector<16xf32>
        %swap3A_1990 = arith.index_cast %add3A_1944 : i32 to index
        %swap3A_1991 = arith.constant 80 : index
        %swap3A_1992 = tpu.vector_load %arg14[%swap3A_1990, %swap3A_1991] {strides = array<i32>} : memref<128x128xf32, #tpu.memory_space<vmem>>, vector<16xf32>,
        tpu.vector_store %arg14[%swap3A_1990, %swap3A_1991], %mul3A_1989 {strides = array<i32>} : memref<128x128xf32, #tpu.memory_space<vmem>>, vector<16xf32>,
        %get3A_1993 = arith.index_cast %add3A_1944 : i32 to index
        %get3A_1994 = arith.constant 96 : index
        %get3A_1995 = tpu.vector_load %arg14[%get3A_1993, %get3A_1994] {strides = array<i32>} : memref<128x128xf32, #tpu.memory_space<vmem>>, vector<16xf32>,
        %mul3A_1996 = vector.broadcast %squeeze3A_1940 : f32 to vector<16xf32>
        %mul3A_1997 = arith.mulf %get3A_1995, %mul3A_1996 : vector<16xf32>
        %swap3A_1998 = arith.index_cast %add3A_1944 : i32 to index
        %swap3A_1999 = arith.constant 96 : index
        %swap3A_2000 = tpu.vector_load %arg14[%swap3A_1998, %swap3A_1999] {strides = array<i32>} : memref<128x128xf32, #tpu.memory_space<vmem>>, vector<16xf32>,
        tpu.vector_store %arg14[%swap3A_1998, %swap3A_1999], %mul3A_1997 {strides = array<i32>} : memref<128x128xf32, #tpu.memory_space<vmem>>, vector<16xf32>,
        %get3A_2001 = arith.index_cast %add3A_1944 : i32 to index
        %get3A_2002 = arith.constant 112 : index
        %get3A_2003 = tpu.vector_load %arg14[%get3A_2001, %get3A_2002] {strides = array<i32>} : memref<128x128xf32, #tpu.memory_space<vmem>>, vector<16xf32>,
        %mul3A_2004 = vector.broadcast %squeeze3A_1940 : f32 to vector<16xf32>
        %mul3A_2005 = arith.mulf %get3A_2003, %mul3A_2004 : vector<16xf32>
        %swap3A_2006 = arith.index_cast %add3A_1944 : i32 to index
        %swap3A_2007 = arith.constant 112 : index
        %swap3A_2008 = tpu.vector_load %arg14[%swap3A_2006, %swap3A_2007] {strides = array<i32>} : memref<128x128xf32, #tpu.memory_space<vmem>>, vector<16xf32>,
        tpu.vector_store %arg14[%swap3A_2006, %swap3A_2007], %mul3A_2005 {strides = array<i32>} : memref<128x128xf32, #tpu.memory_space<vmem>>, vector<16xf32>,
        %slice3A_2009 = vector.extract_strided_slice %get3A_1030 {offsets = [14], sizes = [1], strides = [1]} : vector<16xf32> to vector<1xf32>
        %squeeze3A_2010 = vector.extract %slice3A_2009[0] : f32 from vector<1xf32>
        %mul3A_2011 = arith.constant 16 : i32
        %mul3A_2012 = arith.muli %scan3A_1025, %mul3A_2011 : i32
        %add3A_2013 = arith.constant 14 : i32
        %add3A_2014 = arith.addi %mul3A_2012, %add3A_2013 : i32
        %get3A_2015 = arith.index_cast %add3A_2014 : i32 to index
        %get3A_2016 = arith.constant 0 : index
        %get3A_2017 = tpu.vector_load %arg14[%get3A_2015, %get3A_2016] {strides = array<i32>} : memref<128x128xf32, #tpu.memory_space<vmem>>, vector<16xf32>,
        %mul3A_2018 = vector.broadcast %squeeze3A_2010 : f32 to vector<16xf32>
        %mul3A_2019 = arith.mulf %get3A_2017, %mul3A_2018 : vector<16xf32>
        %swap3A_2020 = arith.index_cast %add3A_2014 : i32 to index
        %swap3A_2021 = arith.constant 0 : index
        %swap3A_2022 = tpu.vector_load %arg14[%swap3A_2020, %swap3A_2021] {strides = array<i32>} : memref<128x128xf32, #tpu.memory_space<vmem>>, vector<16xf32>,
        tpu.vector_store %arg14[%swap3A_2020, %swap3A_2021], %mul3A_2019 {strides = array<i32>} : memref<128x128xf32, #tpu.memory_space<vmem>>, vector<16xf32>,
        %get3A_2023 = arith.index_cast %add3A_2014 : i32 to index
        %get3A_2024 = arith.constant 16 : index
        %get3A_2025 = tpu.vector_load %arg14[%get3A_2023, %get3A_2024] {strides = array<i32>} : memref<128x128xf32, #tpu.memory_space<vmem>>, vector<16xf32>,
        %mul3A_2026 = vector.broadcast %squeeze3A_2010 : f32 to vector<16xf32>
        %mul3A_2027 = arith.mulf %get3A_2025, %mul3A_2026 : vector<16xf32>
        %swap3A_2028 = arith.index_cast %add3A_2014 : i32 to index
        %swap3A_2029 = arith.constant 16 : index
        %swap3A_2030 = tpu.vector_load %arg14[%swap3A_2028, %swap3A_2029] {strides = array<i32>} : memref<128x128xf32, #tpu.memory_space<vmem>>, vector<16xf32>,
        tpu.vector_store %arg14[%swap3A_2028, %swap3A_2029], %mul3A_2027 {strides = array<i32>} : memref<128x128xf32, #tpu.memory_space<vmem>>, vector<16xf32>,
        %get3A_2031 = arith.index_cast %add3A_2014 : i32 to index
        %get3A_2032 = arith.constant 32 : index
        %get3A_2033 = tpu.vector_load %arg14[%get3A_2031, %get3A_2032] {strides = array<i32>} : memref<128x128xf32, #tpu.memory_space<vmem>>, vector<16xf32>,
        %mul3A_2034 = vector.broadcast %squeeze3A_2010 : f32 to vector<16xf32>
        %mul3A_2035 = arith.mulf %get3A_2033, %mul3A_2034 : vector<16xf32>
        %swap3A_2036 = arith.index_cast %add3A_2014 : i32 to index
        %swap3A_2037 = arith.constant 32 : index
        %swap3A_2038 = tpu.vector_load %arg14[%swap3A_2036, %swap3A_2037] {strides = array<i32>} : memref<128x128xf32, #tpu.memory_space<vmem>>, vector<16xf32>,
        tpu.vector_store %arg14[%swap3A_2036, %swap3A_2037], %mul3A_2035 {strides = array<i32>} : memref<128x128xf32, #tpu.memory_space<vmem>>, vector<16xf32>,
        %get3A_2039 = arith.index_cast %add3A_2014 : i32 to index
        %get3A_2040 = arith.constant 48 : index
        %get3A_2041 = tpu.vector_load %arg14[%get3A_2039, %get3A_2040] {strides = array<i32>} : memref<128x128xf32, #tpu.memory_space<vmem>>, vector<16xf32>,
        %mul3A_2042 = vector.broadcast %squeeze3A_2010 : f32 to vector<16xf32>
        %mul3A_2043 = arith.mulf %get3A_2041, %mul3A_2042 : vector<16xf32>
        %swap3A_2044 = arith.index_cast %add3A_2014 : i32 to index
        %swap3A_2045 = arith.constant 48 : index
        %swap3A_2046 = tpu.vector_load %arg14[%swap3A_2044, %swap3A_2045] {strides = array<i32>} : memref<128x128xf32, #tpu.memory_space<vmem>>, vector<16xf32>,
        tpu.vector_store %arg14[%swap3A_2044, %swap3A_2045], %mul3A_2043 {strides = array<i32>} : memref<128x128xf32, #tpu.memory_space<vmem>>, vector<16xf32>,
        %get3A_2047 = arith.index_cast %add3A_2014 : i32 to index
        %get3A_2048 = arith.constant 64 : index
        %get3A_2049 = tpu.vector_load %arg14[%get3A_2047, %get3A_2048] {strides = array<i32>} : memref<128x128xf32, #tpu.memory_space<vmem>>, vector<16xf32>,
        %mul3A_2050 = vector.broadcast %squeeze3A_2010 : f32 to vector<16xf32>
        %mul3A_2051 = arith.mulf %get3A_2049, %mul3A_2050 : vector<16xf32>
        %swap3A_2052 = arith.index_cast %add3A_2014 : i32 to index
        %swap3A_2053 = arith.constant 64 : index
        %swap3A_2054 = tpu.vector_load %arg14[%swap3A_2052, %swap3A_2053] {strides = array<i32>} : memref<128x128xf32, #tpu.memory_space<vmem>>, vector<16xf32>,
        tpu.vector_store %arg14[%swap3A_2052, %swap3A_2053], %mul3A_2051 {strides = array<i32>} : memref<128x128xf32, #tpu.memory_space<vmem>>, vector<16xf32>,
        %get3A_2055 = arith.index_cast %add3A_2014 : i32 to index
        %get3A_2056 = arith.constant 80 : index
        %get3A_2057 = tpu.vector_load %arg14[%get3A_2055, %get3A_2056] {strides = array<i32>} : memref<128x128xf32, #tpu.memory_space<vmem>>, vector<16xf32>,
        %mul3A_2058 = vector.broadcast %squeeze3A_2010 : f32 to vector<16xf32>
        %mul3A_2059 = arith.mulf %get3A_2057, %mul3A_2058 : vector<16xf32>
        %swap3A_2060 = arith.index_cast %add3A_2014 : i32 to index
        %swap3A_2061 = arith.constant 80 : index
        %swap3A_2062 = tpu.vector_load %arg14[%swap3A_2060, %swap3A_2061] {strides = array<i32>} : memref<128x128xf32, #tpu.memory_space<vmem>>, vector<16xf32>,
        tpu.vector_store %arg14[%swap3A_2060, %swap3A_2061], %mul3A_2059 {strides = array<i32>} : memref<128x128xf32, #tpu.memory_space<vmem>>, vector<16xf32>,
        %get3A_2063 = arith.index_cast %add3A_2014 : i32 to index
        %get3A_2064 = arith.constant 96 : index
        %get3A_2065 = tpu.vector_load %arg14[%get3A_2063, %get3A_2064] {strides = array<i32>} : memref<128x128xf32, #tpu.memory_space<vmem>>, vector<16xf32>,
        %mul3A_2066 = vector.broadcast %squeeze3A_2010 : f32 to vector<16xf32>
        %mul3A_2067 = arith.mulf %get3A_2065, %mul3A_2066 : vector<16xf32>
        %swap3A_2068 = arith.index_cast %add3A_2014 : i32 to index
        %swap3A_2069 = arith.constant 96 : index
        %swap3A_2070 = tpu.vector_load %arg14[%swap3A_2068, %swap3A_2069] {strides = array<i32>} : memref<128x128xf32, #tpu.memory_space<vmem>>, vector<16xf32>,
        tpu.vector_store %arg14[%swap3A_2068, %swap3A_2069], %mul3A_2067 {strides = array<i32>} : memref<128x128xf32, #tpu.memory_space<vmem>>, vector<16xf32>,
        %get3A_2071 = arith.index_cast %add3A_2014 : i32 to index
        %get3A_2072 = arith.constant 112 : index
        %get3A_2073 = tpu.vector_load %arg14[%get3A_2071, %get3A_2072] {strides = array<i32>} : memref<128x128xf32, #tpu.memory_space<vmem>>, vector<16xf32>,
        %mul3A_2074 = vector.broadcast %squeeze3A_2010 : f32 to vector<16xf32>
        %mul3A_2075 = arith.mulf %get3A_2073, %mul3A_2074 : vector<16xf32>
        %swap3A_2076 = arith.index_cast %add3A_2014 : i32 to index
        %swap3A_2077 = arith.constant 112 : index
        %swap3A_2078 = tpu.vector_load %arg14[%swap3A_2076, %swap3A_2077] {strides = array<i32>} : memref<128x128xf32, #tpu.memory_space<vmem>>, vector<16xf32>,
        tpu.vector_store %arg14[%swap3A_2076, %swap3A_2077], %mul3A_2075 {strides = array<i32>} : memref<128x128xf32, #tpu.memory_space<vmem>>, vector<16xf32>,
        %slice3A_2079 = vector.extract_strided_slice %get3A_1030 {offsets = [15], sizes = [1], strides = [1]} : vector<16xf32> to vector<1xf32>
        %squeeze3A_2080 = vector.extract %slice3A_2079[0] : f32 from vector<1xf32>
        %mul3A_2081 = arith.constant 16 : i32
        %mul3A_2082 = arith.muli %scan3A_1025, %mul3A_2081 : i32
        %add3A_2083 = arith.constant 15 : i32
        %add3A_2084 = arith.addi %mul3A_2082, %add3A_2083 : i32
        %get3A_2085 = arith.index_cast %add3A_2084 : i32 to index
        %get3A_2086 = arith.constant 0 : index
        %get3A_2087 = tpu.vector_load %arg14[%get3A_2085, %get3A_2086] {strides = array<i32>} : memref<128x128xf32, #tpu.memory_space<vmem>>, vector<16xf32>,
        %mul3A_2088 = vector.broadcast %squeeze3A_2080 : f32 to vector<16xf32>
        %mul3A_2089 = arith.mulf %get3A_2087, %mul3A_2088 : vector<16xf32>
        %swap3A_2090 = arith.index_cast %add3A_2084 : i32 to index
        %swap3A_2091 = arith.constant 0 : index
        %swap3A_2092 = tpu.vector_load %arg14[%swap3A_2090, %swap3A_2091] {strides = array<i32>} : memref<128x128xf32, #tpu.memory_space<vmem>>, vector<16xf32>,
        tpu.vector_store %arg14[%swap3A_2090, %swap3A_2091], %mul3A_2089 {strides = array<i32>} : memref<128x128xf32, #tpu.memory_space<vmem>>, vector<16xf32>,
        %get3A_2093 = arith.index_cast %add3A_2084 : i32 to index
        %get3A_2094 = arith.constant 16 : index
        %get3A_2095 = tpu.vector_load %arg14[%get3A_2093, %get3A_2094] {strides = array<i32>} : memref<128x128xf32, #tpu.memory_space<vmem>>, vector<16xf32>,
        %mul3A_2096 = vector.broadcast %squeeze3A_2080 : f32 to vector<16xf32>
        %mul3A_2097 = arith.mulf %get3A_2095, %mul3A_2096 : vector<16xf32>
        %swap3A_2098 = arith.index_cast %add3A_2084 : i32 to index
        %swap3A_2099 = arith.constant 16 : index
        %swap3A_2100 = tpu.vector_load %arg14[%swap3A_2098, %swap3A_2099] {strides = array<i32>} : memref<128x128xf32, #tpu.memory_space<vmem>>, vector<16xf32>,
        tpu.vector_store %arg14[%swap3A_2098, %swap3A_2099], %mul3A_2097 {strides = array<i32>} : memref<128x128xf32, #tpu.memory_space<vmem>>, vector<16xf32>,
        %get3A_2101 = arith.index_cast %add3A_2084 : i32 to index
        %get3A_2102 = arith.constant 32 : index
        %get3A_2103 = tpu.vector_load %arg14[%get3A_2101, %get3A_2102] {strides = array<i32>} : memref<128x128xf32, #tpu.memory_space<vmem>>, vector<16xf32>,
        %mul3A_2104 = vector.broadcast %squeeze3A_2080 : f32 to vector<16xf32>
        %mul3A_2105 = arith.mulf %get3A_2103, %mul3A_2104 : vector<16xf32>
        %swap3A_2106 = arith.index_cast %add3A_2084 : i32 to index
        %swap3A_2107 = arith.constant 32 : index
        %swap3A_2108 = tpu.vector_load %arg14[%swap3A_2106, %swap3A_2107] {strides = array<i32>} : memref<128x128xf32, #tpu.memory_space<vmem>>, vector<16xf32>,
        tpu.vector_store %arg14[%swap3A_2106, %swap3A_2107], %mul3A_2105 {strides = array<i32>} : memref<128x128xf32, #tpu.memory_space<vmem>>, vector<16xf32>,
        %get3A_2109 = arith.index_cast %add3A_2084 : i32 to index
        %get3A_2110 = arith.constant 48 : index
        %get3A_2111 = tpu.vector_load %arg14[%get3A_2109, %get3A_2110] {strides = array<i32>} : memref<128x128xf32, #tpu.memory_space<vmem>>, vector<16xf32>,
        %mul3A_2112 = vector.broadcast %squeeze3A_2080 : f32 to vector<16xf32>
        %mul3A_2113 = arith.mulf %get3A_2111, %mul3A_2112 : vector<16xf32>
        %swap3A_2114 = arith.index_cast %add3A_2084 : i32 to index
        %swap3A_2115 = arith.constant 48 : index
        %swap3A_2116 = tpu.vector_load %arg14[%swap3A_2114, %swap3A_2115] {strides = array<i32>} : memref<128x128xf32, #tpu.memory_space<vmem>>, vector<16xf32>,
        tpu.vector_store %arg14[%swap3A_2114, %swap3A_2115], %mul3A_2113 {strides = array<i32>} : memref<128x128xf32, #tpu.memory_space<vmem>>, vector<16xf32>,
        %get3A_2117 = arith.index_cast %add3A_2084 : i32 to index
        %get3A_2118 = arith.constant 64 : index
        %get3A_2119 = tpu.vector_load %arg14[%get3A_2117, %get3A_2118] {strides = array<i32>} : memref<128x128xf32, #tpu.memory_space<vmem>>, vector<16xf32>,
        %mul3A_2120 = vector.broadcast %squeeze3A_2080 : f32 to vector<16xf32>
        %mul3A_2121 = arith.mulf %get3A_2119, %mul3A_2120 : vector<16xf32>
        %swap3A_2122 = arith.index_cast %add3A_2084 : i32 to index
        %swap3A_2123 = arith.constant 64 : index
        %swap3A_2124 = tpu.vector_load %arg14[%swap3A_2122, %swap3A_2123] {strides = array<i32>} : memref<128x128xf32, #tpu.memory_space<vmem>>, vector<16xf32>,
        tpu.vector_store %arg14[%swap3A_2122, %swap3A_2123], %mul3A_2121 {strides = array<i32>} : memref<128x128xf32, #tpu.memory_space<vmem>>, vector<16xf32>,
        %get3A_2125 = arith.index_cast %add3A_2084 : i32 to index
        %get3A_2126 = arith.constant 80 : index
        %get3A_2127 = tpu.vector_load %arg14[%get3A_2125, %get3A_2126] {strides = array<i32>} : memref<128x128xf32, #tpu.memory_space<vmem>>, vector<16xf32>,
        %mul3A_2128 = vector.broadcast %squeeze3A_2080 : f32 to vector<16xf32>
        %mul3A_2129 = arith.mulf %get3A_2127, %mul3A_2128 : vector<16xf32>
        %swap3A_2130 = arith.index_cast %add3A_2084 : i32 to index
        %swap3A_2131 = arith.constant 80 : index
        %swap3A_2132 = tpu.vector_load %arg14[%swap3A_2130, %swap3A_2131] {strides = array<i32>} : memref<128x128xf32, #tpu.memory_space<vmem>>, vector<16xf32>,
        tpu.vector_store %arg14[%swap3A_2130, %swap3A_2131], %mul3A_2129 {strides = array<i32>} : memref<128x128xf32, #tpu.memory_space<vmem>>, vector<16xf32>,
        %get3A_2133 = arith.index_cast %add3A_2084 : i32 to index
        %get3A_2134 = arith.constant 96 : index
        %get3A_2135 = tpu.vector_load %arg14[%get3A_2133, %get3A_2134] {strides = array<i32>} : memref<128x128xf32, #tpu.memory_space<vmem>>, vector<16xf32>,
        %mul3A_2136 = vector.broadcast %squeeze3A_2080 : f32 to vector<16xf32>
        %mul3A_2137 = arith.mulf %get3A_2135, %mul3A_2136 : vector<16xf32>
        %swap3A_2138 = arith.index_cast %add3A_2084 : i32 to index
        %swap3A_2139 = arith.constant 96 : index
        %swap3A_2140 = tpu.vector_load %arg14[%swap3A_2138, %swap3A_2139] {strides = array<i32>} : memref<128x128xf32, #tpu.memory_space<vmem>>, vector<16xf32>,
        tpu.vector_store %arg14[%swap3A_2138, %swap3A_2139], %mul3A_2137 {strides = array<i32>} : memref<128x128xf32, #tpu.memory_space<vmem>>, vector<16xf32>,
        %get3A_2141 = arith.index_cast %add3A_2084 : i32 to index
        %get3A_2142 = arith.constant 112 : index
        %get3A_2143 = tpu.vector_load %arg14[%get3A_2141, %get3A_2142] {strides = array<i32>} : memref<128x128xf32, #tpu.memory_space<vmem>>, vector<16xf32>,
        %mul3A_2144 = vector.broadcast %squeeze3A_2080 : f32 to vector<16xf32>
        %mul3A_2145 = arith.mulf %get3A_2143, %mul3A_2144 : vector<16xf32>
        %swap3A_2146 = arith.index_cast %add3A_2084 : i32 to index
        %swap3A_2147 = arith.constant 112 : index
        %swap3A_2148 = tpu.vector_load %arg14[%swap3A_2146, %swap3A_2147] {strides = array<i32>} : memref<128x128xf32, #tpu.memory_space<vmem>>, vector<16xf32>,
        tpu.vector_store %arg14[%swap3A_2146, %swap3A_2147], %mul3A_2145 {strides = array<i32>} : memref<128x128xf32, #tpu.memory_space<vmem>>, vector<16xf32>,
        %scan3A_2149 = arith.constant 0 : i32
        scf.yield %scan3A_2149 : i32
      }
      %scan3A_1024 = arith.constant 8 : i32
      "tpu.region"() ({
        %run_scoped3A = tpu.sem_alloc : memref<!tpu.dma_semaphore, #tpu.memory_space<semaphore_mem>>
        %dma_start3A_1025 = arith.constant 0 : i32
        %dma_start3A_1026 = arith.constant 0 : i32
        %dma_start3A_1027 = tpu.memref_slice %arg17[%dma_start3A_1025, %dma_start3A_1026] : memref<10240x128xf32, #tpu.memory_space<vmem_shared>> -> memref<10240x128xf32, #tpu.memory_space<vmem_shared>>
        tpu.enqueue_indirect_dma source(%arg14 : memref<128x128xf32, #tpu.memory_space<vmem>>) target(%dma_start3A_1027 : memref<10240x128xf32, #tpu.memory_space<vmem_shared>>) offsets(%arg12 : memref<128xi32, #tpu.memory_space<vmem>>) semaphore(%run_scoped3A : memref<!tpu.dma_semaphore, #tpu.memory_space<semaphore_mem>>) {add = true}
        %dma_wait3A_1028 = arith.constant 0 : i32
        %dma_wait3A_1029 = arith.constant 0 : i32
        %dma_wait3A_1030 = tpu.memref_slice %arg17[%dma_wait3A_1028, %dma_wait3A_1029] : memref<10240x128xf32, #tpu.memory_space<vmem_shared>> -> memref<10240x128xf32, #tpu.memory_space<vmem_shared>>
        tpu.wait_indirect_dma semaphore(%run_scoped3A : memref<!tpu.dma_semaphore, #tpu.memory_space<semaphore_mem>>) src(%arg14 : memref<128x128xf32, #tpu.memory_space<vmem>>) dst(%dma_wait3A_1030 : memref<10240x128xf32, #tpu.memory_space<vmem_shared>>)
        tpu.yield
      }) : () -> ()
      "tpu.region"() ({
        %run_scoped3A = tpu.sem_alloc : memref<!tpu.dma_semaphore, #tpu.memory_space<semaphore_mem>>
        %dma_start3A_1025 = arith.constant 0 : i32
        %dma_start3A_1026 = tpu.memref_slice %arg18[%dma_start3A_1025] : memref<10240xf32, #tpu.memory_space<vmem_shared>> -> memref<10240xf32, #tpu.memory_space<vmem_shared>>
        tpu.enqueue_indirect_dma source(%arg13 : memref<128xf32, #tpu.memory_space<vmem>>) target(%dma_start3A_1026 : memref<10240xf32, #tpu.memory_space<vmem_shared>>) offsets(%arg12 : memref<128xi32, #tpu.memory_space<vmem>>) semaphore(%run_scoped3A : memref<!tpu.dma_semaphore, #tpu.memory_space<semaphore_mem>>) {add = true}
        %dma_wait3A_1027 = arith.constant 0 : i32
        %dma_wait3A_1028 = tpu.memref_slice %arg18[%dma_wait3A_1027] : memref<10240xf32, #tpu.memory_space<vmem_shared>> -> memref<10240xf32, #tpu.memory_space<vmem_shared>>
        tpu.wait_indirect_dma semaphore(%run_scoped3A : memref<!tpu.dma_semaphore, #tpu.memory_space<semaphore_mem>>) src(%arg13 : memref<128xf32, #tpu.memory_space<vmem>>) dst(%dma_wait3A_1028 : memref<10240xf32, #tpu.memory_space<vmem_shared>>)
        tpu.yield
      }) : () -> ()
    }
    %scan3A_761 = arith.constant 79 : i32
    %barrier3A_762 = arith.constant 0 : index
    tpu.barrier barrier_id(%barrier3A_762)
    %mul3A_763 = arith.constant 640 : i32
    %mul3A_764 = arith.muli %arg1, %mul3A_763 : i32
    %mul3A_765 = arith.constant 640 : i32
    %mul3A_766 = arith.muli %arg1, %mul3A_765 : i32
    "tpu.region"() ({
      %run_scoped3A = tpu.sem_alloc : memref<!tpu.dma_semaphore, #tpu.memory_space<semaphore_mem>>
      %dma_start3A = arith.constant 0 : i32
      %dma_start3A_771 = tpu.memref_slice %arg7[%arg0, %mul3A_766, %dma_start3A] : memref<2x10240x128xf32, #tpu.memory_space<hbm>> -> memref<1x640x128xf32, #tpu.memory_space<hbm>>
      %dma_start3A_772 = tpu.memref_squeeze %dma_start3A_771 : memref<1x640x128xf32, #tpu.memory_space<hbm>> -> memref<640x128xf32, #tpu.memory_space<hbm>>
      %dma_start3A_773 = arith.constant 0 : i32
      %dma_start3A_774 = tpu.memref_slice %arg17[%mul3A_764, %dma_start3A_773] : memref<10240x128xf32, #tpu.memory_space<vmem_shared>> -> memref<640x128xf32, #tpu.memory_space<vmem_shared>>
      tpu.enqueue_dma source(%dma_start3A_774 : memref<640x128xf32, #tpu.memory_space<vmem_shared>>) target(%dma_start3A_772 : memref<640x128xf32, #tpu.memory_space<hbm>>) target_semaphore(%run_scoped3A : memref<!tpu.dma_semaphore, #tpu.memory_space<semaphore_mem>>)
      %dma_wait3A = arith.constant 0 : i32
      %dma_wait3A_775 = tpu.memref_slice %arg7[%arg0, %mul3A_766, %dma_wait3A] : memref<2x10240x128xf32, #tpu.memory_space<hbm>> -> memref<1x640x128xf32, #tpu.memory_space<hbm>>
      %dma_wait3A_776 = tpu.memref_squeeze %dma_wait3A_775 : memref<1x640x128xf32, #tpu.memory_space<hbm>> -> memref<640x128xf32, #tpu.memory_space<hbm>>
      %dma_wait3A_777 = arith.constant 0 : i32
      %dma_wait3A_778 = tpu.memref_slice %arg17[%mul3A_764, %dma_wait3A_777] : memref<10240x128xf32, #tpu.memory_space<vmem_shared>> -> memref<640x128xf32, #tpu.memory_space<vmem_shared>>
      tpu.wait_dma2 semaphore(%run_scoped3A : memref<!tpu.dma_semaphore, #tpu.memory_space<semaphore_mem>>) src(%dma_wait3A_778 : memref<640x128xf32, #tpu.memory_space<vmem_shared>>) dst(%dma_wait3A_776 : memref<640x128xf32, #tpu.memory_space<hbm>>)
      tpu.yield
    }) : () -> ()
    %mul3A_767 = arith.constant 640 : i32
    %mul3A_768 = arith.muli %arg1, %mul3A_767 : i32
    %mul3A_769 = arith.constant 640 : i32
    %mul3A_770 = arith.muli %arg1, %mul3A_769 : i32
    "tpu.region"() ({
      %run_scoped3A = tpu.sem_alloc : memref<!tpu.dma_semaphore, #tpu.memory_space<semaphore_mem>>
      %dma_start3A = tpu.memref_slice %arg8[%arg0, %mul3A_770] : memref<2x10240xf32, #tpu.memory_space<hbm>> -> memref<1x640xf32, #tpu.memory_space<hbm>>
      %dma_start3A_771 = tpu.memref_squeeze %dma_start3A : memref<1x640xf32, #tpu.memory_space<hbm>> -> memref<640xf32, #tpu.memory_space<hbm>>
      %dma_start3A_772 = tpu.memref_slice %arg18[%mul3A_768] : memref<10240xf32, #tpu.memory_space<vmem_shared>> -> memref<640xf32, #tpu.memory_space<vmem_shared>>
      tpu.enqueue_dma source(%dma_start3A_772 : memref<640xf32, #tpu.memory_space<vmem_shared>>) target(%dma_start3A_771 : memref<640xf32, #tpu.memory_space<hbm>>) target_semaphore(%run_scoped3A : memref<!tpu.dma_semaphore, #tpu.memory_space<semaphore_mem>>)
      %dma_wait3A = tpu.memref_slice %arg8[%arg0, %mul3A_770] : memref<2x10240xf32, #tpu.memory_space<hbm>> -> memref<1x640xf32, #tpu.memory_space<hbm>>
      %dma_wait3A_773 = tpu.memref_squeeze %dma_wait3A : memref<1x640xf32, #tpu.memory_space<hbm>> -> memref<640xf32, #tpu.memory_space<hbm>>
      %dma_wait3A_774 = tpu.memref_slice %arg18[%mul3A_768] : memref<10240xf32, #tpu.memory_space<vmem_shared>> -> memref<640xf32, #tpu.memory_space<vmem_shared>>
      tpu.wait_dma2 semaphore(%run_scoped3A : memref<!tpu.dma_semaphore, #tpu.memory_space<semaphore_mem>>) src(%dma_wait3A_774 : memref<640xf32, #tpu.memory_space<vmem_shared>>) dst(%dma_wait3A_773 : memref<640xf32, #tpu.memory_space<hbm>>)
      tpu.yield
    }) : () -> ()
    return
  }
}

module attributes {stable_mosaic.version = 14 : i64} {
  func.func @_proj_body(%arg0: i32, %arg1: memref<400x128xf32, #tpu.memory_space<vmem>>, %arg2: memref<128x128xf32, #tpu.memory_space<vmem>>, %arg3: memref<1x128xf32, #tpu.memory_space<vmem>>, %arg4: memref<1x128xf32, #tpu.memory_space<vmem>>, %arg5: memref<400x128xf32, #tpu.memory_space<vmem>>, %arg6: memref<400x1xf32, #tpu.memory_space<vmem>>, %arg7: memref<400x1xf32, #tpu.memory_space<vmem>>) attributes {dimension_semantics = [#tpu.dimension_semantics<arbitrary>], iteration_bounds = array<i64: 25>, scalar_prefetch = 0 : i64, scratch_operands = 0 : i64, tpu.core_type = #tpu.core_type<tc>, window_params = [{transform_indices = @transform_0, window_bounds = array<i64: 400, 128>}, {pipeline_mode = #tpu.pipeline_mode<synchronous>, transform_indices = @transform_1, window_bounds = array<i64: 128, 128>}, {pipeline_mode = #tpu.pipeline_mode<synchronous>, transform_indices = @transform_2, window_bounds = array<i64: 1, 128>}, {pipeline_mode = #tpu.pipeline_mode<synchronous>, transform_indices = @transform_3, window_bounds = array<i64: 1, 128>}, {transform_indices = @transform_4, window_bounds = array<i64: 400, 128>}, {transform_indices = @transform_5, window_bounds = array<i64: 400, 1>}, {transform_indices = @transform_6, window_bounds = array<i64: 400, 1>}]} {
    %get3A = arith.constant 0 : index
    %get3A_0 = arith.constant 0 : index
    %get3A_1 = vector.load %arg1[%get3A, %get3A_0] : memref<400x128xf32, #tpu.memory_space<vmem>>, vector<400x128xf32>
    %get3A_2 = arith.constant 0 : index
    %get3A_3 = arith.constant 0 : index
    %get3A_4 = vector.load %arg2[%get3A_2, %get3A_3] : memref<128x128xf32, #tpu.memory_space<vmem>>, vector<128x128xf32>
    %dot_general3A = arith.constant dense<0.000000e+00> : vector<400x128xf32>
    %dot_general3A_5 = tpu.matmul %get3A_1, %get3A_4, %dot_general3A {dimension_numbers = #tpu.dot_dimension_numbers<[1], [1], [0], [0], [0, 0, 1, 0], [], []>, transpose_lhs_hint = false} : vector<400x128xf32>, vector<128x128xf32>, vector<400x128xf32> -> vector<400x128xf32>
    %swap3A = arith.constant 0 : index
    %swap3A_6 = arith.constant 0 : index
    %swap3A_7 = vector.load %arg5[%swap3A, %swap3A_6] : memref<400x128xf32, #tpu.memory_space<vmem>>, vector<400x128xf32>
    tpu.vector_store %arg5[%swap3A, %swap3A_6], %dot_general3A_5 {strides = array<i32>} : memref<400x128xf32, #tpu.memory_space<vmem>>, vector<400x128xf32>,
    %get3A_8 = arith.constant 0 : index
    %get3A_9 = arith.constant 0 : index
    %get3A_10 = vector.load %arg3[%get3A_8, %get3A_9] : memref<1x128xf32, #tpu.memory_space<vmem>>, vector<1x128xf32>
    %mul3A = vector.broadcast %get3A_10 : vector<1x128xf32> to vector<400x128xf32>
    %mul3A_11 = arith.mulf %dot_general3A_5, %mul3A : vector<400x128xf32>
    %reduce_sum3A = arith.constant dense<0.000000e+00> : vector<400xf32>
    %reduce_sum3A_12 = vector.multi_reduction <add>, %mul3A_11, %reduce_sum3A [1] : vector<400x128xf32> to vector<400xf32>
    %broadcast_in_dim3A = vector.shape_cast %reduce_sum3A_12 : vector<400xf32> to vector<400x1xf32>
    %swap3A_13 = arith.constant 0 : index
    %swap3A_14 = arith.constant 0 : index
    %swap3A_15 = vector.load %arg6[%swap3A_13, %swap3A_14] : memref<400x1xf32, #tpu.memory_space<vmem>>, vector<400x1xf32>
    tpu.vector_store %arg6[%swap3A_13, %swap3A_14], %broadcast_in_dim3A {strides = array<i32>} : memref<400x1xf32, #tpu.memory_space<vmem>>, vector<400x1xf32>,
    %get3A_16 = arith.constant 0 : index
    %get3A_17 = arith.constant 0 : index
    %get3A_18 = vector.load %arg4[%get3A_16, %get3A_17] : memref<1x128xf32, #tpu.memory_space<vmem>>, vector<1x128xf32>
    %mul3A_19 = vector.broadcast %get3A_18 : vector<1x128xf32> to vector<400x128xf32>
    %mul3A_20 = arith.mulf %dot_general3A_5, %mul3A_19 : vector<400x128xf32>
    %reduce_sum3A_21 = arith.constant dense<0.000000e+00> : vector<400xf32>
    %reduce_sum3A_22 = vector.multi_reduction <add>, %mul3A_20, %reduce_sum3A_21 [1] : vector<400x128xf32> to vector<400xf32>
    %broadcast_in_dim3A_23 = vector.shape_cast %reduce_sum3A_22 : vector<400xf32> to vector<400x1xf32>
    %swap3A_24 = arith.constant 0 : index
    %swap3A_25 = arith.constant 0 : index
    %swap3A_26 = vector.load %arg7[%swap3A_24, %swap3A_25] : memref<400x1xf32, #tpu.memory_space<vmem>>, vector<400x1xf32>
    tpu.vector_store %arg7[%swap3A_24, %swap3A_25], %broadcast_in_dim3A_23 {strides = array<i32>} : memref<400x1xf32, #tpu.memory_space<vmem>>, vector<400x1xf32>,
    return
  }
  func.func @transform_0(%arg0: i32) -> (i32, i32) {
    %c0_i32 = arith.constant 0 : i32
    %c0_i32_0 = arith.constant 0 : i32
    return %arg0, %c0_i32 : i32, i32
  }
  func.func @transform_1(%arg0: i32) -> (i32, i32) {
    %c0_i32 = arith.constant 0 : i32
    %c0_i32_0 = arith.constant 0 : i32
    %c0_i32_1 = arith.constant 0 : i32
    return %c0_i32, %c0_i32_0 : i32, i32
  }
  func.func @transform_2(%arg0: i32) -> (i32, i32) {
    %c0_i32 = arith.constant 0 : i32
    %c0_i32_0 = arith.constant 0 : i32
    %c0_i32_1 = arith.constant 0 : i32
    return %c0_i32, %c0_i32_0 : i32, i32
  }
  func.func @transform_3(%arg0: i32) -> (i32, i32) {
    %c0_i32 = arith.constant 0 : i32
    %c0_i32_0 = arith.constant 0 : i32
    %c0_i32_1 = arith.constant 0 : i32
    return %c0_i32, %c0_i32_0 : i32, i32
  }
  func.func @transform_4(%arg0: i32) -> (i32, i32) {
    %c0_i32 = arith.constant 0 : i32
    %c0_i32_0 = arith.constant 0 : i32
    return %arg0, %c0_i32 : i32, i32
  }
  func.func @transform_5(%arg0: i32) -> (i32, i32) {
    %c0_i32 = arith.constant 0 : i32
    %c0_i32_0 = arith.constant 0 : i32
    return %arg0, %c0_i32 : i32, i32
  }
  func.func @transform_6(%arg0: i32) -> (i32, i32) {
    %c0_i32 = arith.constant 0 : i32
    %c0_i32_0 = arith.constant 0 : i32
    return %arg0, %c0_i32 : i32, i32
  }
}

module attributes {stable_mosaic.version = 14 : i64} {
  func.func @_norm_body(%arg0: i32, %arg1: memref<400x128xf32, #tpu.memory_space<vmem>>, %arg2: memref<400x128xf32, #tpu.memory_space<vmem>>, %arg3: memref<400x1xf32, #tpu.memory_space<vmem>>, %arg4: memref<400x1xf32, #tpu.memory_space<vmem>>, %arg5: memref<400x128xf32, #tpu.memory_space<vmem>>, %arg6: memref<400x1xf32, #tpu.memory_space<vmem>>, %arg7: memref<400x1xf32, #tpu.memory_space<vmem>>, %arg8: memref<1x128xf32, #tpu.memory_space<vmem>>, %arg9: memref<400x128xf32, #tpu.memory_space<vmem>>) attributes {dimension_semantics = [#tpu.dimension_semantics<arbitrary>], iteration_bounds = array<i64: 25>, scalar_prefetch = 0 : i64, scratch_operands = 0 : i64, tpu.core_type = #tpu.core_type<tc>, window_params = [{transform_indices = @transform_0, window_bounds = array<i64: 400, 128>}, {transform_indices = @transform_1, window_bounds = array<i64: 400, 128>}, {transform_indices = @transform_2, window_bounds = array<i64: 400, 1>}, {transform_indices = @transform_3, window_bounds = array<i64: 400, 1>}, {transform_indices = @transform_4, window_bounds = array<i64: 400, 128>}, {transform_indices = @transform_5, window_bounds = array<i64: 400, 1>}, {transform_indices = @transform_6, window_bounds = array<i64: 400, 1>}, {pipeline_mode = #tpu.pipeline_mode<synchronous>, transform_indices = @transform_7, window_bounds = array<i64: 1, 128>}, {transform_indices = @transform_8, window_bounds = array<i64: 400, 128>}]} {
    %get3A = arith.constant 0 : index
    %get3A_0 = arith.constant 0 : index
    %get3A_1 = vector.load %arg6[%get3A, %get3A_0] : memref<400x1xf32, #tpu.memory_space<vmem>>, vector<400x1xf32>
    %get3A_2 = arith.constant 0 : index
    %get3A_3 = arith.constant 0 : index
    %get3A_4 = vector.load %arg7[%get3A_2, %get3A_3] : memref<400x1xf32, #tpu.memory_space<vmem>>, vector<400x1xf32>
    %add3A = arith.addf %get3A_1, %get3A_4 : vector<400x1xf32>
    %neg3A = arith.constant 0.000000e+00 : f32
    %neg3A_5 = vector.broadcast %neg3A : f32 to vector<400x1xf32>
    %neg3A_6 = arith.subf %neg3A_5, %add3A : vector<400x1xf32>
    %exp3A = math.exp %neg3A_6 : vector<400x1xf32>
    %add3A_7 = arith.constant 1.000000e+00 : f32
    %add3A_8 = vector.broadcast %add3A_7 : f32 to vector<400x1xf32>
    %add3A_9 = arith.addf %add3A_8, %exp3A : vector<400x1xf32>
    %div3A = arith.constant 1.000000e+00 : f32
    %div3A_10 = vector.broadcast %div3A : f32 to vector<400x1xf32>
    %div3A_11 = arith.divf %div3A_10, %add3A_9 : vector<400x1xf32>
    %exp3A_12 = math.exp %div3A_11 : vector<400x1xf32>
    %get3A_13 = arith.constant 0 : index
    %get3A_14 = arith.constant 0 : index
    %get3A_15 = vector.load %arg3[%get3A_13, %get3A_14] : memref<400x1xf32, #tpu.memory_space<vmem>>, vector<400x1xf32>
    %get3A_16 = arith.constant 0 : index
    %get3A_17 = arith.constant 0 : index
    %get3A_18 = vector.load %arg4[%get3A_16, %get3A_17] : memref<400x1xf32, #tpu.memory_space<vmem>>, vector<400x1xf32>
    %add3A_19 = arith.addf %get3A_15, %get3A_18 : vector<400x1xf32>
    %add3A_20 = arith.addf %add3A_19, %exp3A_12 : vector<400x1xf32>
    %get3A_21 = arith.constant 0 : index
    %get3A_22 = arith.constant 0 : index
    %get3A_23 = vector.load %arg1[%get3A_21, %get3A_22] : memref<400x128xf32, #tpu.memory_space<vmem>>, vector<400x128xf32>
    %get3A_24 = arith.constant 0 : index
    %get3A_25 = arith.constant 0 : index
    %get3A_26 = vector.load %arg2[%get3A_24, %get3A_25] : memref<400x128xf32, #tpu.memory_space<vmem>>, vector<400x128xf32>
    %add3A_27 = arith.addf %get3A_23, %get3A_26 : vector<400x128xf32>
    %get3A_28 = arith.constant 0 : index
    %get3A_29 = arith.constant 0 : index
    %get3A_30 = vector.load %arg5[%get3A_28, %get3A_29] : memref<400x128xf32, #tpu.memory_space<vmem>>, vector<400x128xf32>
    %mul3A = vector.broadcast %exp3A_12 : vector<400x1xf32> to vector<400x128xf32>
    %mul3A_31 = arith.mulf %mul3A, %get3A_30 : vector<400x128xf32>
    %add3A_32 = arith.addf %add3A_27, %mul3A_31 : vector<400x128xf32>
    %div3A_33 = vector.broadcast %add3A_20 : vector<400x1xf32> to vector<400x128xf32>
    %div3A_34 = arith.divf %add3A_32, %div3A_33 : vector<400x128xf32>
    %get3A_35 = arith.constant 0 : index
    %get3A_36 = arith.constant 0 : index
    %get3A_37 = vector.load %arg8[%get3A_35, %get3A_36] : memref<1x128xf32, #tpu.memory_space<vmem>>, vector<1x128xf32>
    %add3A_38 = vector.broadcast %get3A_37 : vector<1x128xf32> to vector<400x128xf32>
    %add3A_39 = arith.addf %div3A_34, %add3A_38 : vector<400x128xf32>
    %swap3A = arith.constant 0 : index
    %swap3A_40 = arith.constant 0 : index
    %swap3A_41 = vector.load %arg9[%swap3A, %swap3A_40] : memref<400x128xf32, #tpu.memory_space<vmem>>, vector<400x128xf32>
    tpu.vector_store %arg9[%swap3A, %swap3A_40], %add3A_39 {strides = array<i32>} : memref<400x128xf32, #tpu.memory_space<vmem>>, vector<400x128xf32>,
    return
  }
  func.func @transform_0(%arg0: i32) -> (i32, i32) {
    %c0_i32 = arith.constant 0 : i32
    %c0_i32_0 = arith.constant 0 : i32
    return %arg0, %c0_i32 : i32, i32
  }
  func.func @transform_1(%arg0: i32) -> (i32, i32) {
    %c0_i32 = arith.constant 0 : i32
    %c0_i32_0 = arith.constant 0 : i32
    return %arg0, %c0_i32 : i32, i32
  }
  func.func @transform_2(%arg0: i32) -> (i32, i32) {
    %c0_i32 = arith.constant 0 : i32
    %c0_i32_0 = arith.constant 0 : i32
    return %arg0, %c0_i32 : i32, i32
  }
  func.func @transform_3(%arg0: i32) -> (i32, i32) {
    %c0_i32 = arith.constant 0 : i32
    %c0_i32_0 = arith.constant 0 : i32
    return %arg0, %c0_i32 : i32, i32
  }
  func.func @transform_4(%arg0: i32) -> (i32, i32) {
    %c0_i32 = arith.constant 0 : i32
    %c0_i32_0 = arith.constant 0 : i32
    return %arg0, %c0_i32 : i32, i32
  }
  func.func @transform_5(%arg0: i32) -> (i32, i32) {
    %c0_i32 = arith.constant 0 : i32
    %c0_i32_0 = arith.constant 0 : i32
    return %arg0, %c0_i32 : i32, i32
  }
  func.func @transform_6(%arg0: i32) -> (i32, i32) {
    %c0_i32 = arith.constant 0 : i32
    %c0_i32_0 = arith.constant 0 : i32
    return %arg0, %c0_i32 : i32, i32
  }
  func.func @transform_7(%arg0: i32) -> (i32, i32) {
    %c0_i32 = arith.constant 0 : i32
    %c0_i32_0 = arith.constant 0 : i32
    %c0_i32_1 = arith.constant 0 : i32
    return %c0_i32, %c0_i32_0 : i32, i32
  }
  func.func @transform_8(%arg0: i32) -> (i32, i32) {
    %c0_i32 = arith.constant 0 : i32
    %c0_i32_0 = arith.constant 0 : i32
    return %arg0, %c0_i32 : i32, i32
  }
}

</mosaic_0001>

<sc_bundles>
// kernel: kernel.5.cloned.1.call-start
scs
__scs_entry_jumppad:
0x0: {  	(pc) =	sbr.rel $0x88, $3  }
0x1: {  	(tag) =	ssettag $0x0;
	lr =	simm.s32 $0x1  }
0x2: {  	[smem:$0x3F9B] =	sst lr;
	_ =	strace $0xD0000000  }
0x3: {  	_ = 	snop  }
0x4: {  	_ = 	snop  }
0x5: {  	_ = 	snop  }
0x6: {  	_ = 	snop  }
0x7: {  	_ = 	snop  }
__scs_overlays_trampoline_lowered:
0x8: {  	[smem:$0x3FAA] =	sst s0  }
0x9: {  	[smem:$0x3FAB] =	sst s1  }
0xa: {  	[smem:$0x3FAC] =	sst s2  }
0xb: {  	[smem:$0x3FAD] =	sst s3  }
0xc: {  	[smem:$0x3FAE] =	sst s4  }
0xd: {  	[smem:$0x3FAF] =	sst s5  }
0xe: {  	[smem:$0x3FB0] =	sst s6  }
0xf: {  	[smem:$0x3FB1] =	sst s7  }
0x10: {  	[smem:$0x3FB2] =	sst s8  }
0x11: {  	[smem:$0x3FB3] =	sst s9;
	s0 =	simm.s32 @!p0 $0x0  }
0x12: {  	s1 =	sld [smem:$0x3F99];
	s0 =	simm.s32 @p0 $0x1  }
0x13: {  	[smem:$0x3FB4] =	sst s0;
	s0 =	simm.s32 @!p1 $0x0  }
0x14: {  	s2 =	sld [smem:$0x3F98];
	s0 =	simm.s32 @p1 $0x1  }
0x15: {  	[smem:$0x3FB5] =	sst s0;
	s0 =	simm.s32 @!p2 $0x0  }
0x16: {  	s3 =	sld [smem:$0x3FDB];
	s0 =	simm.s32 @p2 $0x1  }
0x17: {  	s4 =	simm.s32 $0x1BF5;
	[smem:$0x3FB7] =	sst s0  }
0x18: {  	s0 =	sld [smem:$0x3F9A];
	_ =	swait.ge [sflag:s4], $0x0  }
0x19: {  	s7 =	sld [smem:$0x3F9B]  }
0x1a: {  	s8 =	sadd.s32 $0xFFFFE003, lr  }
0x1b: {  	s9 =	sadd.s32 $0xFFFFFEF7, lr;
	s5 =	simm.s32 $0xFFFFFFFF;
	p2 =	slt.u32 s8, $0xFFFFF086  }
0x1c: {  	p1 =	slt.u32 s9, $0xF7A;
	s5 =	simm.s32 @!p2 $0x0  }
0x1d: {  	s5 =	simm.s32 @p1 $0x1;
	p0 =	seq.s32 s7, s2  }
0x1e: {  	s7 =	smul.u32 @!p0 $0xF7A, s2;
	p2 =	seq.s32 @!p0 s5, $0x0  }
0x1f: {  	s9 =	smul.u32 $0xF7A, s1;
	s8 =	simm.s32 @!p0 $0x1BF5;
	p2 =	por !p2, p0  }
0x20: {  	[sflag:s8] =	ssyncset.s32 @!p0 $0xFFFFF086;
	s6 =	sadd.s32 @!p0 s3, s7;
	s7 =	simm.s32 @!p0 $0x108  }
0x21: {  	s3 =	sadd.s32 s3, s9;
	s6 =	sadd.s32 @!p0 $0x88, s6;
	s7 =	simm.s32 @p2 $0x1082  }
0x22: {  	[simem:s7], [sflag:s8] =	dma.local @!p0 [hbm:s6], $0xF7A  }
0x23: {  	s9 =	sor.u32 $0xD0000000, s2;
	s6 =	simm.s32 $0x108;
	_ =	swait.ge @!p0 [sflag:s8], $0x0  }
0x24: {  	s3 =	sadd.s32 $0x88, s3;
	s6 =	simm.s32 @!p1 $0x1082;
	[sflag:s4] =	ssyncset.s32 $0xFFFFF086  }
0x25: {  	[simem:s6], [sflag:s4] =	dma.local [hbm:s3], $0xF7A  }
0x26: {  	[smem:$0x3F9B] =	sst s1;
	(tag) =	ssettag s2;
	_ =	strace s9  }
0x27: {  	s1 =	sld [smem:$0x3FAB]  }
0x28: {  	s2 =	sld [smem:$0x3FAC]  }
0x29: {  	s4 =	sld [smem:$0x3FAE]  }
0x2a: {  	p0 =	seq.s32 s5, $0x0;
	s5 =	sld [smem:$0x3FAF]  }
0x2b: {  	s6 =	sld [smem:$0x3FB0]  }
0x2c: {  	s7 =	sld [smem:$0x3FB1]  }
0x2d: {  	s3 =	simm.s32 $0x108;
	s8 =	sld [smem:$0x3FB2]  }
0x2e: {  	s3 =	simm.s32 @!p0 $0x1082;
	s9 =	sld [smem:$0x3FB3]  }
0x2f: {  	lr =	sadd.s32 s0, s3;
	s0 =	sld [smem:$0x3FAA]  }
0x30: {  	s3 =	sld [smem:$0x3FAD]  }
0x31: {  	[smem:$0x3FB6] =	sst s10  }
0x32: {  	s10 =	sld [smem:$0x3FB4];
	_ =	sdelay $0x3  }
0x33: {  	p0 =	seq.s32 s10, $0x1;
	s10 =	sld [smem:$0x3FB6];
	_ =	sdelay $0x3  }
0x34: {  	[smem:$0x3FB6] =	sst s10  }
0x35: {  	s10 =	sld [smem:$0x3FB5];
	_ =	sdelay $0x3  }
0x36: {  	p1 =	seq.s32 s10, $0x1;
	s10 =	sld [smem:$0x3FB6];
	_ =	sdelay $0x3  }
0x37: {  	[smem:$0x3FB6] =	sst s10  }
0x38: {  	s10 =	sld [smem:$0x3FB7]  }
0x39: {  	_ = 	snop;
	(pc) =	sbr.ind lr, $3  }
0x3a: {  	_ = 	snop  }
0x3b: {  	_ = 	snop  }
0x3c: {  	p2 =	seq.s32 s10, $0x1;
	s10 =	sld [smem:$0x3FB6]  }
0x3d: {  	_ =	shalt  }
0x3e: {  	_ =	shalt  }
0x3f: {  	_ =	shalt  }
0x40: {  	_ =	shalt  }
0x41: {  	_ =	shalt  }
0x42: {  	_ =	shalt  }
0x43: {  	_ =	shalt  }
0x44: {  	_ =	shalt  }
0x45: {  	_ =	shalt  }
0x46: {  	_ =	shalt  }
0x47: {  	_ =	shalt  }
0x48: {  	_ =	shalt  }
0x49: {  	_ =	shalt  }
0x4a: {  	_ =	shalt  }
0x4b: {  	_ =	shalt  }
0x4c: {  	_ =	shalt  }
0x4d: {  	_ =	shalt  }
0x4e: {  	_ =	shalt  }
0x4f: {  	_ =	shalt  }
0x50: {  	_ =	shalt  }
0x51: {  	_ =	shalt  }
0x52: {  	_ =	shalt  }
0x53: {  	_ =	shalt  }
0x54: {  	_ =	shalt  }
0x55: {  	_ =	shalt  }
0x56: {  	_ =	shalt  }
0x57: {  	_ =	shalt  }
0x58: {  	_ =	shalt  }
0x59: {  	_ =	shalt  }
0x5a: {  	_ =	shalt  }
0x5b: {  	_ =	shalt  }
0x5c: {  	_ =	shalt  }
0x5d: {  	_ =	shalt  }
0x5e: {  	_ =	shalt  }
0x5f: {  	_ =	shalt  }
0x60: {  	_ =	shalt  }
0x61: {  	_ =	shalt  }
0x62: {  	_ =	shalt  }
0x63: {  	_ =	shalt  }
0x64: {  	_ =	shalt  }
0x65: {  	_ =	shalt  }
0x66: {  	_ =	shalt  }
0x67: {  	_ =	shalt  }
0x68: {  	_ =	shalt  }
0x69: {  	_ =	shalt  }
0x6a: {  	_ =	shalt  }
0x6b: {  	_ =	shalt  }
0x6c: {  	_ =	shalt  }
0x6d: {  	_ =	shalt  }
0x6e: {  	_ =	shalt  }
0x6f: {  	_ =	shalt  }
0x70: {  	_ =	shalt  }
0x71: {  	_ =	shalt  }
0x72: {  	_ =	shalt  }
0x73: {  	_ =	shalt  }
0x74: {  	_ =	shalt  }
0x75: {  	_ =	shalt  }
0x76: {  	_ =	shalt  }
0x77: {  	_ =	shalt  }
0x78: {  	_ =	shalt  }
0x79: {  	_ =	shalt  }
0x7a: {  	_ =	shalt  }
0x7b: {  	_ =	shalt  }
0x7c: {  	_ =	shalt  }
0x7d: {  	_ =	shalt  }
0x7e: {  	_ =	shalt  }
0x7f: {  	_ =	shalt  }
0x80: {  	_ =	shalt  }
0x81: {  	_ =	shalt  }
0x82: {  	_ =	shalt  }
0x83: {  	_ =	shalt  }
0x84: {  	_ =	shalt  }
0x85: {  	_ =	shalt  }
0x86: {  	_ =	shalt  }
0x87: {  	_ =	shalt  }
.Lfunc_end0:
.L_simem_size_0:
called_computation_lowered:
.L_overlay_start_0:
0x88: {  	s2 =	sld [smem:$0x3FD9]  }
0x89: {  	s3 =	sld [smem:$0x3FFE];
	_ =	sdelay $0x1  }
0x8a: {  	s1 =	srdreg.scid  }
0x8b: {  	s0 =	sand.u32 $0x1, s1  }
0x8c: {  	s17 =	sshll.u32 s0, $0xA;
	s2 =	sadd.s32 s3, s2  }
0x8d: {  	s2 =	sadd.s32 s2, s17  }
0x8e: {  	[smem:$0x3FC2] =	sst s2  }
0x8f: {  	_ = 	snop  }
0x90: {  	s2 =	sld [smem:$0x3FD0];
	(tm) =	ssettm $0x1  }
0x91: {  	s18 =	sld [smem:$0x3FFB];
	_ =	sdelay $0x3  }
0x92: {  	_ =	strace s18  }
0x93: {  	s3 =	sld [smem:$0x3FFC];
	_ =	sdelay $0x3  }
0x94: {  	_ =	strace s3  }
0x95: {  	s3 =	sld [smem:$0x3FFD];
	_ =	sdelay $0x3  }
0x96: {  	_ =	strace s3  }
0x97: {  	_ =	strace $0x8FFFFFFF  }
0x98: {  	s19 =	sld [smem:$0x3FDB];
	_ =	sdelay $0x1  }
0x99: {  	s4 =	simm.s32 $_scs_section_size  }
0x9a: {  	s5 =	simm.s32 $_size__tile_overlayer_lowered;
	s6 =	simm.s32 $_tile_overlayer_lowered  }
0x9b: {  	s22 =	simm.s32 $0x1BFF;
	s21 =	sshll.u32 s6, $0x1;
	s3 =	sadd.s32 s4, s19  }
0x9c: {  	s7 =	simm.s32 $0x0;
	s20 =	sshll.u32 s5, $0x1;
	s5 =	sadd.s32 s21, s3  }
0x9d: {  	[timem:s7], [sflag:s22] =	dma.local [hbm:s5], s20  }
0x9e: {  	_ =	swait.ge [sflag:s22], s20  }
0x9f: {  	s4 =	ssub.s32 $0x0, s20;
	[sflag:s22] =	ssyncset.done $0x0  }
0xa0: {  	[sflag:s22] =	ssyncadd.s32 s4;
	_ =	sdelay $0x1  }
0xa1: {  	s23 =	simm.s32 $0x1B8B  }
0xa2: {  	_ =	swait.ge [sflag:s23], $0x1  }
0xa3: {  	[sflag:s23] =	ssyncset.done $0x0  }
0xa4: {  	s25 =	simm.s32 $0x1B8E;
	s24 =	sld [smem:$0x3FFE];
	[sflag:s23] =	ssyncadd.s32 $0xFFFFFFFF  }
0xa5: {  	s26 =	simm.s32 $execute0_lowered;
	[smem:$0x3FD2] =	sst s25  }
0xa6: {  	s5 =	sshll.u32 s26, $0x1;
	_ =	strace $0x80000046;
	[dreg:$0x1] =	wrdreg $0xFFFFFFFF  }
0xa7: {  	s28 =	simm.s32 $_size_execute0_lowered;
	s3 =	sadd.s32 s3, s5;
	[dreg:$0x0] =	wrdreg $0x0  }
0xa8: {  	s5 =	sshll.u32 s28, $0x1;
	[dreg:$0x2] =	wrdreg s3  }
0xa9: {  	[dreg:$0x3] =	wrdreg s5  }
0xaa: {  	[dreg:$0x4] =	wrdreg $0xC0  }
0xab: {  	_ =	task [dreg:s7], $0x5FFFF  }
0xac: {  	[dreg:$0x1] =	wrdreg $0xFFFFFFFF  }
0xad: {  	[dreg:$0x0] =	wrdreg $0x60  }
0xae: {  	[dreg:$0x2] =	wrdreg s2  }
0xaf: {  	[dreg:$0x3] =	wrdreg s24  }
0xb0: {  	[dreg:$0x4] =	wrdreg $0x9B000  }
0xb1: {  	[dreg:$0x5] =	wrdreg $0x1DB000  }
0xb2: {  	[dreg:$0x6] =	wrdreg $0x9  }
0xb3: {  	_ =	task.clear_ibuf [dreg:s7], $0x7FFFF;
	_ =	strace $0x90000046  }
0xb4: {  	s29 =	simm.s32 $0x9;
	_ =	strace $0x80000048  }
0xb5: {  	_ =	swait.ge [sflag:s29], $0x1  }
0xb6: {  	[sflag:s29] =	ssyncadd.s32 $0xFFFFFFFF  }
0xb7: {  	_ =	strace $0x90000048  }
0xb8: {  	_ =	sfence  }
0xb9: {  	s30 =	sld [smem:$0x0];
	_ =	sdelay $0x2  }
0xba: {  	s31 =	sshll.u32 s1, $0xD;
	s1 =	sshrl.u32 s1, $0x2  }
0xbb: {  	s3 =	sand.u32 $0x4000, s31;
	s1 =	sadd.s32 s1, s30  }
0xbc: {  	s0 =	sor.u32 s3, s0;
	s1 =	sshll.u32 s1, $0x11  }
0xbd: {  	s0 =	sor.u32 s1, s0  }
0xbe: {  	s0 =	sadd.s32 $0x8F2B, s0  }
0xbf: {  	[sflag:s0] =	ssyncadd.remote.s32 $0x1  }
0xc0: {  	_ =	sfence.sel $0xFFFF  }
0xc1: {  	[dreg:$0x0] =	wrdreg $0xFFFFFFFF;
	(pc) =	sbr.abs _section_cstart, $3  }
0xc2: {  	[dreg:$0x1] =	wrdreg $0xFFFFFFFF  }
0xc3: {  	_ =	task.clear_ibuf [dreg:s7], $0x2FFFF;
	_ =	strace $0x9FFFFFFF  }
0xc4: {  	(tm) =	ssettm $0x7FFFFFFF  }
0xc5: {  	_ =	shalt  }
tec
execute0_lowered:
.L_overlay_start_1:
0x0: {  	(tag) =	ssettag $0x1  }
0x1: {  	s1 =	rddreg [dreg:$0x0]  }
0x2: {  	s0 =	rddreg [dreg:$0x1]  }
0x3: {  	s2 =	rddreg [dreg:$0x2]  }
0x4: {  	s3 =	rddreg [dreg:$0x3]  }
0x5: {  	s5 =	simm.s32 $0x0;
	s4 =	srdreg.scid;
	s11 =	stileid.u32  }
0x6: {  	[smem:$0x7FF] =	sst s5;
	s4 =	sand.u32 $0x1, s4;
	s7 =	smul.u32 $0x14000, s11  }
0x7: {  	s6 =	sadd.s32 $0xC00, s0;
	s8 =	sadd.s32 $0x80000, s0;
	s21 =	smul.u32 $0x500, s11  }
0x8: {  	s20 =	sadd.s32 $0x80600, s0;
	s9 =	sadd.s32 $0xAA00, s0;
	s19 =	smul.u32 $0x140000, s4  }
0x9: {  	s23 =	smul.u32 $0x50000, s11;
	_ =	strace $0x80000047;
	[dreg:$0x5] =	wrdreg s8  }
0xa: {  	s22 =	sshll.u32 s4, $0x7;
	s10 =	ssub.s32 $0x2, s4;
	s5 =	sadd.s32 s7, s19  }
0xb: {  	s24 =	sshrl.u32 s10, $0x1;
	s7 =	sor.u32 s22, s21;
	s5 =	sshrl.u32 s5, $0x3  }
0xc: {  	s8 =	sshrl.u32 s23, $0x2;
	s7 =	sshrl.u32 s7, $0x3;
	s5 =	sadd.s32 s5, s0  }
0xd: {  	s0 =	sadd.s32 s7, s0;
	s7 =	ssub.s32 s10, s24;
	s10 =	sadd.s32 s8, s2  }
0xe: {  	[dreg:$0x6] =	wrdreg s20;
	s8 =	sadd.s32 $0x800, s10  }
0xf: {  	s25 =	sadd.s32 $0x1000, s10;
	[dreg:$0x7] =	wrdreg s8  }
0x10: {  	s26 =	sadd.s32 $0x1800, s10;
	[dreg:$0x8] =	wrdreg s25  }
0x11: {  	s12 =	sadd.s32 $0x2000, s10;
	[dreg:$0x9] =	wrdreg s26  }
0x12: {  	s14 =	sadd.s32 $0x2800, s10;
	[dreg:$0xa] =	wrdreg s12  }
0x13: {  	s15 =	sadd.s32 $0x3000, s10;
	[dreg:$0xb] =	wrdreg s14  }
0x14: {  	s16 =	sadd.s32 $0x3800, s10;
	[dreg:$0xc] =	wrdreg s15  }
0x15: {  	s17 =	sadd.s32 $0x4000, s10;
	[dreg:$0xd] =	wrdreg s16  }
0x16: {  	s18 =	sadd.s32 $0x4800, s10;
	[dreg:$0xe] =	wrdreg s17  }
0x17: {  	s19 =	sadd.s32 $0x5000, s10;
	[dreg:$0xf] =	wrdreg s18  }
0x18: {  	s20 =	sadd.s32 $0x80C00, s5;
	[dreg:$0x10] =	wrdreg s19  }
0x19: {  	s0 =	sadd.s32 $0xD0C00, s0;
	[dreg:$0x11] =	wrdreg s20  }
0x1a: {  	s4 =	sshll.u32 s4, $0x4;
	s23 =	smax.u32 s7, $0x1;
	[dreg:$0x12] =	wrdreg s0  }
0x1b: {  	s4 =	sor.u32 s11, s4;
	s24 =	sadd.s32 $0x5800, s10;
	[dreg:$0x13] =	wrdreg s23  }
0x1c: {  	s22 =	smul.u32 $0x2780, s4;
	s4 =	sadd.s32 $0x7000, s10;
	[dreg:$0x14] =	wrdreg s24  }
0x1d: {  	s5 =	sadd.s32 $0x7800, s10;
	[dreg:$0x17] =	wrdreg s4  }
0x1e: {  	s7 =	sadd.s32 $0x8000, s10;
	[dreg:$0x18] =	wrdreg s5  }
0x1f: {  	s13 =	smul.u32 $0xA00, s11;
	s11 =	sadd.s32 $0x9000, s10;
	[dreg:$0x19] =	wrdreg s7  }
0x20: {  	s25 =	sadd.s32 $0x6000, s10;
	[dreg:$0x1b] =	wrdreg s11  }
0x21: {  	s28 =	sadd.s32 $0x11800, s10;
	s26 =	sadd.s32 $0x6800, s10;
	[dreg:$0x15] =	wrdreg s25  }
0x22: {  	s29 =	sadd.s32 $0x12000, s10;
	s12 =	sadd.s32 $0x9800, s10;
	[dreg:$0x16] =	wrdreg s26  }
0x23: {  	s8 =	sshrl.u32 s13, $0x2;
	s13 =	sadd.s32 $0xA000, s10;
	[dreg:$0x1c] =	wrdreg s12  }
0x24: {  	s30 =	sadd.s32 $0x12800, s10;
	s14 =	sadd.s32 $0xA800, s10;
	[dreg:$0x1d] =	wrdreg s13  }
0x25: {  	s31 =	sadd.s32 $0x13000, s10;
	s15 =	sadd.s32 $0xB000, s10;
	[dreg:$0x1e] =	wrdreg s14  }
0x26: {  	s16 =	sadd.s32 $0xB800, s10;
	s17 =	sadd.s32 $0xC000, s10;
	[dreg:$0x1f] =	wrdreg s15  }
0x27: {  	s18 =	sadd.s32 $0xC800, s10;
	s19 =	sadd.s32 $0xD000, s10;
	[smem:$0x7F5] =	sst s16  }
0x28: {  	s20 =	sadd.s32 $0xD800, s10;
	s23 =	sadd.s32 $0xE000, s10;
	[smem:$0x7F6] =	sst s17  }
0x29: {  	s24 =	sadd.s32 $0xE800, s10;
	s0 =	sadd.s32 $0x13800, s10;
	[smem:$0x7F7] =	sst s18  }
0x2a: {  	s4 =	simm.s32 $0x9080;
	s5 =	simm.s32 $0x2;
	[smem:$0x7F8] =	sst s19  }
0x2b: {  	s7 =	simm.s32 $0x2780;
	s11 =	simm.s32 $0x4F80;
	[smem:$0x7F9] =	sst s20  }
0x2c: {  	s21 =	sadd.s32 s8, s3;
	s8 =	sadd.s32 $0x8800, s10;
	[smem:$0x7FA] =	sst s23  }
0x2d: {  	[smem:$0x7FB] =	sst s24;
	s25 =	sadd.s32 $0xF000, s10;
	s26 =	sadd.s32 $0xF800, s10  }
0x2e: {  	s24 =	sadd.s32 $0x10000, s10;
	s12 =	simm.s32 $0x80;
	[dreg:$0x1a] =	wrdreg s8  }
0x2f: {  	s13 =	simm.s32 $0x5080;
	s14 =	simm.s32 $0x1;
	[smem:$0x7FC] =	sst s25  }
0x30: {  	s15 =	simm.s32 $0x5000;
	s16 =	simm.s32 $0x0;
	[smem:$0x7FD] =	sst s26  }
0x31: {  	v0 =	vimm.f32 $0.0e+00;
	s25 =	sadd.s32 $0x10800, s10;
	s26 =	sadd.s32 $0x11000, s10;
	s8 =	simm.s32 $0x4F00  }
.LBB2_1:
0x32: {  	[tilespmem:$0x9080] =	vst v0  }
0x33: {  	[tilespmem:$0x9090] =	vst v0  }
0x34: {  	[tilespmem:$0x90A0] =	vst v0  }
0x35: {  	[tilespmem:$0x90B0] =	vst v0  }
0x36: {  	[tilespmem:$0x90C0] =	vst v0  }
0x37: {  	[tilespmem:$0x90D0] =	vst v0  }
0x38: {  	[tilespmem:$0x90E0] =	vst v0  }
0x39: {  	[tilespmem:$0x90F0] =	vst v0  }
0x3a: {  	[tilespmem:$0x9100] =	vst v0  }
0x3b: {  	[tilespmem:$0x9110] =	vst v0  }
0x3c: {  	[tilespmem:$0x9120] =	vst v0  }
0x3d: {  	[tilespmem:$0x9130] =	vst v0  }
0x3e: {  	[tilespmem:$0x9140] =	vst v0  }
0x3f: {  	[tilespmem:$0x9150] =	vst v0  }
0x40: {  	[tilespmem:$0x9160] =	vst v0  }
0x41: {  	[tilespmem:$0x9170] =	vst v0  }
0x42: {  	[tilespmem:$0x9180] =	vst v0  }
0x43: {  	[tilespmem:$0x9190] =	vst v0  }
0x44: {  	[tilespmem:$0x91A0] =	vst v0  }
0x45: {  	[tilespmem:$0x91B0] =	vst v0  }
0x46: {  	[tilespmem:$0x91C0] =	vst v0  }
0x47: {  	[tilespmem:$0x91D0] =	vst v0  }
0x48: {  	[tilespmem:$0x91E0] =	vst v0  }
0x49: {  	[tilespmem:$0x91F0] =	vst v0  }
0x4a: {  	[tilespmem:$0x9200] =	vst v0  }
0x4b: {  	[tilespmem:$0x9210] =	vst v0  }
0x4c: {  	[tilespmem:$0x9220] =	vst v0  }
0x4d: {  	[tilespmem:$0x9230] =	vst v0  }
0x4e: {  	[tilespmem:$0x9240] =	vst v0  }
0x4f: {  	[tilespmem:$0x9250] =	vst v0  }
0x50: {  	[tilespmem:$0x9260] =	vst v0  }
0x51: {  	[tilespmem:$0x9270] =	vst v0  }
0x52: {  	[tilespmem:$0x9280] =	vst v0  }
0x53: {  	[tilespmem:$0x9290] =	vst v0  }
0x54: {  	[tilespmem:$0x92A0] =	vst v0  }
0x55: {  	[tilespmem:$0x92B0] =	vst v0  }
0x56: {  	[tilespmem:$0x92C0] =	vst v0  }
0x57: {  	[tilespmem:$0x92D0] =	vst v0  }
0x58: {  	[tilespmem:$0x92E0] =	vst v0  }
0x59: {  	[tilespmem:$0x92F0] =	vst v0  }
0x5a: {  	[tilespmem:$0x9300] =	vst v0  }
0x5b: {  	[tilespmem:$0x9310] =	vst v0  }
0x5c: {  	[tilespmem:$0x9320] =	vst v0  }
0x5d: {  	[tilespmem:$0x9330] =	vst v0  }
0x5e: {  	[tilespmem:$0x9340] =	vst v0  }
0x5f: {  	[tilespmem:$0x9350] =	vst v0  }
0x60: {  	[tilespmem:$0x9360] =	vst v0  }
0x61: {  	[tilespmem:$0x9370] =	vst v0  }
0x62: {  	[tilespmem:$0x9380] =	vst v0  }
0x63: {  	[tilespmem:$0x9390] =	vst v0  }
0x64: {  	[tilespmem:$0x93A0] =	vst v0  }
0x65: {  	[tilespmem:$0x93B0] =	vst v0  }
0x66: {  	[tilespmem:$0x93C0] =	vst v0  }
0x67: {  	[tilespmem:$0x93D0] =	vst v0  }
0x68: {  	[tilespmem:$0x93E0] =	vst v0  }
0x69: {  	[tilespmem:$0x93F0] =	vst v0  }
0x6a: {  	[tilespmem:$0x9400] =	vst v0  }
0x6b: {  	[tilespmem:$0x9410] =	vst v0  }
0x6c: {  	[tilespmem:$0x9420] =	vst v0  }
0x6d: {  	[tilespmem:$0x9430] =	vst v0  }
0x6e: {  	[tilespmem:$0x9440] =	vst v0  }
0x6f: {  	[tilespmem:$0x9450] =	vst v0  }
0x70: {  	[tilespmem:$0x9460] =	vst v0  }
0x71: {  	[tilespmem:$0x9470] =	vst v0  }
0x72: {  	[tilespmem:$0x9480] =	vst v0  }
0x73: {  	[tilespmem:$0x9490] =	vst v0  }
0x74: {  	[tilespmem:$0x94A0] =	vst v0  }
0x75: {  	[tilespmem:$0x94B0] =	vst v0  }
0x76: {  	[tilespmem:$0x94C0] =	vst v0  }
0x77: {  	[tilespmem:$0x94D0] =	vst v0  }
0x78: {  	[tilespmem:$0x94E0] =	vst v0  }
0x79: {  	[tilespmem:$0x94F0] =	vst v0  }
0x7a: {  	[tilespmem:$0x9500] =	vst v0  }
0x7b: {  	[tilespmem:$0x9510] =	vst v0  }
0x7c: {  	[tilespmem:$0x9520] =	vst v0  }
0x7d: {  	[tilespmem:$0x9530] =	vst v0  }
0x7e: {  	[tilespmem:$0x9540] =	vst v0  }
0x7f: {  	[tilespmem:$0x9550] =	vst v0  }
0x80: {  	[tilespmem:$0x9560] =	vst v0  }
0x81: {  	[tilespmem:$0x9570] =	vst v0  }
0x82: {  	[tilespmem:$0x9580] =	vst v0  }
0x83: {  	[tilespmem:$0x9590] =	vst v0  }
0x84: {  	[tilespmem:$0x95A0] =	vst v0  }
0x85: {  	[tilespmem:$0x95B0] =	vst v0  }
0x86: {  	[tilespmem:$0x95C0] =	vst v0  }
0x87: {  	[tilespmem:$0x95D0] =	vst v0  }
0x88: {  	[tilespmem:$0x95E0] =	vst v0  }
0x89: {  	[tilespmem:$0x95F0] =	vst v0  }
0x8a: {  	[tilespmem:$0x9600] =	vst v0  }
0x8b: {  	[tilespmem:$0x9610] =	vst v0  }
0x8c: {  	[tilespmem:$0x9620] =	vst v0  }
0x8d: {  	[tilespmem:$0x9630] =	vst v0  }
0x8e: {  	[tilespmem:$0x9640] =	vst v0  }
0x8f: {  	[tilespmem:$0x9650] =	vst v0  }
0x90: {  	[tilespmem:$0x9660] =	vst v0  }
0x91: {  	[tilespmem:$0x9670] =	vst v0  }
0x92: {  	[tilespmem:$0x9680] =	vst v0  }
0x93: {  	[tilespmem:$0x9690] =	vst v0  }
0x94: {  	[tilespmem:$0x96A0] =	vst v0  }
0x95: {  	[tilespmem:$0x96B0] =	vst v0  }
0x96: {  	[tilespmem:$0x96C0] =	vst v0  }
0x97: {  	[tilespmem:$0x96D0] =	vst v0  }
0x98: {  	[tilespmem:$0x96E0] =	vst v0  }
0x99: {  	[tilespmem:$0x96F0] =	vst v0  }
0x9a: {  	[tilespmem:$0x9700] =	vst v0  }
0x9b: {  	[tilespmem:$0x9710] =	vst v0  }
0x9c: {  	[tilespmem:$0x9720] =	vst v0  }
0x9d: {  	[tilespmem:$0x9730] =	vst v0  }
0x9e: {  	[tilespmem:$0x9740] =	vst v0  }
0x9f: {  	[tilespmem:$0x9750] =	vst v0  }
0xa0: {  	[tilespmem:$0x9760] =	vst v0  }
0xa1: {  	[tilespmem:$0x9770] =	vst v0  }
0xa2: {  	[tilespmem:$0x9780] =	vst v0  }
0xa3: {  	[tilespmem:$0x9790] =	vst v0  }
0xa4: {  	[tilespmem:$0x97A0] =	vst v0  }
0xa5: {  	[tilespmem:$0x97B0] =	vst v0  }
0xa6: {  	[tilespmem:$0x97C0] =	vst v0  }
0xa7: {  	[tilespmem:$0x97D0] =	vst v0  }
0xa8: {  	[tilespmem:$0x97E0] =	vst v0  }
0xa9: {  	[tilespmem:$0x97F0] =	vst v0  }
0xaa: {  	[tilespmem:$0x9800] =	vst v0  }
0xab: {  	[tilespmem:$0x9810] =	vst v0  }
0xac: {  	[tilespmem:$0x9820] =	vst v0  }
0xad: {  	[tilespmem:$0x9830] =	vst v0  }
0xae: {  	[tilespmem:$0x9840] =	vst v0  }
0xaf: {  	[tilespmem:$0x9850] =	vst v0  }
0xb0: {  	[tilespmem:$0x9860] =	vst v0  }
0xb1: {  	[tilespmem:$0x9870] =	vst v0  }
0xb2: {  	[tilespmem:$0x9880] =	vst v0  }
0xb3: {  	[tilespmem:$0x9890] =	vst v0  }
0xb4: {  	[tilespmem:$0x98A0] =	vst v0  }
0xb5: {  	[tilespmem:$0x98B0] =	vst v0  }
0xb6: {  	[tilespmem:$0x98C0] =	vst v0  }
0xb7: {  	[tilespmem:$0x98D0] =	vst v0  }
0xb8: {  	[tilespmem:$0x98E0] =	vst v0  }
0xb9: {  	[tilespmem:$0x98F0] =	vst v0  }
0xba: {  	[tilespmem:$0x9900] =	vst v0  }
0xbb: {  	[tilespmem:$0x9910] =	vst v0  }
0xbc: {  	[tilespmem:$0x9920] =	vst v0  }
0xbd: {  	[tilespmem:$0x9930] =	vst v0  }
0xbe: {  	[tilespmem:$0x9940] =	vst v0  }
0xbf: {  	[tilespmem:$0x9950] =	vst v0  }
0xc0: {  	[tilespmem:$0x9960] =	vst v0  }
0xc1: {  	[tilespmem:$0x9970] =	vst v0  }
0xc2: {  	[tilespmem:$0x9980] =	vst v0  }
0xc3: {  	[tilespmem:$0x9990] =	vst v0  }
0xc4: {  	[tilespmem:$0x99A0] =	vst v0  }
0xc5: {  	[tilespmem:$0x99B0] =	vst v0  }
0xc6: {  	[tilespmem:$0x99C0] =	vst v0  }
0xc7: {  	[tilespmem:$0x99D0] =	vst v0  }
0xc8: {  	[tilespmem:$0x99E0] =	vst v0  }
0xc9: {  	[tilespmem:$0x99F0] =	vst v0  }
0xca: {  	[tilespmem:$0x9A00] =	vst v0  }
0xcb: {  	[tilespmem:$0x9A10] =	vst v0  }
0xcc: {  	[tilespmem:$0x9A20] =	vst v0  }
0xcd: {  	[tilespmem:$0x9A30] =	vst v0  }
0xce: {  	[tilespmem:$0x9A40] =	vst v0  }
0xcf: {  	[tilespmem:$0x9A50] =	vst v0  }
0xd0: {  	[tilespmem:$0x9A60] =	vst v0  }
0xd1: {  	[tilespmem:$0x9A70] =	vst v0  }
0xd2: {  	[tilespmem:$0x9A80] =	vst v0  }
0xd3: {  	[tilespmem:$0x9A90] =	vst v0  }
0xd4: {  	[tilespmem:$0x9AA0] =	vst v0  }
0xd5: {  	[tilespmem:$0x9AB0] =	vst v0  }
0xd6: {  	[tilespmem:$0x9AC0] =	vst v0  }
0xd7: {  	[tilespmem:$0x9AD0] =	vst v0  }
0xd8: {  	[tilespmem:$0x9AE0] =	vst v0  }
0xd9: {  	[tilespmem:$0x9AF0] =	vst v0  }
0xda: {  	[spmem:s10] =	stream.linear.scatter [tilespmem:s4], [sflag:$0x2], $0x800, $0x38;
	[tilespmem:$0x1DD80] =	vst v63  }
0xdb: {  	_ =	swait.ge [sflag:s5], $0x800  }
0xdc: {  	[sflag:s5] =	ssyncset.done $0x0  }
0xdd: {  	s17 =	rddreg [dreg:$0x7];
	[sflag:s5] =	ssyncadd.s32 $0xFFFFF800  }
0xde: {  	[spmem:s17] =	stream.linear.scatter [tilespmem:s4], [sflag:$0x2], $0x800, $0x38;
	[tilespmem:$0x1DD80] =	vst v63  }
0xdf: {  	_ =	swait.ge [sflag:s5], $0x800  }
0xe0: {  	[sflag:s5] =	ssyncset.done $0x0  }
0xe1: {  	s23 =	rddreg [dreg:$0x8];
	[sflag:s5] =	ssyncadd.s32 $0xFFFFF800  }
0xe2: {  	[spmem:s23] =	stream.linear.scatter [tilespmem:s4], [sflag:$0x2], $0x800, $0x38;
	[tilespmem:$0x1DD80] =	vst v63  }
0xe3: {  	_ =	swait.ge [sflag:s5], $0x800  }
0xe4: {  	[sflag:s5] =	ssyncset.done $0x0  }
0xe5: {  	s18 =	rddreg [dreg:$0x9];
	[sflag:s5] =	ssyncadd.s32 $0xFFFFF800  }
0xe6: {  	[spmem:s18] =	stream.linear.scatter [tilespmem:s4], [sflag:$0x2], $0x800, $0x38;
	[tilespmem:$0x1DD80] =	vst v63  }
0xe7: {  	_ =	swait.ge [sflag:s5], $0x800  }
0xe8: {  	[sflag:s5] =	ssyncset.done $0x0  }
0xe9: {  	s19 =	rddreg [dreg:$0xa];
	[sflag:s5] =	ssyncadd.s32 $0xFFFFF800  }
0xea: {  	[spmem:s19] =	stream.linear.scatter [tilespmem:s4], [sflag:$0x2], $0x800, $0x38;
	[tilespmem:$0x1DD80] =	vst v63  }
0xeb: {  	_ =	swait.ge [sflag:s5], $0x800  }
0xec: {  	[sflag:s5] =	ssyncset.done $0x0  }
0xed: {  	s20 =	rddreg [dreg:$0xb];
	[sflag:s5] =	ssyncadd.s32 $0xFFFFF800  }
0xee: {  	[spmem:s20] =	stream.linear.scatter [tilespmem:s4], [sflag:$0x2], $0x800, $0x38;
	[tilespmem:$0x1DD80] =	vst v63  }
0xef: {  	_ =	swait.ge [sflag:s5], $0x800  }
0xf0: {  	[sflag:s5] =	ssyncset.done $0x0  }
0xf1: {  	s23 =	rddreg [dreg:$0xc];
	[sflag:s5] =	ssyncadd.s32 $0xFFFFF800  }
0xf2: {  	[spmem:s23] =	stream.linear.scatter [tilespmem:s4], [sflag:$0x2], $0x800, $0x38;
	[tilespmem:$0x1DD80] =	vst v63  }
0xf3: {  	_ =	swait.ge [sflag:s5], $0x800  }
0xf4: {  	[sflag:s5] =	ssyncset.done $0x0  }
0xf5: {  	s18 =	rddreg [dreg:$0xd];
	[sflag:s5] =	ssyncadd.s32 $0xFFFFF800  }
0xf6: {  	[spmem:s18] =	stream.linear.scatter [tilespmem:s4], [sflag:$0x2], $0x800, $0x38;
	[tilespmem:$0x1DD80] =	vst v63  }
0xf7: {  	_ =	swait.ge [sflag:s5], $0x800  }
0xf8: {  	[sflag:s5] =	ssyncset.done $0x0  }
0xf9: {  	s19 =	rddreg [dreg:$0xe];
	[sflag:s5] =	ssyncadd.s32 $0xFFFFF800  }
0xfa: {  	[spmem:s19] =	stream.linear.scatter [tilespmem:s4], [sflag:$0x2], $0x800, $0x38;
	[tilespmem:$0x1DD80] =	vst v63  }
0xfb: {  	_ =	swait.ge [sflag:s5], $0x800  }
0xfc: {  	[sflag:s5] =	ssyncset.done $0x0  }
0xfd: {  	s20 =	rddreg [dreg:$0xf];
	[sflag:s5] =	ssyncadd.s32 $0xFFFFF800  }
0xfe: {  	[spmem:s20] =	stream.linear.scatter [tilespmem:s4], [sflag:$0x2], $0x800, $0x38;
	[tilespmem:$0x1DD80] =	vst v63  }
0xff: {  	_ =	swait.ge [sflag:s5], $0x800  }
0x100: {  	[sflag:s5] =	ssyncset.done $0x0  }
0x101: {  	s23 =	rddreg [dreg:$0x10];
	[sflag:s5] =	ssyncadd.s32 $0xFFFFF800  }
0x102: {  	[spmem:s23] =	stream.linear.scatter [tilespmem:s4], [sflag:$0x2], $0x800, $0x38;
	[tilespmem:$0x1DD80] =	vst v63  }
0x103: {  	_ =	swait.ge [sflag:s5], $0x800  }
0x104: {  	[sflag:s5] =	ssyncset.done $0x0  }
0x105: {  	s18 =	rddreg [dreg:$0x14];
	[sflag:s5] =	ssyncadd.s32 $0xFFFFF800  }
0x106: {  	[spmem:s18] =	stream.linear.scatter [tilespmem:s4], [sflag:$0x2], $0x800, $0x38;
	[tilespmem:$0x1DD80] =	vst v63  }
0x107: {  	_ =	swait.ge [sflag:s5], $0x800  }
0x108: {  	[sflag:s5] =	ssyncset.done $0x0  }
0x109: {  	s19 =	rddreg [dreg:$0x15];
	[sflag:s5] =	ssyncadd.s32 $0xFFFFF800  }
0x10a: {  	[spmem:s19] =	stream.linear.scatter [tilespmem:s4], [sflag:$0x2], $0x800, $0x38;
	[tilespmem:$0x1DD80] =	vst v63  }
0x10b: {  	_ =	swait.ge [sflag:s5], $0x800  }
0x10c: {  	[sflag:s5] =	ssyncset.done $0x0  }
0x10d: {  	s20 =	rddreg [dreg:$0x16];
	[sflag:s5] =	ssyncadd.s32 $0xFFFFF800  }
0x10e: {  	[spmem:s20] =	stream.linear.scatter [tilespmem:s4], [sflag:$0x2], $0x800, $0x38;
	[tilespmem:$0x1DD80] =	vst v63  }
0x10f: {  	_ =	swait.ge [sflag:s5], $0x800  }
0x110: {  	[sflag:s5] =	ssyncset.done $0x0  }
0x111: {  	s23 =	rddreg [dreg:$0x17];
	[sflag:s5] =	ssyncadd.s32 $0xFFFFF800  }
0x112: {  	[spmem:s23] =	stream.linear.scatter [tilespmem:s4], [sflag:$0x2], $0x800, $0x38;
	[tilespmem:$0x1DD80] =	vst v63  }
0x113: {  	_ =	swait.ge [sflag:s5], $0x800  }
0x114: {  	[sflag:s5] =	ssyncset.done $0x0  }
0x115: {  	s18 =	rddreg [dreg:$0x18];
	[sflag:s5] =	ssyncadd.s32 $0xFFFFF800  }
0x116: {  	[spmem:s18] =	stream.linear.scatter [tilespmem:s4], [sflag:$0x2], $0x800, $0x38;
	[tilespmem:$0x1DD80] =	vst v63  }
0x117: {  	_ =	swait.ge [sflag:s5], $0x800  }
0x118: {  	[sflag:s5] =	ssyncset.done $0x0  }
0x119: {  	s19 =	rddreg [dreg:$0x19];
	[sflag:s5] =	ssyncadd.s32 $0xFFFFF800  }
0x11a: {  	[spmem:s19] =	stream.linear.scatter [tilespmem:s4], [sflag:$0x2], $0x800, $0x38;
	[tilespmem:$0x1DD80] =	vst v63  }
0x11b: {  	_ =	swait.ge [sflag:s5], $0x800  }
0x11c: {  	[sflag:s5] =	ssyncset.done $0x0  }
0x11d: {  	s20 =	rddreg [dreg:$0x1a];
	[sflag:s5] =	ssyncadd.s32 $0xFFFFF800  }
0x11e: {  	[spmem:s20] =	stream.linear.scatter [tilespmem:s4], [sflag:$0x2], $0x800, $0x38;
	[tilespmem:$0x1DD80] =	vst v63  }
0x11f: {  	_ =	swait.ge [sflag:s5], $0x800  }
0x120: {  	[sflag:s5] =	ssyncset.done $0x0  }
0x121: {  	s23 =	rddreg [dreg:$0x1b];
	[sflag:s5] =	ssyncadd.s32 $0xFFFFF800  }
0x122: {  	[spmem:s23] =	stream.linear.scatter [tilespmem:s4], [sflag:$0x2], $0x800, $0x38;
	[tilespmem:$0x1DD80] =	vst v63  }
0x123: {  	_ =	swait.ge [sflag:s5], $0x800  }
0x124: {  	[sflag:s5] =	ssyncset.done $0x0  }
0x125: {  	s18 =	rddreg [dreg:$0x1c];
	[sflag:s5] =	ssyncadd.s32 $0xFFFFF800  }
0x126: {  	[spmem:s18] =	stream.linear.scatter [tilespmem:s4], [sflag:$0x2], $0x800, $0x38;
	[tilespmem:$0x1DD80] =	vst v63  }
0x127: {  	_ =	swait.ge [sflag:s5], $0x800  }
0x128: {  	[sflag:s5] =	ssyncset.done $0x0  }
0x129: {  	s19 =	rddreg [dreg:$0x1d];
	[sflag:s5] =	ssyncadd.s32 $0xFFFFF800  }
0x12a: {  	[spmem:s19] =	stream.linear.scatter [tilespmem:s4], [sflag:$0x2], $0x800, $0x38;
	[tilespmem:$0x1DD80] =	vst v63  }
0x12b: {  	_ =	swait.ge [sflag:s5], $0x800  }
0x12c: {  	[sflag:s5] =	ssyncset.done $0x0  }
0x12d: {  	s20 =	rddreg [dreg:$0x1e];
	[sflag:s5] =	ssyncadd.s32 $0xFFFFF800  }
0x12e: {  	[spmem:s20] =	stream.linear.scatter [tilespmem:s4], [sflag:$0x2], $0x800, $0x38;
	[tilespmem:$0x1DD80] =	vst v63  }
0x12f: {  	_ =	swait.ge [sflag:s5], $0x800  }
0x130: {  	[sflag:s5] =	ssyncset.done $0x0  }
0x131: {  	s23 =	rddreg [dreg:$0x1f];
	[sflag:s5] =	ssyncadd.s32 $0xFFFFF800  }
0x132: {  	[spmem:s23] =	stream.linear.scatter [tilespmem:s4], [sflag:$0x2], $0x800, $0x38;
	[tilespmem:$0x1DD80] =	vst v63  }
0x133: {  	_ =	swait.ge [sflag:s5], $0x800  }
0x134: {  	s18 =	sld [smem:$0x7F5]  }
0x135: {  	[sflag:s5] =	ssyncset.done $0x0  }
0x136: {  	[sflag:s5] =	ssyncadd.s32 $0xFFFFF800  }
0x137: {  	[spmem:s18] =	stream.linear.scatter [tilespmem:s4], [sflag:$0x2], $0x800, $0x38;
	[tilespmem:$0x1DD80] =	vst v63  }
0x138: {  	_ =	swait.ge [sflag:s5], $0x800  }
0x139: {  	s19 =	sld [smem:$0x7F6]  }
0x13a: {  	[sflag:s5] =	ssyncset.done $0x0  }
0x13b: {  	[sflag:s5] =	ssyncadd.s32 $0xFFFFF800  }
0x13c: {  	[spmem:s19] =	stream.linear.scatter [tilespmem:s4], [sflag:$0x2], $0x800, $0x38;
	[tilespmem:$0x1DD80] =	vst v63  }
0x13d: {  	_ =	swait.ge [sflag:s5], $0x800  }
0x13e: {  	s20 =	sld [smem:$0x7F7]  }
0x13f: {  	[sflag:s5] =	ssyncset.done $0x0  }
0x140: {  	[sflag:s5] =	ssyncadd.s32 $0xFFFFF800  }
0x141: {  	[spmem:s20] =	stream.linear.scatter [tilespmem:s4], [sflag:$0x2], $0x800, $0x38;
	[tilespmem:$0x1DD80] =	vst v63  }
0x142: {  	_ =	swait.ge [sflag:s5], $0x800  }
0x143: {  	s23 =	sld [smem:$0x7F8]  }
0x144: {  	[sflag:s5] =	ssyncset.done $0x0  }
0x145: {  	[sflag:s5] =	ssyncadd.s32 $0xFFFFF800  }
0x146: {  	[spmem:s23] =	stream.linear.scatter [tilespmem:s4], [sflag:$0x2], $0x800, $0x38;
	[tilespmem:$0x1DD80] =	vst v63  }
0x147: {  	_ =	swait.ge [sflag:s5], $0x800  }
0x148: {  	s18 =	sld [smem:$0x7F9]  }
0x149: {  	[sflag:s5] =	ssyncset.done $0x0  }
0x14a: {  	[sflag:s5] =	ssyncadd.s32 $0xFFFFF800  }
0x14b: {  	[spmem:s18] =	stream.linear.scatter [tilespmem:s4], [sflag:$0x2], $0x800, $0x38;
	[tilespmem:$0x1DD80] =	vst v63  }
0x14c: {  	_ =	swait.ge [sflag:s5], $0x800  }
0x14d: {  	s19 =	sld [smem:$0x7FA]  }
0x14e: {  	[sflag:s5] =	ssyncset.done $0x0  }
0x14f: {  	[sflag:s5] =	ssyncadd.s32 $0xFFFFF800  }
0x150: {  	[spmem:s19] =	stream.linear.scatter [tilespmem:s4], [sflag:$0x2], $0x800, $0x38;
	[tilespmem:$0x1DD80] =	vst v63  }
0x151: {  	_ =	swait.ge [sflag:s5], $0x800  }
0x152: {  	s20 =	sld [smem:$0x7FB]  }
0x153: {  	[sflag:s5] =	ssyncset.done $0x0  }
0x154: {  	[sflag:s5] =	ssyncadd.s32 $0xFFFFF800  }
0x155: {  	[spmem:s20] =	stream.linear.scatter [tilespmem:s4], [sflag:$0x2], $0x800, $0x38;
	[tilespmem:$0x1DD80] =	vst v63  }
0x156: {  	_ =	swait.ge [sflag:s5], $0x800  }
0x157: {  	s23 =	sld [smem:$0x7FC]  }
0x158: {  	[sflag:s5] =	ssyncset.done $0x0  }
0x159: {  	[sflag:s5] =	ssyncadd.s32 $0xFFFFF800  }
0x15a: {  	[spmem:s23] =	stream.linear.scatter [tilespmem:s4], [sflag:$0x2], $0x800, $0x38;
	[tilespmem:$0x1DD80] =	vst v63  }
0x15b: {  	_ =	swait.ge [sflag:s5], $0x800  }
0x15c: {  	s18 =	sld [smem:$0x7FD]  }
0x15d: {  	[sflag:s5] =	ssyncset.done $0x0  }
0x15e: {  	[sflag:s5] =	ssyncadd.s32 $0xFFFFF800  }
0x15f: {  	[spmem:s18] =	stream.linear.scatter [tilespmem:s4], [sflag:$0x2], $0x800, $0x38;
	[tilespmem:$0x1DD80] =	vst v63  }
0x160: {  	_ =	swait.ge [sflag:s5], $0x800  }
0x161: {  	[sflag:s5] =	ssyncset.done $0x0  }
0x162: {  	[sflag:s5] =	ssyncadd.s32 $0xFFFFF800  }
0x163: {  	[spmem:s24] =	stream.linear.scatter [tilespmem:s4], [sflag:$0x2], $0x800, $0x38;
	[tilespmem:$0x1DD80] =	vst v63  }
0x164: {  	_ =	swait.ge [sflag:s5], $0x800  }
0x165: {  	[sflag:s5] =	ssyncset.done $0x0  }
0x166: {  	[sflag:s5] =	ssyncadd.s32 $0xFFFFF800  }
0x167: {  	[spmem:s25] =	stream.linear.scatter [tilespmem:s4], [sflag:$0x2], $0x800, $0x38;
	[tilespmem:$0x1DD80] =	vst v63  }
0x168: {  	_ =	swait.ge [sflag:s5], $0x800  }
0x169: {  	[sflag:s5] =	ssyncset.done $0x0  }
0x16a: {  	[sflag:s5] =	ssyncadd.s32 $0xFFFFF800  }
0x16b: {  	[spmem:s26] =	stream.linear.scatter [tilespmem:s4], [sflag:$0x2], $0x800, $0x38;
	[tilespmem:$0x1DD80] =	vst v63  }
0x16c: {  	_ =	swait.ge [sflag:s5], $0x800  }
0x16d: {  	[sflag:s5] =	ssyncset.done $0x0  }
0x16e: {  	[sflag:s5] =	ssyncadd.s32 $0xFFFFF800  }
0x16f: {  	[spmem:s28] =	stream.linear.scatter [tilespmem:s4], [sflag:$0x2], $0x800, $0x38;
	[tilespmem:$0x1DD80] =	vst v63  }
0x170: {  	_ =	swait.ge [sflag:s5], $0x800  }
0x171: {  	[sflag:s5] =	ssyncset.done $0x0  }
0x172: {  	[sflag:s5] =	ssyncadd.s32 $0xFFFFF800  }
0x173: {  	[spmem:s29] =	stream.linear.scatter [tilespmem:s4], [sflag:$0x2], $0x800, $0x38;
	[tilespmem:$0x1DD80] =	vst v63  }
0x174: {  	_ =	swait.ge [sflag:s5], $0x800  }
0x175: {  	[sflag:s5] =	ssyncset.done $0x0  }
0x176: {  	[sflag:s5] =	ssyncadd.s32 $0xFFFFF800  }
0x177: {  	[spmem:s30] =	stream.linear.scatter [tilespmem:s4], [sflag:$0x2], $0x800, $0x38;
	[tilespmem:$0x1DD80] =	vst v63  }
0x178: {  	_ =	swait.ge [sflag:s5], $0x800  }
0x179: {  	[sflag:s5] =	ssyncset.done $0x0  }
0x17a: {  	[sflag:s5] =	ssyncadd.s32 $0xFFFFF800  }
0x17b: {  	[spmem:s31] =	stream.linear.scatter [tilespmem:s4], [sflag:$0x2], $0x800, $0x38;
	[tilespmem:$0x1DD80] =	vst v63  }
0x17c: {  	_ =	swait.ge [sflag:s5], $0x800  }
0x17d: {  	[sflag:s5] =	ssyncset.done $0x0  }
0x17e: {  	[sflag:s5] =	ssyncadd.s32 $0xFFFFF800  }
0x17f: {  	[spmem:s0] =	stream.linear.scatter [tilespmem:s4], [sflag:$0x2], $0x800, $0x38;
	[tilespmem:$0x1DD80] =	vst v63  }
0x180: {  	_ =	swait.ge [sflag:s5], $0x800  }
0x181: {  	[sflag:s5] =	ssyncset.done $0x0  }
0x182: {  	s19 =	simm.s32 $0x9880;
	[sflag:s5] =	ssyncadd.s32 $0xFFFFF800  }
0x183: {  	[spmem:s21] =	stream.linear.scatter [tilespmem:s19], [sflag:$0x2], $0x280, $0x38;
	[tilespmem:$0x1DD80] =	vst v63  }
0x184: {  	_ =	swait.ge [sflag:s5], $0x280  }
0x185: {  	[sflag:s5] =	ssyncset.done $0x0  }
0x186: {  	s20 =	simm.s32 $0x0;
	s18 =	rddreg [dreg:$0x5];
	[sflag:s5] =	ssyncadd.s32 $0xFFFFFD80  }
0x187: {  	[tilespmem:s20], [sflag:$0x2] =	stream.linear.gather [hbm4b:s18+s20], $0x2780, $0x38;
	[tilespmem:$0x1DD80] =	vst v63  }
0x188: {  	_ =	swait.ge [sflag:s5], $0x2780  }
0x189: {  	[sflag:s5] =	ssyncset.done $0x0  }
0x18a: {  	s23 =	rddreg [dreg:$0x6];
	[sflag:s5] =	ssyncadd.s32 $0xFFFFD880  }
0x18b: {  	[tilespmem:s7], [sflag:$0x2] =	stream.linear.gather [hbm4b:s23+s20], $0x2780, $0x38;
	[tilespmem:$0x1DD80] =	vst v63  }
0x18c: {  	_ =	swait.ge [sflag:s5], $0x2780  }
0x18d: {  	[sflag:s5] =	ssyncset.done $0x0  }
0x18e: {  	[sflag:s5] =	ssyncadd.s32 $0xFFFFD880  }
0x18f: {  	s17 =	simm.s32 $0x0;
	[bflag:$0x0] =	sbarrier.arrive $0xFFFF  }
.LBB2_2:
0x190: {  	s18 =	sshll.u32 s17, $0x7  }
0x191: {  	s18 =	sadd.s32 s22, s18  }
0x192: {  	s20 =	sshrl.u32 s18, $0x3  }
0x193: {  	s19 =	simm.s32 $0x0;
	s23 =	sadd.s32 s1, s20  }
0x194: {  	[tilespmem:s8], [sflag:$0x2] =	stream.linear.gather [hbm4b:s23+s19], $0x80, $0x38;
	[tilespmem:$0x1DD80] =	vst v63  }
0x195: {  	_ =	swait.ge [sflag:s5], $0x80  }
0x196: {  	[sflag:s5] =	ssyncset.done $0x0  }
0x197: {  	s20 =	sadd.s32 s6, s20;
	[sflag:s5] =	ssyncadd.s32 $0xFFFFFF80  }
0x198: {  	[tilespmem:s11], [sflag:$0x2] =	stream.linear.gather [hbm4b:s20+s19], $0x80, $0x38;
	[tilespmem:$0x1DD80] =	vst v63  }
0x199: {  	_ =	swait.ge [sflag:s5], $0x80  }
0x19a: {  	[sflag:s5] =	ssyncset.done $0x0  }
0x19b: {  	[sflag:s5] =	ssyncadd.s32 $0xFFFFFF80  }
0x19c: {  	[tilespmem:s13], [sflag:$0x1] =	stream.indirect.gather [hbm4b:s9+s12], $0x80, s8, s12, $0xb8;
	[tilespmem:$0x1DD80] =	vst v63  }
0x19d: {  	v1 =	vld [tilespmem:$0x4F00]  }
0x19e: {  	v2 =	vld [tilespmem:$0x4F80];
	_ =	sdelay $0x6  }
0x19f: {  	v1 =	vld.idx.msk [tilespmem:v1+s19+$0x0], $0xffff  }
0x1a0: {  	v2 =	vld.idx.msk [tilespmem:v2+s7+$0x0], $0xffff;
	_ =	sdelay $0x4  }
0x1a1: {  	v1 =	vadd.f32 v2, v1;
	_ =	sdelay $0x1  }
0x1a2: {  	v1 =	vsub.f32 $0.0e+00, v1;
	_ =	sdelay $0x1  }
0x1a3: {  	v1 =	vmul.f32 $1.442695020e+00, v1;
	_ =	sdelay $0x1  }
0x1a4: {  	(erf) = vpow2.f32 v1;
	_ =	sdelay $0x8  }
0x1a5: {  	v1 =	vpop (erf)  }
0x1a6: {  	v1 =	vadd.f32 $1.000000000e+00, v1;
	_ =	sdelay $0x1  }
0x1a7: {  	(erf) = vrcp.f32 v1;
	_ =	sdelay $0x8  }
0x1a8: {  	v1 =	vpop (erf)  }
0x1a9: {  	v1 =	vmul.f32 $1.442695020e+00, v1;
	_ =	sdelay $0x1  }
0x1aa: {  	(erf) = vpow2.f32 v1;
	_ =	sdelay $0x3  }
0x1ab: {  	v1 =	vld [tilespmem:$0x4F10]  }
0x1ac: {  	v2 =	vld [tilespmem:$0x4F90];
	_ =	sdelay $0x3  }
0x1ad: {  	p0 =	slt.u32 s18, $0x4E200;
	v3 =	vpop (erf)  }
0x1ae: {  	v3 =	vpsel !p0, $0x0, v3  }
0x1af: {  	[tilespmem:$0x5000] =	vst v3  }
0x1b0: {  	v1 =	vld.idx.msk [tilespmem:v1+s19+$0x0], $0xffff  }
0x1b1: {  	v2 =	vld.idx.msk [tilespmem:v2+s7+$0x0], $0xffff;
	_ =	sdelay $0x4  }
0x1b2: {  	v1 =	vadd.f32 v2, v1;
	_ =	sdelay $0x1  }
0x1b3: {  	v1 =	vsub.f32 $0.0e+00, v1;
	_ =	sdelay $0x1  }
0x1b4: {  	v1 =	vmul.f32 $1.442695020e+00, v1;
	_ =	sdelay $0x1  }
0x1b5: {  	(erf) = vpow2.f32 v1;
	_ =	sdelay $0x8  }
0x1b6: {  	v1 =	vpop (erf)  }
0x1b7: {  	v1 =	vadd.f32 $1.000000000e+00, v1;
	_ =	sdelay $0x1  }
0x1b8: {  	(erf) = vrcp.f32 v1;
	_ =	sdelay $0x8  }
0x1b9: {  	v1 =	vpop (erf)  }
0x1ba: {  	v1 =	vmul.f32 $1.442695020e+00, v1;
	_ =	sdelay $0x1  }
0x1bb: {  	(erf) = vpow2.f32 v1;
	_ =	sdelay $0x3  }
0x1bc: {  	v1 =	vld [tilespmem:$0x4F20]  }
0x1bd: {  	v2 =	vld [tilespmem:$0x4FA0];
	_ =	sdelay $0x2  }
0x1be: {  	s23 =	sor.u32 $0x10, s18  }
0x1bf: {  	p6 =	slt.u32 s23, $0x4E200;
	v3 =	vpop (erf)  }
0x1c0: {  	v3 =	vpsel !p6, $0x0, v3  }
0x1c1: {  	[tilespmem:$0x5010] =	vst v3  }
0x1c2: {  	v1 =	vld.idx.msk [tilespmem:v1+s19+$0x0], $0xffff  }
0x1c3: {  	v2 =	vld.idx.msk [tilespmem:v2+s7+$0x0], $0xffff;
	_ =	sdelay $0x4  }
0x1c4: {  	v1 =	vadd.f32 v2, v1;
	_ =	sdelay $0x1  }
0x1c5: {  	v1 =	vsub.f32 $0.0e+00, v1;
	_ =	sdelay $0x1  }
0x1c6: {  	v1 =	vmul.f32 $1.442695020e+00, v1;
	_ =	sdelay $0x1  }
0x1c7: {  	(erf) = vpow2.f32 v1;
	_ =	sdelay $0x8  }
0x1c8: {  	v1 =	vpop (erf)  }
0x1c9: {  	v1 =	vadd.f32 $1.000000000e+00, v1;
	_ =	sdelay $0x1  }
0x1ca: {  	(erf) = vrcp.f32 v1;
	_ =	sdelay $0x8  }
0x1cb: {  	v1 =	vpop (erf)  }
0x1cc: {  	v1 =	vmul.f32 $1.442695020e+00, v1;
	_ =	sdelay $0x1  }
0x1cd: {  	(erf) = vpow2.f32 v1;
	_ =	sdelay $0x3  }
0x1ce: {  	v1 =	vld [tilespmem:$0x4F30]  }
0x1cf: {  	v2 =	vld [tilespmem:$0x4FB0];
	_ =	sdelay $0x2  }
0x1d0: {  	s23 =	sor.u32 $0x20, s18  }
0x1d1: {  	p1 =	slt.u32 s23, $0x4E200;
	v3 =	vpop (erf)  }
0x1d2: {  	v3 =	vpsel !p1, $0x0, v3  }
0x1d3: {  	[tilespmem:$0x5020] =	vst v3  }
0x1d4: {  	v1 =	vld.idx.msk [tilespmem:v1+s19+$0x0], $0xffff  }
0x1d5: {  	v2 =	vld.idx.msk [tilespmem:v2+s7+$0x0], $0xffff;
	_ =	sdelay $0x4  }
0x1d6: {  	v1 =	vadd.f32 v2, v1;
	_ =	sdelay $0x1  }
0x1d7: {  	v1 =	vsub.f32 $0.0e+00, v1;
	_ =	sdelay $0x1  }
0x1d8: {  	v1 =	vmul.f32 $1.442695020e+00, v1;
	_ =	sdelay $0x1  }
0x1d9: {  	(erf) = vpow2.f32 v1;
	_ =	sdelay $0x8  }
0x1da: {  	v1 =	vpop (erf)  }
0x1db: {  	v1 =	vadd.f32 $1.000000000e+00, v1;
	_ =	sdelay $0x1  }
0x1dc: {  	(erf) = vrcp.f32 v1;
	_ =	sdelay $0x8  }
0x1dd: {  	v1 =	vpop (erf)  }
0x1de: {  	v1 =	vmul.f32 $1.442695020e+00, v1;
	_ =	sdelay $0x1  }
0x1df: {  	(erf) = vpow2.f32 v1;
	_ =	sdelay $0x3  }
0x1e0: {  	v1 =	vld [tilespmem:$0x4F40]  }
0x1e1: {  	v2 =	vld [tilespmem:$0x4FC0];
	_ =	sdelay $0x2  }
0x1e2: {  	s23 =	sor.u32 $0x30, s18  }
0x1e3: {  	p2 =	slt.u32 s23, $0x4E200;
	v3 =	vpop (erf)  }
0x1e4: {  	v3 =	vpsel !p2, $0x0, v3  }
0x1e5: {  	[tilespmem:$0x5030] =	vst v3  }
0x1e6: {  	v1 =	vld.idx.msk [tilespmem:v1+s19+$0x0], $0xffff  }
0x1e7: {  	v2 =	vld.idx.msk [tilespmem:v2+s7+$0x0], $0xffff;
	_ =	sdelay $0x4  }
0x1e8: {  	v1 =	vadd.f32 v2, v1;
	_ =	sdelay $0x1  }
0x1e9: {  	v1 =	vsub.f32 $0.0e+00, v1;
	_ =	sdelay $0x1  }
0x1ea: {  	v1 =	vmul.f32 $1.442695020e+00, v1;
	_ =	sdelay $0x1  }
0x1eb: {  	(erf) = vpow2.f32 v1;
	_ =	sdelay $0x8  }
0x1ec: {  	v1 =	vpop (erf)  }
0x1ed: {  	v1 =	vadd.f32 $1.000000000e+00, v1;
	_ =	sdelay $0x1  }
0x1ee: {  	(erf) = vrcp.f32 v1;
	_ =	sdelay $0x8  }
0x1ef: {  	v1 =	vpop (erf)  }
0x1f0: {  	v1 =	vmul.f32 $1.442695020e+00, v1;
	_ =	sdelay $0x1  }
0x1f1: {  	(erf) = vpow2.f32 v1;
	_ =	sdelay $0x3  }
0x1f2: {  	v1 =	vld [tilespmem:$0x4F50]  }
0x1f3: {  	v2 =	vld [tilespmem:$0x4FD0];
	_ =	sdelay $0x2  }
0x1f4: {  	s23 =	sor.u32 $0x40, s18  }
0x1f5: {  	p3 =	slt.u32 s23, $0x4E200;
	v3 =	vpop (erf)  }
0x1f6: {  	v3 =	vpsel !p3, $0x0, v3  }
0x1f7: {  	[tilespmem:$0x5040] =	vst v3  }
0x1f8: {  	v1 =	vld.idx.msk [tilespmem:v1+s19+$0x0], $0xffff  }
0x1f9: {  	v2 =	vld.idx.msk [tilespmem:v2+s7+$0x0], $0xffff;
	_ =	sdelay $0x4  }
0x1fa: {  	v1 =	vadd.f32 v2, v1;
	_ =	sdelay $0x1  }
0x1fb: {  	v1 =	vsub.f32 $0.0e+00, v1;
	_ =	sdelay $0x1  }
0x1fc: {  	v1 =	vmul.f32 $1.442695020e+00, v1;
	_ =	sdelay $0x1  }
0x1fd: {  	(erf) = vpow2.f32 v1;
	_ =	sdelay $0x8  }
0x1fe: {  	v1 =	vpop (erf)  }
0x1ff: {  	v1 =	vadd.f32 $1.000000000e+00, v1;
	_ =	sdelay $0x1  }
0x200: {  	(erf) = vrcp.f32 v1;
	_ =	sdelay $0x8  }
0x201: {  	v1 =	vpop (erf)  }
0x202: {  	v1 =	vmul.f32 $1.442695020e+00, v1;
	_ =	sdelay $0x1  }
0x203: {  	(erf) = vpow2.f32 v1;
	_ =	sdelay $0x3  }
0x204: {  	v1 =	vld [tilespmem:$0x4F60]  }
0x205: {  	v2 =	vld [tilespmem:$0x4FE0];
	_ =	sdelay $0x2  }
0x206: {  	s23 =	sor.u32 $0x50, s18  }
0x207: {  	p4 =	slt.u32 s23, $0x4E200;
	v3 =	vpop (erf)  }
0x208: {  	v3 =	vpsel !p4, $0x0, v3  }
0x209: {  	[tilespmem:$0x5050] =	vst v3  }
0x20a: {  	v1 =	vld.idx.msk [tilespmem:v1+s19+$0x0], $0xffff  }
0x20b: {  	v2 =	vld.idx.msk [tilespmem:v2+s7+$0x0], $0xffff;
	_ =	sdelay $0x4  }
0x20c: {  	v1 =	vadd.f32 v2, v1;
	_ =	sdelay $0x1  }
0x20d: {  	v1 =	vsub.f32 $0.0e+00, v1;
	_ =	sdelay $0x1  }
0x20e: {  	v1 =	vmul.f32 $1.442695020e+00, v1;
	_ =	sdelay $0x1  }
0x20f: {  	(erf) = vpow2.f32 v1;
	_ =	sdelay $0x8  }
0x210: {  	v1 =	vpop (erf)  }
0x211: {  	v1 =	vadd.f32 $1.000000000e+00, v1;
	_ =	sdelay $0x1  }
0x212: {  	(erf) = vrcp.f32 v1;
	_ =	sdelay $0x8  }
0x213: {  	v1 =	vpop (erf)  }
0x214: {  	v1 =	vmul.f32 $1.442695020e+00, v1;
	_ =	sdelay $0x1  }
0x215: {  	(erf) = vpow2.f32 v1;
	_ =	sdelay $0x3  }
0x216: {  	v1 =	vld [tilespmem:$0x4F70]  }
0x217: {  	v2 =	vld [tilespmem:$0x4FF0];
	_ =	sdelay $0x2  }
0x218: {  	s23 =	sor.u32 $0x60, s18  }
0x219: {  	p5 =	slt.u32 s23, $0x4E200;
	v3 =	vpop (erf)  }
0x21a: {  	v3 =	vpsel !p5, $0x0, v3  }
0x21b: {  	[tilespmem:$0x5060] =	vst v3  }
0x21c: {  	v1 =	vld.idx.msk [tilespmem:v1+s19+$0x0], $0xffff  }
0x21d: {  	v2 =	vld.idx.msk [tilespmem:v2+s7+$0x0], $0xffff;
	_ =	sdelay $0x4  }
0x21e: {  	v1 =	vadd.f32 v2, v1;
	_ =	sdelay $0x1  }
0x21f: {  	v1 =	vsub.f32 $0.0e+00, v1;
	_ =	sdelay $0x1  }
0x220: {  	v1 =	vmul.f32 $1.442695020e+00, v1;
	_ =	sdelay $0x1  }
0x221: {  	(erf) = vpow2.f32 v1;
	_ =	sdelay $0x8  }
0x222: {  	v1 =	vpop (erf)  }
0x223: {  	v1 =	vadd.f32 $1.000000000e+00, v1;
	_ =	sdelay $0x1  }
0x224: {  	(erf) = vrcp.f32 v1;
	_ =	sdelay $0x8  }
0x225: {  	v1 =	vpop (erf)  }
0x226: {  	v1 =	vmul.f32 $1.442695020e+00, v1;
	_ =	sdelay $0x1  }
0x227: {  	(erf) = vpow2.f32 v1;
	_ =	sdelay $0x7  }
0x228: {  	s18 =	sor.u32 $0x70, s18  }
0x229: {  	p6 =	slt.u32 s18, $0x4E200;
	v1 =	vpop (erf)  }
0x22a: {  	v1 =	vpsel !p6, $0x0, v1  }
0x22b: {  	[tilespmem:$0x5070] =	vst v1  }
0x22c: {  	_ =	swait.ge [sflag:s14], $0x4000  }
0x22d: {  	s20 =	simm.s32 $0x0;
	[sflag:s14] =	ssyncset.done $0x0  }
0x22e: {  	s18 =	sand.u32 $0x3FFFFFF0, s20;
	[sflag:s14] =	ssyncadd.s32 $0xFFFFC000  }
0x22f: {  	s23 =	simm.s32 $0x0;
	v1 =	vld [tilespmem:s18+$0x5000]  }
0x230: {  	s18 =	sand.u32 $0x3FFFF800, s23  }
0x231: {  	v3 =	vld [tilespmem:s18+$0x50A0]  }
0x232: {  	v4 =	vld [tilespmem:s18+$0x50B0]  }
0x233: {  	v10 =	vld [tilespmem:s18+$0x50E0]  }
0x234: {  	v11 =	vld [tilespmem:s18+$0x50F0];
	v2 =	vbroadcast v1, $0x0  }
0x235: {  	v12 =	vld [tilespmem:s18+$0x5100]  }
0x236: {  	v13 =	vld [tilespmem:s18+$0x5110];
	v3 =	vmul.f32 v3, v2  }
0x237: {  	v14 =	vld [tilespmem:s18+$0x5120];
	v4 =	vmul.f32 v4, v2  }
0x238: {  	v9 =	vld [tilespmem:s18+$0x5130];
	v23 =	vbroadcast v1, $0x1;
	v22 =	vmul.f32 v10, v2;
	[tilespmem:s18+$0x50A0] =	vst v3  }
0x239: {  	v7 =	vld [tilespmem:s18+$0x5140];
	v11 =	vmul.f32 v11, v2;
	[tilespmem:s18+$0x50B0] =	vst v4  }
0x23a: {  	v8 =	vld [tilespmem:s18+$0x5150];
	v12 =	vmul.f32 v12, v23;
	[tilespmem:s18+$0x50E0] =	vst v22  }
0x23b: {  	v25 =	vld [tilespmem:s18+$0x5170];
	v13 =	vmul.f32 v13, v23;
	[tilespmem:s18+$0x50F0] =	vst v11  }
0x23c: {  	v26 =	vld [tilespmem:s18+$0x5180];
	v14 =	vmul.f32 v14, v23;
	[tilespmem:s18+$0x5100] =	vst v12  }
0x23d: {  	v27 =	vld [tilespmem:s18+$0x5190];
	v9 =	vmul.f32 v9, v23;
	[tilespmem:s18+$0x5110] =	vst v13  }
0x23e: {  	v6 =	vld [tilespmem:s18+$0x55F0];
	v7 =	vmul.f32 v7, v23;
	[tilespmem:s18+$0x5120] =	vst v14  }
0x23f: {  	v24 =	vld [tilespmem:s18+$0x5160];
	v15 =	vbroadcast v1, $0x2;
	v8 =	vmul.f32 v8, v23;
	[tilespmem:s18+$0x5130] =	vst v9  }
0x240: {  	v28 =	vld [tilespmem:s18+$0x51A0];
	v10 =	vmul.f32 v25, v23;
	[tilespmem:s18+$0x5140] =	vst v7  }
0x241: {  	v29 =	vld [tilespmem:s18+$0x51B0];
	v5 =	vbroadcast v1, $0xA;
	v32 =	vmul.f32 v26, v15;
	[tilespmem:s18+$0x5150] =	vst v8  }
0x242: {  	v30 =	vld [tilespmem:s18+$0x51C0];
	v34 =	vmul.f32 v27, v15;
	[tilespmem:s18+$0x5170] =	vst v10  }
0x243: {  	v33 =	vld [tilespmem:s18+$0x51E0];
	v3 =	vmul.f32 v6, v5;
	[tilespmem:s18+$0x5180] =	vst v32  }
0x244: {  	v35 =	vld [tilespmem:s18+$0x51F0];
	v11 =	vmul.f32 v24, v23;
	[tilespmem:s18+$0x5190] =	vst v34  }
0x245: {  	v36 =	vld [tilespmem:s18+$0x5200];
	v9 =	vmul.f32 v28, v15;
	[tilespmem:s18+$0x55F0] =	vst v3  }
0x246: {  	v31 =	vld [tilespmem:s18+$0x51D0];
	v7 =	vmul.f32 v29, v15;
	[tilespmem:s18+$0x5160] =	vst v11  }
0x247: {  	v37 =	vld [tilespmem:s18+$0x5210];
	v8 =	vmul.f32 v30, v15;
	[tilespmem:s18+$0x51A0] =	vst v9  }
0x248: {  	v38 =	vld [tilespmem:s18+$0x5220];
	v41 =	vbroadcast v1, $0x3;
	v10 =	vmul.f32 v33, v15;
	[tilespmem:s18+$0x51B0] =	vst v7  }
0x249: {  	v39 =	vld [tilespmem:s18+$0x5230];
	v12 =	vmul.f32 v35, v15;
	[tilespmem:s18+$0x51C0] =	vst v8  }
0x24a: {  	v42 =	vld [tilespmem:s18+$0x5250];
	v13 =	vmul.f32 v36, v41;
	[tilespmem:s18+$0x51E0] =	vst v10  }
0x24b: {  	v43 =	vld [tilespmem:s18+$0x5260];
	v11 =	vmul.f32 v31, v15;
	[tilespmem:s18+$0x51F0] =	vst v12  }
0x24c: {  	v44 =	vld [tilespmem:s18+$0x5270];
	v9 =	vmul.f32 v37, v41;
	[tilespmem:s18+$0x5200] =	vst v13  }
0x24d: {  	v40 =	vld [tilespmem:s18+$0x5240];
	v7 =	vmul.f32 v38, v41;
	[tilespmem:s18+$0x51D0] =	vst v11  }
0x24e: {  	v45 =	vld [tilespmem:s18+$0x5280];
	v8 =	vmul.f32 v39, v41;
	[tilespmem:s18+$0x5210] =	vst v9  }
0x24f: {  	v46 =	vld [tilespmem:s18+$0x5290];
	v10 =	vmul.f32 v42, v41;
	[tilespmem:s18+$0x5220] =	vst v7  }
0x250: {  	v47 =	vld [tilespmem:s18+$0x52A0];
	v12 =	vmul.f32 v43, v41;
	[tilespmem:s18+$0x5230] =	vst v8  }
0x251: {  	v49 =	vld [tilespmem:s18+$0x52C0];
	v50 =	vbroadcast v1, $0x4;
	v13 =	vmul.f32 v44, v41;
	[tilespmem:s18+$0x5250] =	vst v10  }
0x252: {  	v51 =	vld [tilespmem:s18+$0x52D0];
	v11 =	vmul.f32 v40, v41;
	[tilespmem:s18+$0x5260] =	vst v12  }
0x253: {  	v52 =	vld [tilespmem:s18+$0x52E0];
	v9 =	vmul.f32 v45, v50;
	[tilespmem:s18+$0x5270] =	vst v13  }
0x254: {  	v48 =	vld [tilespmem:s18+$0x52B0];
	v7 =	vmul.f32 v46, v50;
	[tilespmem:s18+$0x5240] =	vst v11  }
0x255: {  	v53 =	vld [tilespmem:s18+$0x52F0];
	v8 =	vmul.f32 v47, v50;
	[tilespmem:s18+$0x5280] =	vst v9  }
0x256: {  	v54 =	vld [tilespmem:s18+$0x5300];
	v10 =	vmul.f32 v49, v50;
	[tilespmem:s18+$0x5290] =	vst v7  }
0x257: {  	v55 =	vld [tilespmem:s18+$0x5310];
	v12 =	vmul.f32 v51, v50;
	[tilespmem:s18+$0x52A0] =	vst v8  }
0x258: {  	v57 =	vld [tilespmem:s18+$0x5330];
	v13 =	vmul.f32 v52, v50;
	[tilespmem:s18+$0x52C0] =	vst v10  }
0x259: {  	v58 =	vld [tilespmem:s18+$0x5340];
	v59 =	vbroadcast v1, $0x5;
	v11 =	vmul.f32 v48, v50;
	[tilespmem:s18+$0x52D0] =	vst v12  }
0x25a: {  	v60 =	vld [tilespmem:s18+$0x5350];
	v9 =	vmul.f32 v53, v50;
	[tilespmem:s18+$0x52E0] =	vst v13  }
0x25b: {  	v56 =	vld [tilespmem:s18+$0x5320];
	v7 =	vmul.f32 v54, v59;
	[tilespmem:s18+$0x52B0] =	vst v11  }
0x25c: {  	v61 =	vld [tilespmem:s18+$0x5360];
	v8 =	vmul.f32 v55, v59;
	[tilespmem:s18+$0x52F0] =	vst v9  }
0x25d: {  	v62 =	vld [tilespmem:s18+$0x5370];
	v10 =	vmul.f32 v57, v59;
	[tilespmem:s18+$0x5300] =	vst v7  }
0x25e: {  	v63 =	vld [tilespmem:s18+$0x5380];
	v12 =	vmul.f32 v58, v59;
	[tilespmem:s18+$0x5310] =	vst v8  }
0x25f: {  	v19 =	vld [tilespmem:s18+$0x53A0];
	v13 =	vmul.f32 v60, v59;
	[tilespmem:s18+$0x5330] =	vst v10  }
0x260: {  	v20 =	vld [tilespmem:s18+$0x53B0];
	v11 =	vmul.f32 v56, v59;
	[tilespmem:s18+$0x5340] =	vst v12  }
0x261: {  	v21 =	vld [tilespmem:s18+$0x53C0];
	v22 =	vbroadcast v1, $0x6;
	v9 =	vmul.f32 v61, v59;
	[tilespmem:s18+$0x5350] =	vst v13  }
0x262: {  	v18 =	vld [tilespmem:s18+$0x5390];
	v7 =	vmul.f32 v62, v59;
	[tilespmem:s18+$0x5320] =	vst v11  }
0x263: {  	v23 =	vld [tilespmem:s18+$0x53D0];
	v8 =	vmul.f32 v63, v22;
	[tilespmem:s18+$0x5360] =	vst v9  }
0x264: {  	v24 =	vld [tilespmem:s18+$0x53E0];
	v10 =	vmul.f32 v19, v22;
	[tilespmem:s18+$0x5370] =	vst v7  }
0x265: {  	v25 =	vld [tilespmem:s18+$0x53F0];
	v12 =	vmul.f32 v20, v22;
	[tilespmem:s18+$0x5380] =	vst v8  }
0x266: {  	v27 =	vld [tilespmem:s18+$0x5410];
	v13 =	vmul.f32 v21, v22;
	[tilespmem:s18+$0x53A0] =	vst v10  }
0x267: {  	v28 =	vld [tilespmem:s18+$0x5420];
	v11 =	vmul.f32 v18, v22;
	[tilespmem:s18+$0x53B0] =	vst v12  }
0x268: {  	v29 =	vld [tilespmem:s18+$0x5430];
	v9 =	vmul.f32 v23, v22;
	[tilespmem:s18+$0x53C0] =	vst v13  }
0x269: {  	v31 =	vbroadcast v1, $0x7;
	v53 =	vld [tilespmem:s18+$0x5580];
	v7 =	vmul.f32 v24, v22;
	[tilespmem:s18+$0x5390] =	vst v11  }
0x26a: {  	v57 =	vld [tilespmem:s18+$0x55C0];
	v8 =	vmul.f32 v25, v22;
	[tilespmem:s18+$0x53D0] =	vst v9  }
0x26b: {  	v58 =	vld [tilespmem:s18+$0x55D0];
	v10 =	vmul.f32 v27, v31;
	[tilespmem:s18+$0x53E0] =	vst v7  }
0x26c: {  	v26 =	vld [tilespmem:s18+$0x5400];
	v12 =	vmul.f32 v28, v31;
	[tilespmem:s18+$0x53F0] =	vst v8  }
0x26d: {  	v30 =	vld [tilespmem:s18+$0x5440];
	v13 =	vmul.f32 v29, v31;
	[tilespmem:s18+$0x5410] =	vst v10  }
0x26e: {  	v32 =	vld [tilespmem:s18+$0x5450];
	v59 =	vmul.f32 v53, v5;
	[tilespmem:s18+$0x5420] =	vst v12  }
0x26f: {  	v33 =	vld [tilespmem:s18+$0x5460];
	v18 =	vmul.f32 v57, v5;
	[tilespmem:s18+$0x5430] =	vst v13  }
0x270: {  	v35 =	vld [tilespmem:s18+$0x5480];
	v20 =	vmul.f32 v58, v5;
	[tilespmem:s18+$0x5580] =	vst v59  }
0x271: {  	v36 =	vld [tilespmem:s18+$0x5490];
	v11 =	vmul.f32 v26, v31;
	[tilespmem:s18+$0x55C0] =	vst v18  }
0x272: {  	v37 =	vld [tilespmem:s18+$0x54A0];
	v9 =	vmul.f32 v30, v31;
	[tilespmem:s18+$0x55D0] =	vst v20  }
0x273: {  	v4 =	vld [tilespmem:s18+$0x5600];
	v40 =	vbroadcast v1, $0x8;
	v7 =	vmul.f32 v32, v31;
	[tilespmem:s18+$0x5400] =	vst v11  }
0x274: {  	v6 =	vld [tilespmem:s18+$0x5610];
	v8 =	vmul.f32 v33, v31;
	[tilespmem:s18+$0x5440] =	vst v9  }
0x275: {  	v3 =	vld [tilespmem:s18+$0x5850];
	v10 =	vmul.f32 v35, v40;
	[tilespmem:s18+$0x5450] =	vst v7  }
0x276: {  	v61 =	vld [tilespmem:s18+$0x5080];
	v23 =	vbroadcast v1, $0xB;
	v12 =	vmul.f32 v36, v40;
	[tilespmem:s18+$0x5460] =	vst v8  }
0x277: {  	v34 =	vld [tilespmem:s18+$0x5470];
	v13 =	vmul.f32 v37, v40;
	[tilespmem:s18+$0x5480] =	vst v10  }
0x278: {  	v38 =	vld [tilespmem:s18+$0x54B0];
	v27 =	vbroadcast v1, $0xF;
	v4 =	vmul.f32 v4, v23;
	[tilespmem:s18+$0x5490] =	vst v12  }
0x279: {  	v39 =	vld [tilespmem:s18+$0x54C0];
	v6 =	vmul.f32 v6, v23;
	[tilespmem:s18+$0x54A0] =	vst v13  }
0x27a: {  	v41 =	vld [tilespmem:s18+$0x54D0];
	v3 =	vmul.f32 v3, v27;
	[tilespmem:s18+$0x5600] =	vst v4  }
0x27b: {  	v43 =	vld [tilespmem:s18+$0x54F0];
	v24 =	vmul.f32 v2, v61;
	[tilespmem:s18+$0x5610] =	vst v6  }
0x27c: {  	v44 =	vld [tilespmem:s18+$0x5500];
	v11 =	vmul.f32 v34, v31;
	[tilespmem:s18+$0x5850] =	vst v3  }
0x27d: {  	v45 =	vld [tilespmem:s18+$0x5510];
	v9 =	vmul.f32 v38, v40;
	[tilespmem:s18+$0x5080] =	vst v24  }
0x27e: {  	v63 =	vld [tilespmem:s18+$0x50C0];
	v7 =	vmul.f32 v39, v40;
	[tilespmem:s18+$0x5470] =	vst v11  }
0x27f: {  	v49 =	vbroadcast v1, $0x9;
	v29 =	vld [tilespmem:s18+$0x5670];
	v8 =	vmul.f32 v41, v40;
	[tilespmem:s18+$0x54B0] =	vst v9  }
0x280: {  	v42 =	vld [tilespmem:s18+$0x54E0];
	v10 =	vmul.f32 v43, v40;
	[tilespmem:s18+$0x54C0] =	vst v7  }
0x281: {  	v46 =	vld [tilespmem:s18+$0x5520];
	v12 =	vmul.f32 v44, v49;
	[tilespmem:s18+$0x54D0] =	vst v8  }
0x282: {  	v47 =	vld [tilespmem:s18+$0x5530];
	v13 =	vmul.f32 v45, v49;
	[tilespmem:s18+$0x54F0] =	vst v10  }
0x283: {  	v48 =	vld [tilespmem:s18+$0x5540];
	v3 =	vmul.f32 v63, v2;
	[tilespmem:s18+$0x5500] =	vst v12  }
0x284: {  	v51 =	vld [tilespmem:s18+$0x5560];
	v6 =	vmul.f32 v29, v23;
	[tilespmem:s18+$0x5510] =	vst v13  }
0x285: {  	v52 =	vld [tilespmem:s18+$0x5570];
	v11 =	vmul.f32 v42, v40;
	[tilespmem:s18+$0x50C0] =	vst v3  }
0x286: {  	v28 =	vld [tilespmem:s18+$0x5660];
	v9 =	vmul.f32 v46, v49;
	[tilespmem:s18+$0x5670] =	vst v6  }
0x287: {  	v26 =	vld [tilespmem:s18+$0x5650];
	v7 =	vmul.f32 v47, v49;
	[tilespmem:s18+$0x54E0] =	vst v11  }
0x288: {  	v30 =	vld [tilespmem:s18+$0x5680];
	v8 =	vmul.f32 v48, v49;
	[tilespmem:s18+$0x5520] =	vst v9  }
0x289: {  	v50 =	vld [tilespmem:s18+$0x5550];
	v10 =	vmul.f32 v51, v49;
	[tilespmem:s18+$0x5530] =	vst v7  }
0x28a: {  	v54 =	vld [tilespmem:s18+$0x5590];
	v12 =	vmul.f32 v52, v49;
	[tilespmem:s18+$0x5540] =	vst v8  }
0x28b: {  	v55 =	vld [tilespmem:s18+$0x55A0];
	v35 =	vbroadcast v1, $0xC;
	v40 =	vmul.f32 v28, v23;
	[tilespmem:s18+$0x5560] =	vst v10  }
0x28c: {  	v56 =	vld [tilespmem:s18+$0x55B0];
	v32 =	vmul.f32 v26, v23;
	[tilespmem:s18+$0x5570] =	vst v12  }
0x28d: {  	v60 =	vld [tilespmem:s18+$0x55E0];
	v15 =	vmul.f32 v30, v35;
	[tilespmem:s18+$0x5660] =	vst v40  }
0x28e: {  	v62 =	vld [tilespmem:s18+$0x5090];
	v11 =	vmul.f32 v50, v49;
	[tilespmem:s18+$0x5650] =	vst v32  }
0x28f: {  	v19 =	vld [tilespmem:s18+$0x50D0];
	v9 =	vmul.f32 v54, v5;
	[tilespmem:s18+$0x5680] =	vst v15  }
0x290: {  	v33 =	vld [tilespmem:s18+$0x56B0];
	v7 =	vmul.f32 v55, v5;
	[tilespmem:s18+$0x5550] =	vst v11  }
0x291: {  	v61 =	vld [tilespmem:s18+$0x5870];
	v8 =	vmul.f32 v56, v5;
	[tilespmem:s18+$0x5590] =	vst v9  }
0x292: {  	v38 =	vld [tilespmem:s18+$0x56F0];
	v5 =	vmul.f32 v60, v5;
	[tilespmem:s18+$0x55A0] =	vst v7  }
0x293: {  	v21 =	vld [tilespmem:s18+$0x5620];
	v12 =	vmul.f32 v62, v2;
	[tilespmem:s18+$0x55B0] =	vst v8  }
0x294: {  	v22 =	vld [tilespmem:s18+$0x5630];
	v2 =	vmul.f32 v19, v2;
	[tilespmem:s18+$0x55E0] =	vst v5  }
0x295: {  	v25 =	vld [tilespmem:s18+$0x5640];
	v62 =	vmul.f32 v33, v35;
	[tilespmem:s18+$0x5090] =	vst v12  }
0x296: {  	v31 =	vld [tilespmem:s18+$0x5690];
	v63 =	vmul.f32 v61, v27;
	[tilespmem:s18+$0x50D0] =	vst v2  }
0x297: {  	v34 =	vld [tilespmem:s18+$0x56C0];
	v15 =	vmul.f32 v38, v35;
	[tilespmem:s18+$0x56B0] =	vst v62  }
0x298: {  	v41 =	vld [tilespmem:s18+$0x5720];
	v7 =	vmul.f32 v21, v23;
	[tilespmem:s18+$0x5870] =	vst v63  }
0x299: {  	v46 =	vld [tilespmem:s18+$0x5760];
	v8 =	vmul.f32 v22, v23;
	[tilespmem:s18+$0x56F0] =	vst v15  }
0x29a: {  	v36 =	vld [tilespmem:s18+$0x56D0];
	v5 =	vmul.f32 v25, v23;
	[tilespmem:s18+$0x5620] =	vst v7  }
0x29b: {  	v44 =	vbroadcast v1, $0xD;
	v9 =	vmul.f32 v31, v35;
	v2 =	vld [tilespmem:s18+$0x5710];
	[tilespmem:s18+$0x5630] =	vst v8  }
0x29c: {  	v37 =	vld [tilespmem:s18+$0x56E0];
	v12 =	vmul.f32 v34, v35;
	[tilespmem:s18+$0x5640] =	vst v5  }
0x29d: {  	v39 =	vld [tilespmem:s18+$0x5700];
	v11 =	vmul.f32 v41, v44;
	[tilespmem:s18+$0x5690] =	vst v9  }
0x29e: {  	v42 =	vld [tilespmem:s18+$0x5730];
	v51 =	vmul.f32 v46, v44;
	[tilespmem:s18+$0x56C0] =	vst v12  }
0x29f: {  	v48 =	vld [tilespmem:s18+$0x5790];
	v8 =	vmul.f32 v36, v35;
	[tilespmem:s18+$0x5720] =	vst v11  }
0x2a0: {  	v49 =	vld [tilespmem:s18+$0x57A0];
	[tilespmem:s18+$0x5760] =	vst v51;
	v2 =	vmul.f32 v2, v44  }
0x2a1: {  	v50 =	vld [tilespmem:s18+$0x57B0];
	v5 =	vmul.f32 v37, v35;
	[tilespmem:s18+$0x56D0] =	vst v8  }
0x2a2: {  	v1 =	vbroadcast v1, $0xE;
	v9 =	vmul.f32 v39, v44;
	[tilespmem:s18+$0x5710] =	vst v2;
	v2 =	vld [tilespmem:s18+$0x5780]  }
0x2a3: {  	v60 =	vld [tilespmem:s18+$0x5860];
	v12 =	vmul.f32 v42, v44;
	[tilespmem:s18+$0x56E0] =	vst v5  }
0x2a4: {  	v45 =	vld [tilespmem:s18+$0x5750];
	v11 =	vmul.f32 v48, v1;
	[tilespmem:s18+$0x5700] =	vst v9  }
0x2a5: {  	v47 =	vld [tilespmem:s18+$0x5770];
	v10 =	vmul.f32 v49, v1;
	[tilespmem:s18+$0x5730] =	vst v12  }
0x2a6: {  	v43 =	vld [tilespmem:s18+$0x5740];
	v6 =	vmul.f32 v50, v1;
	[tilespmem:s18+$0x5790] =	vst v11  }
0x2a7: {  	v55 =	vld [tilespmem:s18+$0x5800];
	[tilespmem:s18+$0x57A0] =	vst v10;
	v2 =	vmul.f32 v2, v1  }
0x2a8: {  	v57 =	vld [tilespmem:s18+$0x5820];
	v4 =	vmul.f32 v60, v27;
	[tilespmem:s18+$0x57B0] =	vst v6  }
0x2a9: {  	v5 =	vmul.f32 v45, v44;
	[tilespmem:s18+$0x5780] =	vst v2;
	v2 =	vld [tilespmem:s18+$0x57F0]  }
0x2aa: {  	v52 =	vld [tilespmem:s18+$0x57C0];
	v9 =	vmul.f32 v47, v44;
	[tilespmem:s18+$0x5860] =	vst v4  }
0x2ab: {  	v56 =	vld [tilespmem:s18+$0x5810];
	v8 =	vmul.f32 v43, v44;
	[tilespmem:s18+$0x5750] =	vst v5  }
0x2ac: {  	v54 =	vld [tilespmem:s18+$0x57E0];
	v11 =	vmul.f32 v55, v27;
	[tilespmem:s18+$0x5770] =	vst v9  }
0x2ad: {  	v58 =	vld [tilespmem:s18+$0x5830];
	v6 =	vmul.f32 v57, v27;
	[tilespmem:s18+$0x5740] =	vst v8  }
0x2ae: {  	v53 =	vld [tilespmem:s18+$0x57D0];
	[tilespmem:s18+$0x5800] =	vst v11;
	v2 =	vmul.f32 v2, v1  }
0x2af: {  	v59 =	vld [tilespmem:s18+$0x5840];
	v5 =	vmul.f32 v52, v1;
	[tilespmem:s18+$0x5820] =	vst v6  }
0x2b0: {  	[tilespmem:s18+$0x57F0] =	vst v2;
	v2 =	vmul.f32 v56, v27  }
0x2b1: {  	v3 =	vld [tilespmem:s18+$0x56A0];
	v9 =	vmul.f32 v54, v1;
	[tilespmem:s18+$0x57C0] =	vst v5  }
0x2b2: {  	[tilespmem:s18+$0x5810] =	vst v2;
	v2 =	vmul.f32 v58, v27  }
0x2b3: {  	[tilespmem:s18+$0x57E0] =	vst v9;
	v1 =	vmul.f32 v53, v1  }
0x2b4: {  	[tilespmem:s18+$0x5830] =	vst v2;
	v2 =	vmul.f32 v59, v27  }
0x2b5: {  	[tilespmem:s18+$0x57D0] =	vst v1  }
0x2b6: {  	s19 =	simm.s32 $0x1;
	[tilespmem:s18+$0x5840] =	vst v2;
	v2 =	vmul.f32 v3, v35  }
.LBB2_3:
0x2b7: {  	s20 =	sshll.u32 s19, $0x4  }
0x2b8: {  	p0 =	sne.s32 s19, $0x7;
	[tilespmem:s18+$0x56A0] =	vst v2;
	s18 =	smov.u32 s19;
	s19 =	sadd.s32 $0x1, s19  }
0x2b9: {  	s20 =	sand.u32 $0x3FFFFFF0, s20  }
0x2ba: {  	s18 =	sshll.u32 s18, $0xB;
	v1 =	vld [tilespmem:s20+$0x5000]  }
0x2bb: {  	s18 =	sand.u32 $0x3FFFF800, s18  }
0x2bc: {  	v8 =	vld [tilespmem:s18+$0x5140]  }
0x2bd: {  	v9 =	vld [tilespmem:s18+$0x5150]  }
0x2be: {  	v10 =	vld [tilespmem:s18+$0x5130]  }
0x2bf: {  	v2 =	vbroadcast v1, $0x0;
	v3 =	vld [tilespmem:s18+$0x50A0];
	v7 =	vbroadcast v1, $0x4  }
0x2c0: {  	v5 =	vld [tilespmem:s18+$0x50B0]  }
0x2c1: {  	v6 =	vld [tilespmem:s18+$0x55F0]  }
0x2c2: {  	v11 =	vld [tilespmem:s18+$0x50E0]  }
0x2c3: {  	v12 =	vld [tilespmem:s18+$0x50F0]  }
0x2c4: {  	v4 =	vbroadcast v1, $0xA;
	v3 =	vmul.f32 v3, v2;
	v13 =	vld [tilespmem:s18+$0x5100]  }
0x2c5: {  	v5 =	vmul.f32 v5, v2;
	v14 =	vld [tilespmem:s18+$0x5110]  }
0x2c6: {  	[tilespmem:s18+$0x50A0] =	vst v3;
	v15 =	vld [tilespmem:s18+$0x5120];
	v3 =	vmul.f32 v6, v4  }
0x2c7: {  	[tilespmem:s18+$0x50B0] =	vst v5;
	v6 =	vmul.f32 v11, v2;
	v11 =	vbroadcast v1, $0x1;
	v5 =	vld [tilespmem:s18+$0x5600]  }
0x2c8: {  	v12 =	vmul.f32 v12, v2;
	[tilespmem:s18+$0x55F0] =	vst v3;
	v3 =	vld [tilespmem:s18+$0x5850]  }
0x2c9: {  	[tilespmem:s18+$0x50E0] =	vst v6;
	v13 =	vmul.f32 v13, v11;
	v6 =	vld [tilespmem:s18+$0x5610]  }
0x2ca: {  	[tilespmem:s18+$0x50F0] =	vst v12;
	v12 =	vmul.f32 v14, v11;
	v14 =	vld [tilespmem:s18+$0x5160]  }
0x2cb: {  	[tilespmem:s18+$0x5100] =	vst v13;
	v13 =	vmul.f32 v15, v11;
	v15 =	vld [tilespmem:s18+$0x5170]  }
0x2cc: {  	v10 =	vmul.f32 v10, v11;
	[tilespmem:s18+$0x5110] =	vst v12;
	v12 =	vld [tilespmem:s18+$0x5180]  }
0x2cd: {  	v8 =	vmul.f32 v8, v11;
	[tilespmem:s18+$0x5120] =	vst v13;
	v13 =	vld [tilespmem:s18+$0x5190]  }
0x2ce: {  	v9 =	vmul.f32 v9, v11;
	[tilespmem:s18+$0x5130] =	vst v10;
	v10 =	vld [tilespmem:s18+$0x51A0]  }
0x2cf: {  	[tilespmem:s18+$0x5140] =	vst v8;
	v8 =	vmul.f32 v14, v11;
	v14 =	vbroadcast v1, $0x2;
	v16 =	vld [tilespmem:s18+$0x51B0]  }
0x2d0: {  	[tilespmem:s18+$0x5150] =	vst v9;
	v9 =	vmul.f32 v15, v11;
	v11 =	vld [tilespmem:s18+$0x51C0]  }
0x2d1: {  	[tilespmem:s18+$0x5160] =	vst v8;
	v8 =	vmul.f32 v12, v14;
	v12 =	vld [tilespmem:s18+$0x51D0]  }
0x2d2: {  	[tilespmem:s18+$0x5170] =	vst v9;
	v9 =	vmul.f32 v13, v14;
	v13 =	vld [tilespmem:s18+$0x51E0]  }
0x2d3: {  	[tilespmem:s18+$0x5180] =	vst v8;
	v8 =	vmul.f32 v10, v14;
	v10 =	vld [tilespmem:s18+$0x51F0]  }
0x2d4: {  	[tilespmem:s18+$0x5190] =	vst v9;
	v9 =	vmul.f32 v16, v14;
	v15 =	vld [tilespmem:s18+$0x5200]  }
0x2d5: {  	[tilespmem:s18+$0x51A0] =	vst v8;
	v8 =	vmul.f32 v11, v14;
	v11 =	vld [tilespmem:s18+$0x5210]  }
0x2d6: {  	[tilespmem:s18+$0x51B0] =	vst v9;
	v9 =	vmul.f32 v12, v14;
	v12 =	vld [tilespmem:s18+$0x5220]  }
0x2d7: {  	[tilespmem:s18+$0x51C0] =	vst v8;
	v8 =	vmul.f32 v13, v14;
	v13 =	vbroadcast v1, $0x3;
	v16 =	vld [tilespmem:s18+$0x5230]  }
0x2d8: {  	[tilespmem:s18+$0x51D0] =	vst v9;
	v9 =	vmul.f32 v10, v14;
	v10 =	vld [tilespmem:s18+$0x5240]  }
0x2d9: {  	[tilespmem:s18+$0x51E0] =	vst v8;
	v8 =	vmul.f32 v15, v13;
	v14 =	vld [tilespmem:s18+$0x5250]  }
0x2da: {  	[tilespmem:s18+$0x51F0] =	vst v9;
	v9 =	vmul.f32 v11, v13;
	v11 =	vld [tilespmem:s18+$0x5260]  }
0x2db: {  	[tilespmem:s18+$0x5200] =	vst v8;
	v8 =	vmul.f32 v12, v13;
	v12 =	vld [tilespmem:s18+$0x5270]  }
0x2dc: {  	[tilespmem:s18+$0x5210] =	vst v9;
	v9 =	vmul.f32 v16, v13;
	v15 =	vld [tilespmem:s18+$0x5280]  }
0x2dd: {  	[tilespmem:s18+$0x5220] =	vst v8;
	v8 =	vmul.f32 v10, v13;
	v10 =	vld [tilespmem:s18+$0x5290]  }
0x2de: {  	[tilespmem:s18+$0x5230] =	vst v9;
	v9 =	vmul.f32 v14, v13;
	v14 =	vld [tilespmem:s18+$0x52A0]  }
0x2df: {  	[tilespmem:s18+$0x5240] =	vst v8;
	v8 =	vmul.f32 v11, v13;
	v11 =	vld [tilespmem:s18+$0x52B0]  }
0x2e0: {  	[tilespmem:s18+$0x5250] =	vst v9;
	v9 =	vmul.f32 v12, v13;
	v12 =	vld [tilespmem:s18+$0x52C0]  }
0x2e1: {  	[tilespmem:s18+$0x5260] =	vst v8;
	v8 =	vmul.f32 v15, v7;
	v13 =	vld [tilespmem:s18+$0x52D0]  }
0x2e2: {  	[tilespmem:s18+$0x5270] =	vst v9;
	v9 =	vmul.f32 v10, v7;
	v10 =	vld [tilespmem:s18+$0x52E0]  }
0x2e3: {  	[tilespmem:s18+$0x5280] =	vst v8;
	v8 =	vmul.f32 v14, v7;
	v14 =	vld [tilespmem:s18+$0x52F0]  }
0x2e4: {  	[tilespmem:s18+$0x5290] =	vst v9;
	v9 =	vmul.f32 v11, v7;
	v11 =	vld [tilespmem:s18+$0x5300]  }
0x2e5: {  	[tilespmem:s18+$0x52A0] =	vst v8;
	v8 =	vmul.f32 v12, v7;
	v12 =	vld [tilespmem:s18+$0x5310]  }
0x2e6: {  	[tilespmem:s18+$0x52B0] =	vst v9;
	v9 =	vmul.f32 v13, v7;
	v13 =	vld [tilespmem:s18+$0x5320]  }
0x2e7: {  	[tilespmem:s18+$0x52C0] =	vst v8;
	v8 =	vmul.f32 v10, v7;
	v10 =	vbroadcast v1, $0x5;
	v15 =	vld [tilespmem:s18+$0x5330]  }
0x2e8: {  	[tilespmem:s18+$0x52D0] =	vst v9;
	v7 =	vmul.f32 v14, v7;
	v9 =	vld [tilespmem:s18+$0x5340]  }
0x2e9: {  	[tilespmem:s18+$0x52E0] =	vst v8;
	v8 =	vmul.f32 v11, v10;
	v11 =	vld [tilespmem:s18+$0x5350]  }
0x2ea: {  	[tilespmem:s18+$0x52F0] =	vst v7;
	v7 =	vmul.f32 v12, v10;
	v12 =	vld [tilespmem:s18+$0x5360]  }
0x2eb: {  	[tilespmem:s18+$0x5300] =	vst v8;
	v8 =	vmul.f32 v13, v10;
	v13 =	vld [tilespmem:s18+$0x5370]  }
0x2ec: {  	[tilespmem:s18+$0x5310] =	vst v7;
	v7 =	vmul.f32 v15, v10;
	v14 =	vld [tilespmem:s18+$0x5380]  }
0x2ed: {  	[tilespmem:s18+$0x5320] =	vst v8;
	v8 =	vmul.f32 v9, v10;
	v9 =	vld [tilespmem:s18+$0x5390]  }
0x2ee: {  	[tilespmem:s18+$0x5330] =	vst v7;
	v7 =	vmul.f32 v11, v10;
	v11 =	vld [tilespmem:s18+$0x53A0]  }
0x2ef: {  	[tilespmem:s18+$0x5340] =	vst v8;
	v8 =	vmul.f32 v12, v10;
	v12 =	vbroadcast v1, $0x6;
	v15 =	vld [tilespmem:s18+$0x53B0]  }
0x2f0: {  	[tilespmem:s18+$0x5350] =	vst v7;
	v7 =	vmul.f32 v13, v10;
	v10 =	vld [tilespmem:s18+$0x53C0]  }
0x2f1: {  	[tilespmem:s18+$0x5360] =	vst v8;
	v8 =	vmul.f32 v14, v12;
	v13 =	vld [tilespmem:s18+$0x53D0]  }
0x2f2: {  	[tilespmem:s18+$0x5370] =	vst v7;
	v7 =	vmul.f32 v9, v12;
	v9 =	vld [tilespmem:s18+$0x53E0]  }
0x2f3: {  	[tilespmem:s18+$0x5380] =	vst v8;
	v8 =	vmul.f32 v11, v12;
	v11 =	vld [tilespmem:s18+$0x53F0]  }
0x2f4: {  	[tilespmem:s18+$0x5390] =	vst v7;
	v7 =	vmul.f32 v15, v12;
	v14 =	vld [tilespmem:s18+$0x5400]  }
0x2f5: {  	[tilespmem:s18+$0x53A0] =	vst v8;
	v8 =	vmul.f32 v10, v12;
	v10 =	vld [tilespmem:s18+$0x5410]  }
0x2f6: {  	[tilespmem:s18+$0x53B0] =	vst v7;
	v7 =	vmul.f32 v13, v12;
	v13 =	vld [tilespmem:s18+$0x5420]  }
0x2f7: {  	[tilespmem:s18+$0x53C0] =	vst v8;
	v8 =	vmul.f32 v9, v12;
	v9 =	vbroadcast v1, $0x7;
	v15 =	vld [tilespmem:s18+$0x5430]  }
0x2f8: {  	[tilespmem:s18+$0x53D0] =	vst v7;
	v7 =	vmul.f32 v11, v12;
	v11 =	vld [tilespmem:s18+$0x5440]  }
0x2f9: {  	[tilespmem:s18+$0x53E0] =	vst v8;
	v8 =	vmul.f32 v14, v9;
	v12 =	vld [tilespmem:s18+$0x5450]  }
0x2fa: {  	[tilespmem:s18+$0x53F0] =	vst v7;
	v7 =	vmul.f32 v10, v9;
	v10 =	vld [tilespmem:s18+$0x5460]  }
0x2fb: {  	[tilespmem:s18+$0x5400] =	vst v8;
	v8 =	vmul.f32 v13, v9;
	v13 =	vld [tilespmem:s18+$0x5470]  }
0x2fc: {  	[tilespmem:s18+$0x5410] =	vst v7;
	v7 =	vmul.f32 v15, v9;
	v14 =	vld [tilespmem:s18+$0x5480]  }
0x2fd: {  	[tilespmem:s18+$0x5420] =	vst v8;
	v8 =	vmul.f32 v11, v9;
	v11 =	vld [tilespmem:s18+$0x5490]  }
0x2fe: {  	[tilespmem:s18+$0x5430] =	vst v7;
	v7 =	vmul.f32 v12, v9;
	v12 =	vld [tilespmem:s18+$0x54A0]  }
0x2ff: {  	[tilespmem:s18+$0x5440] =	vst v8;
	v8 =	vmul.f32 v10, v9;
	v10 =	vbroadcast v1, $0x8;
	v15 =	vld [tilespmem:s18+$0x54B0]  }
0x300: {  	[tilespmem:s18+$0x5450] =	vst v7;
	v7 =	vmul.f32 v13, v9;
	v9 =	vld [tilespmem:s18+$0x54C0]  }
0x301: {  	[tilespmem:s18+$0x5460] =	vst v8;
	v8 =	vmul.f32 v14, v10;
	v13 =	vld [tilespmem:s18+$0x54D0]  }
0x302: {  	[tilespmem:s18+$0x5470] =	vst v7;
	v7 =	vmul.f32 v11, v10;
	v11 =	vld [tilespmem:s18+$0x54E0]  }
0x303: {  	[tilespmem:s18+$0x5480] =	vst v8;
	v8 =	vmul.f32 v12, v10;
	v12 =	vld [tilespmem:s18+$0x54F0]  }
0x304: {  	[tilespmem:s18+$0x5490] =	vst v7;
	v7 =	vmul.f32 v15, v10;
	v14 =	vld [tilespmem:s18+$0x5500]  }
0x305: {  	[tilespmem:s18+$0x54A0] =	vst v8;
	v8 =	vmul.f32 v9, v10;
	v9 =	vld [tilespmem:s18+$0x5510]  }
0x306: {  	[tilespmem:s18+$0x54B0] =	vst v7;
	v7 =	vmul.f32 v13, v10;
	v13 =	vld [tilespmem:s18+$0x5520]  }
0x307: {  	[tilespmem:s18+$0x54C0] =	vst v8;
	v8 =	vmul.f32 v11, v10;
	v11 =	vbroadcast v1, $0x9;
	v15 =	vld [tilespmem:s18+$0x5530]  }
0x308: {  	[tilespmem:s18+$0x54D0] =	vst v7;
	v7 =	vmul.f32 v12, v10;
	v10 =	vld [tilespmem:s18+$0x5540]  }
0x309: {  	[tilespmem:s18+$0x54E0] =	vst v8;
	v8 =	vmul.f32 v14, v11;
	v12 =	vld [tilespmem:s18+$0x5550]  }
0x30a: {  	[tilespmem:s18+$0x54F0] =	vst v7;
	v7 =	vmul.f32 v9, v11;
	v9 =	vld [tilespmem:s18+$0x5560]  }
0x30b: {  	[tilespmem:s18+$0x5500] =	vst v8;
	v8 =	vmul.f32 v13, v11;
	v13 =	vld [tilespmem:s18+$0x5570]  }
0x30c: {  	[tilespmem:s18+$0x5510] =	vst v7;
	v7 =	vmul.f32 v15, v11;
	v14 =	vld [tilespmem:s18+$0x5580]  }
0x30d: {  	[tilespmem:s18+$0x5520] =	vst v8;
	v8 =	vmul.f32 v10, v11;
	v10 =	vld [tilespmem:s18+$0x5590]  }
0x30e: {  	[tilespmem:s18+$0x5530] =	vst v7;
	v7 =	vmul.f32 v12, v11;
	v12 =	vld [tilespmem:s18+$0x55A0]  }
0x30f: {  	[tilespmem:s18+$0x5540] =	vst v8;
	v8 =	vmul.f32 v9, v11;
	v9 =	vld [tilespmem:s18+$0x55B0]  }
0x310: {  	[tilespmem:s18+$0x5550] =	vst v7;
	v7 =	vmul.f32 v13, v11;
	v11 =	vld [tilespmem:s18+$0x55C0]  }
0x311: {  	[tilespmem:s18+$0x5560] =	vst v8;
	v8 =	vmul.f32 v14, v4;
	v13 =	vld [tilespmem:s18+$0x55D0]  }
0x312: {  	[tilespmem:s18+$0x5570] =	vst v7;
	v7 =	vmul.f32 v10, v4;
	v10 =	vld [tilespmem:s18+$0x55E0]  }
0x313: {  	v14 =	vld [tilespmem:s18+$0x5080];
	[tilespmem:s18+$0x5580] =	vst v8;
	v8 =	vmul.f32 v12, v4  }
0x314: {  	v12 =	vld [tilespmem:s18+$0x5090];
	[tilespmem:s18+$0x5590] =	vst v7;
	v7 =	vmul.f32 v9, v4  }
0x315: {  	v9 =	vld [tilespmem:s18+$0x50C0];
	[tilespmem:s18+$0x55A0] =	vst v8;
	v8 =	vmul.f32 v11, v4  }
0x316: {  	v11 =	vld [tilespmem:s18+$0x50D0];
	[tilespmem:s18+$0x55B0] =	vst v7;
	v7 =	vmul.f32 v13, v4  }
0x317: {  	[tilespmem:s18+$0x55C0] =	vst v8;
	v8 =	vmul.f32 v10, v4;
	v10 =	vbroadcast v1, $0xB;
	v13 =	vld [tilespmem:s18+$0x5620]  }
0x318: {  	v4 =	vbroadcast v1, $0xF;
	v14 =	vmul.f32 v2, v14;
	[tilespmem:s18+$0x55D0] =	vst v7;
	v7 =	vld [tilespmem:s18+$0x5630]  }
0x319: {  	v12 =	vmul.f32 v12, v2;
	[tilespmem:s18+$0x55E0] =	vst v8;
	v5 =	vmul.f32 v5, v10;
	v8 =	vld [tilespmem:s18+$0x5640]  }
0x31a: {  	v6 =	vmul.f32 v6, v10;
	[tilespmem:s18+$0x5080] =	vst v14;
	v9 =	vmul.f32 v9, v2;
	v14 =	vld [tilespmem:s18+$0x5650]  }
0x31b: {  	v3 =	vmul.f32 v3, v4;
	v11 =	vmul.f32 v11, v2;
	[tilespmem:s18+$0x5600] =	vst v5;
	v2 =	vld [tilespmem:s18+$0x5660]  }
0x31c: {  	[tilespmem:s18+$0x5610] =	vst v6;
	v5 =	vmul.f32 v13, v10;
	v6 =	vld [tilespmem:s18+$0x5670]  }
0x31d: {  	v7 =	vmul.f32 v7, v10;
	v13 =	vld [tilespmem:s18+$0x5680];
	[tilespmem:s18+$0x5850] =	vst v3  }
0x31e: {  	[tilespmem:s18+$0x5090] =	vst v12;
	v3 =	vmul.f32 v8, v10;
	v8 =	vld [tilespmem:s18+$0x5690]  }
0x31f: {  	[tilespmem:s18+$0x50C0] =	vst v9;
	v9 =	vmul.f32 v14, v10;
	v12 =	vld [tilespmem:s18+$0x56A0]  }
0x320: {  	v14 =	vbroadcast v1, $0xC;
	[tilespmem:s18+$0x5620] =	vst v5;
	v5 =	vmul.f32 v2, v10;
	v15 =	vld [tilespmem:s18+$0x56B0]  }
0x321: {  	[tilespmem:s18+$0x5650] =	vst v9;
	v6 =	vmul.f32 v6, v10;
	v9 =	vld [tilespmem:s18+$0x56C0]  }
0x322: {  	[tilespmem:s18+$0x5630] =	vst v7;
	v2 =	vmul.f32 v13, v14;
	v7 =	vld [tilespmem:s18+$0x56D0]  }
0x323: {  	[tilespmem:s18+$0x5640] =	vst v3;
	v3 =	vmul.f32 v8, v14;
	v8 =	vld [tilespmem:s18+$0x56E0]  }
0x324: {  	[tilespmem:s18+$0x5680] =	vst v2;
	v2 =	vmul.f32 v12, v14;
	v10 =	vld [tilespmem:s18+$0x56F0]  }
0x325: {  	[tilespmem:s18+$0x5690] =	vst v3;
	v3 =	vld [tilespmem:s18+$0x5700]  }
0x326: {  	[tilespmem:s18+$0x50D0] =	vst v11;
	v9 =	vmul.f32 v9, v14;
	v11 =	vld [tilespmem:s18+$0x5710]  }
0x327: {  	[tilespmem:s18+$0x5660] =	vst v5;
	v5 =	vmul.f32 v7, v14;
	v7 =	vld [tilespmem:s18+$0x5720]  }
0x328: {  	[tilespmem:s18+$0x56C0] =	vst v9;
	v8 =	vmul.f32 v8, v14;
	v9 =	vbroadcast v1, $0xD;
	v12 =	vld [tilespmem:s18+$0x5730]  }
0x329: {  	[tilespmem:s18+$0x56D0] =	vst v5;
	v5 =	vmul.f32 v10, v14;
	v10 =	vld [tilespmem:s18+$0x5740]  }
0x32a: {  	[tilespmem:s18+$0x56E0] =	vst v8;
	v3 =	vmul.f32 v3, v9;
	v8 =	vld [tilespmem:s18+$0x5750]  }
0x32b: {  	[tilespmem:s18+$0x56F0] =	vst v5;
	v5 =	vmul.f32 v11, v9;
	v11 =	vld [tilespmem:s18+$0x5760]  }
0x32c: {  	[tilespmem:s18+$0x5700] =	vst v3;
	v3 =	vmul.f32 v7, v9;
	v7 =	vld [tilespmem:s18+$0x5770]  }
0x32d: {  	[tilespmem:s18+$0x5710] =	vst v5;
	v5 =	vmul.f32 v12, v9;
	v12 =	vld [tilespmem:s18+$0x5780]  }
0x32e: {  	[tilespmem:s18+$0x5720] =	vst v3;
	v3 =	vmul.f32 v10, v9;
	v10 =	vld [tilespmem:s18+$0x5790]  }
0x32f: {  	[tilespmem:s18+$0x5730] =	vst v5;
	v5 =	vmul.f32 v8, v9;
	v8 =	vld [tilespmem:s18+$0x57A0]  }
0x330: {  	v1 =	vbroadcast v1, $0xE;
	[tilespmem:s18+$0x5670] =	vst v6;
	v6 =	vmul.f32 v11, v9;
	v11 =	vld [tilespmem:s18+$0x57B0]  }
0x331: {  	[tilespmem:s18+$0x5750] =	vst v5;
	v5 =	vmul.f32 v7, v9;
	v7 =	vld [tilespmem:s18+$0x57C0]  }
0x332: {  	[tilespmem:s18+$0x5760] =	vst v6;
	v6 =	vmul.f32 v12, v1;
	v9 =	vld [tilespmem:s18+$0x57D0]  }
0x333: {  	[tilespmem:s18+$0x5770] =	vst v5;
	v5 =	vmul.f32 v10, v1;
	v10 =	vld [tilespmem:s18+$0x57E0]  }
0x334: {  	[tilespmem:s18+$0x5780] =	vst v6;
	v6 =	vmul.f32 v8, v1;
	v8 =	vld [tilespmem:s18+$0x57F0]  }
0x335: {  	[tilespmem:s18+$0x5790] =	vst v5;
	v5 =	vmul.f32 v11, v1;
	v11 =	vld [tilespmem:s18+$0x5800]  }
0x336: {  	[tilespmem:s18+$0x57A0] =	vst v6;
	v6 =	vmul.f32 v7, v1;
	v7 =	vld [tilespmem:s18+$0x5810]  }
0x337: {  	[tilespmem:s18+$0x57B0] =	vst v5;
	v5 =	vmul.f32 v9, v1;
	v9 =	vld [tilespmem:s18+$0x5820]  }
0x338: {  	[tilespmem:s18+$0x57C0] =	vst v6;
	v6 =	vmul.f32 v10, v1;
	v10 =	vld [tilespmem:s18+$0x5830]  }
0x339: {  	[tilespmem:s18+$0x5740] =	vst v3;
	v1 =	vmul.f32 v8, v1;
	v3 =	vld [tilespmem:s18+$0x5840]  }
0x33a: {  	[tilespmem:s18+$0x57E0] =	vst v6;
	v6 =	vmul.f32 v11, v4;
	v8 =	vld [tilespmem:s18+$0x5860]  }
0x33b: {  	[tilespmem:s18+$0x57F0] =	vst v1;
	v1 =	vmul.f32 v7, v4;
	v7 =	vld [tilespmem:s18+$0x5870]  }
0x33c: {  	[tilespmem:s18+$0x5800] =	vst v6;
	v6 =	vmul.f32 v9, v4  }
0x33d: {  	[tilespmem:s18+$0x5810] =	vst v1;
	v1 =	vmul.f32 v10, v4  }
0x33e: {  	v9 =	vmul.f32 v15, v14;
	[tilespmem:s18+$0x5820] =	vst v6  }
0x33f: {  	[tilespmem:s18+$0x5830] =	vst v1;
	v1 =	vmul.f32 v3, v4  }
.Ltmp0:
0x340: {  	[tilespmem:s18+$0x56B0] =	vst v9;
	v3 =	vmul.f32 v7, v4;
	(pc) =	sbr.rel @p0 .LBB2_3-.Ltmp0, $4  }
0x341: {  	[tilespmem:s18+$0x5840] =	vst v1  }
0x342: {  	v1 =	vmul.f32 v8, v4;
	[tilespmem:s18+$0x5870] =	vst v3  }
0x343: {  	[tilespmem:s18+$0x57D0] =	vst v5  }
0x344: {  	[tilespmem:s18+$0x5860] =	vst v1  }
0x345: {  	[tilespmem:s18+$0x56A0] =	vst v2  }
0x346: {  	[spmem:s2] =	stream.indirect.scatter.add.f32 [tilespmem:s13], [sflag:$0x2], $0x80, s11, s12, $0xb8;
	[tilespmem:$0x1DD80] =	vst v63  }
0x347: {  	s17 =	sadd.s32 $0x1, s17;
	_ =	swait.ge [sflag:s5], $0x4000  }
0x348: {  	p0 =	sne.s32 s17, $0x4F;
	[sflag:s5] =	ssyncset.done $0x0  }
.Ltmp1:
0x349: {  	[sflag:s5] =	ssyncadd.s32 $0xFFFFC000;
	(pc) =	sbr.rel @p0 .LBB2_2-.Ltmp1, $4  }
0x34a: {  	[spmem:s3] =	stream.indirect.scatter.add.f32 [tilespmem:s15], [sflag:$0x2], $0x1, s11, s12, $0xb8;
	[tilespmem:$0x1DD80] =	vst v63  }
0x34b: {  	_ =	swait.ge [sflag:s5], $0x80  }
0x34c: {  	[sflag:s5] =	ssyncset.done $0x0  }
0x34d: {  	[sflag:s5] =	ssyncadd.s32 $0xFFFFFF80  }
0x34e: {  	s17 =	stileid.u32  }
0x34f: {  	[bflag:$0x0] =	sbarrier.arrive $0xFFFF;
	s17 =	sshll.u32 s17, $0x6  }
0x350: {  	s18 =	sshrl.u32 s10, $0x3;
	s19 =	rddreg [dreg:$0x11];
	s17 =	sor.u32 $0x1C02, s17  }
0x351: {  	[hbm:s19], [sflag:s17] =	dma.local [spmem:s18], $0x2800  }
0x352: {  	_ =	swait.ge [sflag:s5], $0x2800  }
0x353: {  	s20 =	simm.s32 $0x20;
	s23 =	simm.s32 $0x10;
	[sflag:s5] =	ssyncset.done $0x0  }
0x354: {  	s18 =	sshrl.u32 s21, $0x3;
	s19 =	rddreg [dreg:$0x12];
	[sflag:s5] =	ssyncadd.s32 $0xFFFFD800  }
0x355: {  	[hbm:s19@s20], [sflag:s17] =	dma.strided [spmem:s18@s23], $0x50, s14, $0x10   }
0x356: {  	_ =	swait.ge [sflag:s5], $0x50  }
0x357: {  	s16 =	sadd.s32 $0x1, s16;
	s23 =	rddreg [dreg:$0x13]  }
0x358: {  	p0 =	sne.s32 s16, s23  }
.Ltmp2:
0x359: {  	_ = 	snop;
	(pc) =	sbr.rel @p0 .LBB2_1-.Ltmp2, $3  }
0x35a: {  	_ =	sdelay $0x1  }
0x35b: {  	[sflag:s5] =	ssyncset.done $0x0  }
0x35c: {  	[sflag:s5] =	ssyncadd.s32 $0xFFFFFFB0  }
0x35d: {  	_ =	sfence.sel $0x180000  }
0x35e: {  	[bflag:$0x0] =	sbarrier.arrive $0xFFFF  }
0x35f: {  	_ =	strace $0x90000047  }
0x360: {  	s0 =	stileid.u32;
	[bflag:$0x2] =	sbarrier.arrive $0xFFFF  }
0x361: {  	p0 =	sne.s32 s0, $0x0;
	s0 =	rddreg [dreg:$0x4]  }
0x362: {  	s0 =	sadd.s32 @!p0 $0x100000, s0  }
0x363: {  	[sflag:s0] =	ssyncadd.tile.s32 @!p0 $0x1;
	_ =	shalt  }
.Lfunc_end2:
_tile_overlayer_lowered:
.L_overlay_start_2:
0x364: {  	(tag) =	ssettag $0x2  }
0x365: {  	s0 =	rddreg [dreg:$0x0];
	s2 =	stileid.u32  }
0x366: {  	s1 =	rddreg [dreg:$0x1];
	p0 =	sne.s32 s2, $0x0  }
0x367: {  	s3 =	rddreg [dreg:$0x2];
	[bflag:$0x3] =	sbarrier.arrive $0xFFFF;
	s2 =	simm.s32 @!p0 $0x1C02  }
0x368: {  	[timem:s3], [sflag:s2] =	dma.local @!p0 [hbm:s0], s1  }
0x369: {  	s0 =	simm.s32 @!p0 $0x2  }
0x36a: {  	_ =	swait.ge @!p0 [sflag:s0], s1  }
0x36b: {  	s1 =	ssub.s32 @!p0 $0x0, s1;
	[sflag:s0] =	ssyncset.done @!p0 $0x0  }
0x36c: {  	[sflag:s0] =	ssyncadd.s32 @!p0 s1  }
0x36d: {  	[bflag:$0x3] =	sbarrier.arrive $0xFFFF  }
0x36e: {  	_ =	shalt  }

</sc_bundles>
